<compile_context>
chip_gen: v7x
topology: tpu7x:2x2x1
jax: 0.10.2.dev20260603
libtpu: 0.0.44.dev20260713+nightly
codegen_flags: <defaults>
</compile_context>

<pallas_src>
import functools

import jax
import jax.numpy as jnp
from jax import lax
from jax.experimental import pallas as pl
from jax.experimental.pallas import tpu as pltpu
from jax.experimental.pallas import tpu_sc as plsc

NC = 2
NS = 16
NW = NC * NS
L = 16

MAX_NORM = 1.0
EPS = 1e-7


def _rsqrt(x):
    i = plsc.bitcast(x, jnp.int32)
    i = jnp.int32(0x5F3759DF) - (i >> 1)
    y = plsc.bitcast(i, jnp.float32)
    for _ in range(3):
        y = y * (1.5 - 0.5 * x * y * y)
    return y


def _sqrt(x):
    xs = jnp.maximum(x, 1e-30)
    return xs * _rsqrt(xs)


def _body(p_sub, emb,
          uidx_hbm, iidx_hbm, utab, itab, btab,
          pred_out, ul2_out, il2_out,
          uidx_v, iidx_v,
          ub0, ib0, bb0, ub1, ib1, bb1,
          pred_v, ul2_v, il2_v, sem0, sem1):
    wid = lax.axis_index("s") * NC + lax.axis_index("c")
    base = wid * p_sub
    n_batch = p_sub // L

    pltpu.sync_copy(uidx_hbm.at[wid], uidx_v)
    pltpu.sync_copy(iidx_hbm.at[wid], iidx_v)

    lane = lax.iota(jnp.int32, L)

    def fire(g, ub, ib, bb, sem):
        uvec = uidx_v[pl.ds(g * L, L)]
        ivec = iidx_v[pl.ds(g * L, L)]
        for rr in range(L):
            iu = jnp.sum(jnp.where(lane == rr, uvec, 0))
            ii = jnp.sum(jnp.where(lane == rr, ivec, 0))
            sl = pl.ds(rr, 1)
            pltpu.async_copy(utab.at[pl.ds(iu, 1)], ub.at[sl], sem)
            pltpu.async_copy(itab.at[pl.ds(ii, 1)], ib.at[sl], sem)
            pltpu.async_copy(btab.at[pl.ds(ii, 1)], bb.at[sl], sem)

    def drain(ub, ib, bb, sem):
        pltpu.make_async_copy(utab.at[pl.ds(0, L)], ub, sem).wait()
        pltpu.make_async_copy(itab.at[pl.ds(0, L)], ib, sem).wait()
        pltpu.make_async_copy(btab.at[pl.ds(0, L)], bb, sem).wait()

    iota = lax.iota(jnp.int32, L)
    zeros = jnp.zeros((L,), jnp.int32)

    def compute(g, ub, ib, bb):
        acc_d = jnp.zeros((L,), jnp.float32)
        acc_u2 = jnp.zeros((L,), jnp.float32)
        acc_i2 = jnp.zeros((L,), jnp.float32)
        for e in range(emb):
            ecol = jnp.full((L,), e, jnp.int32)
            u_e = plsc.load_gather(ub, [iota, ecol])
            i_e = plsc.load_gather(ib, [iota, ecol])
            acc_d = acc_d + u_e * i_e
            acc_u2 = acc_u2 + u_e * u_e
            acc_i2 = acc_i2 + i_e * i_e
        bias = plsc.load_gather(bb, [iota, zeros])
        norm_u = _sqrt(acc_u2)
        norm_i = _sqrt(acc_i2)
        su = jnp.minimum(1.0, MAX_NORM / (norm_u + EPS))
        si = jnp.minimum(1.0, MAX_NORM / (norm_i + EPS))
        sl = pl.ds(g * L, L)
        pred_v[sl] = acc_d * (su * si) + bias
        ul2_v[sl] = norm_u * su
        il2_v[sl] = _sqrt(acc_i2 * (si * si) + bias * bias)

    fire(0, ub0, ib0, bb0, sem0)

    def step(gg, _):
        g0 = 2 * gg
        fire(g0 + 1, ub1, ib1, bb1, sem1)
        drain(ub0, ib0, bb0, sem0)
        compute(g0, ub0, ib0, bb0)

        @pl.when(gg < n_batch // 2 - 1)
        def _():
            fire(g0 + 2, ub0, ib0, bb0, sem0)

        drain(ub1, ib1, bb1, sem1)
        compute(g0 + 1, ub1, ib1, bb1)
        return 0

    lax.fori_loop(0, n_batch // 2, step, 0)

    out_sl = pl.ds(base, p_sub)
    pltpu.sync_copy(pred_v, pred_out.at[out_sl])
    pltpu.sync_copy(ul2_v, ul2_out.at[out_sl])
    pltpu.sync_copy(il2_v, il2_out.at[out_sl])


def kernel(user_idx, item_i_idx, user_table, item_table, item_bias_table):
    b = user_idx.shape[0]
    emb = user_table.shape[1]
    p_sub = b // NW

    uidx2 = user_idx.astype(jnp.int32).reshape(NW, p_sub)
    iidx2 = item_i_idx.astype(jnp.int32).reshape(NW, p_sub)

    mesh = plsc.VectorSubcoreMesh(
        core_axis_name="c", subcore_axis_name="s",
        num_cores=NC, num_subcores=NS)

    f32 = jnp.float32
    i32 = jnp.int32
    out = pl.kernel(
        functools.partial(_body, p_sub, emb),
        out_type=[jax.ShapeDtypeStruct((b,), f32)] * 3,
        mesh=mesh,
        compiler_params=pltpu.CompilerParams(needs_layout_passes=False),
        scratch_types=[
            pltpu.VMEM((p_sub,), i32),
            pltpu.VMEM((p_sub,), i32),
            pltpu.VMEM((L, emb), f32),
            pltpu.VMEM((L, emb), f32),
            pltpu.VMEM((L, 1), f32),
            pltpu.VMEM((L, emb), f32),
            pltpu.VMEM((L, emb), f32),
            pltpu.VMEM((L, 1), f32),
            pltpu.VMEM((p_sub,), f32),
            pltpu.VMEM((p_sub,), f32),
            pltpu.VMEM((p_sub,), f32),
            pltpu.SemaphoreType.DMA,
            pltpu.SemaphoreType.DMA,
        ],
    )(uidx2, iidx2, user_table, item_table, item_bias_table)
    pred, ul2, il2 = out
    return pred.reshape(b, 1), ul2, il2

# --- scband reference (transcript-rebuilt; emitter-appended) ---
"""Pipeline reference for scband-bpr-model-80676665688169 (READ-ONLY COPY).

The authoritative reference and input builder live on the scoring server;
editing this copy changes nothing except your own understanding.
"""

import jax, jax.numpy as jnp
import numpy as np

USER_NUM = 1000000
ITEM_NUM = 1000000
EMB = 32
MAX_NORM = 1.0
B = 16384


def _renorm(emb, max_norm=MAX_NORM, eps=1e-7):
    # Mimics torch nn.Embedding(max_norm=...) row renormalization at lookup time
    norm = jnp.linalg.norm(emb, axis=-1, keepdims=True)
    scale = jnp.minimum(1.0, max_norm / (norm + eps))
    return emb * scale


def setup_inputs(seed: int = 0) -> dict:
    key = jax.random.key(seed)
    k1, k2, k3, k4, k5 = jax.random.split(key, 5)
    user_idx = jax.random.randint(k1, (B,), 0, USER_NUM, dtype=jnp.int64 if jax.config.jax_enable_x64 else jnp.int32)
    item_i_idx = jax.random.randint(k2, (B,), 0, ITEM_NUM, dtype=jnp.int64 if jax.config.jax_enable_x64 else jnp.int32)
    user_table = jax.random.normal(k3, (USER_NUM, EMB), dtype=jnp.float32) * 0.1
    item_table = jax.random.normal(k4, (ITEM_NUM, EMB), dtype=jnp.float32) * 0.1
    item_bias_table = jax.random.normal(k5, (ITEM_NUM, 1), dtype=jnp.float32) * 0.01
    return {
        "user_idx": user_idx,
        "item_i_idx": item_i_idx,
        "user_table": user_table,
        "item_table": item_table,
        "item_bias_table": item_bias_table,
    }


def reference(user_idx, item_i_idx, user_table, item_table, item_bias_table):
    user = _renorm(jnp.take(user_table, user_idx, axis=0))
    item_i = _renorm(jnp.take(item_table, item_i_idx, axis=0))
    item_bias_i = jnp.take(item_bias_table, item_i_idx, axis=0)
    batch_size = user.shape[0]
    ones = jnp.ones((batch_size, 1), dtype=jnp.float32)
    user_w_ones = jnp.hstack((user, ones))
    item_w_bias = jnp.hstack((item_i, item_bias_i))
    prediction_i = jnp.sum(user_w_ones * item_w_bias, axis=-1, keepdims=True)
    user_l2_norm = jnp.linalg.norm(user, ord=2, axis=-1)
    item_i_l2_norm = jnp.linalg.norm(item_w_bias, ord=2, axis=-1)
    return (prediction_i, user_l2_norm, item_i_l2_norm)

if __name__ == "__main__":
    import jax
    _d = setup_inputs()
    print(jax.jit(kernel)(*tuple(_d.values())))

</pallas_src>

<mosaic_0001>
#map = affine_map<(d0, d1) -> (0, 0)>
#map1 = affine_map<(d0, d1) -> (0)>
module attributes {stable_mosaic.version = 14 : i64} {
  func.func @_body(%arg0: i32, %arg1: i32, %arg2: memref<32x512xi32, #tpu.memory_space<hbm>>, %arg3: memref<32x512xi32, #tpu.memory_space<hbm>>, %arg4: memref<1000000x32xf32, #tpu.memory_space<hbm>>, %arg5: memref<1000000x32xf32, #tpu.memory_space<hbm>>, %arg6: memref<1000000x1xf32, #tpu.memory_space<hbm>>, %arg7: memref<16384xf32, #tpu.memory_space<hbm>>, %arg8: memref<16384xf32, #tpu.memory_space<hbm>>, %arg9: memref<16384xf32, #tpu.memory_space<hbm>>, %arg10: memref<512xi32, #tpu.memory_space<vmem>>, %arg11: memref<512xi32, #tpu.memory_space<vmem>>, %arg12: memref<16x32xf32, #tpu.memory_space<vmem>>, %arg13: memref<16x32xf32, #tpu.memory_space<vmem>>, %arg14: memref<16x1xf32, #tpu.memory_space<vmem>>, %arg15: memref<16x32xf32, #tpu.memory_space<vmem>>, %arg16: memref<16x32xf32, #tpu.memory_space<vmem>>, %arg17: memref<16x1xf32, #tpu.memory_space<vmem>>, %arg18: memref<512xf32, #tpu.memory_space<vmem>>, %arg19: memref<512xf32, #tpu.memory_space<vmem>>, %arg20: memref<512xf32, #tpu.memory_space<vmem>>, %arg21: memref<!tpu.dma_semaphore, #tpu.memory_space<semaphore_mem>>, %arg22: memref<!tpu.dma_semaphore, #tpu.memory_space<semaphore_mem>>) attributes {dimension_semantics = [#tpu.dimension_semantics<core_parallel>, #tpu.dimension_semantics<subcore_parallel>], iteration_bounds = array<i64: 2, 16>, scalar_prefetch = 0 : i64, scratch_operands = 13 : i64, tpu.core_type = #tpu.core_type<sc_vector_subcore>, window_params = [{transform_indices = #map}, {transform_indices = #map}, {transform_indices = #map}, {transform_indices = #map}, {transform_indices = #map}, {transform_indices = #map1}, {transform_indices = #map1}, {transform_indices = #map1}]} {
    %mul3A = arith.constant 2 : i32
    %mul3A_0 = arith.muli %arg1, %mul3A : i32
    %add3A = arith.addi %mul3A_0, %arg0 : i32
    %mul3A_1 = arith.constant 512 : i32
    %mul3A_2 = arith.muli %add3A, %mul3A_1 : i32
    "tpu.region"() ({
      %run_scoped3A = tpu.sem_alloc : memref<!tpu.dma_semaphore, #tpu.memory_space<semaphore_mem>>
      %dma_start3A_809 = arith.constant 0 : i32
      %dma_start3A_810 = tpu.memref_slice %arg2[%add3A, %dma_start3A_809] : memref<32x512xi32, #tpu.memory_space<hbm>> -> memref<1x512xi32, #tpu.memory_space<hbm>>
      %dma_start3A_811 = tpu.memref_squeeze %dma_start3A_810 : memref<1x512xi32, #tpu.memory_space<hbm>> -> memref<512xi32, #tpu.memory_space<hbm>>
      %dma_start3A_812 = arith.constant 0 : i32
      %dma_start3A_813 = tpu.memref_slice %arg2[%add3A, %dma_start3A_812] : memref<32x512xi32, #tpu.memory_space<hbm>> -> memref<1x512xi32, #tpu.memory_space<hbm>>
      %dma_start3A_814 = tpu.memref_squeeze %dma_start3A_813 : memref<1x512xi32, #tpu.memory_space<hbm>> -> memref<512xi32, #tpu.memory_space<hbm>>
      tpu.enqueue_dma source(%dma_start3A_814 : memref<512xi32, #tpu.memory_space<hbm>>) target(%arg10 : memref<512xi32, #tpu.memory_space<vmem>>) target_semaphore(%run_scoped3A : memref<!tpu.dma_semaphore, #tpu.memory_space<semaphore_mem>>)
      %dma_wait3A = arith.constant 0 : i32
      %dma_wait3A_815 = tpu.memref_slice %arg2[%add3A, %dma_wait3A] : memref<32x512xi32, #tpu.memory_space<hbm>> -> memref<1x512xi32, #tpu.memory_space<hbm>>
      %dma_wait3A_816 = tpu.memref_squeeze %dma_wait3A_815 : memref<1x512xi32, #tpu.memory_space<hbm>> -> memref<512xi32, #tpu.memory_space<hbm>>
      %dma_wait3A_817 = arith.constant 0 : i32
      %dma_wait3A_818 = tpu.memref_slice %arg2[%add3A, %dma_wait3A_817] : memref<32x512xi32, #tpu.memory_space<hbm>> -> memref<1x512xi32, #tpu.memory_space<hbm>>
      %dma_wait3A_819 = tpu.memref_squeeze %dma_wait3A_818 : memref<1x512xi32, #tpu.memory_space<hbm>> -> memref<512xi32, #tpu.memory_space<hbm>>
      tpu.wait_dma2 semaphore(%run_scoped3A : memref<!tpu.dma_semaphore, #tpu.memory_space<semaphore_mem>>) src(%dma_wait3A_819 : memref<512xi32, #tpu.memory_space<hbm>>) dst(%arg10 : memref<512xi32, #tpu.memory_space<vmem>>)
      tpu.yield
    }) : () -> ()
    "tpu.region"() ({
      %run_scoped3A = tpu.sem_alloc : memref<!tpu.dma_semaphore, #tpu.memory_space<semaphore_mem>>
      %dma_start3A_809 = arith.constant 0 : i32
      %dma_start3A_810 = tpu.memref_slice %arg3[%add3A, %dma_start3A_809] : memref<32x512xi32, #tpu.memory_space<hbm>> -> memref<1x512xi32, #tpu.memory_space<hbm>>
      %dma_start3A_811 = tpu.memref_squeeze %dma_start3A_810 : memref<1x512xi32, #tpu.memory_space<hbm>> -> memref<512xi32, #tpu.memory_space<hbm>>
      %dma_start3A_812 = arith.constant 0 : i32
      %dma_start3A_813 = tpu.memref_slice %arg3[%add3A, %dma_start3A_812] : memref<32x512xi32, #tpu.memory_space<hbm>> -> memref<1x512xi32, #tpu.memory_space<hbm>>
      %dma_start3A_814 = tpu.memref_squeeze %dma_start3A_813 : memref<1x512xi32, #tpu.memory_space<hbm>> -> memref<512xi32, #tpu.memory_space<hbm>>
      tpu.enqueue_dma source(%dma_start3A_814 : memref<512xi32, #tpu.memory_space<hbm>>) target(%arg11 : memref<512xi32, #tpu.memory_space<vmem>>) target_semaphore(%run_scoped3A : memref<!tpu.dma_semaphore, #tpu.memory_space<semaphore_mem>>)
      %dma_wait3A = arith.constant 0 : i32
      %dma_wait3A_815 = tpu.memref_slice %arg3[%add3A, %dma_wait3A] : memref<32x512xi32, #tpu.memory_space<hbm>> -> memref<1x512xi32, #tpu.memory_space<hbm>>
      %dma_wait3A_816 = tpu.memref_squeeze %dma_wait3A_815 : memref<1x512xi32, #tpu.memory_space<hbm>> -> memref<512xi32, #tpu.memory_space<hbm>>
      %dma_wait3A_817 = arith.constant 0 : i32
      %dma_wait3A_818 = tpu.memref_slice %arg3[%add3A, %dma_wait3A_817] : memref<32x512xi32, #tpu.memory_space<hbm>> -> memref<1x512xi32, #tpu.memory_space<hbm>>
      %dma_wait3A_819 = tpu.memref_squeeze %dma_wait3A_818 : memref<1x512xi32, #tpu.memory_space<hbm>> -> memref<512xi32, #tpu.memory_space<hbm>>
      tpu.wait_dma2 semaphore(%run_scoped3A : memref<!tpu.dma_semaphore, #tpu.memory_space<semaphore_mem>>) src(%dma_wait3A_819 : memref<512xi32, #tpu.memory_space<hbm>>) dst(%arg11 : memref<512xi32, #tpu.memory_space<vmem>>)
      tpu.yield
    }) : () -> ()
    %iota3A = tpu.iota {dimensions = array<i32: 0>} : vector<16xi32>
    %iota3A_3 = tpu.iota {dimensions = array<i32: 0>} : vector<16xi32>
    %broadcast_in_dim3A = arith.constant 0 : i32
    %broadcast_in_dim3A_4 = vector.broadcast %broadcast_in_dim3A : i32 to vector<16xi32>
    %get3A = arith.constant 0 : index
    %get3A_5 = tpu.vector_load %arg10[%get3A] {strides = array<i32>} : memref<512xi32, #tpu.memory_space<vmem>>, vector<16xi32>,
    %get3A_6 = arith.constant 0 : index
    %get3A_7 = tpu.vector_load %arg11[%get3A_6] {strides = array<i32>} : memref<512xi32, #tpu.memory_space<vmem>>, vector<16xi32>,
    %eq3A = arith.constant 0 : i32
    %eq3A_8 = vector.broadcast %eq3A : i32 to vector<16xi32>
    %eq3A_9 = arith.cmpi eq, %iota3A, %eq3A_8 : vector<16xi32>
    %jit3A = arith.constant 0 : i32
    %broadcast_in_dim3A_10 = vector.broadcast %jit3A : i32 to vector<16xi32>
    %select_n3A = arith.select %eq3A_9, %get3A_5, %broadcast_in_dim3A_10 : vector<16xi1>, vector<16xi32>
    %reduce_sum3A = arith.constant true
    %reduce_sum3A_11 = vector.broadcast %reduce_sum3A : i1 to vector<16xi1>
    %reduce_sum3A_12 = tpu.scan <sum>, %select_n3A masked %reduce_sum3A_11 : vector<16xi32>, vector<16xi1> -> vector<16xi32>
    %reduce_sum3A_13 = vector.extract %reduce_sum3A_12[15] : i32 from vector<16xi32>
    %eq3A_14 = arith.constant 0 : i32
    %eq3A_15 = vector.broadcast %eq3A_14 : i32 to vector<16xi32>
    %eq3A_16 = arith.cmpi eq, %iota3A, %eq3A_15 : vector<16xi32>
    %jit3A_17 = arith.constant 0 : i32
    %broadcast_in_dim3A_18 = vector.broadcast %jit3A_17 : i32 to vector<16xi32>
    %select_n3A_19 = arith.select %eq3A_16, %get3A_7, %broadcast_in_dim3A_18 : vector<16xi1>, vector<16xi32>
    %reduce_sum3A_20 = arith.constant true
    %reduce_sum3A_21 = vector.broadcast %reduce_sum3A_20 : i1 to vector<16xi1>
    %reduce_sum3A_22 = tpu.scan <sum>, %select_n3A_19 masked %reduce_sum3A_21 : vector<16xi32>, vector<16xi1> -> vector<16xi32>
    %reduce_sum3A_23 = vector.extract %reduce_sum3A_22[15] : i32 from vector<16xi32>
    %dma_start3A = arith.constant 0 : i32
    %dma_start3A_24 = arith.constant 0 : i32
    %dma_start3A_25 = tpu.memref_slice %arg12[%dma_start3A, %dma_start3A_24] : memref<16x32xf32, #tpu.memory_space<vmem>> -> memref<1x32xf32, #tpu.memory_space<vmem>>
    %dma_start3A_26 = arith.constant 0 : i32
    %dma_start3A_27 = tpu.memref_slice %arg4[%reduce_sum3A_13, %dma_start3A_26] : memref<1000000x32xf32, #tpu.memory_space<hbm>> -> memref<1x32xf32, #tpu.memory_space<hbm>>
    %dma_start3A_28 = arith.constant 0 : i32
    %dma_start3A_29 = arith.constant 0 : i32
    %dma_start3A_30 = tpu.memref_slice %arg12[%dma_start3A_28, %dma_start3A_29] : memref<16x32xf32, #tpu.memory_space<vmem>> -> memref<1x32xf32, #tpu.memory_space<vmem>>
    %dma_start3A_31 = arith.constant 0 : i32
    %dma_start3A_32 = tpu.memref_slice %arg4[%reduce_sum3A_13, %dma_start3A_31] : memref<1000000x32xf32, #tpu.memory_space<hbm>> -> memref<1x32xf32, #tpu.memory_space<hbm>>
    tpu.enqueue_dma source(%dma_start3A_32 : memref<1x32xf32, #tpu.memory_space<hbm>>) target(%dma_start3A_30 : memref<1x32xf32, #tpu.memory_space<vmem>>) target_semaphore(%arg21 : memref<!tpu.dma_semaphore, #tpu.memory_space<semaphore_mem>>)
    %dma_start3A_33 = arith.constant 0 : i32
    %dma_start3A_34 = arith.constant 0 : i32
    %dma_start3A_35 = tpu.memref_slice %arg13[%dma_start3A_33, %dma_start3A_34] : memref<16x32xf32, #tpu.memory_space<vmem>> -> memref<1x32xf32, #tpu.memory_space<vmem>>
    %dma_start3A_36 = arith.constant 0 : i32
    %dma_start3A_37 = tpu.memref_slice %arg5[%reduce_sum3A_23, %dma_start3A_36] : memref<1000000x32xf32, #tpu.memory_space<hbm>> -> memref<1x32xf32, #tpu.memory_space<hbm>>
    %dma_start3A_38 = arith.constant 0 : i32
    %dma_start3A_39 = arith.constant 0 : i32
    %dma_start3A_40 = tpu.memref_slice %arg13[%dma_start3A_38, %dma_start3A_39] : memref<16x32xf32, #tpu.memory_space<vmem>> -> memref<1x32xf32, #tpu.memory_space<vmem>>
    %dma_start3A_41 = arith.constant 0 : i32
    %dma_start3A_42 = tpu.memref_slice %arg5[%reduce_sum3A_23, %dma_start3A_41] : memref<1000000x32xf32, #tpu.memory_space<hbm>> -> memref<1x32xf32, #tpu.memory_space<hbm>>
    tpu.enqueue_dma source(%dma_start3A_42 : memref<1x32xf32, #tpu.memory_space<hbm>>) target(%dma_start3A_40 : memref<1x32xf32, #tpu.memory_space<vmem>>) target_semaphore(%arg21 : memref<!tpu.dma_semaphore, #tpu.memory_space<semaphore_mem>>)
    %dma_start3A_43 = arith.constant 0 : i32
    %dma_start3A_44 = arith.constant 0 : i32
    %dma_start3A_45 = tpu.memref_slice %arg14[%dma_start3A_43, %dma_start3A_44] : memref<16x1xf32, #tpu.memory_space<vmem>> -> memref<1x1xf32, #tpu.memory_space<vmem>>
    %dma_start3A_46 = arith.constant 0 : i32
    %dma_start3A_47 = tpu.memref_slice %arg6[%reduce_sum3A_23, %dma_start3A_46] : memref<1000000x1xf32, #tpu.memory_space<hbm>> -> memref<1x1xf32, #tpu.memory_space<hbm>>
    %dma_start3A_48 = arith.constant 0 : i32
    %dma_start3A_49 = arith.constant 0 : i32
    %dma_start3A_50 = tpu.memref_slice %arg14[%dma_start3A_48, %dma_start3A_49] : memref<16x1xf32, #tpu.memory_space<vmem>> -> memref<1x1xf32, #tpu.memory_space<vmem>>
    %dma_start3A_51 = arith.constant 0 : i32
    %dma_start3A_52 = tpu.memref_slice %arg6[%reduce_sum3A_23, %dma_start3A_51] : memref<1000000x1xf32, #tpu.memory_space<hbm>> -> memref<1x1xf32, #tpu.memory_space<hbm>>
    tpu.enqueue_dma source(%dma_start3A_52 : memref<1x1xf32, #tpu.memory_space<hbm>>) target(%dma_start3A_50 : memref<1x1xf32, #tpu.memory_space<vmem>>) target_semaphore(%arg21 : memref<!tpu.dma_semaphore, #tpu.memory_space<semaphore_mem>>)
    %eq3A_53 = arith.constant 1 : i32
    %eq3A_54 = vector.broadcast %eq3A_53 : i32 to vector<16xi32>
    %eq3A_55 = arith.cmpi eq, %iota3A, %eq3A_54 : vector<16xi32>
    %jit3A_56 = arith.constant 0 : i32
    %broadcast_in_dim3A_57 = vector.broadcast %jit3A_56 : i32 to vector<16xi32>
    %select_n3A_58 = arith.select %eq3A_55, %get3A_5, %broadcast_in_dim3A_57 : vector<16xi1>, vector<16xi32>
    %reduce_sum3A_59 = arith.constant true
    %reduce_sum3A_60 = vector.broadcast %reduce_sum3A_59 : i1 to vector<16xi1>
    %reduce_sum3A_61 = tpu.scan <sum>, %select_n3A_58 masked %reduce_sum3A_60 : vector<16xi32>, vector<16xi1> -> vector<16xi32>
    %reduce_sum3A_62 = vector.extract %reduce_sum3A_61[15] : i32 from vector<16xi32>
    %eq3A_63 = arith.constant 1 : i32
    %eq3A_64 = vector.broadcast %eq3A_63 : i32 to vector<16xi32>
    %eq3A_65 = arith.cmpi eq, %iota3A, %eq3A_64 : vector<16xi32>
    %jit3A_66 = arith.constant 0 : i32
    %broadcast_in_dim3A_67 = vector.broadcast %jit3A_66 : i32 to vector<16xi32>
    %select_n3A_68 = arith.select %eq3A_65, %get3A_7, %broadcast_in_dim3A_67 : vector<16xi1>, vector<16xi32>
    %reduce_sum3A_69 = arith.constant true
    %reduce_sum3A_70 = vector.broadcast %reduce_sum3A_69 : i1 to vector<16xi1>
    %reduce_sum3A_71 = tpu.scan <sum>, %select_n3A_68 masked %reduce_sum3A_70 : vector<16xi32>, vector<16xi1> -> vector<16xi32>
    %reduce_sum3A_72 = vector.extract %reduce_sum3A_71[15] : i32 from vector<16xi32>
    %dma_start3A_73 = arith.constant 1 : i32
    %dma_start3A_74 = arith.constant 0 : i32
    %dma_start3A_75 = tpu.memref_slice %arg12[%dma_start3A_73, %dma_start3A_74] : memref<16x32xf32, #tpu.memory_space<vmem>> -> memref<1x32xf32, #tpu.memory_space<vmem>>
    %dma_start3A_76 = arith.constant 0 : i32
    %dma_start3A_77 = tpu.memref_slice %arg4[%reduce_sum3A_62, %dma_start3A_76] : memref<1000000x32xf32, #tpu.memory_space<hbm>> -> memref<1x32xf32, #tpu.memory_space<hbm>>
    %dma_start3A_78 = arith.constant 1 : i32
    %dma_start3A_79 = arith.constant 0 : i32
    %dma_start3A_80 = tpu.memref_slice %arg12[%dma_start3A_78, %dma_start3A_79] : memref<16x32xf32, #tpu.memory_space<vmem>> -> memref<1x32xf32, #tpu.memory_space<vmem>>
    %dma_start3A_81 = arith.constant 0 : i32
    %dma_start3A_82 = tpu.memref_slice %arg4[%reduce_sum3A_62, %dma_start3A_81] : memref<1000000x32xf32, #tpu.memory_space<hbm>> -> memref<1x32xf32, #tpu.memory_space<hbm>>
    tpu.enqueue_dma source(%dma_start3A_82 : memref<1x32xf32, #tpu.memory_space<hbm>>) target(%dma_start3A_80 : memref<1x32xf32, #tpu.memory_space<vmem>>) target_semaphore(%arg21 : memref<!tpu.dma_semaphore, #tpu.memory_space<semaphore_mem>>)
    %dma_start3A_83 = arith.constant 1 : i32
    %dma_start3A_84 = arith.constant 0 : i32
    %dma_start3A_85 = tpu.memref_slice %arg13[%dma_start3A_83, %dma_start3A_84] : memref<16x32xf32, #tpu.memory_space<vmem>> -> memref<1x32xf32, #tpu.memory_space<vmem>>
    %dma_start3A_86 = arith.constant 0 : i32
    %dma_start3A_87 = tpu.memref_slice %arg5[%reduce_sum3A_72, %dma_start3A_86] : memref<1000000x32xf32, #tpu.memory_space<hbm>> -> memref<1x32xf32, #tpu.memory_space<hbm>>
    %dma_start3A_88 = arith.constant 1 : i32
    %dma_start3A_89 = arith.constant 0 : i32
    %dma_start3A_90 = tpu.memref_slice %arg13[%dma_start3A_88, %dma_start3A_89] : memref<16x32xf32, #tpu.memory_space<vmem>> -> memref<1x32xf32, #tpu.memory_space<vmem>>
    %dma_start3A_91 = arith.constant 0 : i32
    %dma_start3A_92 = tpu.memref_slice %arg5[%reduce_sum3A_72, %dma_start3A_91] : memref<1000000x32xf32, #tpu.memory_space<hbm>> -> memref<1x32xf32, #tpu.memory_space<hbm>>
    tpu.enqueue_dma source(%dma_start3A_92 : memref<1x32xf32, #tpu.memory_space<hbm>>) target(%dma_start3A_90 : memref<1x32xf32, #tpu.memory_space<vmem>>) target_semaphore(%arg21 : memref<!tpu.dma_semaphore, #tpu.memory_space<semaphore_mem>>)
    %dma_start3A_93 = arith.constant 1 : i32
    %dma_start3A_94 = arith.constant 0 : i32
    %dma_start3A_95 = tpu.memref_slice %arg14[%dma_start3A_93, %dma_start3A_94] : memref<16x1xf32, #tpu.memory_space<vmem>> -> memref<1x1xf32, #tpu.memory_space<vmem>>
    %dma_start3A_96 = arith.constant 0 : i32
    %dma_start3A_97 = tpu.memref_slice %arg6[%reduce_sum3A_72, %dma_start3A_96] : memref<1000000x1xf32, #tpu.memory_space<hbm>> -> memref<1x1xf32, #tpu.memory_space<hbm>>
    %dma_start3A_98 = arith.constant 1 : i32
    %dma_start3A_99 = arith.constant 0 : i32
    %dma_start3A_100 = tpu.memref_slice %arg14[%dma_start3A_98, %dma_start3A_99] : memref<16x1xf32, #tpu.memory_space<vmem>> -> memref<1x1xf32, #tpu.memory_space<vmem>>
    %dma_start3A_101 = arith.constant 0 : i32
    %dma_start3A_102 = tpu.memref_slice %arg6[%reduce_sum3A_72, %dma_start3A_101] : memref<1000000x1xf32, #tpu.memory_space<hbm>> -> memref<1x1xf32, #tpu.memory_space<hbm>>
    tpu.enqueue_dma source(%dma_start3A_102 : memref<1x1xf32, #tpu.memory_space<hbm>>) target(%dma_start3A_100 : memref<1x1xf32, #tpu.memory_space<vmem>>) target_semaphore(%arg21 : memref<!tpu.dma_semaphore, #tpu.memory_space<semaphore_mem>>)
    %eq3A_103 = arith.constant 2 : i32
    %eq3A_104 = vector.broadcast %eq3A_103 : i32 to vector<16xi32>
    %eq3A_105 = arith.cmpi eq, %iota3A, %eq3A_104 : vector<16xi32>
    %jit3A_106 = arith.constant 0 : i32
    %broadcast_in_dim3A_107 = vector.broadcast %jit3A_106 : i32 to vector<16xi32>
    %select_n3A_108 = arith.select %eq3A_105, %get3A_5, %broadcast_in_dim3A_107 : vector<16xi1>, vector<16xi32>
    %reduce_sum3A_109 = arith.constant true
    %reduce_sum3A_110 = vector.broadcast %reduce_sum3A_109 : i1 to vector<16xi1>
    %reduce_sum3A_111 = tpu.scan <sum>, %select_n3A_108 masked %reduce_sum3A_110 : vector<16xi32>, vector<16xi1> -> vector<16xi32>
    %reduce_sum3A_112 = vector.extract %reduce_sum3A_111[15] : i32 from vector<16xi32>
    %eq3A_113 = arith.constant 2 : i32
    %eq3A_114 = vector.broadcast %eq3A_113 : i32 to vector<16xi32>
    %eq3A_115 = arith.cmpi eq, %iota3A, %eq3A_114 : vector<16xi32>
    %jit3A_116 = arith.constant 0 : i32
    %broadcast_in_dim3A_117 = vector.broadcast %jit3A_116 : i32 to vector<16xi32>
    %select_n3A_118 = arith.select %eq3A_115, %get3A_7, %broadcast_in_dim3A_117 : vector<16xi1>, vector<16xi32>
    %reduce_sum3A_119 = arith.constant true
    %reduce_sum3A_120 = vector.broadcast %reduce_sum3A_119 : i1 to vector<16xi1>
    %reduce_sum3A_121 = tpu.scan <sum>, %select_n3A_118 masked %reduce_sum3A_120 : vector<16xi32>, vector<16xi1> -> vector<16xi32>
    %reduce_sum3A_122 = vector.extract %reduce_sum3A_121[15] : i32 from vector<16xi32>
    %dma_start3A_123 = arith.constant 2 : i32
    %dma_start3A_124 = arith.constant 0 : i32
    %dma_start3A_125 = tpu.memref_slice %arg12[%dma_start3A_123, %dma_start3A_124] : memref<16x32xf32, #tpu.memory_space<vmem>> -> memref<1x32xf32, #tpu.memory_space<vmem>>
    %dma_start3A_126 = arith.constant 0 : i32
    %dma_start3A_127 = tpu.memref_slice %arg4[%reduce_sum3A_112, %dma_start3A_126] : memref<1000000x32xf32, #tpu.memory_space<hbm>> -> memref<1x32xf32, #tpu.memory_space<hbm>>
    %dma_start3A_128 = arith.constant 2 : i32
    %dma_start3A_129 = arith.constant 0 : i32
    %dma_start3A_130 = tpu.memref_slice %arg12[%dma_start3A_128, %dma_start3A_129] : memref<16x32xf32, #tpu.memory_space<vmem>> -> memref<1x32xf32, #tpu.memory_space<vmem>>
    %dma_start3A_131 = arith.constant 0 : i32
    %dma_start3A_132 = tpu.memref_slice %arg4[%reduce_sum3A_112, %dma_start3A_131] : memref<1000000x32xf32, #tpu.memory_space<hbm>> -> memref<1x32xf32, #tpu.memory_space<hbm>>
    tpu.enqueue_dma source(%dma_start3A_132 : memref<1x32xf32, #tpu.memory_space<hbm>>) target(%dma_start3A_130 : memref<1x32xf32, #tpu.memory_space<vmem>>) target_semaphore(%arg21 : memref<!tpu.dma_semaphore, #tpu.memory_space<semaphore_mem>>)
    %dma_start3A_133 = arith.constant 2 : i32
    %dma_start3A_134 = arith.constant 0 : i32
    %dma_start3A_135 = tpu.memref_slice %arg13[%dma_start3A_133, %dma_start3A_134] : memref<16x32xf32, #tpu.memory_space<vmem>> -> memref<1x32xf32, #tpu.memory_space<vmem>>
    %dma_start3A_136 = arith.constant 0 : i32
    %dma_start3A_137 = tpu.memref_slice %arg5[%reduce_sum3A_122, %dma_start3A_136] : memref<1000000x32xf32, #tpu.memory_space<hbm>> -> memref<1x32xf32, #tpu.memory_space<hbm>>
    %dma_start3A_138 = arith.constant 2 : i32
    %dma_start3A_139 = arith.constant 0 : i32
    %dma_start3A_140 = tpu.memref_slice %arg13[%dma_start3A_138, %dma_start3A_139] : memref<16x32xf32, #tpu.memory_space<vmem>> -> memref<1x32xf32, #tpu.memory_space<vmem>>
    %dma_start3A_141 = arith.constant 0 : i32
    %dma_start3A_142 = tpu.memref_slice %arg5[%reduce_sum3A_122, %dma_start3A_141] : memref<1000000x32xf32, #tpu.memory_space<hbm>> -> memref<1x32xf32, #tpu.memory_space<hbm>>
    tpu.enqueue_dma source(%dma_start3A_142 : memref<1x32xf32, #tpu.memory_space<hbm>>) target(%dma_start3A_140 : memref<1x32xf32, #tpu.memory_space<vmem>>) target_semaphore(%arg21 : memref<!tpu.dma_semaphore, #tpu.memory_space<semaphore_mem>>)
    %dma_start3A_143 = arith.constant 2 : i32
    %dma_start3A_144 = arith.constant 0 : i32
    %dma_start3A_145 = tpu.memref_slice %arg14[%dma_start3A_143, %dma_start3A_144] : memref<16x1xf32, #tpu.memory_space<vmem>> -> memref<1x1xf32, #tpu.memory_space<vmem>>
    %dma_start3A_146 = arith.constant 0 : i32
    %dma_start3A_147 = tpu.memref_slice %arg6[%reduce_sum3A_122, %dma_start3A_146] : memref<1000000x1xf32, #tpu.memory_space<hbm>> -> memref<1x1xf32, #tpu.memory_space<hbm>>
    %dma_start3A_148 = arith.constant 2 : i32
    %dma_start3A_149 = arith.constant 0 : i32
    %dma_start3A_150 = tpu.memref_slice %arg14[%dma_start3A_148, %dma_start3A_149] : memref<16x1xf32, #tpu.memory_space<vmem>> -> memref<1x1xf32, #tpu.memory_space<vmem>>
    %dma_start3A_151 = arith.constant 0 : i32
    %dma_start3A_152 = tpu.memref_slice %arg6[%reduce_sum3A_122, %dma_start3A_151] : memref<1000000x1xf32, #tpu.memory_space<hbm>> -> memref<1x1xf32, #tpu.memory_space<hbm>>
    tpu.enqueue_dma source(%dma_start3A_152 : memref<1x1xf32, #tpu.memory_space<hbm>>) target(%dma_start3A_150 : memref<1x1xf32, #tpu.memory_space<vmem>>) target_semaphore(%arg21 : memref<!tpu.dma_semaphore, #tpu.memory_space<semaphore_mem>>)
    %eq3A_153 = arith.constant 3 : i32
    %eq3A_154 = vector.broadcast %eq3A_153 : i32 to vector<16xi32>
    %eq3A_155 = arith.cmpi eq, %iota3A, %eq3A_154 : vector<16xi32>
    %jit3A_156 = arith.constant 0 : i32
    %broadcast_in_dim3A_157 = vector.broadcast %jit3A_156 : i32 to vector<16xi32>
    %select_n3A_158 = arith.select %eq3A_155, %get3A_5, %broadcast_in_dim3A_157 : vector<16xi1>, vector<16xi32>
    %reduce_sum3A_159 = arith.constant true
    %reduce_sum3A_160 = vector.broadcast %reduce_sum3A_159 : i1 to vector<16xi1>
    %reduce_sum3A_161 = tpu.scan <sum>, %select_n3A_158 masked %reduce_sum3A_160 : vector<16xi32>, vector<16xi1> -> vector<16xi32>
    %reduce_sum3A_162 = vector.extract %reduce_sum3A_161[15] : i32 from vector<16xi32>
    %eq3A_163 = arith.constant 3 : i32
    %eq3A_164 = vector.broadcast %eq3A_163 : i32 to vector<16xi32>
    %eq3A_165 = arith.cmpi eq, %iota3A, %eq3A_164 : vector<16xi32>
    %jit3A_166 = arith.constant 0 : i32
    %broadcast_in_dim3A_167 = vector.broadcast %jit3A_166 : i32 to vector<16xi32>
    %select_n3A_168 = arith.select %eq3A_165, %get3A_7, %broadcast_in_dim3A_167 : vector<16xi1>, vector<16xi32>
    %reduce_sum3A_169 = arith.constant true
    %reduce_sum3A_170 = vector.broadcast %reduce_sum3A_169 : i1 to vector<16xi1>
    %reduce_sum3A_171 = tpu.scan <sum>, %select_n3A_168 masked %reduce_sum3A_170 : vector<16xi32>, vector<16xi1> -> vector<16xi32>
    %reduce_sum3A_172 = vector.extract %reduce_sum3A_171[15] : i32 from vector<16xi32>
    %dma_start3A_173 = arith.constant 3 : i32
    %dma_start3A_174 = arith.constant 0 : i32
    %dma_start3A_175 = tpu.memref_slice %arg12[%dma_start3A_173, %dma_start3A_174] : memref<16x32xf32, #tpu.memory_space<vmem>> -> memref<1x32xf32, #tpu.memory_space<vmem>>
    %dma_start3A_176 = arith.constant 0 : i32
    %dma_start3A_177 = tpu.memref_slice %arg4[%reduce_sum3A_162, %dma_start3A_176] : memref<1000000x32xf32, #tpu.memory_space<hbm>> -> memref<1x32xf32, #tpu.memory_space<hbm>>
    %dma_start3A_178 = arith.constant 3 : i32
    %dma_start3A_179 = arith.constant 0 : i32
    %dma_start3A_180 = tpu.memref_slice %arg12[%dma_start3A_178, %dma_start3A_179] : memref<16x32xf32, #tpu.memory_space<vmem>> -> memref<1x32xf32, #tpu.memory_space<vmem>>
    %dma_start3A_181 = arith.constant 0 : i32
    %dma_start3A_182 = tpu.memref_slice %arg4[%reduce_sum3A_162, %dma_start3A_181] : memref<1000000x32xf32, #tpu.memory_space<hbm>> -> memref<1x32xf32, #tpu.memory_space<hbm>>
    tpu.enqueue_dma source(%dma_start3A_182 : memref<1x32xf32, #tpu.memory_space<hbm>>) target(%dma_start3A_180 : memref<1x32xf32, #tpu.memory_space<vmem>>) target_semaphore(%arg21 : memref<!tpu.dma_semaphore, #tpu.memory_space<semaphore_mem>>)
    %dma_start3A_183 = arith.constant 3 : i32
    %dma_start3A_184 = arith.constant 0 : i32
    %dma_start3A_185 = tpu.memref_slice %arg13[%dma_start3A_183, %dma_start3A_184] : memref<16x32xf32, #tpu.memory_space<vmem>> -> memref<1x32xf32, #tpu.memory_space<vmem>>
    %dma_start3A_186 = arith.constant 0 : i32
    %dma_start3A_187 = tpu.memref_slice %arg5[%reduce_sum3A_172, %dma_start3A_186] : memref<1000000x32xf32, #tpu.memory_space<hbm>> -> memref<1x32xf32, #tpu.memory_space<hbm>>
    %dma_start3A_188 = arith.constant 3 : i32
    %dma_start3A_189 = arith.constant 0 : i32
    %dma_start3A_190 = tpu.memref_slice %arg13[%dma_start3A_188, %dma_start3A_189] : memref<16x32xf32, #tpu.memory_space<vmem>> -> memref<1x32xf32, #tpu.memory_space<vmem>>
    %dma_start3A_191 = arith.constant 0 : i32
    %dma_start3A_192 = tpu.memref_slice %arg5[%reduce_sum3A_172, %dma_start3A_191] : memref<1000000x32xf32, #tpu.memory_space<hbm>> -> memref<1x32xf32, #tpu.memory_space<hbm>>
    tpu.enqueue_dma source(%dma_start3A_192 : memref<1x32xf32, #tpu.memory_space<hbm>>) target(%dma_start3A_190 : memref<1x32xf32, #tpu.memory_space<vmem>>) target_semaphore(%arg21 : memref<!tpu.dma_semaphore, #tpu.memory_space<semaphore_mem>>)
    %dma_start3A_193 = arith.constant 3 : i32
    %dma_start3A_194 = arith.constant 0 : i32
    %dma_start3A_195 = tpu.memref_slice %arg14[%dma_start3A_193, %dma_start3A_194] : memref<16x1xf32, #tpu.memory_space<vmem>> -> memref<1x1xf32, #tpu.memory_space<vmem>>
    %dma_start3A_196 = arith.constant 0 : i32
    %dma_start3A_197 = tpu.memref_slice %arg6[%reduce_sum3A_172, %dma_start3A_196] : memref<1000000x1xf32, #tpu.memory_space<hbm>> -> memref<1x1xf32, #tpu.memory_space<hbm>>
    %dma_start3A_198 = arith.constant 3 : i32
    %dma_start3A_199 = arith.constant 0 : i32
    %dma_start3A_200 = tpu.memref_slice %arg14[%dma_start3A_198, %dma_start3A_199] : memref<16x1xf32, #tpu.memory_space<vmem>> -> memref<1x1xf32, #tpu.memory_space<vmem>>
    %dma_start3A_201 = arith.constant 0 : i32
    %dma_start3A_202 = tpu.memref_slice %arg6[%reduce_sum3A_172, %dma_start3A_201] : memref<1000000x1xf32, #tpu.memory_space<hbm>> -> memref<1x1xf32, #tpu.memory_space<hbm>>
    tpu.enqueue_dma source(%dma_start3A_202 : memref<1x1xf32, #tpu.memory_space<hbm>>) target(%dma_start3A_200 : memref<1x1xf32, #tpu.memory_space<vmem>>) target_semaphore(%arg21 : memref<!tpu.dma_semaphore, #tpu.memory_space<semaphore_mem>>)
    %eq3A_203 = arith.constant 4 : i32
    %eq3A_204 = vector.broadcast %eq3A_203 : i32 to vector<16xi32>
    %eq3A_205 = arith.cmpi eq, %iota3A, %eq3A_204 : vector<16xi32>
    %jit3A_206 = arith.constant 0 : i32
    %broadcast_in_dim3A_207 = vector.broadcast %jit3A_206 : i32 to vector<16xi32>
    %select_n3A_208 = arith.select %eq3A_205, %get3A_5, %broadcast_in_dim3A_207 : vector<16xi1>, vector<16xi32>
    %reduce_sum3A_209 = arith.constant true
    %reduce_sum3A_210 = vector.broadcast %reduce_sum3A_209 : i1 to vector<16xi1>
    %reduce_sum3A_211 = tpu.scan <sum>, %select_n3A_208 masked %reduce_sum3A_210 : vector<16xi32>, vector<16xi1> -> vector<16xi32>
    %reduce_sum3A_212 = vector.extract %reduce_sum3A_211[15] : i32 from vector<16xi32>
    %eq3A_213 = arith.constant 4 : i32
    %eq3A_214 = vector.broadcast %eq3A_213 : i32 to vector<16xi32>
    %eq3A_215 = arith.cmpi eq, %iota3A, %eq3A_214 : vector<16xi32>
    %jit3A_216 = arith.constant 0 : i32
    %broadcast_in_dim3A_217 = vector.broadcast %jit3A_216 : i32 to vector<16xi32>
    %select_n3A_218 = arith.select %eq3A_215, %get3A_7, %broadcast_in_dim3A_217 : vector<16xi1>, vector<16xi32>
    %reduce_sum3A_219 = arith.constant true
    %reduce_sum3A_220 = vector.broadcast %reduce_sum3A_219 : i1 to vector<16xi1>
    %reduce_sum3A_221 = tpu.scan <sum>, %select_n3A_218 masked %reduce_sum3A_220 : vector<16xi32>, vector<16xi1> -> vector<16xi32>
    %reduce_sum3A_222 = vector.extract %reduce_sum3A_221[15] : i32 from vector<16xi32>
    %dma_start3A_223 = arith.constant 4 : i32
    %dma_start3A_224 = arith.constant 0 : i32
    %dma_start3A_225 = tpu.memref_slice %arg12[%dma_start3A_223, %dma_start3A_224] : memref<16x32xf32, #tpu.memory_space<vmem>> -> memref<1x32xf32, #tpu.memory_space<vmem>>
    %dma_start3A_226 = arith.constant 0 : i32
    %dma_start3A_227 = tpu.memref_slice %arg4[%reduce_sum3A_212, %dma_start3A_226] : memref<1000000x32xf32, #tpu.memory_space<hbm>> -> memref<1x32xf32, #tpu.memory_space<hbm>>
    %dma_start3A_228 = arith.constant 4 : i32
    %dma_start3A_229 = arith.constant 0 : i32
    %dma_start3A_230 = tpu.memref_slice %arg12[%dma_start3A_228, %dma_start3A_229] : memref<16x32xf32, #tpu.memory_space<vmem>> -> memref<1x32xf32, #tpu.memory_space<vmem>>
    %dma_start3A_231 = arith.constant 0 : i32
    %dma_start3A_232 = tpu.memref_slice %arg4[%reduce_sum3A_212, %dma_start3A_231] : memref<1000000x32xf32, #tpu.memory_space<hbm>> -> memref<1x32xf32, #tpu.memory_space<hbm>>
    tpu.enqueue_dma source(%dma_start3A_232 : memref<1x32xf32, #tpu.memory_space<hbm>>) target(%dma_start3A_230 : memref<1x32xf32, #tpu.memory_space<vmem>>) target_semaphore(%arg21 : memref<!tpu.dma_semaphore, #tpu.memory_space<semaphore_mem>>)
    %dma_start3A_233 = arith.constant 4 : i32
    %dma_start3A_234 = arith.constant 0 : i32
    %dma_start3A_235 = tpu.memref_slice %arg13[%dma_start3A_233, %dma_start3A_234] : memref<16x32xf32, #tpu.memory_space<vmem>> -> memref<1x32xf32, #tpu.memory_space<vmem>>
    %dma_start3A_236 = arith.constant 0 : i32
    %dma_start3A_237 = tpu.memref_slice %arg5[%reduce_sum3A_222, %dma_start3A_236] : memref<1000000x32xf32, #tpu.memory_space<hbm>> -> memref<1x32xf32, #tpu.memory_space<hbm>>
    %dma_start3A_238 = arith.constant 4 : i32
    %dma_start3A_239 = arith.constant 0 : i32
    %dma_start3A_240 = tpu.memref_slice %arg13[%dma_start3A_238, %dma_start3A_239] : memref<16x32xf32, #tpu.memory_space<vmem>> -> memref<1x32xf32, #tpu.memory_space<vmem>>
    %dma_start3A_241 = arith.constant 0 : i32
    %dma_start3A_242 = tpu.memref_slice %arg5[%reduce_sum3A_222, %dma_start3A_241] : memref<1000000x32xf32, #tpu.memory_space<hbm>> -> memref<1x32xf32, #tpu.memory_space<hbm>>
    tpu.enqueue_dma source(%dma_start3A_242 : memref<1x32xf32, #tpu.memory_space<hbm>>) target(%dma_start3A_240 : memref<1x32xf32, #tpu.memory_space<vmem>>) target_semaphore(%arg21 : memref<!tpu.dma_semaphore, #tpu.memory_space<semaphore_mem>>)
    %dma_start3A_243 = arith.constant 4 : i32
    %dma_start3A_244 = arith.constant 0 : i32
    %dma_start3A_245 = tpu.memref_slice %arg14[%dma_start3A_243, %dma_start3A_244] : memref<16x1xf32, #tpu.memory_space<vmem>> -> memref<1x1xf32, #tpu.memory_space<vmem>>
    %dma_start3A_246 = arith.constant 0 : i32
    %dma_start3A_247 = tpu.memref_slice %arg6[%reduce_sum3A_222, %dma_start3A_246] : memref<1000000x1xf32, #tpu.memory_space<hbm>> -> memref<1x1xf32, #tpu.memory_space<hbm>>
    %dma_start3A_248 = arith.constant 4 : i32
    %dma_start3A_249 = arith.constant 0 : i32
    %dma_start3A_250 = tpu.memref_slice %arg14[%dma_start3A_248, %dma_start3A_249] : memref<16x1xf32, #tpu.memory_space<vmem>> -> memref<1x1xf32, #tpu.memory_space<vmem>>
    %dma_start3A_251 = arith.constant 0 : i32
    %dma_start3A_252 = tpu.memref_slice %arg6[%reduce_sum3A_222, %dma_start3A_251] : memref<1000000x1xf32, #tpu.memory_space<hbm>> -> memref<1x1xf32, #tpu.memory_space<hbm>>
    tpu.enqueue_dma source(%dma_start3A_252 : memref<1x1xf32, #tpu.memory_space<hbm>>) target(%dma_start3A_250 : memref<1x1xf32, #tpu.memory_space<vmem>>) target_semaphore(%arg21 : memref<!tpu.dma_semaphore, #tpu.memory_space<semaphore_mem>>)
    %eq3A_253 = arith.constant 5 : i32
    %eq3A_254 = vector.broadcast %eq3A_253 : i32 to vector<16xi32>
    %eq3A_255 = arith.cmpi eq, %iota3A, %eq3A_254 : vector<16xi32>
    %jit3A_256 = arith.constant 0 : i32
    %broadcast_in_dim3A_257 = vector.broadcast %jit3A_256 : i32 to vector<16xi32>
    %select_n3A_258 = arith.select %eq3A_255, %get3A_5, %broadcast_in_dim3A_257 : vector<16xi1>, vector<16xi32>
    %reduce_sum3A_259 = arith.constant true
    %reduce_sum3A_260 = vector.broadcast %reduce_sum3A_259 : i1 to vector<16xi1>
    %reduce_sum3A_261 = tpu.scan <sum>, %select_n3A_258 masked %reduce_sum3A_260 : vector<16xi32>, vector<16xi1> -> vector<16xi32>
    %reduce_sum3A_262 = vector.extract %reduce_sum3A_261[15] : i32 from vector<16xi32>
    %eq3A_263 = arith.constant 5 : i32
    %eq3A_264 = vector.broadcast %eq3A_263 : i32 to vector<16xi32>
    %eq3A_265 = arith.cmpi eq, %iota3A, %eq3A_264 : vector<16xi32>
    %jit3A_266 = arith.constant 0 : i32
    %broadcast_in_dim3A_267 = vector.broadcast %jit3A_266 : i32 to vector<16xi32>
    %select_n3A_268 = arith.select %eq3A_265, %get3A_7, %broadcast_in_dim3A_267 : vector<16xi1>, vector<16xi32>
    %reduce_sum3A_269 = arith.constant true
    %reduce_sum3A_270 = vector.broadcast %reduce_sum3A_269 : i1 to vector<16xi1>
    %reduce_sum3A_271 = tpu.scan <sum>, %select_n3A_268 masked %reduce_sum3A_270 : vector<16xi32>, vector<16xi1> -> vector<16xi32>
    %reduce_sum3A_272 = vector.extract %reduce_sum3A_271[15] : i32 from vector<16xi32>
    %dma_start3A_273 = arith.constant 5 : i32
    %dma_start3A_274 = arith.constant 0 : i32
    %dma_start3A_275 = tpu.memref_slice %arg12[%dma_start3A_273, %dma_start3A_274] : memref<16x32xf32, #tpu.memory_space<vmem>> -> memref<1x32xf32, #tpu.memory_space<vmem>>
    %dma_start3A_276 = arith.constant 0 : i32
    %dma_start3A_277 = tpu.memref_slice %arg4[%reduce_sum3A_262, %dma_start3A_276] : memref<1000000x32xf32, #tpu.memory_space<hbm>> -> memref<1x32xf32, #tpu.memory_space<hbm>>
    %dma_start3A_278 = arith.constant 5 : i32
    %dma_start3A_279 = arith.constant 0 : i32
    %dma_start3A_280 = tpu.memref_slice %arg12[%dma_start3A_278, %dma_start3A_279] : memref<16x32xf32, #tpu.memory_space<vmem>> -> memref<1x32xf32, #tpu.memory_space<vmem>>
    %dma_start3A_281 = arith.constant 0 : i32
    %dma_start3A_282 = tpu.memref_slice %arg4[%reduce_sum3A_262, %dma_start3A_281] : memref<1000000x32xf32, #tpu.memory_space<hbm>> -> memref<1x32xf32, #tpu.memory_space<hbm>>
    tpu.enqueue_dma source(%dma_start3A_282 : memref<1x32xf32, #tpu.memory_space<hbm>>) target(%dma_start3A_280 : memref<1x32xf32, #tpu.memory_space<vmem>>) target_semaphore(%arg21 : memref<!tpu.dma_semaphore, #tpu.memory_space<semaphore_mem>>)
    %dma_start3A_283 = arith.constant 5 : i32
    %dma_start3A_284 = arith.constant 0 : i32
    %dma_start3A_285 = tpu.memref_slice %arg13[%dma_start3A_283, %dma_start3A_284] : memref<16x32xf32, #tpu.memory_space<vmem>> -> memref<1x32xf32, #tpu.memory_space<vmem>>
    %dma_start3A_286 = arith.constant 0 : i32
    %dma_start3A_287 = tpu.memref_slice %arg5[%reduce_sum3A_272, %dma_start3A_286] : memref<1000000x32xf32, #tpu.memory_space<hbm>> -> memref<1x32xf32, #tpu.memory_space<hbm>>
    %dma_start3A_288 = arith.constant 5 : i32
    %dma_start3A_289 = arith.constant 0 : i32
    %dma_start3A_290 = tpu.memref_slice %arg13[%dma_start3A_288, %dma_start3A_289] : memref<16x32xf32, #tpu.memory_space<vmem>> -> memref<1x32xf32, #tpu.memory_space<vmem>>
    %dma_start3A_291 = arith.constant 0 : i32
    %dma_start3A_292 = tpu.memref_slice %arg5[%reduce_sum3A_272, %dma_start3A_291] : memref<1000000x32xf32, #tpu.memory_space<hbm>> -> memref<1x32xf32, #tpu.memory_space<hbm>>
    tpu.enqueue_dma source(%dma_start3A_292 : memref<1x32xf32, #tpu.memory_space<hbm>>) target(%dma_start3A_290 : memref<1x32xf32, #tpu.memory_space<vmem>>) target_semaphore(%arg21 : memref<!tpu.dma_semaphore, #tpu.memory_space<semaphore_mem>>)
    %dma_start3A_293 = arith.constant 5 : i32
    %dma_start3A_294 = arith.constant 0 : i32
    %dma_start3A_295 = tpu.memref_slice %arg14[%dma_start3A_293, %dma_start3A_294] : memref<16x1xf32, #tpu.memory_space<vmem>> -> memref<1x1xf32, #tpu.memory_space<vmem>>
    %dma_start3A_296 = arith.constant 0 : i32
    %dma_start3A_297 = tpu.memref_slice %arg6[%reduce_sum3A_272, %dma_start3A_296] : memref<1000000x1xf32, #tpu.memory_space<hbm>> -> memref<1x1xf32, #tpu.memory_space<hbm>>
    %dma_start3A_298 = arith.constant 5 : i32
    %dma_start3A_299 = arith.constant 0 : i32
    %dma_start3A_300 = tpu.memref_slice %arg14[%dma_start3A_298, %dma_start3A_299] : memref<16x1xf32, #tpu.memory_space<vmem>> -> memref<1x1xf32, #tpu.memory_space<vmem>>
    %dma_start3A_301 = arith.constant 0 : i32
    %dma_start3A_302 = tpu.memref_slice %arg6[%reduce_sum3A_272, %dma_start3A_301] : memref<1000000x1xf32, #tpu.memory_space<hbm>> -> memref<1x1xf32, #tpu.memory_space<hbm>>
    tpu.enqueue_dma source(%dma_start3A_302 : memref<1x1xf32, #tpu.memory_space<hbm>>) target(%dma_start3A_300 : memref<1x1xf32, #tpu.memory_space<vmem>>) target_semaphore(%arg21 : memref<!tpu.dma_semaphore, #tpu.memory_space<semaphore_mem>>)
    %eq3A_303 = arith.constant 6 : i32
    %eq3A_304 = vector.broadcast %eq3A_303 : i32 to vector<16xi32>
    %eq3A_305 = arith.cmpi eq, %iota3A, %eq3A_304 : vector<16xi32>
    %jit3A_306 = arith.constant 0 : i32
    %broadcast_in_dim3A_307 = vector.broadcast %jit3A_306 : i32 to vector<16xi32>
    %select_n3A_308 = arith.select %eq3A_305, %get3A_5, %broadcast_in_dim3A_307 : vector<16xi1>, vector<16xi32>
    %reduce_sum3A_309 = arith.constant true
    %reduce_sum3A_310 = vector.broadcast %reduce_sum3A_309 : i1 to vector<16xi1>
    %reduce_sum3A_311 = tpu.scan <sum>, %select_n3A_308 masked %reduce_sum3A_310 : vector<16xi32>, vector<16xi1> -> vector<16xi32>
    %reduce_sum3A_312 = vector.extract %reduce_sum3A_311[15] : i32 from vector<16xi32>
    %eq3A_313 = arith.constant 6 : i32
    %eq3A_314 = vector.broadcast %eq3A_313 : i32 to vector<16xi32>
    %eq3A_315 = arith.cmpi eq, %iota3A, %eq3A_314 : vector<16xi32>
    %jit3A_316 = arith.constant 0 : i32
    %broadcast_in_dim3A_317 = vector.broadcast %jit3A_316 : i32 to vector<16xi32>
    %select_n3A_318 = arith.select %eq3A_315, %get3A_7, %broadcast_in_dim3A_317 : vector<16xi1>, vector<16xi32>
    %reduce_sum3A_319 = arith.constant true
    %reduce_sum3A_320 = vector.broadcast %reduce_sum3A_319 : i1 to vector<16xi1>
    %reduce_sum3A_321 = tpu.scan <sum>, %select_n3A_318 masked %reduce_sum3A_320 : vector<16xi32>, vector<16xi1> -> vector<16xi32>
    %reduce_sum3A_322 = vector.extract %reduce_sum3A_321[15] : i32 from vector<16xi32>
    %dma_start3A_323 = arith.constant 6 : i32
    %dma_start3A_324 = arith.constant 0 : i32
    %dma_start3A_325 = tpu.memref_slice %arg12[%dma_start3A_323, %dma_start3A_324] : memref<16x32xf32, #tpu.memory_space<vmem>> -> memref<1x32xf32, #tpu.memory_space<vmem>>
    %dma_start3A_326 = arith.constant 0 : i32
    %dma_start3A_327 = tpu.memref_slice %arg4[%reduce_sum3A_312, %dma_start3A_326] : memref<1000000x32xf32, #tpu.memory_space<hbm>> -> memref<1x32xf32, #tpu.memory_space<hbm>>
    %dma_start3A_328 = arith.constant 6 : i32
    %dma_start3A_329 = arith.constant 0 : i32
    %dma_start3A_330 = tpu.memref_slice %arg12[%dma_start3A_328, %dma_start3A_329] : memref<16x32xf32, #tpu.memory_space<vmem>> -> memref<1x32xf32, #tpu.memory_space<vmem>>
    %dma_start3A_331 = arith.constant 0 : i32
    %dma_start3A_332 = tpu.memref_slice %arg4[%reduce_sum3A_312, %dma_start3A_331] : memref<1000000x32xf32, #tpu.memory_space<hbm>> -> memref<1x32xf32, #tpu.memory_space<hbm>>
    tpu.enqueue_dma source(%dma_start3A_332 : memref<1x32xf32, #tpu.memory_space<hbm>>) target(%dma_start3A_330 : memref<1x32xf32, #tpu.memory_space<vmem>>) target_semaphore(%arg21 : memref<!tpu.dma_semaphore, #tpu.memory_space<semaphore_mem>>)
    %dma_start3A_333 = arith.constant 6 : i32
    %dma_start3A_334 = arith.constant 0 : i32
    %dma_start3A_335 = tpu.memref_slice %arg13[%dma_start3A_333, %dma_start3A_334] : memref<16x32xf32, #tpu.memory_space<vmem>> -> memref<1x32xf32, #tpu.memory_space<vmem>>
    %dma_start3A_336 = arith.constant 0 : i32
    %dma_start3A_337 = tpu.memref_slice %arg5[%reduce_sum3A_322, %dma_start3A_336] : memref<1000000x32xf32, #tpu.memory_space<hbm>> -> memref<1x32xf32, #tpu.memory_space<hbm>>
    %dma_start3A_338 = arith.constant 6 : i32
    %dma_start3A_339 = arith.constant 0 : i32
    %dma_start3A_340 = tpu.memref_slice %arg13[%dma_start3A_338, %dma_start3A_339] : memref<16x32xf32, #tpu.memory_space<vmem>> -> memref<1x32xf32, #tpu.memory_space<vmem>>
    %dma_start3A_341 = arith.constant 0 : i32
    %dma_start3A_342 = tpu.memref_slice %arg5[%reduce_sum3A_322, %dma_start3A_341] : memref<1000000x32xf32, #tpu.memory_space<hbm>> -> memref<1x32xf32, #tpu.memory_space<hbm>>
    tpu.enqueue_dma source(%dma_start3A_342 : memref<1x32xf32, #tpu.memory_space<hbm>>) target(%dma_start3A_340 : memref<1x32xf32, #tpu.memory_space<vmem>>) target_semaphore(%arg21 : memref<!tpu.dma_semaphore, #tpu.memory_space<semaphore_mem>>)
    %dma_start3A_343 = arith.constant 6 : i32
    %dma_start3A_344 = arith.constant 0 : i32
    %dma_start3A_345 = tpu.memref_slice %arg14[%dma_start3A_343, %dma_start3A_344] : memref<16x1xf32, #tpu.memory_space<vmem>> -> memref<1x1xf32, #tpu.memory_space<vmem>>
    %dma_start3A_346 = arith.constant 0 : i32
    %dma_start3A_347 = tpu.memref_slice %arg6[%reduce_sum3A_322, %dma_start3A_346] : memref<1000000x1xf32, #tpu.memory_space<hbm>> -> memref<1x1xf32, #tpu.memory_space<hbm>>
    %dma_start3A_348 = arith.constant 6 : i32
    %dma_start3A_349 = arith.constant 0 : i32
    %dma_start3A_350 = tpu.memref_slice %arg14[%dma_start3A_348, %dma_start3A_349] : memref<16x1xf32, #tpu.memory_space<vmem>> -> memref<1x1xf32, #tpu.memory_space<vmem>>
    %dma_start3A_351 = arith.constant 0 : i32
    %dma_start3A_352 = tpu.memref_slice %arg6[%reduce_sum3A_322, %dma_start3A_351] : memref<1000000x1xf32, #tpu.memory_space<hbm>> -> memref<1x1xf32, #tpu.memory_space<hbm>>
    tpu.enqueue_dma source(%dma_start3A_352 : memref<1x1xf32, #tpu.memory_space<hbm>>) target(%dma_start3A_350 : memref<1x1xf32, #tpu.memory_space<vmem>>) target_semaphore(%arg21 : memref<!tpu.dma_semaphore, #tpu.memory_space<semaphore_mem>>)
    %eq3A_353 = arith.constant 7 : i32
    %eq3A_354 = vector.broadcast %eq3A_353 : i32 to vector<16xi32>
    %eq3A_355 = arith.cmpi eq, %iota3A, %eq3A_354 : vector<16xi32>
    %jit3A_356 = arith.constant 0 : i32
    %broadcast_in_dim3A_357 = vector.broadcast %jit3A_356 : i32 to vector<16xi32>
    %select_n3A_358 = arith.select %eq3A_355, %get3A_5, %broadcast_in_dim3A_357 : vector<16xi1>, vector<16xi32>
    %reduce_sum3A_359 = arith.constant true
    %reduce_sum3A_360 = vector.broadcast %reduce_sum3A_359 : i1 to vector<16xi1>
    %reduce_sum3A_361 = tpu.scan <sum>, %select_n3A_358 masked %reduce_sum3A_360 : vector<16xi32>, vector<16xi1> -> vector<16xi32>
    %reduce_sum3A_362 = vector.extract %reduce_sum3A_361[15] : i32 from vector<16xi32>
    %eq3A_363 = arith.constant 7 : i32
    %eq3A_364 = vector.broadcast %eq3A_363 : i32 to vector<16xi32>
    %eq3A_365 = arith.cmpi eq, %iota3A, %eq3A_364 : vector<16xi32>
    %jit3A_366 = arith.constant 0 : i32
    %broadcast_in_dim3A_367 = vector.broadcast %jit3A_366 : i32 to vector<16xi32>
    %select_n3A_368 = arith.select %eq3A_365, %get3A_7, %broadcast_in_dim3A_367 : vector<16xi1>, vector<16xi32>
    %reduce_sum3A_369 = arith.constant true
    %reduce_sum3A_370 = vector.broadcast %reduce_sum3A_369 : i1 to vector<16xi1>
    %reduce_sum3A_371 = tpu.scan <sum>, %select_n3A_368 masked %reduce_sum3A_370 : vector<16xi32>, vector<16xi1> -> vector<16xi32>
    %reduce_sum3A_372 = vector.extract %reduce_sum3A_371[15] : i32 from vector<16xi32>
    %dma_start3A_373 = arith.constant 7 : i32
    %dma_start3A_374 = arith.constant 0 : i32
    %dma_start3A_375 = tpu.memref_slice %arg12[%dma_start3A_373, %dma_start3A_374] : memref<16x32xf32, #tpu.memory_space<vmem>> -> memref<1x32xf32, #tpu.memory_space<vmem>>
    %dma_start3A_376 = arith.constant 0 : i32
    %dma_start3A_377 = tpu.memref_slice %arg4[%reduce_sum3A_362, %dma_start3A_376] : memref<1000000x32xf32, #tpu.memory_space<hbm>> -> memref<1x32xf32, #tpu.memory_space<hbm>>
    %dma_start3A_378 = arith.constant 7 : i32
    %dma_start3A_379 = arith.constant 0 : i32
    %dma_start3A_380 = tpu.memref_slice %arg12[%dma_start3A_378, %dma_start3A_379] : memref<16x32xf32, #tpu.memory_space<vmem>> -> memref<1x32xf32, #tpu.memory_space<vmem>>
    %dma_start3A_381 = arith.constant 0 : i32
    %dma_start3A_382 = tpu.memref_slice %arg4[%reduce_sum3A_362, %dma_start3A_381] : memref<1000000x32xf32, #tpu.memory_space<hbm>> -> memref<1x32xf32, #tpu.memory_space<hbm>>
    tpu.enqueue_dma source(%dma_start3A_382 : memref<1x32xf32, #tpu.memory_space<hbm>>) target(%dma_start3A_380 : memref<1x32xf32, #tpu.memory_space<vmem>>) target_semaphore(%arg21 : memref<!tpu.dma_semaphore, #tpu.memory_space<semaphore_mem>>)
    %dma_start3A_383 = arith.constant 7 : i32
    %dma_start3A_384 = arith.constant 0 : i32
    %dma_start3A_385 = tpu.memref_slice %arg13[%dma_start3A_383, %dma_start3A_384] : memref<16x32xf32, #tpu.memory_space<vmem>> -> memref<1x32xf32, #tpu.memory_space<vmem>>
    %dma_start3A_386 = arith.constant 0 : i32
    %dma_start3A_387 = tpu.memref_slice %arg5[%reduce_sum3A_372, %dma_start3A_386] : memref<1000000x32xf32, #tpu.memory_space<hbm>> -> memref<1x32xf32, #tpu.memory_space<hbm>>
    %dma_start3A_388 = arith.constant 7 : i32
    %dma_start3A_389 = arith.constant 0 : i32
    %dma_start3A_390 = tpu.memref_slice %arg13[%dma_start3A_388, %dma_start3A_389] : memref<16x32xf32, #tpu.memory_space<vmem>> -> memref<1x32xf32, #tpu.memory_space<vmem>>
    %dma_start3A_391 = arith.constant 0 : i32
    %dma_start3A_392 = tpu.memref_slice %arg5[%reduce_sum3A_372, %dma_start3A_391] : memref<1000000x32xf32, #tpu.memory_space<hbm>> -> memref<1x32xf32, #tpu.memory_space<hbm>>
    tpu.enqueue_dma source(%dma_start3A_392 : memref<1x32xf32, #tpu.memory_space<hbm>>) target(%dma_start3A_390 : memref<1x32xf32, #tpu.memory_space<vmem>>) target_semaphore(%arg21 : memref<!tpu.dma_semaphore, #tpu.memory_space<semaphore_mem>>)
    %dma_start3A_393 = arith.constant 7 : i32
    %dma_start3A_394 = arith.constant 0 : i32
    %dma_start3A_395 = tpu.memref_slice %arg14[%dma_start3A_393, %dma_start3A_394] : memref<16x1xf32, #tpu.memory_space<vmem>> -> memref<1x1xf32, #tpu.memory_space<vmem>>
    %dma_start3A_396 = arith.constant 0 : i32
    %dma_start3A_397 = tpu.memref_slice %arg6[%reduce_sum3A_372, %dma_start3A_396] : memref<1000000x1xf32, #tpu.memory_space<hbm>> -> memref<1x1xf32, #tpu.memory_space<hbm>>
    %dma_start3A_398 = arith.constant 7 : i32
    %dma_start3A_399 = arith.constant 0 : i32
    %dma_start3A_400 = tpu.memref_slice %arg14[%dma_start3A_398, %dma_start3A_399] : memref<16x1xf32, #tpu.memory_space<vmem>> -> memref<1x1xf32, #tpu.memory_space<vmem>>
    %dma_start3A_401 = arith.constant 0 : i32
    %dma_start3A_402 = tpu.memref_slice %arg6[%reduce_sum3A_372, %dma_start3A_401] : memref<1000000x1xf32, #tpu.memory_space<hbm>> -> memref<1x1xf32, #tpu.memory_space<hbm>>
    tpu.enqueue_dma source(%dma_start3A_402 : memref<1x1xf32, #tpu.memory_space<hbm>>) target(%dma_start3A_400 : memref<1x1xf32, #tpu.memory_space<vmem>>) target_semaphore(%arg21 : memref<!tpu.dma_semaphore, #tpu.memory_space<semaphore_mem>>)
    %eq3A_403 = arith.constant 8 : i32
    %eq3A_404 = vector.broadcast %eq3A_403 : i32 to vector<16xi32>
    %eq3A_405 = arith.cmpi eq, %iota3A, %eq3A_404 : vector<16xi32>
    %jit3A_406 = arith.constant 0 : i32
    %broadcast_in_dim3A_407 = vector.broadcast %jit3A_406 : i32 to vector<16xi32>
    %select_n3A_408 = arith.select %eq3A_405, %get3A_5, %broadcast_in_dim3A_407 : vector<16xi1>, vector<16xi32>
    %reduce_sum3A_409 = arith.constant true
    %reduce_sum3A_410 = vector.broadcast %reduce_sum3A_409 : i1 to vector<16xi1>
    %reduce_sum3A_411 = tpu.scan <sum>, %select_n3A_408 masked %reduce_sum3A_410 : vector<16xi32>, vector<16xi1> -> vector<16xi32>
    %reduce_sum3A_412 = vector.extract %reduce_sum3A_411[15] : i32 from vector<16xi32>
    %eq3A_413 = arith.constant 8 : i32
    %eq3A_414 = vector.broadcast %eq3A_413 : i32 to vector<16xi32>
    %eq3A_415 = arith.cmpi eq, %iota3A, %eq3A_414 : vector<16xi32>
    %jit3A_416 = arith.constant 0 : i32
    %broadcast_in_dim3A_417 = vector.broadcast %jit3A_416 : i32 to vector<16xi32>
    %select_n3A_418 = arith.select %eq3A_415, %get3A_7, %broadcast_in_dim3A_417 : vector<16xi1>, vector<16xi32>
    %reduce_sum3A_419 = arith.constant true
    %reduce_sum3A_420 = vector.broadcast %reduce_sum3A_419 : i1 to vector<16xi1>
    %reduce_sum3A_421 = tpu.scan <sum>, %select_n3A_418 masked %reduce_sum3A_420 : vector<16xi32>, vector<16xi1> -> vector<16xi32>
    %reduce_sum3A_422 = vector.extract %reduce_sum3A_421[15] : i32 from vector<16xi32>
    %dma_start3A_423 = arith.constant 8 : i32
    %dma_start3A_424 = arith.constant 0 : i32
    %dma_start3A_425 = tpu.memref_slice %arg12[%dma_start3A_423, %dma_start3A_424] : memref<16x32xf32, #tpu.memory_space<vmem>> -> memref<1x32xf32, #tpu.memory_space<vmem>>
    %dma_start3A_426 = arith.constant 0 : i32
    %dma_start3A_427 = tpu.memref_slice %arg4[%reduce_sum3A_412, %dma_start3A_426] : memref<1000000x32xf32, #tpu.memory_space<hbm>> -> memref<1x32xf32, #tpu.memory_space<hbm>>
    %dma_start3A_428 = arith.constant 8 : i32
    %dma_start3A_429 = arith.constant 0 : i32
    %dma_start3A_430 = tpu.memref_slice %arg12[%dma_start3A_428, %dma_start3A_429] : memref<16x32xf32, #tpu.memory_space<vmem>> -> memref<1x32xf32, #tpu.memory_space<vmem>>
    %dma_start3A_431 = arith.constant 0 : i32
    %dma_start3A_432 = tpu.memref_slice %arg4[%reduce_sum3A_412, %dma_start3A_431] : memref<1000000x32xf32, #tpu.memory_space<hbm>> -> memref<1x32xf32, #tpu.memory_space<hbm>>
    tpu.enqueue_dma source(%dma_start3A_432 : memref<1x32xf32, #tpu.memory_space<hbm>>) target(%dma_start3A_430 : memref<1x32xf32, #tpu.memory_space<vmem>>) target_semaphore(%arg21 : memref<!tpu.dma_semaphore, #tpu.memory_space<semaphore_mem>>)
    %dma_start3A_433 = arith.constant 8 : i32
    %dma_start3A_434 = arith.constant 0 : i32
    %dma_start3A_435 = tpu.memref_slice %arg13[%dma_start3A_433, %dma_start3A_434] : memref<16x32xf32, #tpu.memory_space<vmem>> -> memref<1x32xf32, #tpu.memory_space<vmem>>
    %dma_start3A_436 = arith.constant 0 : i32
    %dma_start3A_437 = tpu.memref_slice %arg5[%reduce_sum3A_422, %dma_start3A_436] : memref<1000000x32xf32, #tpu.memory_space<hbm>> -> memref<1x32xf32, #tpu.memory_space<hbm>>
    %dma_start3A_438 = arith.constant 8 : i32
    %dma_start3A_439 = arith.constant 0 : i32
    %dma_start3A_440 = tpu.memref_slice %arg13[%dma_start3A_438, %dma_start3A_439] : memref<16x32xf32, #tpu.memory_space<vmem>> -> memref<1x32xf32, #tpu.memory_space<vmem>>
    %dma_start3A_441 = arith.constant 0 : i32
    %dma_start3A_442 = tpu.memref_slice %arg5[%reduce_sum3A_422, %dma_start3A_441] : memref<1000000x32xf32, #tpu.memory_space<hbm>> -> memref<1x32xf32, #tpu.memory_space<hbm>>
    tpu.enqueue_dma source(%dma_start3A_442 : memref<1x32xf32, #tpu.memory_space<hbm>>) target(%dma_start3A_440 : memref<1x32xf32, #tpu.memory_space<vmem>>) target_semaphore(%arg21 : memref<!tpu.dma_semaphore, #tpu.memory_space<semaphore_mem>>)
    %dma_start3A_443 = arith.constant 8 : i32
    %dma_start3A_444 = arith.constant 0 : i32
    %dma_start3A_445 = tpu.memref_slice %arg14[%dma_start3A_443, %dma_start3A_444] : memref<16x1xf32, #tpu.memory_space<vmem>> -> memref<1x1xf32, #tpu.memory_space<vmem>>
    %dma_start3A_446 = arith.constant 0 : i32
    %dma_start3A_447 = tpu.memref_slice %arg6[%reduce_sum3A_422, %dma_start3A_446] : memref<1000000x1xf32, #tpu.memory_space<hbm>> -> memref<1x1xf32, #tpu.memory_space<hbm>>
    %dma_start3A_448 = arith.constant 8 : i32
    %dma_start3A_449 = arith.constant 0 : i32
    %dma_start3A_450 = tpu.memref_slice %arg14[%dma_start3A_448, %dma_start3A_449] : memref<16x1xf32, #tpu.memory_space<vmem>> -> memref<1x1xf32, #tpu.memory_space<vmem>>
    %dma_start3A_451 = arith.constant 0 : i32
    %dma_start3A_452 = tpu.memref_slice %arg6[%reduce_sum3A_422, %dma_start3A_451] : memref<1000000x1xf32, #tpu.memory_space<hbm>> -> memref<1x1xf32, #tpu.memory_space<hbm>>
    tpu.enqueue_dma source(%dma_start3A_452 : memref<1x1xf32, #tpu.memory_space<hbm>>) target(%dma_start3A_450 : memref<1x1xf32, #tpu.memory_space<vmem>>) target_semaphore(%arg21 : memref<!tpu.dma_semaphore, #tpu.memory_space<semaphore_mem>>)
    %eq3A_453 = arith.constant 9 : i32
    %eq3A_454 = vector.broadcast %eq3A_453 : i32 to vector<16xi32>
    %eq3A_455 = arith.cmpi eq, %iota3A, %eq3A_454 : vector<16xi32>
    %jit3A_456 = arith.constant 0 : i32
    %broadcast_in_dim3A_457 = vector.broadcast %jit3A_456 : i32 to vector<16xi32>
    %select_n3A_458 = arith.select %eq3A_455, %get3A_5, %broadcast_in_dim3A_457 : vector<16xi1>, vector<16xi32>
    %reduce_sum3A_459 = arith.constant true
    %reduce_sum3A_460 = vector.broadcast %reduce_sum3A_459 : i1 to vector<16xi1>
    %reduce_sum3A_461 = tpu.scan <sum>, %select_n3A_458 masked %reduce_sum3A_460 : vector<16xi32>, vector<16xi1> -> vector<16xi32>
    %reduce_sum3A_462 = vector.extract %reduce_sum3A_461[15] : i32 from vector<16xi32>
    %eq3A_463 = arith.constant 9 : i32
    %eq3A_464 = vector.broadcast %eq3A_463 : i32 to vector<16xi32>
    %eq3A_465 = arith.cmpi eq, %iota3A, %eq3A_464 : vector<16xi32>
    %jit3A_466 = arith.constant 0 : i32
    %broadcast_in_dim3A_467 = vector.broadcast %jit3A_466 : i32 to vector<16xi32>
    %select_n3A_468 = arith.select %eq3A_465, %get3A_7, %broadcast_in_dim3A_467 : vector<16xi1>, vector<16xi32>
    %reduce_sum3A_469 = arith.constant true
    %reduce_sum3A_470 = vector.broadcast %reduce_sum3A_469 : i1 to vector<16xi1>
    %reduce_sum3A_471 = tpu.scan <sum>, %select_n3A_468 masked %reduce_sum3A_470 : vector<16xi32>, vector<16xi1> -> vector<16xi32>
    %reduce_sum3A_472 = vector.extract %reduce_sum3A_471[15] : i32 from vector<16xi32>
    %dma_start3A_473 = arith.constant 9 : i32
    %dma_start3A_474 = arith.constant 0 : i32
    %dma_start3A_475 = tpu.memref_slice %arg12[%dma_start3A_473, %dma_start3A_474] : memref<16x32xf32, #tpu.memory_space<vmem>> -> memref<1x32xf32, #tpu.memory_space<vmem>>
    %dma_start3A_476 = arith.constant 0 : i32
    %dma_start3A_477 = tpu.memref_slice %arg4[%reduce_sum3A_462, %dma_start3A_476] : memref<1000000x32xf32, #tpu.memory_space<hbm>> -> memref<1x32xf32, #tpu.memory_space<hbm>>
    %dma_start3A_478 = arith.constant 9 : i32
    %dma_start3A_479 = arith.constant 0 : i32
    %dma_start3A_480 = tpu.memref_slice %arg12[%dma_start3A_478, %dma_start3A_479] : memref<16x32xf32, #tpu.memory_space<vmem>> -> memref<1x32xf32, #tpu.memory_space<vmem>>
    %dma_start3A_481 = arith.constant 0 : i32
    %dma_start3A_482 = tpu.memref_slice %arg4[%reduce_sum3A_462, %dma_start3A_481] : memref<1000000x32xf32, #tpu.memory_space<hbm>> -> memref<1x32xf32, #tpu.memory_space<hbm>>
    tpu.enqueue_dma source(%dma_start3A_482 : memref<1x32xf32, #tpu.memory_space<hbm>>) target(%dma_start3A_480 : memref<1x32xf32, #tpu.memory_space<vmem>>) target_semaphore(%arg21 : memref<!tpu.dma_semaphore, #tpu.memory_space<semaphore_mem>>)
    %dma_start3A_483 = arith.constant 9 : i32
    %dma_start3A_484 = arith.constant 0 : i32
    %dma_start3A_485 = tpu.memref_slice %arg13[%dma_start3A_483, %dma_start3A_484] : memref<16x32xf32, #tpu.memory_space<vmem>> -> memref<1x32xf32, #tpu.memory_space<vmem>>
    %dma_start3A_486 = arith.constant 0 : i32
    %dma_start3A_487 = tpu.memref_slice %arg5[%reduce_sum3A_472, %dma_start3A_486] : memref<1000000x32xf32, #tpu.memory_space<hbm>> -> memref<1x32xf32, #tpu.memory_space<hbm>>
    %dma_start3A_488 = arith.constant 9 : i32
    %dma_start3A_489 = arith.constant 0 : i32
    %dma_start3A_490 = tpu.memref_slice %arg13[%dma_start3A_488, %dma_start3A_489] : memref<16x32xf32, #tpu.memory_space<vmem>> -> memref<1x32xf32, #tpu.memory_space<vmem>>
    %dma_start3A_491 = arith.constant 0 : i32
    %dma_start3A_492 = tpu.memref_slice %arg5[%reduce_sum3A_472, %dma_start3A_491] : memref<1000000x32xf32, #tpu.memory_space<hbm>> -> memref<1x32xf32, #tpu.memory_space<hbm>>
    tpu.enqueue_dma source(%dma_start3A_492 : memref<1x32xf32, #tpu.memory_space<hbm>>) target(%dma_start3A_490 : memref<1x32xf32, #tpu.memory_space<vmem>>) target_semaphore(%arg21 : memref<!tpu.dma_semaphore, #tpu.memory_space<semaphore_mem>>)
    %dma_start3A_493 = arith.constant 9 : i32
    %dma_start3A_494 = arith.constant 0 : i32
    %dma_start3A_495 = tpu.memref_slice %arg14[%dma_start3A_493, %dma_start3A_494] : memref<16x1xf32, #tpu.memory_space<vmem>> -> memref<1x1xf32, #tpu.memory_space<vmem>>
    %dma_start3A_496 = arith.constant 0 : i32
    %dma_start3A_497 = tpu.memref_slice %arg6[%reduce_sum3A_472, %dma_start3A_496] : memref<1000000x1xf32, #tpu.memory_space<hbm>> -> memref<1x1xf32, #tpu.memory_space<hbm>>
    %dma_start3A_498 = arith.constant 9 : i32
    %dma_start3A_499 = arith.constant 0 : i32
    %dma_start3A_500 = tpu.memref_slice %arg14[%dma_start3A_498, %dma_start3A_499] : memref<16x1xf32, #tpu.memory_space<vmem>> -> memref<1x1xf32, #tpu.memory_space<vmem>>
    %dma_start3A_501 = arith.constant 0 : i32
    %dma_start3A_502 = tpu.memref_slice %arg6[%reduce_sum3A_472, %dma_start3A_501] : memref<1000000x1xf32, #tpu.memory_space<hbm>> -> memref<1x1xf32, #tpu.memory_space<hbm>>
    tpu.enqueue_dma source(%dma_start3A_502 : memref<1x1xf32, #tpu.memory_space<hbm>>) target(%dma_start3A_500 : memref<1x1xf32, #tpu.memory_space<vmem>>) target_semaphore(%arg21 : memref<!tpu.dma_semaphore, #tpu.memory_space<semaphore_mem>>)
    %eq3A_503 = arith.constant 10 : i32
    %eq3A_504 = vector.broadcast %eq3A_503 : i32 to vector<16xi32>
    %eq3A_505 = arith.cmpi eq, %iota3A, %eq3A_504 : vector<16xi32>
    %jit3A_506 = arith.constant 0 : i32
    %broadcast_in_dim3A_507 = vector.broadcast %jit3A_506 : i32 to vector<16xi32>
    %select_n3A_508 = arith.select %eq3A_505, %get3A_5, %broadcast_in_dim3A_507 : vector<16xi1>, vector<16xi32>
    %reduce_sum3A_509 = arith.constant true
    %reduce_sum3A_510 = vector.broadcast %reduce_sum3A_509 : i1 to vector<16xi1>
    %reduce_sum3A_511 = tpu.scan <sum>, %select_n3A_508 masked %reduce_sum3A_510 : vector<16xi32>, vector<16xi1> -> vector<16xi32>
    %reduce_sum3A_512 = vector.extract %reduce_sum3A_511[15] : i32 from vector<16xi32>
    %eq3A_513 = arith.constant 10 : i32
    %eq3A_514 = vector.broadcast %eq3A_513 : i32 to vector<16xi32>
    %eq3A_515 = arith.cmpi eq, %iota3A, %eq3A_514 : vector<16xi32>
    %jit3A_516 = arith.constant 0 : i32
    %broadcast_in_dim3A_517 = vector.broadcast %jit3A_516 : i32 to vector<16xi32>
    %select_n3A_518 = arith.select %eq3A_515, %get3A_7, %broadcast_in_dim3A_517 : vector<16xi1>, vector<16xi32>
    %reduce_sum3A_519 = arith.constant true
    %reduce_sum3A_520 = vector.broadcast %reduce_sum3A_519 : i1 to vector<16xi1>
    %reduce_sum3A_521 = tpu.scan <sum>, %select_n3A_518 masked %reduce_sum3A_520 : vector<16xi32>, vector<16xi1> -> vector<16xi32>
    %reduce_sum3A_522 = vector.extract %reduce_sum3A_521[15] : i32 from vector<16xi32>
    %dma_start3A_523 = arith.constant 10 : i32
    %dma_start3A_524 = arith.constant 0 : i32
    %dma_start3A_525 = tpu.memref_slice %arg12[%dma_start3A_523, %dma_start3A_524] : memref<16x32xf32, #tpu.memory_space<vmem>> -> memref<1x32xf32, #tpu.memory_space<vmem>>
    %dma_start3A_526 = arith.constant 0 : i32
    %dma_start3A_527 = tpu.memref_slice %arg4[%reduce_sum3A_512, %dma_start3A_526] : memref<1000000x32xf32, #tpu.memory_space<hbm>> -> memref<1x32xf32, #tpu.memory_space<hbm>>
    %dma_start3A_528 = arith.constant 10 : i32
    %dma_start3A_529 = arith.constant 0 : i32
    %dma_start3A_530 = tpu.memref_slice %arg12[%dma_start3A_528, %dma_start3A_529] : memref<16x32xf32, #tpu.memory_space<vmem>> -> memref<1x32xf32, #tpu.memory_space<vmem>>
    %dma_start3A_531 = arith.constant 0 : i32
    %dma_start3A_532 = tpu.memref_slice %arg4[%reduce_sum3A_512, %dma_start3A_531] : memref<1000000x32xf32, #tpu.memory_space<hbm>> -> memref<1x32xf32, #tpu.memory_space<hbm>>
    tpu.enqueue_dma source(%dma_start3A_532 : memref<1x32xf32, #tpu.memory_space<hbm>>) target(%dma_start3A_530 : memref<1x32xf32, #tpu.memory_space<vmem>>) target_semaphore(%arg21 : memref<!tpu.dma_semaphore, #tpu.memory_space<semaphore_mem>>)
    %dma_start3A_533 = arith.constant 10 : i32
    %dma_start3A_534 = arith.constant 0 : i32
    %dma_start3A_535 = tpu.memref_slice %arg13[%dma_start3A_533, %dma_start3A_534] : memref<16x32xf32, #tpu.memory_space<vmem>> -> memref<1x32xf32, #tpu.memory_space<vmem>>
    %dma_start3A_536 = arith.constant 0 : i32
    %dma_start3A_537 = tpu.memref_slice %arg5[%reduce_sum3A_522, %dma_start3A_536] : memref<1000000x32xf32, #tpu.memory_space<hbm>> -> memref<1x32xf32, #tpu.memory_space<hbm>>
    %dma_start3A_538 = arith.constant 10 : i32
    %dma_start3A_539 = arith.constant 0 : i32
    %dma_start3A_540 = tpu.memref_slice %arg13[%dma_start3A_538, %dma_start3A_539] : memref<16x32xf32, #tpu.memory_space<vmem>> -> memref<1x32xf32, #tpu.memory_space<vmem>>
    %dma_start3A_541 = arith.constant 0 : i32
    %dma_start3A_542 = tpu.memref_slice %arg5[%reduce_sum3A_522, %dma_start3A_541] : memref<1000000x32xf32, #tpu.memory_space<hbm>> -> memref<1x32xf32, #tpu.memory_space<hbm>>
    tpu.enqueue_dma source(%dma_start3A_542 : memref<1x32xf32, #tpu.memory_space<hbm>>) target(%dma_start3A_540 : memref<1x32xf32, #tpu.memory_space<vmem>>) target_semaphore(%arg21 : memref<!tpu.dma_semaphore, #tpu.memory_space<semaphore_mem>>)
    %dma_start3A_543 = arith.constant 10 : i32
    %dma_start3A_544 = arith.constant 0 : i32
    %dma_start3A_545 = tpu.memref_slice %arg14[%dma_start3A_543, %dma_start3A_544] : memref<16x1xf32, #tpu.memory_space<vmem>> -> memref<1x1xf32, #tpu.memory_space<vmem>>
    %dma_start3A_546 = arith.constant 0 : i32
    %dma_start3A_547 = tpu.memref_slice %arg6[%reduce_sum3A_522, %dma_start3A_546] : memref<1000000x1xf32, #tpu.memory_space<hbm>> -> memref<1x1xf32, #tpu.memory_space<hbm>>
    %dma_start3A_548 = arith.constant 10 : i32
    %dma_start3A_549 = arith.constant 0 : i32
    %dma_start3A_550 = tpu.memref_slice %arg14[%dma_start3A_548, %dma_start3A_549] : memref<16x1xf32, #tpu.memory_space<vmem>> -> memref<1x1xf32, #tpu.memory_space<vmem>>
    %dma_start3A_551 = arith.constant 0 : i32
    %dma_start3A_552 = tpu.memref_slice %arg6[%reduce_sum3A_522, %dma_start3A_551] : memref<1000000x1xf32, #tpu.memory_space<hbm>> -> memref<1x1xf32, #tpu.memory_space<hbm>>
    tpu.enqueue_dma source(%dma_start3A_552 : memref<1x1xf32, #tpu.memory_space<hbm>>) target(%dma_start3A_550 : memref<1x1xf32, #tpu.memory_space<vmem>>) target_semaphore(%arg21 : memref<!tpu.dma_semaphore, #tpu.memory_space<semaphore_mem>>)
    %eq3A_553 = arith.constant 11 : i32
    %eq3A_554 = vector.broadcast %eq3A_553 : i32 to vector<16xi32>
    %eq3A_555 = arith.cmpi eq, %iota3A, %eq3A_554 : vector<16xi32>
    %jit3A_556 = arith.constant 0 : i32
    %broadcast_in_dim3A_557 = vector.broadcast %jit3A_556 : i32 to vector<16xi32>
    %select_n3A_558 = arith.select %eq3A_555, %get3A_5, %broadcast_in_dim3A_557 : vector<16xi1>, vector<16xi32>
    %reduce_sum3A_559 = arith.constant true
    %reduce_sum3A_560 = vector.broadcast %reduce_sum3A_559 : i1 to vector<16xi1>
    %reduce_sum3A_561 = tpu.scan <sum>, %select_n3A_558 masked %reduce_sum3A_560 : vector<16xi32>, vector<16xi1> -> vector<16xi32>
    %reduce_sum3A_562 = vector.extract %reduce_sum3A_561[15] : i32 from vector<16xi32>
    %eq3A_563 = arith.constant 11 : i32
    %eq3A_564 = vector.broadcast %eq3A_563 : i32 to vector<16xi32>
    %eq3A_565 = arith.cmpi eq, %iota3A, %eq3A_564 : vector<16xi32>
    %jit3A_566 = arith.constant 0 : i32
    %broadcast_in_dim3A_567 = vector.broadcast %jit3A_566 : i32 to vector<16xi32>
    %select_n3A_568 = arith.select %eq3A_565, %get3A_7, %broadcast_in_dim3A_567 : vector<16xi1>, vector<16xi32>
    %reduce_sum3A_569 = arith.constant true
    %reduce_sum3A_570 = vector.broadcast %reduce_sum3A_569 : i1 to vector<16xi1>
    %reduce_sum3A_571 = tpu.scan <sum>, %select_n3A_568 masked %reduce_sum3A_570 : vector<16xi32>, vector<16xi1> -> vector<16xi32>
    %reduce_sum3A_572 = vector.extract %reduce_sum3A_571[15] : i32 from vector<16xi32>
    %dma_start3A_573 = arith.constant 11 : i32
    %dma_start3A_574 = arith.constant 0 : i32
    %dma_start3A_575 = tpu.memref_slice %arg12[%dma_start3A_573, %dma_start3A_574] : memref<16x32xf32, #tpu.memory_space<vmem>> -> memref<1x32xf32, #tpu.memory_space<vmem>>
    %dma_start3A_576 = arith.constant 0 : i32
    %dma_start3A_577 = tpu.memref_slice %arg4[%reduce_sum3A_562, %dma_start3A_576] : memref<1000000x32xf32, #tpu.memory_space<hbm>> -> memref<1x32xf32, #tpu.memory_space<hbm>>
    %dma_start3A_578 = arith.constant 11 : i32
    %dma_start3A_579 = arith.constant 0 : i32
    %dma_start3A_580 = tpu.memref_slice %arg12[%dma_start3A_578, %dma_start3A_579] : memref<16x32xf32, #tpu.memory_space<vmem>> -> memref<1x32xf32, #tpu.memory_space<vmem>>
    %dma_start3A_581 = arith.constant 0 : i32
    %dma_start3A_582 = tpu.memref_slice %arg4[%reduce_sum3A_562, %dma_start3A_581] : memref<1000000x32xf32, #tpu.memory_space<hbm>> -> memref<1x32xf32, #tpu.memory_space<hbm>>
    tpu.enqueue_dma source(%dma_start3A_582 : memref<1x32xf32, #tpu.memory_space<hbm>>) target(%dma_start3A_580 : memref<1x32xf32, #tpu.memory_space<vmem>>) target_semaphore(%arg21 : memref<!tpu.dma_semaphore, #tpu.memory_space<semaphore_mem>>)
    %dma_start3A_583 = arith.constant 11 : i32
    %dma_start3A_584 = arith.constant 0 : i32
    %dma_start3A_585 = tpu.memref_slice %arg13[%dma_start3A_583, %dma_start3A_584] : memref<16x32xf32, #tpu.memory_space<vmem>> -> memref<1x32xf32, #tpu.memory_space<vmem>>
    %dma_start3A_586 = arith.constant 0 : i32
    %dma_start3A_587 = tpu.memref_slice %arg5[%reduce_sum3A_572, %dma_start3A_586] : memref<1000000x32xf32, #tpu.memory_space<hbm>> -> memref<1x32xf32, #tpu.memory_space<hbm>>
    %dma_start3A_588 = arith.constant 11 : i32
    %dma_start3A_589 = arith.constant 0 : i32
    %dma_start3A_590 = tpu.memref_slice %arg13[%dma_start3A_588, %dma_start3A_589] : memref<16x32xf32, #tpu.memory_space<vmem>> -> memref<1x32xf32, #tpu.memory_space<vmem>>
    %dma_start3A_591 = arith.constant 0 : i32
    %dma_start3A_592 = tpu.memref_slice %arg5[%reduce_sum3A_572, %dma_start3A_591] : memref<1000000x32xf32, #tpu.memory_space<hbm>> -> memref<1x32xf32, #tpu.memory_space<hbm>>
    tpu.enqueue_dma source(%dma_start3A_592 : memref<1x32xf32, #tpu.memory_space<hbm>>) target(%dma_start3A_590 : memref<1x32xf32, #tpu.memory_space<vmem>>) target_semaphore(%arg21 : memref<!tpu.dma_semaphore, #tpu.memory_space<semaphore_mem>>)
    %dma_start3A_593 = arith.constant 11 : i32
    %dma_start3A_594 = arith.constant 0 : i32
    %dma_start3A_595 = tpu.memref_slice %arg14[%dma_start3A_593, %dma_start3A_594] : memref<16x1xf32, #tpu.memory_space<vmem>> -> memref<1x1xf32, #tpu.memory_space<vmem>>
    %dma_start3A_596 = arith.constant 0 : i32
    %dma_start3A_597 = tpu.memref_slice %arg6[%reduce_sum3A_572, %dma_start3A_596] : memref<1000000x1xf32, #tpu.memory_space<hbm>> -> memref<1x1xf32, #tpu.memory_space<hbm>>
    %dma_start3A_598 = arith.constant 11 : i32
    %dma_start3A_599 = arith.constant 0 : i32
    %dma_start3A_600 = tpu.memref_slice %arg14[%dma_start3A_598, %dma_start3A_599] : memref<16x1xf32, #tpu.memory_space<vmem>> -> memref<1x1xf32, #tpu.memory_space<vmem>>
    %dma_start3A_601 = arith.constant 0 : i32
    %dma_start3A_602 = tpu.memref_slice %arg6[%reduce_sum3A_572, %dma_start3A_601] : memref<1000000x1xf32, #tpu.memory_space<hbm>> -> memref<1x1xf32, #tpu.memory_space<hbm>>
    tpu.enqueue_dma source(%dma_start3A_602 : memref<1x1xf32, #tpu.memory_space<hbm>>) target(%dma_start3A_600 : memref<1x1xf32, #tpu.memory_space<vmem>>) target_semaphore(%arg21 : memref<!tpu.dma_semaphore, #tpu.memory_space<semaphore_mem>>)
    %eq3A_603 = arith.constant 12 : i32
    %eq3A_604 = vector.broadcast %eq3A_603 : i32 to vector<16xi32>
    %eq3A_605 = arith.cmpi eq, %iota3A, %eq3A_604 : vector<16xi32>
    %jit3A_606 = arith.constant 0 : i32
    %broadcast_in_dim3A_607 = vector.broadcast %jit3A_606 : i32 to vector<16xi32>
    %select_n3A_608 = arith.select %eq3A_605, %get3A_5, %broadcast_in_dim3A_607 : vector<16xi1>, vector<16xi32>
    %reduce_sum3A_609 = arith.constant true
    %reduce_sum3A_610 = vector.broadcast %reduce_sum3A_609 : i1 to vector<16xi1>
    %reduce_sum3A_611 = tpu.scan <sum>, %select_n3A_608 masked %reduce_sum3A_610 : vector<16xi32>, vector<16xi1> -> vector<16xi32>
    %reduce_sum3A_612 = vector.extract %reduce_sum3A_611[15] : i32 from vector<16xi32>
    %eq3A_613 = arith.constant 12 : i32
    %eq3A_614 = vector.broadcast %eq3A_613 : i32 to vector<16xi32>
    %eq3A_615 = arith.cmpi eq, %iota3A, %eq3A_614 : vector<16xi32>
    %jit3A_616 = arith.constant 0 : i32
    %broadcast_in_dim3A_617 = vector.broadcast %jit3A_616 : i32 to vector<16xi32>
    %select_n3A_618 = arith.select %eq3A_615, %get3A_7, %broadcast_in_dim3A_617 : vector<16xi1>, vector<16xi32>
    %reduce_sum3A_619 = arith.constant true
    %reduce_sum3A_620 = vector.broadcast %reduce_sum3A_619 : i1 to vector<16xi1>
    %reduce_sum3A_621 = tpu.scan <sum>, %select_n3A_618 masked %reduce_sum3A_620 : vector<16xi32>, vector<16xi1> -> vector<16xi32>
    %reduce_sum3A_622 = vector.extract %reduce_sum3A_621[15] : i32 from vector<16xi32>
    %dma_start3A_623 = arith.constant 12 : i32
    %dma_start3A_624 = arith.constant 0 : i32
    %dma_start3A_625 = tpu.memref_slice %arg12[%dma_start3A_623, %dma_start3A_624] : memref<16x32xf32, #tpu.memory_space<vmem>> -> memref<1x32xf32, #tpu.memory_space<vmem>>
    %dma_start3A_626 = arith.constant 0 : i32
    %dma_start3A_627 = tpu.memref_slice %arg4[%reduce_sum3A_612, %dma_start3A_626] : memref<1000000x32xf32, #tpu.memory_space<hbm>> -> memref<1x32xf32, #tpu.memory_space<hbm>>
    %dma_start3A_628 = arith.constant 12 : i32
    %dma_start3A_629 = arith.constant 0 : i32
    %dma_start3A_630 = tpu.memref_slice %arg12[%dma_start3A_628, %dma_start3A_629] : memref<16x32xf32, #tpu.memory_space<vmem>> -> memref<1x32xf32, #tpu.memory_space<vmem>>
    %dma_start3A_631 = arith.constant 0 : i32
    %dma_start3A_632 = tpu.memref_slice %arg4[%reduce_sum3A_612, %dma_start3A_631] : memref<1000000x32xf32, #tpu.memory_space<hbm>> -> memref<1x32xf32, #tpu.memory_space<hbm>>
    tpu.enqueue_dma source(%dma_start3A_632 : memref<1x32xf32, #tpu.memory_space<hbm>>) target(%dma_start3A_630 : memref<1x32xf32, #tpu.memory_space<vmem>>) target_semaphore(%arg21 : memref<!tpu.dma_semaphore, #tpu.memory_space<semaphore_mem>>)
    %dma_start3A_633 = arith.constant 12 : i32
    %dma_start3A_634 = arith.constant 0 : i32
    %dma_start3A_635 = tpu.memref_slice %arg13[%dma_start3A_633, %dma_start3A_634] : memref<16x32xf32, #tpu.memory_space<vmem>> -> memref<1x32xf32, #tpu.memory_space<vmem>>
    %dma_start3A_636 = arith.constant 0 : i32
    %dma_start3A_637 = tpu.memref_slice %arg5[%reduce_sum3A_622, %dma_start3A_636] : memref<1000000x32xf32, #tpu.memory_space<hbm>> -> memref<1x32xf32, #tpu.memory_space<hbm>>
    %dma_start3A_638 = arith.constant 12 : i32
    %dma_start3A_639 = arith.constant 0 : i32
    %dma_start3A_640 = tpu.memref_slice %arg13[%dma_start3A_638, %dma_start3A_639] : memref<16x32xf32, #tpu.memory_space<vmem>> -> memref<1x32xf32, #tpu.memory_space<vmem>>
    %dma_start3A_641 = arith.constant 0 : i32
    %dma_start3A_642 = tpu.memref_slice %arg5[%reduce_sum3A_622, %dma_start3A_641] : memref<1000000x32xf32, #tpu.memory_space<hbm>> -> memref<1x32xf32, #tpu.memory_space<hbm>>
    tpu.enqueue_dma source(%dma_start3A_642 : memref<1x32xf32, #tpu.memory_space<hbm>>) target(%dma_start3A_640 : memref<1x32xf32, #tpu.memory_space<vmem>>) target_semaphore(%arg21 : memref<!tpu.dma_semaphore, #tpu.memory_space<semaphore_mem>>)
    %dma_start3A_643 = arith.constant 12 : i32
    %dma_start3A_644 = arith.constant 0 : i32
    %dma_start3A_645 = tpu.memref_slice %arg14[%dma_start3A_643, %dma_start3A_644] : memref<16x1xf32, #tpu.memory_space<vmem>> -> memref<1x1xf32, #tpu.memory_space<vmem>>
    %dma_start3A_646 = arith.constant 0 : i32
    %dma_start3A_647 = tpu.memref_slice %arg6[%reduce_sum3A_622, %dma_start3A_646] : memref<1000000x1xf32, #tpu.memory_space<hbm>> -> memref<1x1xf32, #tpu.memory_space<hbm>>
    %dma_start3A_648 = arith.constant 12 : i32
    %dma_start3A_649 = arith.constant 0 : i32
    %dma_start3A_650 = tpu.memref_slice %arg14[%dma_start3A_648, %dma_start3A_649] : memref<16x1xf32, #tpu.memory_space<vmem>> -> memref<1x1xf32, #tpu.memory_space<vmem>>
    %dma_start3A_651 = arith.constant 0 : i32
    %dma_start3A_652 = tpu.memref_slice %arg6[%reduce_sum3A_622, %dma_start3A_651] : memref<1000000x1xf32, #tpu.memory_space<hbm>> -> memref<1x1xf32, #tpu.memory_space<hbm>>
    tpu.enqueue_dma source(%dma_start3A_652 : memref<1x1xf32, #tpu.memory_space<hbm>>) target(%dma_start3A_650 : memref<1x1xf32, #tpu.memory_space<vmem>>) target_semaphore(%arg21 : memref<!tpu.dma_semaphore, #tpu.memory_space<semaphore_mem>>)
    %eq3A_653 = arith.constant 13 : i32
    %eq3A_654 = vector.broadcast %eq3A_653 : i32 to vector<16xi32>
    %eq3A_655 = arith.cmpi eq, %iota3A, %eq3A_654 : vector<16xi32>
    %jit3A_656 = arith.constant 0 : i32
    %broadcast_in_dim3A_657 = vector.broadcast %jit3A_656 : i32 to vector<16xi32>
    %select_n3A_658 = arith.select %eq3A_655, %get3A_5, %broadcast_in_dim3A_657 : vector<16xi1>, vector<16xi32>
    %reduce_sum3A_659 = arith.constant true
    %reduce_sum3A_660 = vector.broadcast %reduce_sum3A_659 : i1 to vector<16xi1>
    %reduce_sum3A_661 = tpu.scan <sum>, %select_n3A_658 masked %reduce_sum3A_660 : vector<16xi32>, vector<16xi1> -> vector<16xi32>
    %reduce_sum3A_662 = vector.extract %reduce_sum3A_661[15] : i32 from vector<16xi32>
    %eq3A_663 = arith.constant 13 : i32
    %eq3A_664 = vector.broadcast %eq3A_663 : i32 to vector<16xi32>
    %eq3A_665 = arith.cmpi eq, %iota3A, %eq3A_664 : vector<16xi32>
    %jit3A_666 = arith.constant 0 : i32
    %broadcast_in_dim3A_667 = vector.broadcast %jit3A_666 : i32 to vector<16xi32>
    %select_n3A_668 = arith.select %eq3A_665, %get3A_7, %broadcast_in_dim3A_667 : vector<16xi1>, vector<16xi32>
    %reduce_sum3A_669 = arith.constant true
    %reduce_sum3A_670 = vector.broadcast %reduce_sum3A_669 : i1 to vector<16xi1>
    %reduce_sum3A_671 = tpu.scan <sum>, %select_n3A_668 masked %reduce_sum3A_670 : vector<16xi32>, vector<16xi1> -> vector<16xi32>
    %reduce_sum3A_672 = vector.extract %reduce_sum3A_671[15] : i32 from vector<16xi32>
    %dma_start3A_673 = arith.constant 13 : i32
    %dma_start3A_674 = arith.constant 0 : i32
    %dma_start3A_675 = tpu.memref_slice %arg12[%dma_start3A_673, %dma_start3A_674] : memref<16x32xf32, #tpu.memory_space<vmem>> -> memref<1x32xf32, #tpu.memory_space<vmem>>
    %dma_start3A_676 = arith.constant 0 : i32
    %dma_start3A_677 = tpu.memref_slice %arg4[%reduce_sum3A_662, %dma_start3A_676] : memref<1000000x32xf32, #tpu.memory_space<hbm>> -> memref<1x32xf32, #tpu.memory_space<hbm>>
    %dma_start3A_678 = arith.constant 13 : i32
    %dma_start3A_679 = arith.constant 0 : i32
    %dma_start3A_680 = tpu.memref_slice %arg12[%dma_start3A_678, %dma_start3A_679] : memref<16x32xf32, #tpu.memory_space<vmem>> -> memref<1x32xf32, #tpu.memory_space<vmem>>
    %dma_start3A_681 = arith.constant 0 : i32
    %dma_start3A_682 = tpu.memref_slice %arg4[%reduce_sum3A_662, %dma_start3A_681] : memref<1000000x32xf32, #tpu.memory_space<hbm>> -> memref<1x32xf32, #tpu.memory_space<hbm>>
    tpu.enqueue_dma source(%dma_start3A_682 : memref<1x32xf32, #tpu.memory_space<hbm>>) target(%dma_start3A_680 : memref<1x32xf32, #tpu.memory_space<vmem>>) target_semaphore(%arg21 : memref<!tpu.dma_semaphore, #tpu.memory_space<semaphore_mem>>)
    %dma_start3A_683 = arith.constant 13 : i32
    %dma_start3A_684 = arith.constant 0 : i32
    %dma_start3A_685 = tpu.memref_slice %arg13[%dma_start3A_683, %dma_start3A_684] : memref<16x32xf32, #tpu.memory_space<vmem>> -> memref<1x32xf32, #tpu.memory_space<vmem>>
    %dma_start3A_686 = arith.constant 0 : i32
    %dma_start3A_687 = tpu.memref_slice %arg5[%reduce_sum3A_672, %dma_start3A_686] : memref<1000000x32xf32, #tpu.memory_space<hbm>> -> memref<1x32xf32, #tpu.memory_space<hbm>>
    %dma_start3A_688 = arith.constant 13 : i32
    %dma_start3A_689 = arith.constant 0 : i32
    %dma_start3A_690 = tpu.memref_slice %arg13[%dma_start3A_688, %dma_start3A_689] : memref<16x32xf32, #tpu.memory_space<vmem>> -> memref<1x32xf32, #tpu.memory_space<vmem>>
    %dma_start3A_691 = arith.constant 0 : i32
    %dma_start3A_692 = tpu.memref_slice %arg5[%reduce_sum3A_672, %dma_start3A_691] : memref<1000000x32xf32, #tpu.memory_space<hbm>> -> memref<1x32xf32, #tpu.memory_space<hbm>>
    tpu.enqueue_dma source(%dma_start3A_692 : memref<1x32xf32, #tpu.memory_space<hbm>>) target(%dma_start3A_690 : memref<1x32xf32, #tpu.memory_space<vmem>>) target_semaphore(%arg21 : memref<!tpu.dma_semaphore, #tpu.memory_space<semaphore_mem>>)
    %dma_start3A_693 = arith.constant 13 : i32
    %dma_start3A_694 = arith.constant 0 : i32
    %dma_start3A_695 = tpu.memref_slice %arg14[%dma_start3A_693, %dma_start3A_694] : memref<16x1xf32, #tpu.memory_space<vmem>> -> memref<1x1xf32, #tpu.memory_space<vmem>>
    %dma_start3A_696 = arith.constant 0 : i32
    %dma_start3A_697 = tpu.memref_slice %arg6[%reduce_sum3A_672, %dma_start3A_696] : memref<1000000x1xf32, #tpu.memory_space<hbm>> -> memref<1x1xf32, #tpu.memory_space<hbm>>
    %dma_start3A_698 = arith.constant 13 : i32
    %dma_start3A_699 = arith.constant 0 : i32
    %dma_start3A_700 = tpu.memref_slice %arg14[%dma_start3A_698, %dma_start3A_699] : memref<16x1xf32, #tpu.memory_space<vmem>> -> memref<1x1xf32, #tpu.memory_space<vmem>>
    %dma_start3A_701 = arith.constant 0 : i32
    %dma_start3A_702 = tpu.memref_slice %arg6[%reduce_sum3A_672, %dma_start3A_701] : memref<1000000x1xf32, #tpu.memory_space<hbm>> -> memref<1x1xf32, #tpu.memory_space<hbm>>
    tpu.enqueue_dma source(%dma_start3A_702 : memref<1x1xf32, #tpu.memory_space<hbm>>) target(%dma_start3A_700 : memref<1x1xf32, #tpu.memory_space<vmem>>) target_semaphore(%arg21 : memref<!tpu.dma_semaphore, #tpu.memory_space<semaphore_mem>>)
    %eq3A_703 = arith.constant 14 : i32
    %eq3A_704 = vector.broadcast %eq3A_703 : i32 to vector<16xi32>
    %eq3A_705 = arith.cmpi eq, %iota3A, %eq3A_704 : vector<16xi32>
    %jit3A_706 = arith.constant 0 : i32
    %broadcast_in_dim3A_707 = vector.broadcast %jit3A_706 : i32 to vector<16xi32>
    %select_n3A_708 = arith.select %eq3A_705, %get3A_5, %broadcast_in_dim3A_707 : vector<16xi1>, vector<16xi32>
    %reduce_sum3A_709 = arith.constant true
    %reduce_sum3A_710 = vector.broadcast %reduce_sum3A_709 : i1 to vector<16xi1>
    %reduce_sum3A_711 = tpu.scan <sum>, %select_n3A_708 masked %reduce_sum3A_710 : vector<16xi32>, vector<16xi1> -> vector<16xi32>
    %reduce_sum3A_712 = vector.extract %reduce_sum3A_711[15] : i32 from vector<16xi32>
    %eq3A_713 = arith.constant 14 : i32
    %eq3A_714 = vector.broadcast %eq3A_713 : i32 to vector<16xi32>
    %eq3A_715 = arith.cmpi eq, %iota3A, %eq3A_714 : vector<16xi32>
    %jit3A_716 = arith.constant 0 : i32
    %broadcast_in_dim3A_717 = vector.broadcast %jit3A_716 : i32 to vector<16xi32>
    %select_n3A_718 = arith.select %eq3A_715, %get3A_7, %broadcast_in_dim3A_717 : vector<16xi1>, vector<16xi32>
    %reduce_sum3A_719 = arith.constant true
    %reduce_sum3A_720 = vector.broadcast %reduce_sum3A_719 : i1 to vector<16xi1>
    %reduce_sum3A_721 = tpu.scan <sum>, %select_n3A_718 masked %reduce_sum3A_720 : vector<16xi32>, vector<16xi1> -> vector<16xi32>
    %reduce_sum3A_722 = vector.extract %reduce_sum3A_721[15] : i32 from vector<16xi32>
    %dma_start3A_723 = arith.constant 14 : i32
    %dma_start3A_724 = arith.constant 0 : i32
    %dma_start3A_725 = tpu.memref_slice %arg12[%dma_start3A_723, %dma_start3A_724] : memref<16x32xf32, #tpu.memory_space<vmem>> -> memref<1x32xf32, #tpu.memory_space<vmem>>
    %dma_start3A_726 = arith.constant 0 : i32
    %dma_start3A_727 = tpu.memref_slice %arg4[%reduce_sum3A_712, %dma_start3A_726] : memref<1000000x32xf32, #tpu.memory_space<hbm>> -> memref<1x32xf32, #tpu.memory_space<hbm>>
    %dma_start3A_728 = arith.constant 14 : i32
    %dma_start3A_729 = arith.constant 0 : i32
    %dma_start3A_730 = tpu.memref_slice %arg12[%dma_start3A_728, %dma_start3A_729] : memref<16x32xf32, #tpu.memory_space<vmem>> -> memref<1x32xf32, #tpu.memory_space<vmem>>
    %dma_start3A_731 = arith.constant 0 : i32
    %dma_start3A_732 = tpu.memref_slice %arg4[%reduce_sum3A_712, %dma_start3A_731] : memref<1000000x32xf32, #tpu.memory_space<hbm>> -> memref<1x32xf32, #tpu.memory_space<hbm>>
    tpu.enqueue_dma source(%dma_start3A_732 : memref<1x32xf32, #tpu.memory_space<hbm>>) target(%dma_start3A_730 : memref<1x32xf32, #tpu.memory_space<vmem>>) target_semaphore(%arg21 : memref<!tpu.dma_semaphore, #tpu.memory_space<semaphore_mem>>)
    %dma_start3A_733 = arith.constant 14 : i32
    %dma_start3A_734 = arith.constant 0 : i32
    %dma_start3A_735 = tpu.memref_slice %arg13[%dma_start3A_733, %dma_start3A_734] : memref<16x32xf32, #tpu.memory_space<vmem>> -> memref<1x32xf32, #tpu.memory_space<vmem>>
    %dma_start3A_736 = arith.constant 0 : i32
    %dma_start3A_737 = tpu.memref_slice %arg5[%reduce_sum3A_722, %dma_start3A_736] : memref<1000000x32xf32, #tpu.memory_space<hbm>> -> memref<1x32xf32, #tpu.memory_space<hbm>>
    %dma_start3A_738 = arith.constant 14 : i32
    %dma_start3A_739 = arith.constant 0 : i32
    %dma_start3A_740 = tpu.memref_slice %arg13[%dma_start3A_738, %dma_start3A_739] : memref<16x32xf32, #tpu.memory_space<vmem>> -> memref<1x32xf32, #tpu.memory_space<vmem>>
    %dma_start3A_741 = arith.constant 0 : i32
    %dma_start3A_742 = tpu.memref_slice %arg5[%reduce_sum3A_722, %dma_start3A_741] : memref<1000000x32xf32, #tpu.memory_space<hbm>> -> memref<1x32xf32, #tpu.memory_space<hbm>>
    tpu.enqueue_dma source(%dma_start3A_742 : memref<1x32xf32, #tpu.memory_space<hbm>>) target(%dma_start3A_740 : memref<1x32xf32, #tpu.memory_space<vmem>>) target_semaphore(%arg21 : memref<!tpu.dma_semaphore, #tpu.memory_space<semaphore_mem>>)
    %dma_start3A_743 = arith.constant 14 : i32
    %dma_start3A_744 = arith.constant 0 : i32
    %dma_start3A_745 = tpu.memref_slice %arg14[%dma_start3A_743, %dma_start3A_744] : memref<16x1xf32, #tpu.memory_space<vmem>> -> memref<1x1xf32, #tpu.memory_space<vmem>>
    %dma_start3A_746 = arith.constant 0 : i32
    %dma_start3A_747 = tpu.memref_slice %arg6[%reduce_sum3A_722, %dma_start3A_746] : memref<1000000x1xf32, #tpu.memory_space<hbm>> -> memref<1x1xf32, #tpu.memory_space<hbm>>
    %dma_start3A_748 = arith.constant 14 : i32
    %dma_start3A_749 = arith.constant 0 : i32
    %dma_start3A_750 = tpu.memref_slice %arg14[%dma_start3A_748, %dma_start3A_749] : memref<16x1xf32, #tpu.memory_space<vmem>> -> memref<1x1xf32, #tpu.memory_space<vmem>>
    %dma_start3A_751 = arith.constant 0 : i32
    %dma_start3A_752 = tpu.memref_slice %arg6[%reduce_sum3A_722, %dma_start3A_751] : memref<1000000x1xf32, #tpu.memory_space<hbm>> -> memref<1x1xf32, #tpu.memory_space<hbm>>
    tpu.enqueue_dma source(%dma_start3A_752 : memref<1x1xf32, #tpu.memory_space<hbm>>) target(%dma_start3A_750 : memref<1x1xf32, #tpu.memory_space<vmem>>) target_semaphore(%arg21 : memref<!tpu.dma_semaphore, #tpu.memory_space<semaphore_mem>>)
    %eq3A_753 = arith.constant 15 : i32
    %eq3A_754 = vector.broadcast %eq3A_753 : i32 to vector<16xi32>
    %eq3A_755 = arith.cmpi eq, %iota3A, %eq3A_754 : vector<16xi32>
    %jit3A_756 = arith.constant 0 : i32
    %broadcast_in_dim3A_757 = vector.broadcast %jit3A_756 : i32 to vector<16xi32>
    %select_n3A_758 = arith.select %eq3A_755, %get3A_5, %broadcast_in_dim3A_757 : vector<16xi1>, vector<16xi32>
    %reduce_sum3A_759 = arith.constant true
    %reduce_sum3A_760 = vector.broadcast %reduce_sum3A_759 : i1 to vector<16xi1>
    %reduce_sum3A_761 = tpu.scan <sum>, %select_n3A_758 masked %reduce_sum3A_760 : vector<16xi32>, vector<16xi1> -> vector<16xi32>
    %reduce_sum3A_762 = vector.extract %reduce_sum3A_761[15] : i32 from vector<16xi32>
    %eq3A_763 = arith.constant 15 : i32
    %eq3A_764 = vector.broadcast %eq3A_763 : i32 to vector<16xi32>
    %eq3A_765 = arith.cmpi eq, %iota3A, %eq3A_764 : vector<16xi32>
    %jit3A_766 = arith.constant 0 : i32
    %broadcast_in_dim3A_767 = vector.broadcast %jit3A_766 : i32 to vector<16xi32>
    %select_n3A_768 = arith.select %eq3A_765, %get3A_7, %broadcast_in_dim3A_767 : vector<16xi1>, vector<16xi32>
    %reduce_sum3A_769 = arith.constant true
    %reduce_sum3A_770 = vector.broadcast %reduce_sum3A_769 : i1 to vector<16xi1>
    %reduce_sum3A_771 = tpu.scan <sum>, %select_n3A_768 masked %reduce_sum3A_770 : vector<16xi32>, vector<16xi1> -> vector<16xi32>
    %reduce_sum3A_772 = vector.extract %reduce_sum3A_771[15] : i32 from vector<16xi32>
    %dma_start3A_773 = arith.constant 15 : i32
    %dma_start3A_774 = arith.constant 0 : i32
    %dma_start3A_775 = tpu.memref_slice %arg12[%dma_start3A_773, %dma_start3A_774] : memref<16x32xf32, #tpu.memory_space<vmem>> -> memref<1x32xf32, #tpu.memory_space<vmem>>
    %dma_start3A_776 = arith.constant 0 : i32
    %dma_start3A_777 = tpu.memref_slice %arg4[%reduce_sum3A_762, %dma_start3A_776] : memref<1000000x32xf32, #tpu.memory_space<hbm>> -> memref<1x32xf32, #tpu.memory_space<hbm>>
    %dma_start3A_778 = arith.constant 15 : i32
    %dma_start3A_779 = arith.constant 0 : i32
    %dma_start3A_780 = tpu.memref_slice %arg12[%dma_start3A_778, %dma_start3A_779] : memref<16x32xf32, #tpu.memory_space<vmem>> -> memref<1x32xf32, #tpu.memory_space<vmem>>
    %dma_start3A_781 = arith.constant 0 : i32
    %dma_start3A_782 = tpu.memref_slice %arg4[%reduce_sum3A_762, %dma_start3A_781] : memref<1000000x32xf32, #tpu.memory_space<hbm>> -> memref<1x32xf32, #tpu.memory_space<hbm>>
    tpu.enqueue_dma source(%dma_start3A_782 : memref<1x32xf32, #tpu.memory_space<hbm>>) target(%dma_start3A_780 : memref<1x32xf32, #tpu.memory_space<vmem>>) target_semaphore(%arg21 : memref<!tpu.dma_semaphore, #tpu.memory_space<semaphore_mem>>)
    %dma_start3A_783 = arith.constant 15 : i32
    %dma_start3A_784 = arith.constant 0 : i32
    %dma_start3A_785 = tpu.memref_slice %arg13[%dma_start3A_783, %dma_start3A_784] : memref<16x32xf32, #tpu.memory_space<vmem>> -> memref<1x32xf32, #tpu.memory_space<vmem>>
    %dma_start3A_786 = arith.constant 0 : i32
    %dma_start3A_787 = tpu.memref_slice %arg5[%reduce_sum3A_772, %dma_start3A_786] : memref<1000000x32xf32, #tpu.memory_space<hbm>> -> memref<1x32xf32, #tpu.memory_space<hbm>>
    %dma_start3A_788 = arith.constant 15 : i32
    %dma_start3A_789 = arith.constant 0 : i32
    %dma_start3A_790 = tpu.memref_slice %arg13[%dma_start3A_788, %dma_start3A_789] : memref<16x32xf32, #tpu.memory_space<vmem>> -> memref<1x32xf32, #tpu.memory_space<vmem>>
    %dma_start3A_791 = arith.constant 0 : i32
    %dma_start3A_792 = tpu.memref_slice %arg5[%reduce_sum3A_772, %dma_start3A_791] : memref<1000000x32xf32, #tpu.memory_space<hbm>> -> memref<1x32xf32, #tpu.memory_space<hbm>>
    tpu.enqueue_dma source(%dma_start3A_792 : memref<1x32xf32, #tpu.memory_space<hbm>>) target(%dma_start3A_790 : memref<1x32xf32, #tpu.memory_space<vmem>>) target_semaphore(%arg21 : memref<!tpu.dma_semaphore, #tpu.memory_space<semaphore_mem>>)
    %dma_start3A_793 = arith.constant 15 : i32
    %dma_start3A_794 = arith.constant 0 : i32
    %dma_start3A_795 = tpu.memref_slice %arg14[%dma_start3A_793, %dma_start3A_794] : memref<16x1xf32, #tpu.memory_space<vmem>> -> memref<1x1xf32, #tpu.memory_space<vmem>>
    %dma_start3A_796 = arith.constant 0 : i32
    %dma_start3A_797 = tpu.memref_slice %arg6[%reduce_sum3A_772, %dma_start3A_796] : memref<1000000x1xf32, #tpu.memory_space<hbm>> -> memref<1x1xf32, #tpu.memory_space<hbm>>
    %dma_start3A_798 = arith.constant 15 : i32
    %dma_start3A_799 = arith.constant 0 : i32
    %dma_start3A_800 = tpu.memref_slice %arg14[%dma_start3A_798, %dma_start3A_799] : memref<16x1xf32, #tpu.memory_space<vmem>> -> memref<1x1xf32, #tpu.memory_space<vmem>>
    %dma_start3A_801 = arith.constant 0 : i32
    %dma_start3A_802 = tpu.memref_slice %arg6[%reduce_sum3A_772, %dma_start3A_801] : memref<1000000x1xf32, #tpu.memory_space<hbm>> -> memref<1x1xf32, #tpu.memory_space<hbm>>
    tpu.enqueue_dma source(%dma_start3A_802 : memref<1x1xf32, #tpu.memory_space<hbm>>) target(%dma_start3A_800 : memref<1x1xf32, #tpu.memory_space<vmem>>) target_semaphore(%arg21 : memref<!tpu.dma_semaphore, #tpu.memory_space<semaphore_mem>>)
    %scan3A = arith.constant 0 : i32
    %scan3A_803 = arith.constant 0 : i32
    %scan3A_804 = arith.constant 16 : i32
    %scan3A_805 = arith.addi %scan3A_803, %scan3A_804 : i32
    %scan3A_806 = arith.constant 1 : i32
    %scan3A_807 = scf.for %scan3A_809 = %scan3A_803 to %scan3A_805 step %scan3A_806 iter_args(%scan3A_810 = %scan3A) -> (i32)  : i32 {
      %mul3A_811 = arith.constant 2 : i32
      %mul3A_812 = arith.muli %mul3A_811, %scan3A_809 : i32
      %add3A_813 = arith.constant 1 : i32
      %add3A_814 = arith.addi %mul3A_812, %add3A_813 : i32
      %mul3A_815 = arith.constant 16 : i32
      %mul3A_816 = arith.muli %add3A_814, %mul3A_815 : i32
      %get3A_817 = arith.index_cast %mul3A_816 : i32 to index
      %get3A_818 = tpu.vector_load %arg10[%get3A_817] {strides = array<i32>} : memref<512xi32, #tpu.memory_space<vmem>>, vector<16xi32>,
      %mul3A_819 = arith.constant 16 : i32
      %mul3A_820 = arith.muli %add3A_814, %mul3A_819 : i32
      %get3A_821 = arith.index_cast %mul3A_820 : i32 to index
      %get3A_822 = tpu.vector_load %arg11[%get3A_821] {strides = array<i32>} : memref<512xi32, #tpu.memory_space<vmem>>, vector<16xi32>,
      %eq3A_823 = arith.constant 0 : i32
      %eq3A_824 = vector.broadcast %eq3A_823 : i32 to vector<16xi32>
      %eq3A_825 = arith.cmpi eq, %iota3A, %eq3A_824 : vector<16xi32>
      %jit3A_826 = arith.constant 0 : i32
      %broadcast_in_dim3A_827 = vector.broadcast %jit3A_826 : i32 to vector<16xi32>
      %select_n3A_828 = arith.select %eq3A_825, %get3A_818, %broadcast_in_dim3A_827 : vector<16xi1>, vector<16xi32>
      %reduce_sum3A_829 = arith.constant true
      %reduce_sum3A_830 = vector.broadcast %reduce_sum3A_829 : i1 to vector<16xi1>
      %reduce_sum3A_831 = tpu.scan <sum>, %select_n3A_828 masked %reduce_sum3A_830 : vector<16xi32>, vector<16xi1> -> vector<16xi32>
      %reduce_sum3A_832 = vector.extract %reduce_sum3A_831[15] : i32 from vector<16xi32>
      %eq3A_833 = arith.constant 0 : i32
      %eq3A_834 = vector.broadcast %eq3A_833 : i32 to vector<16xi32>
      %eq3A_835 = arith.cmpi eq, %iota3A, %eq3A_834 : vector<16xi32>
      %jit3A_836 = arith.constant 0 : i32
      %broadcast_in_dim3A_837 = vector.broadcast %jit3A_836 : i32 to vector<16xi32>
      %select_n3A_838 = arith.select %eq3A_835, %get3A_822, %broadcast_in_dim3A_837 : vector<16xi1>, vector<16xi32>
      %reduce_sum3A_839 = arith.constant true
      %reduce_sum3A_840 = vector.broadcast %reduce_sum3A_839 : i1 to vector<16xi1>
      %reduce_sum3A_841 = tpu.scan <sum>, %select_n3A_838 masked %reduce_sum3A_840 : vector<16xi32>, vector<16xi1> -> vector<16xi32>
      %reduce_sum3A_842 = vector.extract %reduce_sum3A_841[15] : i32 from vector<16xi32>
      %dma_start3A_843 = arith.constant 0 : i32
      %dma_start3A_844 = arith.constant 0 : i32
      %dma_start3A_845 = tpu.memref_slice %arg15[%dma_start3A_843, %dma_start3A_844] : memref<16x32xf32, #tpu.memory_space<vmem>> -> memref<1x32xf32, #tpu.memory_space<vmem>>
      %dma_start3A_846 = arith.constant 0 : i32
      %dma_start3A_847 = tpu.memref_slice %arg4[%reduce_sum3A_832, %dma_start3A_846] : memref<1000000x32xf32, #tpu.memory_space<hbm>> -> memref<1x32xf32, #tpu.memory_space<hbm>>
      %dma_start3A_848 = arith.constant 0 : i32
      %dma_start3A_849 = arith.constant 0 : i32
      %dma_start3A_850 = tpu.memref_slice %arg15[%dma_start3A_848, %dma_start3A_849] : memref<16x32xf32, #tpu.memory_space<vmem>> -> memref<1x32xf32, #tpu.memory_space<vmem>>
      %dma_start3A_851 = arith.constant 0 : i32
      %dma_start3A_852 = tpu.memref_slice %arg4[%reduce_sum3A_832, %dma_start3A_851] : memref<1000000x32xf32, #tpu.memory_space<hbm>> -> memref<1x32xf32, #tpu.memory_space<hbm>>
      tpu.enqueue_dma source(%dma_start3A_852 : memref<1x32xf32, #tpu.memory_space<hbm>>) target(%dma_start3A_850 : memref<1x32xf32, #tpu.memory_space<vmem>>) target_semaphore(%arg22 : memref<!tpu.dma_semaphore, #tpu.memory_space<semaphore_mem>>)
      %dma_start3A_853 = arith.constant 0 : i32
      %dma_start3A_854 = arith.constant 0 : i32
      %dma_start3A_855 = tpu.memref_slice %arg16[%dma_start3A_853, %dma_start3A_854] : memref<16x32xf32, #tpu.memory_space<vmem>> -> memref<1x32xf32, #tpu.memory_space<vmem>>
      %dma_start3A_856 = arith.constant 0 : i32
      %dma_start3A_857 = tpu.memref_slice %arg5[%reduce_sum3A_842, %dma_start3A_856] : memref<1000000x32xf32, #tpu.memory_space<hbm>> -> memref<1x32xf32, #tpu.memory_space<hbm>>
      %dma_start3A_858 = arith.constant 0 : i32
      %dma_start3A_859 = arith.constant 0 : i32
      %dma_start3A_860 = tpu.memref_slice %arg16[%dma_start3A_858, %dma_start3A_859] : memref<16x32xf32, #tpu.memory_space<vmem>> -> memref<1x32xf32, #tpu.memory_space<vmem>>
      %dma_start3A_861 = arith.constant 0 : i32
      %dma_start3A_862 = tpu.memref_slice %arg5[%reduce_sum3A_842, %dma_start3A_861] : memref<1000000x32xf32, #tpu.memory_space<hbm>> -> memref<1x32xf32, #tpu.memory_space<hbm>>
      tpu.enqueue_dma source(%dma_start3A_862 : memref<1x32xf32, #tpu.memory_space<hbm>>) target(%dma_start3A_860 : memref<1x32xf32, #tpu.memory_space<vmem>>) target_semaphore(%arg22 : memref<!tpu.dma_semaphore, #tpu.memory_space<semaphore_mem>>)
      %dma_start3A_863 = arith.constant 0 : i32
      %dma_start3A_864 = arith.constant 0 : i32
      %dma_start3A_865 = tpu.memref_slice %arg17[%dma_start3A_863, %dma_start3A_864] : memref<16x1xf32, #tpu.memory_space<vmem>> -> memref<1x1xf32, #tpu.memory_space<vmem>>
      %dma_start3A_866 = arith.constant 0 : i32
      %dma_start3A_867 = tpu.memref_slice %arg6[%reduce_sum3A_842, %dma_start3A_866] : memref<1000000x1xf32, #tpu.memory_space<hbm>> -> memref<1x1xf32, #tpu.memory_space<hbm>>
      %dma_start3A_868 = arith.constant 0 : i32
      %dma_start3A_869 = arith.constant 0 : i32
      %dma_start3A_870 = tpu.memref_slice %arg17[%dma_start3A_868, %dma_start3A_869] : memref<16x1xf32, #tpu.memory_space<vmem>> -> memref<1x1xf32, #tpu.memory_space<vmem>>
      %dma_start3A_871 = arith.constant 0 : i32
      %dma_start3A_872 = tpu.memref_slice %arg6[%reduce_sum3A_842, %dma_start3A_871] : memref<1000000x1xf32, #tpu.memory_space<hbm>> -> memref<1x1xf32, #tpu.memory_space<hbm>>
      tpu.enqueue_dma source(%dma_start3A_872 : memref<1x1xf32, #tpu.memory_space<hbm>>) target(%dma_start3A_870 : memref<1x1xf32, #tpu.memory_space<vmem>>) target_semaphore(%arg22 : memref<!tpu.dma_semaphore, #tpu.memory_space<semaphore_mem>>)
      %eq3A_873 = arith.constant 1 : i32
      %eq3A_874 = vector.broadcast %eq3A_873 : i32 to vector<16xi32>
      %eq3A_875 = arith.cmpi eq, %iota3A, %eq3A_874 : vector<16xi32>
      %jit3A_876 = arith.constant 0 : i32
      %broadcast_in_dim3A_877 = vector.broadcast %jit3A_876 : i32 to vector<16xi32>
      %select_n3A_878 = arith.select %eq3A_875, %get3A_818, %broadcast_in_dim3A_877 : vector<16xi1>, vector<16xi32>
      %reduce_sum3A_879 = arith.constant true
      %reduce_sum3A_880 = vector.broadcast %reduce_sum3A_879 : i1 to vector<16xi1>
      %reduce_sum3A_881 = tpu.scan <sum>, %select_n3A_878 masked %reduce_sum3A_880 : vector<16xi32>, vector<16xi1> -> vector<16xi32>
      %reduce_sum3A_882 = vector.extract %reduce_sum3A_881[15] : i32 from vector<16xi32>
      %eq3A_883 = arith.constant 1 : i32
      %eq3A_884 = vector.broadcast %eq3A_883 : i32 to vector<16xi32>
      %eq3A_885 = arith.cmpi eq, %iota3A, %eq3A_884 : vector<16xi32>
      %jit3A_886 = arith.constant 0 : i32
      %broadcast_in_dim3A_887 = vector.broadcast %jit3A_886 : i32 to vector<16xi32>
      %select_n3A_888 = arith.select %eq3A_885, %get3A_822, %broadcast_in_dim3A_887 : vector<16xi1>, vector<16xi32>
      %reduce_sum3A_889 = arith.constant true
      %reduce_sum3A_890 = vector.broadcast %reduce_sum3A_889 : i1 to vector<16xi1>
      %reduce_sum3A_891 = tpu.scan <sum>, %select_n3A_888 masked %reduce_sum3A_890 : vector<16xi32>, vector<16xi1> -> vector<16xi32>
      %reduce_sum3A_892 = vector.extract %reduce_sum3A_891[15] : i32 from vector<16xi32>
      %dma_start3A_893 = arith.constant 1 : i32
      %dma_start3A_894 = arith.constant 0 : i32
      %dma_start3A_895 = tpu.memref_slice %arg15[%dma_start3A_893, %dma_start3A_894] : memref<16x32xf32, #tpu.memory_space<vmem>> -> memref<1x32xf32, #tpu.memory_space<vmem>>
      %dma_start3A_896 = arith.constant 0 : i32
      %dma_start3A_897 = tpu.memref_slice %arg4[%reduce_sum3A_882, %dma_start3A_896] : memref<1000000x32xf32, #tpu.memory_space<hbm>> -> memref<1x32xf32, #tpu.memory_space<hbm>>
      %dma_start3A_898 = arith.constant 1 : i32
      %dma_start3A_899 = arith.constant 0 : i32
      %dma_start3A_900 = tpu.memref_slice %arg15[%dma_start3A_898, %dma_start3A_899] : memref<16x32xf32, #tpu.memory_space<vmem>> -> memref<1x32xf32, #tpu.memory_space<vmem>>
      %dma_start3A_901 = arith.constant 0 : i32
      %dma_start3A_902 = tpu.memref_slice %arg4[%reduce_sum3A_882, %dma_start3A_901] : memref<1000000x32xf32, #tpu.memory_space<hbm>> -> memref<1x32xf32, #tpu.memory_space<hbm>>
      tpu.enqueue_dma source(%dma_start3A_902 : memref<1x32xf32, #tpu.memory_space<hbm>>) target(%dma_start3A_900 : memref<1x32xf32, #tpu.memory_space<vmem>>) target_semaphore(%arg22 : memref<!tpu.dma_semaphore, #tpu.memory_space<semaphore_mem>>)
      %dma_start3A_903 = arith.constant 1 : i32
      %dma_start3A_904 = arith.constant 0 : i32
      %dma_start3A_905 = tpu.memref_slice %arg16[%dma_start3A_903, %dma_start3A_904] : memref<16x32xf32, #tpu.memory_space<vmem>> -> memref<1x32xf32, #tpu.memory_space<vmem>>
      %dma_start3A_906 = arith.constant 0 : i32
      %dma_start3A_907 = tpu.memref_slice %arg5[%reduce_sum3A_892, %dma_start3A_906] : memref<1000000x32xf32, #tpu.memory_space<hbm>> -> memref<1x32xf32, #tpu.memory_space<hbm>>
      %dma_start3A_908 = arith.constant 1 : i32
      %dma_start3A_909 = arith.constant 0 : i32
      %dma_start3A_910 = tpu.memref_slice %arg16[%dma_start3A_908, %dma_start3A_909] : memref<16x32xf32, #tpu.memory_space<vmem>> -> memref<1x32xf32, #tpu.memory_space<vmem>>
      %dma_start3A_911 = arith.constant 0 : i32
      %dma_start3A_912 = tpu.memref_slice %arg5[%reduce_sum3A_892, %dma_start3A_911] : memref<1000000x32xf32, #tpu.memory_space<hbm>> -> memref<1x32xf32, #tpu.memory_space<hbm>>
      tpu.enqueue_dma source(%dma_start3A_912 : memref<1x32xf32, #tpu.memory_space<hbm>>) target(%dma_start3A_910 : memref<1x32xf32, #tpu.memory_space<vmem>>) target_semaphore(%arg22 : memref<!tpu.dma_semaphore, #tpu.memory_space<semaphore_mem>>)
      %dma_start3A_913 = arith.constant 1 : i32
      %dma_start3A_914 = arith.constant 0 : i32
      %dma_start3A_915 = tpu.memref_slice %arg17[%dma_start3A_913, %dma_start3A_914] : memref<16x1xf32, #tpu.memory_space<vmem>> -> memref<1x1xf32, #tpu.memory_space<vmem>>
      %dma_start3A_916 = arith.constant 0 : i32
      %dma_start3A_917 = tpu.memref_slice %arg6[%reduce_sum3A_892, %dma_start3A_916] : memref<1000000x1xf32, #tpu.memory_space<hbm>> -> memref<1x1xf32, #tpu.memory_space<hbm>>
      %dma_start3A_918 = arith.constant 1 : i32
      %dma_start3A_919 = arith.constant 0 : i32
      %dma_start3A_920 = tpu.memref_slice %arg17[%dma_start3A_918, %dma_start3A_919] : memref<16x1xf32, #tpu.memory_space<vmem>> -> memref<1x1xf32, #tpu.memory_space<vmem>>
      %dma_start3A_921 = arith.constant 0 : i32
      %dma_start3A_922 = tpu.memref_slice %arg6[%reduce_sum3A_892, %dma_start3A_921] : memref<1000000x1xf32, #tpu.memory_space<hbm>> -> memref<1x1xf32, #tpu.memory_space<hbm>>
      tpu.enqueue_dma source(%dma_start3A_922 : memref<1x1xf32, #tpu.memory_space<hbm>>) target(%dma_start3A_920 : memref<1x1xf32, #tpu.memory_space<vmem>>) target_semaphore(%arg22 : memref<!tpu.dma_semaphore, #tpu.memory_space<semaphore_mem>>)
      %eq3A_923 = arith.constant 2 : i32
      %eq3A_924 = vector.broadcast %eq3A_923 : i32 to vector<16xi32>
      %eq3A_925 = arith.cmpi eq, %iota3A, %eq3A_924 : vector<16xi32>
      %jit3A_926 = arith.constant 0 : i32
      %broadcast_in_dim3A_927 = vector.broadcast %jit3A_926 : i32 to vector<16xi32>
      %select_n3A_928 = arith.select %eq3A_925, %get3A_818, %broadcast_in_dim3A_927 : vector<16xi1>, vector<16xi32>
      %reduce_sum3A_929 = arith.constant true
      %reduce_sum3A_930 = vector.broadcast %reduce_sum3A_929 : i1 to vector<16xi1>
      %reduce_sum3A_931 = tpu.scan <sum>, %select_n3A_928 masked %reduce_sum3A_930 : vector<16xi32>, vector<16xi1> -> vector<16xi32>
      %reduce_sum3A_932 = vector.extract %reduce_sum3A_931[15] : i32 from vector<16xi32>
      %eq3A_933 = arith.constant 2 : i32
      %eq3A_934 = vector.broadcast %eq3A_933 : i32 to vector<16xi32>
      %eq3A_935 = arith.cmpi eq, %iota3A, %eq3A_934 : vector<16xi32>
      %jit3A_936 = arith.constant 0 : i32
      %broadcast_in_dim3A_937 = vector.broadcast %jit3A_936 : i32 to vector<16xi32>
      %select_n3A_938 = arith.select %eq3A_935, %get3A_822, %broadcast_in_dim3A_937 : vector<16xi1>, vector<16xi32>
      %reduce_sum3A_939 = arith.constant true
      %reduce_sum3A_940 = vector.broadcast %reduce_sum3A_939 : i1 to vector<16xi1>
      %reduce_sum3A_941 = tpu.scan <sum>, %select_n3A_938 masked %reduce_sum3A_940 : vector<16xi32>, vector<16xi1> -> vector<16xi32>
      %reduce_sum3A_942 = vector.extract %reduce_sum3A_941[15] : i32 from vector<16xi32>
      %dma_start3A_943 = arith.constant 2 : i32
      %dma_start3A_944 = arith.constant 0 : i32
      %dma_start3A_945 = tpu.memref_slice %arg15[%dma_start3A_943, %dma_start3A_944] : memref<16x32xf32, #tpu.memory_space<vmem>> -> memref<1x32xf32, #tpu.memory_space<vmem>>
      %dma_start3A_946 = arith.constant 0 : i32
      %dma_start3A_947 = tpu.memref_slice %arg4[%reduce_sum3A_932, %dma_start3A_946] : memref<1000000x32xf32, #tpu.memory_space<hbm>> -> memref<1x32xf32, #tpu.memory_space<hbm>>
      %dma_start3A_948 = arith.constant 2 : i32
      %dma_start3A_949 = arith.constant 0 : i32
      %dma_start3A_950 = tpu.memref_slice %arg15[%dma_start3A_948, %dma_start3A_949] : memref<16x32xf32, #tpu.memory_space<vmem>> -> memref<1x32xf32, #tpu.memory_space<vmem>>
      %dma_start3A_951 = arith.constant 0 : i32
      %dma_start3A_952 = tpu.memref_slice %arg4[%reduce_sum3A_932, %dma_start3A_951] : memref<1000000x32xf32, #tpu.memory_space<hbm>> -> memref<1x32xf32, #tpu.memory_space<hbm>>
      tpu.enqueue_dma source(%dma_start3A_952 : memref<1x32xf32, #tpu.memory_space<hbm>>) target(%dma_start3A_950 : memref<1x32xf32, #tpu.memory_space<vmem>>) target_semaphore(%arg22 : memref<!tpu.dma_semaphore, #tpu.memory_space<semaphore_mem>>)
      %dma_start3A_953 = arith.constant 2 : i32
      %dma_start3A_954 = arith.constant 0 : i32
      %dma_start3A_955 = tpu.memref_slice %arg16[%dma_start3A_953, %dma_start3A_954] : memref<16x32xf32, #tpu.memory_space<vmem>> -> memref<1x32xf32, #tpu.memory_space<vmem>>
      %dma_start3A_956 = arith.constant 0 : i32
      %dma_start3A_957 = tpu.memref_slice %arg5[%reduce_sum3A_942, %dma_start3A_956] : memref<1000000x32xf32, #tpu.memory_space<hbm>> -> memref<1x32xf32, #tpu.memory_space<hbm>>
      %dma_start3A_958 = arith.constant 2 : i32
      %dma_start3A_959 = arith.constant 0 : i32
      %dma_start3A_960 = tpu.memref_slice %arg16[%dma_start3A_958, %dma_start3A_959] : memref<16x32xf32, #tpu.memory_space<vmem>> -> memref<1x32xf32, #tpu.memory_space<vmem>>
      %dma_start3A_961 = arith.constant 0 : i32
      %dma_start3A_962 = tpu.memref_slice %arg5[%reduce_sum3A_942, %dma_start3A_961] : memref<1000000x32xf32, #tpu.memory_space<hbm>> -> memref<1x32xf32, #tpu.memory_space<hbm>>
      tpu.enqueue_dma source(%dma_start3A_962 : memref<1x32xf32, #tpu.memory_space<hbm>>) target(%dma_start3A_960 : memref<1x32xf32, #tpu.memory_space<vmem>>) target_semaphore(%arg22 : memref<!tpu.dma_semaphore, #tpu.memory_space<semaphore_mem>>)
      %dma_start3A_963 = arith.constant 2 : i32
      %dma_start3A_964 = arith.constant 0 : i32
      %dma_start3A_965 = tpu.memref_slice %arg17[%dma_start3A_963, %dma_start3A_964] : memref<16x1xf32, #tpu.memory_space<vmem>> -> memref<1x1xf32, #tpu.memory_space<vmem>>
      %dma_start3A_966 = arith.constant 0 : i32
      %dma_start3A_967 = tpu.memref_slice %arg6[%reduce_sum3A_942, %dma_start3A_966] : memref<1000000x1xf32, #tpu.memory_space<hbm>> -> memref<1x1xf32, #tpu.memory_space<hbm>>
      %dma_start3A_968 = arith.constant 2 : i32
      %dma_start3A_969 = arith.constant 0 : i32
      %dma_start3A_970 = tpu.memref_slice %arg17[%dma_start3A_968, %dma_start3A_969] : memref<16x1xf32, #tpu.memory_space<vmem>> -> memref<1x1xf32, #tpu.memory_space<vmem>>
      %dma_start3A_971 = arith.constant 0 : i32
      %dma_start3A_972 = tpu.memref_slice %arg6[%reduce_sum3A_942, %dma_start3A_971] : memref<1000000x1xf32, #tpu.memory_space<hbm>> -> memref<1x1xf32, #tpu.memory_space<hbm>>
      tpu.enqueue_dma source(%dma_start3A_972 : memref<1x1xf32, #tpu.memory_space<hbm>>) target(%dma_start3A_970 : memref<1x1xf32, #tpu.memory_space<vmem>>) target_semaphore(%arg22 : memref<!tpu.dma_semaphore, #tpu.memory_space<semaphore_mem>>)
      %eq3A_973 = arith.constant 3 : i32
      %eq3A_974 = vector.broadcast %eq3A_973 : i32 to vector<16xi32>
      %eq3A_975 = arith.cmpi eq, %iota3A, %eq3A_974 : vector<16xi32>
      %jit3A_976 = arith.constant 0 : i32
      %broadcast_in_dim3A_977 = vector.broadcast %jit3A_976 : i32 to vector<16xi32>
      %select_n3A_978 = arith.select %eq3A_975, %get3A_818, %broadcast_in_dim3A_977 : vector<16xi1>, vector<16xi32>
      %reduce_sum3A_979 = arith.constant true
      %reduce_sum3A_980 = vector.broadcast %reduce_sum3A_979 : i1 to vector<16xi1>
      %reduce_sum3A_981 = tpu.scan <sum>, %select_n3A_978 masked %reduce_sum3A_980 : vector<16xi32>, vector<16xi1> -> vector<16xi32>
      %reduce_sum3A_982 = vector.extract %reduce_sum3A_981[15] : i32 from vector<16xi32>
      %eq3A_983 = arith.constant 3 : i32
      %eq3A_984 = vector.broadcast %eq3A_983 : i32 to vector<16xi32>
      %eq3A_985 = arith.cmpi eq, %iota3A, %eq3A_984 : vector<16xi32>
      %jit3A_986 = arith.constant 0 : i32
      %broadcast_in_dim3A_987 = vector.broadcast %jit3A_986 : i32 to vector<16xi32>
      %select_n3A_988 = arith.select %eq3A_985, %get3A_822, %broadcast_in_dim3A_987 : vector<16xi1>, vector<16xi32>
      %reduce_sum3A_989 = arith.constant true
      %reduce_sum3A_990 = vector.broadcast %reduce_sum3A_989 : i1 to vector<16xi1>
      %reduce_sum3A_991 = tpu.scan <sum>, %select_n3A_988 masked %reduce_sum3A_990 : vector<16xi32>, vector<16xi1> -> vector<16xi32>
      %reduce_sum3A_992 = vector.extract %reduce_sum3A_991[15] : i32 from vector<16xi32>
      %dma_start3A_993 = arith.constant 3 : i32
      %dma_start3A_994 = arith.constant 0 : i32
      %dma_start3A_995 = tpu.memref_slice %arg15[%dma_start3A_993, %dma_start3A_994] : memref<16x32xf32, #tpu.memory_space<vmem>> -> memref<1x32xf32, #tpu.memory_space<vmem>>
      %dma_start3A_996 = arith.constant 0 : i32
      %dma_start3A_997 = tpu.memref_slice %arg4[%reduce_sum3A_982, %dma_start3A_996] : memref<1000000x32xf32, #tpu.memory_space<hbm>> -> memref<1x32xf32, #tpu.memory_space<hbm>>
      %dma_start3A_998 = arith.constant 3 : i32
      %dma_start3A_999 = arith.constant 0 : i32
      %dma_start3A_1000 = tpu.memref_slice %arg15[%dma_start3A_998, %dma_start3A_999] : memref<16x32xf32, #tpu.memory_space<vmem>> -> memref<1x32xf32, #tpu.memory_space<vmem>>
      %dma_start3A_1001 = arith.constant 0 : i32
      %dma_start3A_1002 = tpu.memref_slice %arg4[%reduce_sum3A_982, %dma_start3A_1001] : memref<1000000x32xf32, #tpu.memory_space<hbm>> -> memref<1x32xf32, #tpu.memory_space<hbm>>
      tpu.enqueue_dma source(%dma_start3A_1002 : memref<1x32xf32, #tpu.memory_space<hbm>>) target(%dma_start3A_1000 : memref<1x32xf32, #tpu.memory_space<vmem>>) target_semaphore(%arg22 : memref<!tpu.dma_semaphore, #tpu.memory_space<semaphore_mem>>)
      %dma_start3A_1003 = arith.constant 3 : i32
      %dma_start3A_1004 = arith.constant 0 : i32
      %dma_start3A_1005 = tpu.memref_slice %arg16[%dma_start3A_1003, %dma_start3A_1004] : memref<16x32xf32, #tpu.memory_space<vmem>> -> memref<1x32xf32, #tpu.memory_space<vmem>>
      %dma_start3A_1006 = arith.constant 0 : i32
      %dma_start3A_1007 = tpu.memref_slice %arg5[%reduce_sum3A_992, %dma_start3A_1006] : memref<1000000x32xf32, #tpu.memory_space<hbm>> -> memref<1x32xf32, #tpu.memory_space<hbm>>
      %dma_start3A_1008 = arith.constant 3 : i32
      %dma_start3A_1009 = arith.constant 0 : i32
      %dma_start3A_1010 = tpu.memref_slice %arg16[%dma_start3A_1008, %dma_start3A_1009] : memref<16x32xf32, #tpu.memory_space<vmem>> -> memref<1x32xf32, #tpu.memory_space<vmem>>
      %dma_start3A_1011 = arith.constant 0 : i32
      %dma_start3A_1012 = tpu.memref_slice %arg5[%reduce_sum3A_992, %dma_start3A_1011] : memref<1000000x32xf32, #tpu.memory_space<hbm>> -> memref<1x32xf32, #tpu.memory_space<hbm>>
      tpu.enqueue_dma source(%dma_start3A_1012 : memref<1x32xf32, #tpu.memory_space<hbm>>) target(%dma_start3A_1010 : memref<1x32xf32, #tpu.memory_space<vmem>>) target_semaphore(%arg22 : memref<!tpu.dma_semaphore, #tpu.memory_space<semaphore_mem>>)
      %dma_start3A_1013 = arith.constant 3 : i32
      %dma_start3A_1014 = arith.constant 0 : i32
      %dma_start3A_1015 = tpu.memref_slice %arg17[%dma_start3A_1013, %dma_start3A_1014] : memref<16x1xf32, #tpu.memory_space<vmem>> -> memref<1x1xf32, #tpu.memory_space<vmem>>
      %dma_start3A_1016 = arith.constant 0 : i32
      %dma_start3A_1017 = tpu.memref_slice %arg6[%reduce_sum3A_992, %dma_start3A_1016] : memref<1000000x1xf32, #tpu.memory_space<hbm>> -> memref<1x1xf32, #tpu.memory_space<hbm>>
      %dma_start3A_1018 = arith.constant 3 : i32
      %dma_start3A_1019 = arith.constant 0 : i32
      %dma_start3A_1020 = tpu.memref_slice %arg17[%dma_start3A_1018, %dma_start3A_1019] : memref<16x1xf32, #tpu.memory_space<vmem>> -> memref<1x1xf32, #tpu.memory_space<vmem>>
      %dma_start3A_1021 = arith.constant 0 : i32
      %dma_start3A_1022 = tpu.memref_slice %arg6[%reduce_sum3A_992, %dma_start3A_1021] : memref<1000000x1xf32, #tpu.memory_space<hbm>> -> memref<1x1xf32, #tpu.memory_space<hbm>>
      tpu.enqueue_dma source(%dma_start3A_1022 : memref<1x1xf32, #tpu.memory_space<hbm>>) target(%dma_start3A_1020 : memref<1x1xf32, #tpu.memory_space<vmem>>) target_semaphore(%arg22 : memref<!tpu.dma_semaphore, #tpu.memory_space<semaphore_mem>>)
      %eq3A_1023 = arith.constant 4 : i32
      %eq3A_1024 = vector.broadcast %eq3A_1023 : i32 to vector<16xi32>
      %eq3A_1025 = arith.cmpi eq, %iota3A, %eq3A_1024 : vector<16xi32>
      %jit3A_1026 = arith.constant 0 : i32
      %broadcast_in_dim3A_1027 = vector.broadcast %jit3A_1026 : i32 to vector<16xi32>
      %select_n3A_1028 = arith.select %eq3A_1025, %get3A_818, %broadcast_in_dim3A_1027 : vector<16xi1>, vector<16xi32>
      %reduce_sum3A_1029 = arith.constant true
      %reduce_sum3A_1030 = vector.broadcast %reduce_sum3A_1029 : i1 to vector<16xi1>
      %reduce_sum3A_1031 = tpu.scan <sum>, %select_n3A_1028 masked %reduce_sum3A_1030 : vector<16xi32>, vector<16xi1> -> vector<16xi32>
      %reduce_sum3A_1032 = vector.extract %reduce_sum3A_1031[15] : i32 from vector<16xi32>
      %eq3A_1033 = arith.constant 4 : i32
      %eq3A_1034 = vector.broadcast %eq3A_1033 : i32 to vector<16xi32>
      %eq3A_1035 = arith.cmpi eq, %iota3A, %eq3A_1034 : vector<16xi32>
      %jit3A_1036 = arith.constant 0 : i32
      %broadcast_in_dim3A_1037 = vector.broadcast %jit3A_1036 : i32 to vector<16xi32>
      %select_n3A_1038 = arith.select %eq3A_1035, %get3A_822, %broadcast_in_dim3A_1037 : vector<16xi1>, vector<16xi32>
      %reduce_sum3A_1039 = arith.constant true
      %reduce_sum3A_1040 = vector.broadcast %reduce_sum3A_1039 : i1 to vector<16xi1>
      %reduce_sum3A_1041 = tpu.scan <sum>, %select_n3A_1038 masked %reduce_sum3A_1040 : vector<16xi32>, vector<16xi1> -> vector<16xi32>
      %reduce_sum3A_1042 = vector.extract %reduce_sum3A_1041[15] : i32 from vector<16xi32>
      %dma_start3A_1043 = arith.constant 4 : i32
      %dma_start3A_1044 = arith.constant 0 : i32
      %dma_start3A_1045 = tpu.memref_slice %arg15[%dma_start3A_1043, %dma_start3A_1044] : memref<16x32xf32, #tpu.memory_space<vmem>> -> memref<1x32xf32, #tpu.memory_space<vmem>>
      %dma_start3A_1046 = arith.constant 0 : i32
      %dma_start3A_1047 = tpu.memref_slice %arg4[%reduce_sum3A_1032, %dma_start3A_1046] : memref<1000000x32xf32, #tpu.memory_space<hbm>> -> memref<1x32xf32, #tpu.memory_space<hbm>>
      %dma_start3A_1048 = arith.constant 4 : i32
      %dma_start3A_1049 = arith.constant 0 : i32
      %dma_start3A_1050 = tpu.memref_slice %arg15[%dma_start3A_1048, %dma_start3A_1049] : memref<16x32xf32, #tpu.memory_space<vmem>> -> memref<1x32xf32, #tpu.memory_space<vmem>>
      %dma_start3A_1051 = arith.constant 0 : i32
      %dma_start3A_1052 = tpu.memref_slice %arg4[%reduce_sum3A_1032, %dma_start3A_1051] : memref<1000000x32xf32, #tpu.memory_space<hbm>> -> memref<1x32xf32, #tpu.memory_space<hbm>>
      tpu.enqueue_dma source(%dma_start3A_1052 : memref<1x32xf32, #tpu.memory_space<hbm>>) target(%dma_start3A_1050 : memref<1x32xf32, #tpu.memory_space<vmem>>) target_semaphore(%arg22 : memref<!tpu.dma_semaphore, #tpu.memory_space<semaphore_mem>>)
      %dma_start3A_1053 = arith.constant 4 : i32
      %dma_start3A_1054 = arith.constant 0 : i32
      %dma_start3A_1055 = tpu.memref_slice %arg16[%dma_start3A_1053, %dma_start3A_1054] : memref<16x32xf32, #tpu.memory_space<vmem>> -> memref<1x32xf32, #tpu.memory_space<vmem>>
      %dma_start3A_1056 = arith.constant 0 : i32
      %dma_start3A_1057 = tpu.memref_slice %arg5[%reduce_sum3A_1042, %dma_start3A_1056] : memref<1000000x32xf32, #tpu.memory_space<hbm>> -> memref<1x32xf32, #tpu.memory_space<hbm>>
      %dma_start3A_1058 = arith.constant 4 : i32
      %dma_start3A_1059 = arith.constant 0 : i32
      %dma_start3A_1060 = tpu.memref_slice %arg16[%dma_start3A_1058, %dma_start3A_1059] : memref<16x32xf32, #tpu.memory_space<vmem>> -> memref<1x32xf32, #tpu.memory_space<vmem>>
      %dma_start3A_1061 = arith.constant 0 : i32
      %dma_start3A_1062 = tpu.memref_slice %arg5[%reduce_sum3A_1042, %dma_start3A_1061] : memref<1000000x32xf32, #tpu.memory_space<hbm>> -> memref<1x32xf32, #tpu.memory_space<hbm>>
      tpu.enqueue_dma source(%dma_start3A_1062 : memref<1x32xf32, #tpu.memory_space<hbm>>) target(%dma_start3A_1060 : memref<1x32xf32, #tpu.memory_space<vmem>>) target_semaphore(%arg22 : memref<!tpu.dma_semaphore, #tpu.memory_space<semaphore_mem>>)
      %dma_start3A_1063 = arith.constant 4 : i32
      %dma_start3A_1064 = arith.constant 0 : i32
      %dma_start3A_1065 = tpu.memref_slice %arg17[%dma_start3A_1063, %dma_start3A_1064] : memref<16x1xf32, #tpu.memory_space<vmem>> -> memref<1x1xf32, #tpu.memory_space<vmem>>
      %dma_start3A_1066 = arith.constant 0 : i32
      %dma_start3A_1067 = tpu.memref_slice %arg6[%reduce_sum3A_1042, %dma_start3A_1066] : memref<1000000x1xf32, #tpu.memory_space<hbm>> -> memref<1x1xf32, #tpu.memory_space<hbm>>
      %dma_start3A_1068 = arith.constant 4 : i32
      %dma_start3A_1069 = arith.constant 0 : i32
      %dma_start3A_1070 = tpu.memref_slice %arg17[%dma_start3A_1068, %dma_start3A_1069] : memref<16x1xf32, #tpu.memory_space<vmem>> -> memref<1x1xf32, #tpu.memory_space<vmem>>
      %dma_start3A_1071 = arith.constant 0 : i32
      %dma_start3A_1072 = tpu.memref_slice %arg6[%reduce_sum3A_1042, %dma_start3A_1071] : memref<1000000x1xf32, #tpu.memory_space<hbm>> -> memref<1x1xf32, #tpu.memory_space<hbm>>
      tpu.enqueue_dma source(%dma_start3A_1072 : memref<1x1xf32, #tpu.memory_space<hbm>>) target(%dma_start3A_1070 : memref<1x1xf32, #tpu.memory_space<vmem>>) target_semaphore(%arg22 : memref<!tpu.dma_semaphore, #tpu.memory_space<semaphore_mem>>)
      %eq3A_1073 = arith.constant 5 : i32
      %eq3A_1074 = vector.broadcast %eq3A_1073 : i32 to vector<16xi32>
      %eq3A_1075 = arith.cmpi eq, %iota3A, %eq3A_1074 : vector<16xi32>
      %jit3A_1076 = arith.constant 0 : i32
      %broadcast_in_dim3A_1077 = vector.broadcast %jit3A_1076 : i32 to vector<16xi32>
      %select_n3A_1078 = arith.select %eq3A_1075, %get3A_818, %broadcast_in_dim3A_1077 : vector<16xi1>, vector<16xi32>
      %reduce_sum3A_1079 = arith.constant true
      %reduce_sum3A_1080 = vector.broadcast %reduce_sum3A_1079 : i1 to vector<16xi1>
      %reduce_sum3A_1081 = tpu.scan <sum>, %select_n3A_1078 masked %reduce_sum3A_1080 : vector<16xi32>, vector<16xi1> -> vector<16xi32>
      %reduce_sum3A_1082 = vector.extract %reduce_sum3A_1081[15] : i32 from vector<16xi32>
      %eq3A_1083 = arith.constant 5 : i32
      %eq3A_1084 = vector.broadcast %eq3A_1083 : i32 to vector<16xi32>
      %eq3A_1085 = arith.cmpi eq, %iota3A, %eq3A_1084 : vector<16xi32>
      %jit3A_1086 = arith.constant 0 : i32
      %broadcast_in_dim3A_1087 = vector.broadcast %jit3A_1086 : i32 to vector<16xi32>
      %select_n3A_1088 = arith.select %eq3A_1085, %get3A_822, %broadcast_in_dim3A_1087 : vector<16xi1>, vector<16xi32>
      %reduce_sum3A_1089 = arith.constant true
      %reduce_sum3A_1090 = vector.broadcast %reduce_sum3A_1089 : i1 to vector<16xi1>
      %reduce_sum3A_1091 = tpu.scan <sum>, %select_n3A_1088 masked %reduce_sum3A_1090 : vector<16xi32>, vector<16xi1> -> vector<16xi32>
      %reduce_sum3A_1092 = vector.extract %reduce_sum3A_1091[15] : i32 from vector<16xi32>
      %dma_start3A_1093 = arith.constant 5 : i32
      %dma_start3A_1094 = arith.constant 0 : i32
      %dma_start3A_1095 = tpu.memref_slice %arg15[%dma_start3A_1093, %dma_start3A_1094] : memref<16x32xf32, #tpu.memory_space<vmem>> -> memref<1x32xf32, #tpu.memory_space<vmem>>
      %dma_start3A_1096 = arith.constant 0 : i32
      %dma_start3A_1097 = tpu.memref_slice %arg4[%reduce_sum3A_1082, %dma_start3A_1096] : memref<1000000x32xf32, #tpu.memory_space<hbm>> -> memref<1x32xf32, #tpu.memory_space<hbm>>
      %dma_start3A_1098 = arith.constant 5 : i32
      %dma_start3A_1099 = arith.constant 0 : i32
      %dma_start3A_1100 = tpu.memref_slice %arg15[%dma_start3A_1098, %dma_start3A_1099] : memref<16x32xf32, #tpu.memory_space<vmem>> -> memref<1x32xf32, #tpu.memory_space<vmem>>
      %dma_start3A_1101 = arith.constant 0 : i32
      %dma_start3A_1102 = tpu.memref_slice %arg4[%reduce_sum3A_1082, %dma_start3A_1101] : memref<1000000x32xf32, #tpu.memory_space<hbm>> -> memref<1x32xf32, #tpu.memory_space<hbm>>
      tpu.enqueue_dma source(%dma_start3A_1102 : memref<1x32xf32, #tpu.memory_space<hbm>>) target(%dma_start3A_1100 : memref<1x32xf32, #tpu.memory_space<vmem>>) target_semaphore(%arg22 : memref<!tpu.dma_semaphore, #tpu.memory_space<semaphore_mem>>)
      %dma_start3A_1103 = arith.constant 5 : i32
      %dma_start3A_1104 = arith.constant 0 : i32
      %dma_start3A_1105 = tpu.memref_slice %arg16[%dma_start3A_1103, %dma_start3A_1104] : memref<16x32xf32, #tpu.memory_space<vmem>> -> memref<1x32xf32, #tpu.memory_space<vmem>>
      %dma_start3A_1106 = arith.constant 0 : i32
      %dma_start3A_1107 = tpu.memref_slice %arg5[%reduce_sum3A_1092, %dma_start3A_1106] : memref<1000000x32xf32, #tpu.memory_space<hbm>> -> memref<1x32xf32, #tpu.memory_space<hbm>>
      %dma_start3A_1108 = arith.constant 5 : i32
      %dma_start3A_1109 = arith.constant 0 : i32
      %dma_start3A_1110 = tpu.memref_slice %arg16[%dma_start3A_1108, %dma_start3A_1109] : memref<16x32xf32, #tpu.memory_space<vmem>> -> memref<1x32xf32, #tpu.memory_space<vmem>>
      %dma_start3A_1111 = arith.constant 0 : i32
      %dma_start3A_1112 = tpu.memref_slice %arg5[%reduce_sum3A_1092, %dma_start3A_1111] : memref<1000000x32xf32, #tpu.memory_space<hbm>> -> memref<1x32xf32, #tpu.memory_space<hbm>>
      tpu.enqueue_dma source(%dma_start3A_1112 : memref<1x32xf32, #tpu.memory_space<hbm>>) target(%dma_start3A_1110 : memref<1x32xf32, #tpu.memory_space<vmem>>) target_semaphore(%arg22 : memref<!tpu.dma_semaphore, #tpu.memory_space<semaphore_mem>>)
      %dma_start3A_1113 = arith.constant 5 : i32
      %dma_start3A_1114 = arith.constant 0 : i32
      %dma_start3A_1115 = tpu.memref_slice %arg17[%dma_start3A_1113, %dma_start3A_1114] : memref<16x1xf32, #tpu.memory_space<vmem>> -> memref<1x1xf32, #tpu.memory_space<vmem>>
      %dma_start3A_1116 = arith.constant 0 : i32
      %dma_start3A_1117 = tpu.memref_slice %arg6[%reduce_sum3A_1092, %dma_start3A_1116] : memref<1000000x1xf32, #tpu.memory_space<hbm>> -> memref<1x1xf32, #tpu.memory_space<hbm>>
      %dma_start3A_1118 = arith.constant 5 : i32
      %dma_start3A_1119 = arith.constant 0 : i32
      %dma_start3A_1120 = tpu.memref_slice %arg17[%dma_start3A_1118, %dma_start3A_1119] : memref<16x1xf32, #tpu.memory_space<vmem>> -> memref<1x1xf32, #tpu.memory_space<vmem>>
      %dma_start3A_1121 = arith.constant 0 : i32
      %dma_start3A_1122 = tpu.memref_slice %arg6[%reduce_sum3A_1092, %dma_start3A_1121] : memref<1000000x1xf32, #tpu.memory_space<hbm>> -> memref<1x1xf32, #tpu.memory_space<hbm>>
      tpu.enqueue_dma source(%dma_start3A_1122 : memref<1x1xf32, #tpu.memory_space<hbm>>) target(%dma_start3A_1120 : memref<1x1xf32, #tpu.memory_space<vmem>>) target_semaphore(%arg22 : memref<!tpu.dma_semaphore, #tpu.memory_space<semaphore_mem>>)
      %eq3A_1123 = arith.constant 6 : i32
      %eq3A_1124 = vector.broadcast %eq3A_1123 : i32 to vector<16xi32>
      %eq3A_1125 = arith.cmpi eq, %iota3A, %eq3A_1124 : vector<16xi32>
      %jit3A_1126 = arith.constant 0 : i32
      %broadcast_in_dim3A_1127 = vector.broadcast %jit3A_1126 : i32 to vector<16xi32>
      %select_n3A_1128 = arith.select %eq3A_1125, %get3A_818, %broadcast_in_dim3A_1127 : vector<16xi1>, vector<16xi32>
      %reduce_sum3A_1129 = arith.constant true
      %reduce_sum3A_1130 = vector.broadcast %reduce_sum3A_1129 : i1 to vector<16xi1>
      %reduce_sum3A_1131 = tpu.scan <sum>, %select_n3A_1128 masked %reduce_sum3A_1130 : vector<16xi32>, vector<16xi1> -> vector<16xi32>
      %reduce_sum3A_1132 = vector.extract %reduce_sum3A_1131[15] : i32 from vector<16xi32>
      %eq3A_1133 = arith.constant 6 : i32
      %eq3A_1134 = vector.broadcast %eq3A_1133 : i32 to vector<16xi32>
      %eq3A_1135 = arith.cmpi eq, %iota3A, %eq3A_1134 : vector<16xi32>
      %jit3A_1136 = arith.constant 0 : i32
      %broadcast_in_dim3A_1137 = vector.broadcast %jit3A_1136 : i32 to vector<16xi32>
      %select_n3A_1138 = arith.select %eq3A_1135, %get3A_822, %broadcast_in_dim3A_1137 : vector<16xi1>, vector<16xi32>
      %reduce_sum3A_1139 = arith.constant true
      %reduce_sum3A_1140 = vector.broadcast %reduce_sum3A_1139 : i1 to vector<16xi1>
      %reduce_sum3A_1141 = tpu.scan <sum>, %select_n3A_1138 masked %reduce_sum3A_1140 : vector<16xi32>, vector<16xi1> -> vector<16xi32>
      %reduce_sum3A_1142 = vector.extract %reduce_sum3A_1141[15] : i32 from vector<16xi32>
      %dma_start3A_1143 = arith.constant 6 : i32
      %dma_start3A_1144 = arith.constant 0 : i32
      %dma_start3A_1145 = tpu.memref_slice %arg15[%dma_start3A_1143, %dma_start3A_1144] : memref<16x32xf32, #tpu.memory_space<vmem>> -> memref<1x32xf32, #tpu.memory_space<vmem>>
      %dma_start3A_1146 = arith.constant 0 : i32
      %dma_start3A_1147 = tpu.memref_slice %arg4[%reduce_sum3A_1132, %dma_start3A_1146] : memref<1000000x32xf32, #tpu.memory_space<hbm>> -> memref<1x32xf32, #tpu.memory_space<hbm>>
      %dma_start3A_1148 = arith.constant 6 : i32
      %dma_start3A_1149 = arith.constant 0 : i32
      %dma_start3A_1150 = tpu.memref_slice %arg15[%dma_start3A_1148, %dma_start3A_1149] : memref<16x32xf32, #tpu.memory_space<vmem>> -> memref<1x32xf32, #tpu.memory_space<vmem>>
      %dma_start3A_1151 = arith.constant 0 : i32
      %dma_start3A_1152 = tpu.memref_slice %arg4[%reduce_sum3A_1132, %dma_start3A_1151] : memref<1000000x32xf32, #tpu.memory_space<hbm>> -> memref<1x32xf32, #tpu.memory_space<hbm>>
      tpu.enqueue_dma source(%dma_start3A_1152 : memref<1x32xf32, #tpu.memory_space<hbm>>) target(%dma_start3A_1150 : memref<1x32xf32, #tpu.memory_space<vmem>>) target_semaphore(%arg22 : memref<!tpu.dma_semaphore, #tpu.memory_space<semaphore_mem>>)
      %dma_start3A_1153 = arith.constant 6 : i32
      %dma_start3A_1154 = arith.constant 0 : i32
      %dma_start3A_1155 = tpu.memref_slice %arg16[%dma_start3A_1153, %dma_start3A_1154] : memref<16x32xf32, #tpu.memory_space<vmem>> -> memref<1x32xf32, #tpu.memory_space<vmem>>
      %dma_start3A_1156 = arith.constant 0 : i32
      %dma_start3A_1157 = tpu.memref_slice %arg5[%reduce_sum3A_1142, %dma_start3A_1156] : memref<1000000x32xf32, #tpu.memory_space<hbm>> -> memref<1x32xf32, #tpu.memory_space<hbm>>
      %dma_start3A_1158 = arith.constant 6 : i32
      %dma_start3A_1159 = arith.constant 0 : i32
      %dma_start3A_1160 = tpu.memref_slice %arg16[%dma_start3A_1158, %dma_start3A_1159] : memref<16x32xf32, #tpu.memory_space<vmem>> -> memref<1x32xf32, #tpu.memory_space<vmem>>
      %dma_start3A_1161 = arith.constant 0 : i32
      %dma_start3A_1162 = tpu.memref_slice %arg5[%reduce_sum3A_1142, %dma_start3A_1161] : memref<1000000x32xf32, #tpu.memory_space<hbm>> -> memref<1x32xf32, #tpu.memory_space<hbm>>
      tpu.enqueue_dma source(%dma_start3A_1162 : memref<1x32xf32, #tpu.memory_space<hbm>>) target(%dma_start3A_1160 : memref<1x32xf32, #tpu.memory_space<vmem>>) target_semaphore(%arg22 : memref<!tpu.dma_semaphore, #tpu.memory_space<semaphore_mem>>)
      %dma_start3A_1163 = arith.constant 6 : i32
      %dma_start3A_1164 = arith.constant 0 : i32
      %dma_start3A_1165 = tpu.memref_slice %arg17[%dma_start3A_1163, %dma_start3A_1164] : memref<16x1xf32, #tpu.memory_space<vmem>> -> memref<1x1xf32, #tpu.memory_space<vmem>>
      %dma_start3A_1166 = arith.constant 0 : i32
      %dma_start3A_1167 = tpu.memref_slice %arg6[%reduce_sum3A_1142, %dma_start3A_1166] : memref<1000000x1xf32, #tpu.memory_space<hbm>> -> memref<1x1xf32, #tpu.memory_space<hbm>>
      %dma_start3A_1168 = arith.constant 6 : i32
      %dma_start3A_1169 = arith.constant 0 : i32
      %dma_start3A_1170 = tpu.memref_slice %arg17[%dma_start3A_1168, %dma_start3A_1169] : memref<16x1xf32, #tpu.memory_space<vmem>> -> memref<1x1xf32, #tpu.memory_space<vmem>>
      %dma_start3A_1171 = arith.constant 0 : i32
      %dma_start3A_1172 = tpu.memref_slice %arg6[%reduce_sum3A_1142, %dma_start3A_1171] : memref<1000000x1xf32, #tpu.memory_space<hbm>> -> memref<1x1xf32, #tpu.memory_space<hbm>>
      tpu.enqueue_dma source(%dma_start3A_1172 : memref<1x1xf32, #tpu.memory_space<hbm>>) target(%dma_start3A_1170 : memref<1x1xf32, #tpu.memory_space<vmem>>) target_semaphore(%arg22 : memref<!tpu.dma_semaphore, #tpu.memory_space<semaphore_mem>>)
      %eq3A_1173 = arith.constant 7 : i32
      %eq3A_1174 = vector.broadcast %eq3A_1173 : i32 to vector<16xi32>
      %eq3A_1175 = arith.cmpi eq, %iota3A, %eq3A_1174 : vector<16xi32>
      %jit3A_1176 = arith.constant 0 : i32
      %broadcast_in_dim3A_1177 = vector.broadcast %jit3A_1176 : i32 to vector<16xi32>
      %select_n3A_1178 = arith.select %eq3A_1175, %get3A_818, %broadcast_in_dim3A_1177 : vector<16xi1>, vector<16xi32>
      %reduce_sum3A_1179 = arith.constant true
      %reduce_sum3A_1180 = vector.broadcast %reduce_sum3A_1179 : i1 to vector<16xi1>
      %reduce_sum3A_1181 = tpu.scan <sum>, %select_n3A_1178 masked %reduce_sum3A_1180 : vector<16xi32>, vector<16xi1> -> vector<16xi32>
      %reduce_sum3A_1182 = vector.extract %reduce_sum3A_1181[15] : i32 from vector<16xi32>
      %eq3A_1183 = arith.constant 7 : i32
      %eq3A_1184 = vector.broadcast %eq3A_1183 : i32 to vector<16xi32>
      %eq3A_1185 = arith.cmpi eq, %iota3A, %eq3A_1184 : vector<16xi32>
      %jit3A_1186 = arith.constant 0 : i32
      %broadcast_in_dim3A_1187 = vector.broadcast %jit3A_1186 : i32 to vector<16xi32>
      %select_n3A_1188 = arith.select %eq3A_1185, %get3A_822, %broadcast_in_dim3A_1187 : vector<16xi1>, vector<16xi32>
      %reduce_sum3A_1189 = arith.constant true
      %reduce_sum3A_1190 = vector.broadcast %reduce_sum3A_1189 : i1 to vector<16xi1>
      %reduce_sum3A_1191 = tpu.scan <sum>, %select_n3A_1188 masked %reduce_sum3A_1190 : vector<16xi32>, vector<16xi1> -> vector<16xi32>
      %reduce_sum3A_1192 = vector.extract %reduce_sum3A_1191[15] : i32 from vector<16xi32>
      %dma_start3A_1193 = arith.constant 7 : i32
      %dma_start3A_1194 = arith.constant 0 : i32
      %dma_start3A_1195 = tpu.memref_slice %arg15[%dma_start3A_1193, %dma_start3A_1194] : memref<16x32xf32, #tpu.memory_space<vmem>> -> memref<1x32xf32, #tpu.memory_space<vmem>>
      %dma_start3A_1196 = arith.constant 0 : i32
      %dma_start3A_1197 = tpu.memref_slice %arg4[%reduce_sum3A_1182, %dma_start3A_1196] : memref<1000000x32xf32, #tpu.memory_space<hbm>> -> memref<1x32xf32, #tpu.memory_space<hbm>>
      %dma_start3A_1198 = arith.constant 7 : i32
      %dma_start3A_1199 = arith.constant 0 : i32
      %dma_start3A_1200 = tpu.memref_slice %arg15[%dma_start3A_1198, %dma_start3A_1199] : memref<16x32xf32, #tpu.memory_space<vmem>> -> memref<1x32xf32, #tpu.memory_space<vmem>>
      %dma_start3A_1201 = arith.constant 0 : i32
      %dma_start3A_1202 = tpu.memref_slice %arg4[%reduce_sum3A_1182, %dma_start3A_1201] : memref<1000000x32xf32, #tpu.memory_space<hbm>> -> memref<1x32xf32, #tpu.memory_space<hbm>>
      tpu.enqueue_dma source(%dma_start3A_1202 : memref<1x32xf32, #tpu.memory_space<hbm>>) target(%dma_start3A_1200 : memref<1x32xf32, #tpu.memory_space<vmem>>) target_semaphore(%arg22 : memref<!tpu.dma_semaphore, #tpu.memory_space<semaphore_mem>>)
      %dma_start3A_1203 = arith.constant 7 : i32
      %dma_start3A_1204 = arith.constant 0 : i32
      %dma_start3A_1205 = tpu.memref_slice %arg16[%dma_start3A_1203, %dma_start3A_1204] : memref<16x32xf32, #tpu.memory_space<vmem>> -> memref<1x32xf32, #tpu.memory_space<vmem>>
      %dma_start3A_1206 = arith.constant 0 : i32
      %dma_start3A_1207 = tpu.memref_slice %arg5[%reduce_sum3A_1192, %dma_start3A_1206] : memref<1000000x32xf32, #tpu.memory_space<hbm>> -> memref<1x32xf32, #tpu.memory_space<hbm>>
      %dma_start3A_1208 = arith.constant 7 : i32
      %dma_start3A_1209 = arith.constant 0 : i32
      %dma_start3A_1210 = tpu.memref_slice %arg16[%dma_start3A_1208, %dma_start3A_1209] : memref<16x32xf32, #tpu.memory_space<vmem>> -> memref<1x32xf32, #tpu.memory_space<vmem>>
      %dma_start3A_1211 = arith.constant 0 : i32
      %dma_start3A_1212 = tpu.memref_slice %arg5[%reduce_sum3A_1192, %dma_start3A_1211] : memref<1000000x32xf32, #tpu.memory_space<hbm>> -> memref<1x32xf32, #tpu.memory_space<hbm>>
      tpu.enqueue_dma source(%dma_start3A_1212 : memref<1x32xf32, #tpu.memory_space<hbm>>) target(%dma_start3A_1210 : memref<1x32xf32, #tpu.memory_space<vmem>>) target_semaphore(%arg22 : memref<!tpu.dma_semaphore, #tpu.memory_space<semaphore_mem>>)
      %dma_start3A_1213 = arith.constant 7 : i32
      %dma_start3A_1214 = arith.constant 0 : i32
      %dma_start3A_1215 = tpu.memref_slice %arg17[%dma_start3A_1213, %dma_start3A_1214] : memref<16x1xf32, #tpu.memory_space<vmem>> -> memref<1x1xf32, #tpu.memory_space<vmem>>
      %dma_start3A_1216 = arith.constant 0 : i32
      %dma_start3A_1217 = tpu.memref_slice %arg6[%reduce_sum3A_1192, %dma_start3A_1216] : memref<1000000x1xf32, #tpu.memory_space<hbm>> -> memref<1x1xf32, #tpu.memory_space<hbm>>
      %dma_start3A_1218 = arith.constant 7 : i32
      %dma_start3A_1219 = arith.constant 0 : i32
      %dma_start3A_1220 = tpu.memref_slice %arg17[%dma_start3A_1218, %dma_start3A_1219] : memref<16x1xf32, #tpu.memory_space<vmem>> -> memref<1x1xf32, #tpu.memory_space<vmem>>
      %dma_start3A_1221 = arith.constant 0 : i32
      %dma_start3A_1222 = tpu.memref_slice %arg6[%reduce_sum3A_1192, %dma_start3A_1221] : memref<1000000x1xf32, #tpu.memory_space<hbm>> -> memref<1x1xf32, #tpu.memory_space<hbm>>
      tpu.enqueue_dma source(%dma_start3A_1222 : memref<1x1xf32, #tpu.memory_space<hbm>>) target(%dma_start3A_1220 : memref<1x1xf32, #tpu.memory_space<vmem>>) target_semaphore(%arg22 : memref<!tpu.dma_semaphore, #tpu.memory_space<semaphore_mem>>)
      %eq3A_1223 = arith.constant 8 : i32
      %eq3A_1224 = vector.broadcast %eq3A_1223 : i32 to vector<16xi32>
      %eq3A_1225 = arith.cmpi eq, %iota3A, %eq3A_1224 : vector<16xi32>
      %jit3A_1226 = arith.constant 0 : i32
      %broadcast_in_dim3A_1227 = vector.broadcast %jit3A_1226 : i32 to vector<16xi32>
      %select_n3A_1228 = arith.select %eq3A_1225, %get3A_818, %broadcast_in_dim3A_1227 : vector<16xi1>, vector<16xi32>
      %reduce_sum3A_1229 = arith.constant true
      %reduce_sum3A_1230 = vector.broadcast %reduce_sum3A_1229 : i1 to vector<16xi1>
      %reduce_sum3A_1231 = tpu.scan <sum>, %select_n3A_1228 masked %reduce_sum3A_1230 : vector<16xi32>, vector<16xi1> -> vector<16xi32>
      %reduce_sum3A_1232 = vector.extract %reduce_sum3A_1231[15] : i32 from vector<16xi32>
      %eq3A_1233 = arith.constant 8 : i32
      %eq3A_1234 = vector.broadcast %eq3A_1233 : i32 to vector<16xi32>
      %eq3A_1235 = arith.cmpi eq, %iota3A, %eq3A_1234 : vector<16xi32>
      %jit3A_1236 = arith.constant 0 : i32
      %broadcast_in_dim3A_1237 = vector.broadcast %jit3A_1236 : i32 to vector<16xi32>
      %select_n3A_1238 = arith.select %eq3A_1235, %get3A_822, %broadcast_in_dim3A_1237 : vector<16xi1>, vector<16xi32>
      %reduce_sum3A_1239 = arith.constant true
      %reduce_sum3A_1240 = vector.broadcast %reduce_sum3A_1239 : i1 to vector<16xi1>
      %reduce_sum3A_1241 = tpu.scan <sum>, %select_n3A_1238 masked %reduce_sum3A_1240 : vector<16xi32>, vector<16xi1> -> vector<16xi32>
      %reduce_sum3A_1242 = vector.extract %reduce_sum3A_1241[15] : i32 from vector<16xi32>
      %dma_start3A_1243 = arith.constant 8 : i32
      %dma_start3A_1244 = arith.constant 0 : i32
      %dma_start3A_1245 = tpu.memref_slice %arg15[%dma_start3A_1243, %dma_start3A_1244] : memref<16x32xf32, #tpu.memory_space<vmem>> -> memref<1x32xf32, #tpu.memory_space<vmem>>
      %dma_start3A_1246 = arith.constant 0 : i32
      %dma_start3A_1247 = tpu.memref_slice %arg4[%reduce_sum3A_1232, %dma_start3A_1246] : memref<1000000x32xf32, #tpu.memory_space<hbm>> -> memref<1x32xf32, #tpu.memory_space<hbm>>
      %dma_start3A_1248 = arith.constant 8 : i32
      %dma_start3A_1249 = arith.constant 0 : i32
      %dma_start3A_1250 = tpu.memref_slice %arg15[%dma_start3A_1248, %dma_start3A_1249] : memref<16x32xf32, #tpu.memory_space<vmem>> -> memref<1x32xf32, #tpu.memory_space<vmem>>
      %dma_start3A_1251 = arith.constant 0 : i32
      %dma_start3A_1252 = tpu.memref_slice %arg4[%reduce_sum3A_1232, %dma_start3A_1251] : memref<1000000x32xf32, #tpu.memory_space<hbm>> -> memref<1x32xf32, #tpu.memory_space<hbm>>
      tpu.enqueue_dma source(%dma_start3A_1252 : memref<1x32xf32, #tpu.memory_space<hbm>>) target(%dma_start3A_1250 : memref<1x32xf32, #tpu.memory_space<vmem>>) target_semaphore(%arg22 : memref<!tpu.dma_semaphore, #tpu.memory_space<semaphore_mem>>)
      %dma_start3A_1253 = arith.constant 8 : i32
      %dma_start3A_1254 = arith.constant 0 : i32
      %dma_start3A_1255 = tpu.memref_slice %arg16[%dma_start3A_1253, %dma_start3A_1254] : memref<16x32xf32, #tpu.memory_space<vmem>> -> memref<1x32xf32, #tpu.memory_space<vmem>>
      %dma_start3A_1256 = arith.constant 0 : i32
      %dma_start3A_1257 = tpu.memref_slice %arg5[%reduce_sum3A_1242, %dma_start3A_1256] : memref<1000000x32xf32, #tpu.memory_space<hbm>> -> memref<1x32xf32, #tpu.memory_space<hbm>>
      %dma_start3A_1258 = arith.constant 8 : i32
      %dma_start3A_1259 = arith.constant 0 : i32
      %dma_start3A_1260 = tpu.memref_slice %arg16[%dma_start3A_1258, %dma_start3A_1259] : memref<16x32xf32, #tpu.memory_space<vmem>> -> memref<1x32xf32, #tpu.memory_space<vmem>>
      %dma_start3A_1261 = arith.constant 0 : i32
      %dma_start3A_1262 = tpu.memref_slice %arg5[%reduce_sum3A_1242, %dma_start3A_1261] : memref<1000000x32xf32, #tpu.memory_space<hbm>> -> memref<1x32xf32, #tpu.memory_space<hbm>>
      tpu.enqueue_dma source(%dma_start3A_1262 : memref<1x32xf32, #tpu.memory_space<hbm>>) target(%dma_start3A_1260 : memref<1x32xf32, #tpu.memory_space<vmem>>) target_semaphore(%arg22 : memref<!tpu.dma_semaphore, #tpu.memory_space<semaphore_mem>>)
      %dma_start3A_1263 = arith.constant 8 : i32
      %dma_start3A_1264 = arith.constant 0 : i32
      %dma_start3A_1265 = tpu.memref_slice %arg17[%dma_start3A_1263, %dma_start3A_1264] : memref<16x1xf32, #tpu.memory_space<vmem>> -> memref<1x1xf32, #tpu.memory_space<vmem>>
      %dma_start3A_1266 = arith.constant 0 : i32
      %dma_start3A_1267 = tpu.memref_slice %arg6[%reduce_sum3A_1242, %dma_start3A_1266] : memref<1000000x1xf32, #tpu.memory_space<hbm>> -> memref<1x1xf32, #tpu.memory_space<hbm>>
      %dma_start3A_1268 = arith.constant 8 : i32
      %dma_start3A_1269 = arith.constant 0 : i32
      %dma_start3A_1270 = tpu.memref_slice %arg17[%dma_start3A_1268, %dma_start3A_1269] : memref<16x1xf32, #tpu.memory_space<vmem>> -> memref<1x1xf32, #tpu.memory_space<vmem>>
      %dma_start3A_1271 = arith.constant 0 : i32
      %dma_start3A_1272 = tpu.memref_slice %arg6[%reduce_sum3A_1242, %dma_start3A_1271] : memref<1000000x1xf32, #tpu.memory_space<hbm>> -> memref<1x1xf32, #tpu.memory_space<hbm>>
      tpu.enqueue_dma source(%dma_start3A_1272 : memref<1x1xf32, #tpu.memory_space<hbm>>) target(%dma_start3A_1270 : memref<1x1xf32, #tpu.memory_space<vmem>>) target_semaphore(%arg22 : memref<!tpu.dma_semaphore, #tpu.memory_space<semaphore_mem>>)
      %eq3A_1273 = arith.constant 9 : i32
      %eq3A_1274 = vector.broadcast %eq3A_1273 : i32 to vector<16xi32>
      %eq3A_1275 = arith.cmpi eq, %iota3A, %eq3A_1274 : vector<16xi32>
      %jit3A_1276 = arith.constant 0 : i32
      %broadcast_in_dim3A_1277 = vector.broadcast %jit3A_1276 : i32 to vector<16xi32>
      %select_n3A_1278 = arith.select %eq3A_1275, %get3A_818, %broadcast_in_dim3A_1277 : vector<16xi1>, vector<16xi32>
      %reduce_sum3A_1279 = arith.constant true
      %reduce_sum3A_1280 = vector.broadcast %reduce_sum3A_1279 : i1 to vector<16xi1>
      %reduce_sum3A_1281 = tpu.scan <sum>, %select_n3A_1278 masked %reduce_sum3A_1280 : vector<16xi32>, vector<16xi1> -> vector<16xi32>
      %reduce_sum3A_1282 = vector.extract %reduce_sum3A_1281[15] : i32 from vector<16xi32>
      %eq3A_1283 = arith.constant 9 : i32
      %eq3A_1284 = vector.broadcast %eq3A_1283 : i32 to vector<16xi32>
      %eq3A_1285 = arith.cmpi eq, %iota3A, %eq3A_1284 : vector<16xi32>
      %jit3A_1286 = arith.constant 0 : i32
      %broadcast_in_dim3A_1287 = vector.broadcast %jit3A_1286 : i32 to vector<16xi32>
      %select_n3A_1288 = arith.select %eq3A_1285, %get3A_822, %broadcast_in_dim3A_1287 : vector<16xi1>, vector<16xi32>
      %reduce_sum3A_1289 = arith.constant true
      %reduce_sum3A_1290 = vector.broadcast %reduce_sum3A_1289 : i1 to vector<16xi1>
      %reduce_sum3A_1291 = tpu.scan <sum>, %select_n3A_1288 masked %reduce_sum3A_1290 : vector<16xi32>, vector<16xi1> -> vector<16xi32>
      %reduce_sum3A_1292 = vector.extract %reduce_sum3A_1291[15] : i32 from vector<16xi32>
      %dma_start3A_1293 = arith.constant 9 : i32
      %dma_start3A_1294 = arith.constant 0 : i32
      %dma_start3A_1295 = tpu.memref_slice %arg15[%dma_start3A_1293, %dma_start3A_1294] : memref<16x32xf32, #tpu.memory_space<vmem>> -> memref<1x32xf32, #tpu.memory_space<vmem>>
      %dma_start3A_1296 = arith.constant 0 : i32
      %dma_start3A_1297 = tpu.memref_slice %arg4[%reduce_sum3A_1282, %dma_start3A_1296] : memref<1000000x32xf32, #tpu.memory_space<hbm>> -> memref<1x32xf32, #tpu.memory_space<hbm>>
      %dma_start3A_1298 = arith.constant 9 : i32
      %dma_start3A_1299 = arith.constant 0 : i32
      %dma_start3A_1300 = tpu.memref_slice %arg15[%dma_start3A_1298, %dma_start3A_1299] : memref<16x32xf32, #tpu.memory_space<vmem>> -> memref<1x32xf32, #tpu.memory_space<vmem>>
      %dma_start3A_1301 = arith.constant 0 : i32
      %dma_start3A_1302 = tpu.memref_slice %arg4[%reduce_sum3A_1282, %dma_start3A_1301] : memref<1000000x32xf32, #tpu.memory_space<hbm>> -> memref<1x32xf32, #tpu.memory_space<hbm>>
      tpu.enqueue_dma source(%dma_start3A_1302 : memref<1x32xf32, #tpu.memory_space<hbm>>) target(%dma_start3A_1300 : memref<1x32xf32, #tpu.memory_space<vmem>>) target_semaphore(%arg22 : memref<!tpu.dma_semaphore, #tpu.memory_space<semaphore_mem>>)
      %dma_start3A_1303 = arith.constant 9 : i32
      %dma_start3A_1304 = arith.constant 0 : i32
      %dma_start3A_1305 = tpu.memref_slice %arg16[%dma_start3A_1303, %dma_start3A_1304] : memref<16x32xf32, #tpu.memory_space<vmem>> -> memref<1x32xf32, #tpu.memory_space<vmem>>
      %dma_start3A_1306 = arith.constant 0 : i32
      %dma_start3A_1307 = tpu.memref_slice %arg5[%reduce_sum3A_1292, %dma_start3A_1306] : memref<1000000x32xf32, #tpu.memory_space<hbm>> -> memref<1x32xf32, #tpu.memory_space<hbm>>
      %dma_start3A_1308 = arith.constant 9 : i32
      %dma_start3A_1309 = arith.constant 0 : i32
      %dma_start3A_1310 = tpu.memref_slice %arg16[%dma_start3A_1308, %dma_start3A_1309] : memref<16x32xf32, #tpu.memory_space<vmem>> -> memref<1x32xf32, #tpu.memory_space<vmem>>
      %dma_start3A_1311 = arith.constant 0 : i32
      %dma_start3A_1312 = tpu.memref_slice %arg5[%reduce_sum3A_1292, %dma_start3A_1311] : memref<1000000x32xf32, #tpu.memory_space<hbm>> -> memref<1x32xf32, #tpu.memory_space<hbm>>
      tpu.enqueue_dma source(%dma_start3A_1312 : memref<1x32xf32, #tpu.memory_space<hbm>>) target(%dma_start3A_1310 : memref<1x32xf32, #tpu.memory_space<vmem>>) target_semaphore(%arg22 : memref<!tpu.dma_semaphore, #tpu.memory_space<semaphore_mem>>)
      %dma_start3A_1313 = arith.constant 9 : i32
      %dma_start3A_1314 = arith.constant 0 : i32
      %dma_start3A_1315 = tpu.memref_slice %arg17[%dma_start3A_1313, %dma_start3A_1314] : memref<16x1xf32, #tpu.memory_space<vmem>> -> memref<1x1xf32, #tpu.memory_space<vmem>>
      %dma_start3A_1316 = arith.constant 0 : i32
      %dma_start3A_1317 = tpu.memref_slice %arg6[%reduce_sum3A_1292, %dma_start3A_1316] : memref<1000000x1xf32, #tpu.memory_space<hbm>> -> memref<1x1xf32, #tpu.memory_space<hbm>>
      %dma_start3A_1318 = arith.constant 9 : i32
      %dma_start3A_1319 = arith.constant 0 : i32
      %dma_start3A_1320 = tpu.memref_slice %arg17[%dma_start3A_1318, %dma_start3A_1319] : memref<16x1xf32, #tpu.memory_space<vmem>> -> memref<1x1xf32, #tpu.memory_space<vmem>>
      %dma_start3A_1321 = arith.constant 0 : i32
      %dma_start3A_1322 = tpu.memref_slice %arg6[%reduce_sum3A_1292, %dma_start3A_1321] : memref<1000000x1xf32, #tpu.memory_space<hbm>> -> memref<1x1xf32, #tpu.memory_space<hbm>>
      tpu.enqueue_dma source(%dma_start3A_1322 : memref<1x1xf32, #tpu.memory_space<hbm>>) target(%dma_start3A_1320 : memref<1x1xf32, #tpu.memory_space<vmem>>) target_semaphore(%arg22 : memref<!tpu.dma_semaphore, #tpu.memory_space<semaphore_mem>>)
      %eq3A_1323 = arith.constant 10 : i32
      %eq3A_1324 = vector.broadcast %eq3A_1323 : i32 to vector<16xi32>
      %eq3A_1325 = arith.cmpi eq, %iota3A, %eq3A_1324 : vector<16xi32>
      %jit3A_1326 = arith.constant 0 : i32
      %broadcast_in_dim3A_1327 = vector.broadcast %jit3A_1326 : i32 to vector<16xi32>
      %select_n3A_1328 = arith.select %eq3A_1325, %get3A_818, %broadcast_in_dim3A_1327 : vector<16xi1>, vector<16xi32>
      %reduce_sum3A_1329 = arith.constant true
      %reduce_sum3A_1330 = vector.broadcast %reduce_sum3A_1329 : i1 to vector<16xi1>
      %reduce_sum3A_1331 = tpu.scan <sum>, %select_n3A_1328 masked %reduce_sum3A_1330 : vector<16xi32>, vector<16xi1> -> vector<16xi32>
      %reduce_sum3A_1332 = vector.extract %reduce_sum3A_1331[15] : i32 from vector<16xi32>
      %eq3A_1333 = arith.constant 10 : i32
      %eq3A_1334 = vector.broadcast %eq3A_1333 : i32 to vector<16xi32>
      %eq3A_1335 = arith.cmpi eq, %iota3A, %eq3A_1334 : vector<16xi32>
      %jit3A_1336 = arith.constant 0 : i32
      %broadcast_in_dim3A_1337 = vector.broadcast %jit3A_1336 : i32 to vector<16xi32>
      %select_n3A_1338 = arith.select %eq3A_1335, %get3A_822, %broadcast_in_dim3A_1337 : vector<16xi1>, vector<16xi32>
      %reduce_sum3A_1339 = arith.constant true
      %reduce_sum3A_1340 = vector.broadcast %reduce_sum3A_1339 : i1 to vector<16xi1>
      %reduce_sum3A_1341 = tpu.scan <sum>, %select_n3A_1338 masked %reduce_sum3A_1340 : vector<16xi32>, vector<16xi1> -> vector<16xi32>
      %reduce_sum3A_1342 = vector.extract %reduce_sum3A_1341[15] : i32 from vector<16xi32>
      %dma_start3A_1343 = arith.constant 10 : i32
      %dma_start3A_1344 = arith.constant 0 : i32
      %dma_start3A_1345 = tpu.memref_slice %arg15[%dma_start3A_1343, %dma_start3A_1344] : memref<16x32xf32, #tpu.memory_space<vmem>> -> memref<1x32xf32, #tpu.memory_space<vmem>>
      %dma_start3A_1346 = arith.constant 0 : i32
      %dma_start3A_1347 = tpu.memref_slice %arg4[%reduce_sum3A_1332, %dma_start3A_1346] : memref<1000000x32xf32, #tpu.memory_space<hbm>> -> memref<1x32xf32, #tpu.memory_space<hbm>>
      %dma_start3A_1348 = arith.constant 10 : i32
      %dma_start3A_1349 = arith.constant 0 : i32
      %dma_start3A_1350 = tpu.memref_slice %arg15[%dma_start3A_1348, %dma_start3A_1349] : memref<16x32xf32, #tpu.memory_space<vmem>> -> memref<1x32xf32, #tpu.memory_space<vmem>>
      %dma_start3A_1351 = arith.constant 0 : i32
      %dma_start3A_1352 = tpu.memref_slice %arg4[%reduce_sum3A_1332, %dma_start3A_1351] : memref<1000000x32xf32, #tpu.memory_space<hbm>> -> memref<1x32xf32, #tpu.memory_space<hbm>>
      tpu.enqueue_dma source(%dma_start3A_1352 : memref<1x32xf32, #tpu.memory_space<hbm>>) target(%dma_start3A_1350 : memref<1x32xf32, #tpu.memory_space<vmem>>) target_semaphore(%arg22 : memref<!tpu.dma_semaphore, #tpu.memory_space<semaphore_mem>>)
      %dma_start3A_1353 = arith.constant 10 : i32
      %dma_start3A_1354 = arith.constant 0 : i32
      %dma_start3A_1355 = tpu.memref_slice %arg16[%dma_start3A_1353, %dma_start3A_1354] : memref<16x32xf32, #tpu.memory_space<vmem>> -> memref<1x32xf32, #tpu.memory_space<vmem>>
      %dma_start3A_1356 = arith.constant 0 : i32
      %dma_start3A_1357 = tpu.memref_slice %arg5[%reduce_sum3A_1342, %dma_start3A_1356] : memref<1000000x32xf32, #tpu.memory_space<hbm>> -> memref<1x32xf32, #tpu.memory_space<hbm>>
      %dma_start3A_1358 = arith.constant 10 : i32
      %dma_start3A_1359 = arith.constant 0 : i32
      %dma_start3A_1360 = tpu.memref_slice %arg16[%dma_start3A_1358, %dma_start3A_1359] : memref<16x32xf32, #tpu.memory_space<vmem>> -> memref<1x32xf32, #tpu.memory_space<vmem>>
      %dma_start3A_1361 = arith.constant 0 : i32
      %dma_start3A_1362 = tpu.memref_slice %arg5[%reduce_sum3A_1342, %dma_start3A_1361] : memref<1000000x32xf32, #tpu.memory_space<hbm>> -> memref<1x32xf32, #tpu.memory_space<hbm>>
      tpu.enqueue_dma source(%dma_start3A_1362 : memref<1x32xf32, #tpu.memory_space<hbm>>) target(%dma_start3A_1360 : memref<1x32xf32, #tpu.memory_space<vmem>>) target_semaphore(%arg22 : memref<!tpu.dma_semaphore, #tpu.memory_space<semaphore_mem>>)
      %dma_start3A_1363 = arith.constant 10 : i32
      %dma_start3A_1364 = arith.constant 0 : i32
      %dma_start3A_1365 = tpu.memref_slice %arg17[%dma_start3A_1363, %dma_start3A_1364] : memref<16x1xf32, #tpu.memory_space<vmem>> -> memref<1x1xf32, #tpu.memory_space<vmem>>
      %dma_start3A_1366 = arith.constant 0 : i32
      %dma_start3A_1367 = tpu.memref_slice %arg6[%reduce_sum3A_1342, %dma_start3A_1366] : memref<1000000x1xf32, #tpu.memory_space<hbm>> -> memref<1x1xf32, #tpu.memory_space<hbm>>
      %dma_start3A_1368 = arith.constant 10 : i32
      %dma_start3A_1369 = arith.constant 0 : i32
      %dma_start3A_1370 = tpu.memref_slice %arg17[%dma_start3A_1368, %dma_start3A_1369] : memref<16x1xf32, #tpu.memory_space<vmem>> -> memref<1x1xf32, #tpu.memory_space<vmem>>
      %dma_start3A_1371 = arith.constant 0 : i32
      %dma_start3A_1372 = tpu.memref_slice %arg6[%reduce_sum3A_1342, %dma_start3A_1371] : memref<1000000x1xf32, #tpu.memory_space<hbm>> -> memref<1x1xf32, #tpu.memory_space<hbm>>
      tpu.enqueue_dma source(%dma_start3A_1372 : memref<1x1xf32, #tpu.memory_space<hbm>>) target(%dma_start3A_1370 : memref<1x1xf32, #tpu.memory_space<vmem>>) target_semaphore(%arg22 : memref<!tpu.dma_semaphore, #tpu.memory_space<semaphore_mem>>)
      %eq3A_1373 = arith.constant 11 : i32
      %eq3A_1374 = vector.broadcast %eq3A_1373 : i32 to vector<16xi32>
      %eq3A_1375 = arith.cmpi eq, %iota3A, %eq3A_1374 : vector<16xi32>
      %jit3A_1376 = arith.constant 0 : i32
      %broadcast_in_dim3A_1377 = vector.broadcast %jit3A_1376 : i32 to vector<16xi32>
      %select_n3A_1378 = arith.select %eq3A_1375, %get3A_818, %broadcast_in_dim3A_1377 : vector<16xi1>, vector<16xi32>
      %reduce_sum3A_1379 = arith.constant true
      %reduce_sum3A_1380 = vector.broadcast %reduce_sum3A_1379 : i1 to vector<16xi1>
      %reduce_sum3A_1381 = tpu.scan <sum>, %select_n3A_1378 masked %reduce_sum3A_1380 : vector<16xi32>, vector<16xi1> -> vector<16xi32>
      %reduce_sum3A_1382 = vector.extract %reduce_sum3A_1381[15] : i32 from vector<16xi32>
      %eq3A_1383 = arith.constant 11 : i32
      %eq3A_1384 = vector.broadcast %eq3A_1383 : i32 to vector<16xi32>
      %eq3A_1385 = arith.cmpi eq, %iota3A, %eq3A_1384 : vector<16xi32>
      %jit3A_1386 = arith.constant 0 : i32
      %broadcast_in_dim3A_1387 = vector.broadcast %jit3A_1386 : i32 to vector<16xi32>
      %select_n3A_1388 = arith.select %eq3A_1385, %get3A_822, %broadcast_in_dim3A_1387 : vector<16xi1>, vector<16xi32>
      %reduce_sum3A_1389 = arith.constant true
      %reduce_sum3A_1390 = vector.broadcast %reduce_sum3A_1389 : i1 to vector<16xi1>
      %reduce_sum3A_1391 = tpu.scan <sum>, %select_n3A_1388 masked %reduce_sum3A_1390 : vector<16xi32>, vector<16xi1> -> vector<16xi32>
      %reduce_sum3A_1392 = vector.extract %reduce_sum3A_1391[15] : i32 from vector<16xi32>
      %dma_start3A_1393 = arith.constant 11 : i32
      %dma_start3A_1394 = arith.constant 0 : i32
      %dma_start3A_1395 = tpu.memref_slice %arg15[%dma_start3A_1393, %dma_start3A_1394] : memref<16x32xf32, #tpu.memory_space<vmem>> -> memref<1x32xf32, #tpu.memory_space<vmem>>
      %dma_start3A_1396 = arith.constant 0 : i32
      %dma_start3A_1397 = tpu.memref_slice %arg4[%reduce_sum3A_1382, %dma_start3A_1396] : memref<1000000x32xf32, #tpu.memory_space<hbm>> -> memref<1x32xf32, #tpu.memory_space<hbm>>
      %dma_start3A_1398 = arith.constant 11 : i32
      %dma_start3A_1399 = arith.constant 0 : i32
      %dma_start3A_1400 = tpu.memref_slice %arg15[%dma_start3A_1398, %dma_start3A_1399] : memref<16x32xf32, #tpu.memory_space<vmem>> -> memref<1x32xf32, #tpu.memory_space<vmem>>
      %dma_start3A_1401 = arith.constant 0 : i32
      %dma_start3A_1402 = tpu.memref_slice %arg4[%reduce_sum3A_1382, %dma_start3A_1401] : memref<1000000x32xf32, #tpu.memory_space<hbm>> -> memref<1x32xf32, #tpu.memory_space<hbm>>
      tpu.enqueue_dma source(%dma_start3A_1402 : memref<1x32xf32, #tpu.memory_space<hbm>>) target(%dma_start3A_1400 : memref<1x32xf32, #tpu.memory_space<vmem>>) target_semaphore(%arg22 : memref<!tpu.dma_semaphore, #tpu.memory_space<semaphore_mem>>)
      %dma_start3A_1403 = arith.constant 11 : i32
      %dma_start3A_1404 = arith.constant 0 : i32
      %dma_start3A_1405 = tpu.memref_slice %arg16[%dma_start3A_1403, %dma_start3A_1404] : memref<16x32xf32, #tpu.memory_space<vmem>> -> memref<1x32xf32, #tpu.memory_space<vmem>>
      %dma_start3A_1406 = arith.constant 0 : i32
      %dma_start3A_1407 = tpu.memref_slice %arg5[%reduce_sum3A_1392, %dma_start3A_1406] : memref<1000000x32xf32, #tpu.memory_space<hbm>> -> memref<1x32xf32, #tpu.memory_space<hbm>>
      %dma_start3A_1408 = arith.constant 11 : i32
      %dma_start3A_1409 = arith.constant 0 : i32
      %dma_start3A_1410 = tpu.memref_slice %arg16[%dma_start3A_1408, %dma_start3A_1409] : memref<16x32xf32, #tpu.memory_space<vmem>> -> memref<1x32xf32, #tpu.memory_space<vmem>>
      %dma_start3A_1411 = arith.constant 0 : i32
      %dma_start3A_1412 = tpu.memref_slice %arg5[%reduce_sum3A_1392, %dma_start3A_1411] : memref<1000000x32xf32, #tpu.memory_space<hbm>> -> memref<1x32xf32, #tpu.memory_space<hbm>>
      tpu.enqueue_dma source(%dma_start3A_1412 : memref<1x32xf32, #tpu.memory_space<hbm>>) target(%dma_start3A_1410 : memref<1x32xf32, #tpu.memory_space<vmem>>) target_semaphore(%arg22 : memref<!tpu.dma_semaphore, #tpu.memory_space<semaphore_mem>>)
      %dma_start3A_1413 = arith.constant 11 : i32
      %dma_start3A_1414 = arith.constant 0 : i32
      %dma_start3A_1415 = tpu.memref_slice %arg17[%dma_start3A_1413, %dma_start3A_1414] : memref<16x1xf32, #tpu.memory_space<vmem>> -> memref<1x1xf32, #tpu.memory_space<vmem>>
      %dma_start3A_1416 = arith.constant 0 : i32
      %dma_start3A_1417 = tpu.memref_slice %arg6[%reduce_sum3A_1392, %dma_start3A_1416] : memref<1000000x1xf32, #tpu.memory_space<hbm>> -> memref<1x1xf32, #tpu.memory_space<hbm>>
      %dma_start3A_1418 = arith.constant 11 : i32
      %dma_start3A_1419 = arith.constant 0 : i32
      %dma_start3A_1420 = tpu.memref_slice %arg17[%dma_start3A_1418, %dma_start3A_1419] : memref<16x1xf32, #tpu.memory_space<vmem>> -> memref<1x1xf32, #tpu.memory_space<vmem>>
      %dma_start3A_1421 = arith.constant 0 : i32
      %dma_start3A_1422 = tpu.memref_slice %arg6[%reduce_sum3A_1392, %dma_start3A_1421] : memref<1000000x1xf32, #tpu.memory_space<hbm>> -> memref<1x1xf32, #tpu.memory_space<hbm>>
      tpu.enqueue_dma source(%dma_start3A_1422 : memref<1x1xf32, #tpu.memory_space<hbm>>) target(%dma_start3A_1420 : memref<1x1xf32, #tpu.memory_space<vmem>>) target_semaphore(%arg22 : memref<!tpu.dma_semaphore, #tpu.memory_space<semaphore_mem>>)
      %eq3A_1423 = arith.constant 12 : i32
      %eq3A_1424 = vector.broadcast %eq3A_1423 : i32 to vector<16xi32>
      %eq3A_1425 = arith.cmpi eq, %iota3A, %eq3A_1424 : vector<16xi32>
      %jit3A_1426 = arith.constant 0 : i32
      %broadcast_in_dim3A_1427 = vector.broadcast %jit3A_1426 : i32 to vector<16xi32>
      %select_n3A_1428 = arith.select %eq3A_1425, %get3A_818, %broadcast_in_dim3A_1427 : vector<16xi1>, vector<16xi32>
      %reduce_sum3A_1429 = arith.constant true
      %reduce_sum3A_1430 = vector.broadcast %reduce_sum3A_1429 : i1 to vector<16xi1>
      %reduce_sum3A_1431 = tpu.scan <sum>, %select_n3A_1428 masked %reduce_sum3A_1430 : vector<16xi32>, vector<16xi1> -> vector<16xi32>
      %reduce_sum3A_1432 = vector.extract %reduce_sum3A_1431[15] : i32 from vector<16xi32>
      %eq3A_1433 = arith.constant 12 : i32
      %eq3A_1434 = vector.broadcast %eq3A_1433 : i32 to vector<16xi32>
      %eq3A_1435 = arith.cmpi eq, %iota3A, %eq3A_1434 : vector<16xi32>
      %jit3A_1436 = arith.constant 0 : i32
      %broadcast_in_dim3A_1437 = vector.broadcast %jit3A_1436 : i32 to vector<16xi32>
      %select_n3A_1438 = arith.select %eq3A_1435, %get3A_822, %broadcast_in_dim3A_1437 : vector<16xi1>, vector<16xi32>
      %reduce_sum3A_1439 = arith.constant true
      %reduce_sum3A_1440 = vector.broadcast %reduce_sum3A_1439 : i1 to vector<16xi1>
      %reduce_sum3A_1441 = tpu.scan <sum>, %select_n3A_1438 masked %reduce_sum3A_1440 : vector<16xi32>, vector<16xi1> -> vector<16xi32>
      %reduce_sum3A_1442 = vector.extract %reduce_sum3A_1441[15] : i32 from vector<16xi32>
      %dma_start3A_1443 = arith.constant 12 : i32
      %dma_start3A_1444 = arith.constant 0 : i32
      %dma_start3A_1445 = tpu.memref_slice %arg15[%dma_start3A_1443, %dma_start3A_1444] : memref<16x32xf32, #tpu.memory_space<vmem>> -> memref<1x32xf32, #tpu.memory_space<vmem>>
      %dma_start3A_1446 = arith.constant 0 : i32
      %dma_start3A_1447 = tpu.memref_slice %arg4[%reduce_sum3A_1432, %dma_start3A_1446] : memref<1000000x32xf32, #tpu.memory_space<hbm>> -> memref<1x32xf32, #tpu.memory_space<hbm>>
      %dma_start3A_1448 = arith.constant 12 : i32
      %dma_start3A_1449 = arith.constant 0 : i32
      %dma_start3A_1450 = tpu.memref_slice %arg15[%dma_start3A_1448, %dma_start3A_1449] : memref<16x32xf32, #tpu.memory_space<vmem>> -> memref<1x32xf32, #tpu.memory_space<vmem>>
      %dma_start3A_1451 = arith.constant 0 : i32
      %dma_start3A_1452 = tpu.memref_slice %arg4[%reduce_sum3A_1432, %dma_start3A_1451] : memref<1000000x32xf32, #tpu.memory_space<hbm>> -> memref<1x32xf32, #tpu.memory_space<hbm>>
      tpu.enqueue_dma source(%dma_start3A_1452 : memref<1x32xf32, #tpu.memory_space<hbm>>) target(%dma_start3A_1450 : memref<1x32xf32, #tpu.memory_space<vmem>>) target_semaphore(%arg22 : memref<!tpu.dma_semaphore, #tpu.memory_space<semaphore_mem>>)
      %dma_start3A_1453 = arith.constant 12 : i32
      %dma_start3A_1454 = arith.constant 0 : i32
      %dma_start3A_1455 = tpu.memref_slice %arg16[%dma_start3A_1453, %dma_start3A_1454] : memref<16x32xf32, #tpu.memory_space<vmem>> -> memref<1x32xf32, #tpu.memory_space<vmem>>
      %dma_start3A_1456 = arith.constant 0 : i32
      %dma_start3A_1457 = tpu.memref_slice %arg5[%reduce_sum3A_1442, %dma_start3A_1456] : memref<1000000x32xf32, #tpu.memory_space<hbm>> -> memref<1x32xf32, #tpu.memory_space<hbm>>
      %dma_start3A_1458 = arith.constant 12 : i32
      %dma_start3A_1459 = arith.constant 0 : i32
      %dma_start3A_1460 = tpu.memref_slice %arg16[%dma_start3A_1458, %dma_start3A_1459] : memref<16x32xf32, #tpu.memory_space<vmem>> -> memref<1x32xf32, #tpu.memory_space<vmem>>
      %dma_start3A_1461 = arith.constant 0 : i32
      %dma_start3A_1462 = tpu.memref_slice %arg5[%reduce_sum3A_1442, %dma_start3A_1461] : memref<1000000x32xf32, #tpu.memory_space<hbm>> -> memref<1x32xf32, #tpu.memory_space<hbm>>
      tpu.enqueue_dma source(%dma_start3A_1462 : memref<1x32xf32, #tpu.memory_space<hbm>>) target(%dma_start3A_1460 : memref<1x32xf32, #tpu.memory_space<vmem>>) target_semaphore(%arg22 : memref<!tpu.dma_semaphore, #tpu.memory_space<semaphore_mem>>)
      %dma_start3A_1463 = arith.constant 12 : i32
      %dma_start3A_1464 = arith.constant 0 : i32
      %dma_start3A_1465 = tpu.memref_slice %arg17[%dma_start3A_1463, %dma_start3A_1464] : memref<16x1xf32, #tpu.memory_space<vmem>> -> memref<1x1xf32, #tpu.memory_space<vmem>>
      %dma_start3A_1466 = arith.constant 0 : i32
      %dma_start3A_1467 = tpu.memref_slice %arg6[%reduce_sum3A_1442, %dma_start3A_1466] : memref<1000000x1xf32, #tpu.memory_space<hbm>> -> memref<1x1xf32, #tpu.memory_space<hbm>>
      %dma_start3A_1468 = arith.constant 12 : i32
      %dma_start3A_1469 = arith.constant 0 : i32
      %dma_start3A_1470 = tpu.memref_slice %arg17[%dma_start3A_1468, %dma_start3A_1469] : memref<16x1xf32, #tpu.memory_space<vmem>> -> memref<1x1xf32, #tpu.memory_space<vmem>>
      %dma_start3A_1471 = arith.constant 0 : i32
      %dma_start3A_1472 = tpu.memref_slice %arg6[%reduce_sum3A_1442, %dma_start3A_1471] : memref<1000000x1xf32, #tpu.memory_space<hbm>> -> memref<1x1xf32, #tpu.memory_space<hbm>>
      tpu.enqueue_dma source(%dma_start3A_1472 : memref<1x1xf32, #tpu.memory_space<hbm>>) target(%dma_start3A_1470 : memref<1x1xf32, #tpu.memory_space<vmem>>) target_semaphore(%arg22 : memref<!tpu.dma_semaphore, #tpu.memory_space<semaphore_mem>>)
      %eq3A_1473 = arith.constant 13 : i32
      %eq3A_1474 = vector.broadcast %eq3A_1473 : i32 to vector<16xi32>
      %eq3A_1475 = arith.cmpi eq, %iota3A, %eq3A_1474 : vector<16xi32>
      %jit3A_1476 = arith.constant 0 : i32
      %broadcast_in_dim3A_1477 = vector.broadcast %jit3A_1476 : i32 to vector<16xi32>
      %select_n3A_1478 = arith.select %eq3A_1475, %get3A_818, %broadcast_in_dim3A_1477 : vector<16xi1>, vector<16xi32>
      %reduce_sum3A_1479 = arith.constant true
      %reduce_sum3A_1480 = vector.broadcast %reduce_sum3A_1479 : i1 to vector<16xi1>
      %reduce_sum3A_1481 = tpu.scan <sum>, %select_n3A_1478 masked %reduce_sum3A_1480 : vector<16xi32>, vector<16xi1> -> vector<16xi32>
      %reduce_sum3A_1482 = vector.extract %reduce_sum3A_1481[15] : i32 from vector<16xi32>
      %eq3A_1483 = arith.constant 13 : i32
      %eq3A_1484 = vector.broadcast %eq3A_1483 : i32 to vector<16xi32>
      %eq3A_1485 = arith.cmpi eq, %iota3A, %eq3A_1484 : vector<16xi32>
      %jit3A_1486 = arith.constant 0 : i32
      %broadcast_in_dim3A_1487 = vector.broadcast %jit3A_1486 : i32 to vector<16xi32>
      %select_n3A_1488 = arith.select %eq3A_1485, %get3A_822, %broadcast_in_dim3A_1487 : vector<16xi1>, vector<16xi32>
      %reduce_sum3A_1489 = arith.constant true
      %reduce_sum3A_1490 = vector.broadcast %reduce_sum3A_1489 : i1 to vector<16xi1>
      %reduce_sum3A_1491 = tpu.scan <sum>, %select_n3A_1488 masked %reduce_sum3A_1490 : vector<16xi32>, vector<16xi1> -> vector<16xi32>
      %reduce_sum3A_1492 = vector.extract %reduce_sum3A_1491[15] : i32 from vector<16xi32>
      %dma_start3A_1493 = arith.constant 13 : i32
      %dma_start3A_1494 = arith.constant 0 : i32
      %dma_start3A_1495 = tpu.memref_slice %arg15[%dma_start3A_1493, %dma_start3A_1494] : memref<16x32xf32, #tpu.memory_space<vmem>> -> memref<1x32xf32, #tpu.memory_space<vmem>>
      %dma_start3A_1496 = arith.constant 0 : i32
      %dma_start3A_1497 = tpu.memref_slice %arg4[%reduce_sum3A_1482, %dma_start3A_1496] : memref<1000000x32xf32, #tpu.memory_space<hbm>> -> memref<1x32xf32, #tpu.memory_space<hbm>>
      %dma_start3A_1498 = arith.constant 13 : i32
      %dma_start3A_1499 = arith.constant 0 : i32
      %dma_start3A_1500 = tpu.memref_slice %arg15[%dma_start3A_1498, %dma_start3A_1499] : memref<16x32xf32, #tpu.memory_space<vmem>> -> memref<1x32xf32, #tpu.memory_space<vmem>>
      %dma_start3A_1501 = arith.constant 0 : i32
      %dma_start3A_1502 = tpu.memref_slice %arg4[%reduce_sum3A_1482, %dma_start3A_1501] : memref<1000000x32xf32, #tpu.memory_space<hbm>> -> memref<1x32xf32, #tpu.memory_space<hbm>>
      tpu.enqueue_dma source(%dma_start3A_1502 : memref<1x32xf32, #tpu.memory_space<hbm>>) target(%dma_start3A_1500 : memref<1x32xf32, #tpu.memory_space<vmem>>) target_semaphore(%arg22 : memref<!tpu.dma_semaphore, #tpu.memory_space<semaphore_mem>>)
      %dma_start3A_1503 = arith.constant 13 : i32
      %dma_start3A_1504 = arith.constant 0 : i32
      %dma_start3A_1505 = tpu.memref_slice %arg16[%dma_start3A_1503, %dma_start3A_1504] : memref<16x32xf32, #tpu.memory_space<vmem>> -> memref<1x32xf32, #tpu.memory_space<vmem>>
      %dma_start3A_1506 = arith.constant 0 : i32
      %dma_start3A_1507 = tpu.memref_slice %arg5[%reduce_sum3A_1492, %dma_start3A_1506] : memref<1000000x32xf32, #tpu.memory_space<hbm>> -> memref<1x32xf32, #tpu.memory_space<hbm>>
      %dma_start3A_1508 = arith.constant 13 : i32
      %dma_start3A_1509 = arith.constant 0 : i32
      %dma_start3A_1510 = tpu.memref_slice %arg16[%dma_start3A_1508, %dma_start3A_1509] : memref<16x32xf32, #tpu.memory_space<vmem>> -> memref<1x32xf32, #tpu.memory_space<vmem>>
      %dma_start3A_1511 = arith.constant 0 : i32
      %dma_start3A_1512 = tpu.memref_slice %arg5[%reduce_sum3A_1492, %dma_start3A_1511] : memref<1000000x32xf32, #tpu.memory_space<hbm>> -> memref<1x32xf32, #tpu.memory_space<hbm>>
      tpu.enqueue_dma source(%dma_start3A_1512 : memref<1x32xf32, #tpu.memory_space<hbm>>) target(%dma_start3A_1510 : memref<1x32xf32, #tpu.memory_space<vmem>>) target_semaphore(%arg22 : memref<!tpu.dma_semaphore, #tpu.memory_space<semaphore_mem>>)
      %dma_start3A_1513 = arith.constant 13 : i32
      %dma_start3A_1514 = arith.constant 0 : i32
      %dma_start3A_1515 = tpu.memref_slice %arg17[%dma_start3A_1513, %dma_start3A_1514] : memref<16x1xf32, #tpu.memory_space<vmem>> -> memref<1x1xf32, #tpu.memory_space<vmem>>
      %dma_start3A_1516 = arith.constant 0 : i32
      %dma_start3A_1517 = tpu.memref_slice %arg6[%reduce_sum3A_1492, %dma_start3A_1516] : memref<1000000x1xf32, #tpu.memory_space<hbm>> -> memref<1x1xf32, #tpu.memory_space<hbm>>
      %dma_start3A_1518 = arith.constant 13 : i32
      %dma_start3A_1519 = arith.constant 0 : i32
      %dma_start3A_1520 = tpu.memref_slice %arg17[%dma_start3A_1518, %dma_start3A_1519] : memref<16x1xf32, #tpu.memory_space<vmem>> -> memref<1x1xf32, #tpu.memory_space<vmem>>
      %dma_start3A_1521 = arith.constant 0 : i32
      %dma_start3A_1522 = tpu.memref_slice %arg6[%reduce_sum3A_1492, %dma_start3A_1521] : memref<1000000x1xf32, #tpu.memory_space<hbm>> -> memref<1x1xf32, #tpu.memory_space<hbm>>
      tpu.enqueue_dma source(%dma_start3A_1522 : memref<1x1xf32, #tpu.memory_space<hbm>>) target(%dma_start3A_1520 : memref<1x1xf32, #tpu.memory_space<vmem>>) target_semaphore(%arg22 : memref<!tpu.dma_semaphore, #tpu.memory_space<semaphore_mem>>)
      %eq3A_1523 = arith.constant 14 : i32
      %eq3A_1524 = vector.broadcast %eq3A_1523 : i32 to vector<16xi32>
      %eq3A_1525 = arith.cmpi eq, %iota3A, %eq3A_1524 : vector<16xi32>
      %jit3A_1526 = arith.constant 0 : i32
      %broadcast_in_dim3A_1527 = vector.broadcast %jit3A_1526 : i32 to vector<16xi32>
      %select_n3A_1528 = arith.select %eq3A_1525, %get3A_818, %broadcast_in_dim3A_1527 : vector<16xi1>, vector<16xi32>
      %reduce_sum3A_1529 = arith.constant true
      %reduce_sum3A_1530 = vector.broadcast %reduce_sum3A_1529 : i1 to vector<16xi1>
      %reduce_sum3A_1531 = tpu.scan <sum>, %select_n3A_1528 masked %reduce_sum3A_1530 : vector<16xi32>, vector<16xi1> -> vector<16xi32>
      %reduce_sum3A_1532 = vector.extract %reduce_sum3A_1531[15] : i32 from vector<16xi32>
      %eq3A_1533 = arith.constant 14 : i32
      %eq3A_1534 = vector.broadcast %eq3A_1533 : i32 to vector<16xi32>
      %eq3A_1535 = arith.cmpi eq, %iota3A, %eq3A_1534 : vector<16xi32>
      %jit3A_1536 = arith.constant 0 : i32
      %broadcast_in_dim3A_1537 = vector.broadcast %jit3A_1536 : i32 to vector<16xi32>
      %select_n3A_1538 = arith.select %eq3A_1535, %get3A_822, %broadcast_in_dim3A_1537 : vector<16xi1>, vector<16xi32>
      %reduce_sum3A_1539 = arith.constant true
      %reduce_sum3A_1540 = vector.broadcast %reduce_sum3A_1539 : i1 to vector<16xi1>
      %reduce_sum3A_1541 = tpu.scan <sum>, %select_n3A_1538 masked %reduce_sum3A_1540 : vector<16xi32>, vector<16xi1> -> vector<16xi32>
      %reduce_sum3A_1542 = vector.extract %reduce_sum3A_1541[15] : i32 from vector<16xi32>
      %dma_start3A_1543 = arith.constant 14 : i32
      %dma_start3A_1544 = arith.constant 0 : i32
      %dma_start3A_1545 = tpu.memref_slice %arg15[%dma_start3A_1543, %dma_start3A_1544] : memref<16x32xf32, #tpu.memory_space<vmem>> -> memref<1x32xf32, #tpu.memory_space<vmem>>
      %dma_start3A_1546 = arith.constant 0 : i32
      %dma_start3A_1547 = tpu.memref_slice %arg4[%reduce_sum3A_1532, %dma_start3A_1546] : memref<1000000x32xf32, #tpu.memory_space<hbm>> -> memref<1x32xf32, #tpu.memory_space<hbm>>
      %dma_start3A_1548 = arith.constant 14 : i32
      %dma_start3A_1549 = arith.constant 0 : i32
      %dma_start3A_1550 = tpu.memref_slice %arg15[%dma_start3A_1548, %dma_start3A_1549] : memref<16x32xf32, #tpu.memory_space<vmem>> -> memref<1x32xf32, #tpu.memory_space<vmem>>
      %dma_start3A_1551 = arith.constant 0 : i32
      %dma_start3A_1552 = tpu.memref_slice %arg4[%reduce_sum3A_1532, %dma_start3A_1551] : memref<1000000x32xf32, #tpu.memory_space<hbm>> -> memref<1x32xf32, #tpu.memory_space<hbm>>
      tpu.enqueue_dma source(%dma_start3A_1552 : memref<1x32xf32, #tpu.memory_space<hbm>>) target(%dma_start3A_1550 : memref<1x32xf32, #tpu.memory_space<vmem>>) target_semaphore(%arg22 : memref<!tpu.dma_semaphore, #tpu.memory_space<semaphore_mem>>)
      %dma_start3A_1553 = arith.constant 14 : i32
      %dma_start3A_1554 = arith.constant 0 : i32
      %dma_start3A_1555 = tpu.memref_slice %arg16[%dma_start3A_1553, %dma_start3A_1554] : memref<16x32xf32, #tpu.memory_space<vmem>> -> memref<1x32xf32, #tpu.memory_space<vmem>>
      %dma_start3A_1556 = arith.constant 0 : i32
      %dma_start3A_1557 = tpu.memref_slice %arg5[%reduce_sum3A_1542, %dma_start3A_1556] : memref<1000000x32xf32, #tpu.memory_space<hbm>> -> memref<1x32xf32, #tpu.memory_space<hbm>>
      %dma_start3A_1558 = arith.constant 14 : i32
      %dma_start3A_1559 = arith.constant 0 : i32
      %dma_start3A_1560 = tpu.memref_slice %arg16[%dma_start3A_1558, %dma_start3A_1559] : memref<16x32xf32, #tpu.memory_space<vmem>> -> memref<1x32xf32, #tpu.memory_space<vmem>>
      %dma_start3A_1561 = arith.constant 0 : i32
      %dma_start3A_1562 = tpu.memref_slice %arg5[%reduce_sum3A_1542, %dma_start3A_1561] : memref<1000000x32xf32, #tpu.memory_space<hbm>> -> memref<1x32xf32, #tpu.memory_space<hbm>>
      tpu.enqueue_dma source(%dma_start3A_1562 : memref<1x32xf32, #tpu.memory_space<hbm>>) target(%dma_start3A_1560 : memref<1x32xf32, #tpu.memory_space<vmem>>) target_semaphore(%arg22 : memref<!tpu.dma_semaphore, #tpu.memory_space<semaphore_mem>>)
      %dma_start3A_1563 = arith.constant 14 : i32
      %dma_start3A_1564 = arith.constant 0 : i32
      %dma_start3A_1565 = tpu.memref_slice %arg17[%dma_start3A_1563, %dma_start3A_1564] : memref<16x1xf32, #tpu.memory_space<vmem>> -> memref<1x1xf32, #tpu.memory_space<vmem>>
      %dma_start3A_1566 = arith.constant 0 : i32
      %dma_start3A_1567 = tpu.memref_slice %arg6[%reduce_sum3A_1542, %dma_start3A_1566] : memref<1000000x1xf32, #tpu.memory_space<hbm>> -> memref<1x1xf32, #tpu.memory_space<hbm>>
      %dma_start3A_1568 = arith.constant 14 : i32
      %dma_start3A_1569 = arith.constant 0 : i32
      %dma_start3A_1570 = tpu.memref_slice %arg17[%dma_start3A_1568, %dma_start3A_1569] : memref<16x1xf32, #tpu.memory_space<vmem>> -> memref<1x1xf32, #tpu.memory_space<vmem>>
      %dma_start3A_1571 = arith.constant 0 : i32
      %dma_start3A_1572 = tpu.memref_slice %arg6[%reduce_sum3A_1542, %dma_start3A_1571] : memref<1000000x1xf32, #tpu.memory_space<hbm>> -> memref<1x1xf32, #tpu.memory_space<hbm>>
      tpu.enqueue_dma source(%dma_start3A_1572 : memref<1x1xf32, #tpu.memory_space<hbm>>) target(%dma_start3A_1570 : memref<1x1xf32, #tpu.memory_space<vmem>>) target_semaphore(%arg22 : memref<!tpu.dma_semaphore, #tpu.memory_space<semaphore_mem>>)
      %eq3A_1573 = arith.constant 15 : i32
      %eq3A_1574 = vector.broadcast %eq3A_1573 : i32 to vector<16xi32>
      %eq3A_1575 = arith.cmpi eq, %iota3A, %eq3A_1574 : vector<16xi32>
      %jit3A_1576 = arith.constant 0 : i32
      %broadcast_in_dim3A_1577 = vector.broadcast %jit3A_1576 : i32 to vector<16xi32>
      %select_n3A_1578 = arith.select %eq3A_1575, %get3A_818, %broadcast_in_dim3A_1577 : vector<16xi1>, vector<16xi32>
      %reduce_sum3A_1579 = arith.constant true
      %reduce_sum3A_1580 = vector.broadcast %reduce_sum3A_1579 : i1 to vector<16xi1>
      %reduce_sum3A_1581 = tpu.scan <sum>, %select_n3A_1578 masked %reduce_sum3A_1580 : vector<16xi32>, vector<16xi1> -> vector<16xi32>
      %reduce_sum3A_1582 = vector.extract %reduce_sum3A_1581[15] : i32 from vector<16xi32>
      %eq3A_1583 = arith.constant 15 : i32
      %eq3A_1584 = vector.broadcast %eq3A_1583 : i32 to vector<16xi32>
      %eq3A_1585 = arith.cmpi eq, %iota3A, %eq3A_1584 : vector<16xi32>
      %jit3A_1586 = arith.constant 0 : i32
      %broadcast_in_dim3A_1587 = vector.broadcast %jit3A_1586 : i32 to vector<16xi32>
      %select_n3A_1588 = arith.select %eq3A_1585, %get3A_822, %broadcast_in_dim3A_1587 : vector<16xi1>, vector<16xi32>
      %reduce_sum3A_1589 = arith.constant true
      %reduce_sum3A_1590 = vector.broadcast %reduce_sum3A_1589 : i1 to vector<16xi1>
      %reduce_sum3A_1591 = tpu.scan <sum>, %select_n3A_1588 masked %reduce_sum3A_1590 : vector<16xi32>, vector<16xi1> -> vector<16xi32>
      %reduce_sum3A_1592 = vector.extract %reduce_sum3A_1591[15] : i32 from vector<16xi32>
      %dma_start3A_1593 = arith.constant 15 : i32
      %dma_start3A_1594 = arith.constant 0 : i32
      %dma_start3A_1595 = tpu.memref_slice %arg15[%dma_start3A_1593, %dma_start3A_1594] : memref<16x32xf32, #tpu.memory_space<vmem>> -> memref<1x32xf32, #tpu.memory_space<vmem>>
      %dma_start3A_1596 = arith.constant 0 : i32
      %dma_start3A_1597 = tpu.memref_slice %arg4[%reduce_sum3A_1582, %dma_start3A_1596] : memref<1000000x32xf32, #tpu.memory_space<hbm>> -> memref<1x32xf32, #tpu.memory_space<hbm>>
      %dma_start3A_1598 = arith.constant 15 : i32
      %dma_start3A_1599 = arith.constant 0 : i32
      %dma_start3A_1600 = tpu.memref_slice %arg15[%dma_start3A_1598, %dma_start3A_1599] : memref<16x32xf32, #tpu.memory_space<vmem>> -> memref<1x32xf32, #tpu.memory_space<vmem>>
      %dma_start3A_1601 = arith.constant 0 : i32
      %dma_start3A_1602 = tpu.memref_slice %arg4[%reduce_sum3A_1582, %dma_start3A_1601] : memref<1000000x32xf32, #tpu.memory_space<hbm>> -> memref<1x32xf32, #tpu.memory_space<hbm>>
      tpu.enqueue_dma source(%dma_start3A_1602 : memref<1x32xf32, #tpu.memory_space<hbm>>) target(%dma_start3A_1600 : memref<1x32xf32, #tpu.memory_space<vmem>>) target_semaphore(%arg22 : memref<!tpu.dma_semaphore, #tpu.memory_space<semaphore_mem>>)
      %dma_start3A_1603 = arith.constant 15 : i32
      %dma_start3A_1604 = arith.constant 0 : i32
      %dma_start3A_1605 = tpu.memref_slice %arg16[%dma_start3A_1603, %dma_start3A_1604] : memref<16x32xf32, #tpu.memory_space<vmem>> -> memref<1x32xf32, #tpu.memory_space<vmem>>
      %dma_start3A_1606 = arith.constant 0 : i32
      %dma_start3A_1607 = tpu.memref_slice %arg5[%reduce_sum3A_1592, %dma_start3A_1606] : memref<1000000x32xf32, #tpu.memory_space<hbm>> -> memref<1x32xf32, #tpu.memory_space<hbm>>
      %dma_start3A_1608 = arith.constant 15 : i32
      %dma_start3A_1609 = arith.constant 0 : i32
      %dma_start3A_1610 = tpu.memref_slice %arg16[%dma_start3A_1608, %dma_start3A_1609] : memref<16x32xf32, #tpu.memory_space<vmem>> -> memref<1x32xf32, #tpu.memory_space<vmem>>
      %dma_start3A_1611 = arith.constant 0 : i32
      %dma_start3A_1612 = tpu.memref_slice %arg5[%reduce_sum3A_1592, %dma_start3A_1611] : memref<1000000x32xf32, #tpu.memory_space<hbm>> -> memref<1x32xf32, #tpu.memory_space<hbm>>
      tpu.enqueue_dma source(%dma_start3A_1612 : memref<1x32xf32, #tpu.memory_space<hbm>>) target(%dma_start3A_1610 : memref<1x32xf32, #tpu.memory_space<vmem>>) target_semaphore(%arg22 : memref<!tpu.dma_semaphore, #tpu.memory_space<semaphore_mem>>)
      %dma_start3A_1613 = arith.constant 15 : i32
      %dma_start3A_1614 = arith.constant 0 : i32
      %dma_start3A_1615 = tpu.memref_slice %arg17[%dma_start3A_1613, %dma_start3A_1614] : memref<16x1xf32, #tpu.memory_space<vmem>> -> memref<1x1xf32, #tpu.memory_space<vmem>>
      %dma_start3A_1616 = arith.constant 0 : i32
      %dma_start3A_1617 = tpu.memref_slice %arg6[%reduce_sum3A_1592, %dma_start3A_1616] : memref<1000000x1xf32, #tpu.memory_space<hbm>> -> memref<1x1xf32, #tpu.memory_space<hbm>>
      %dma_start3A_1618 = arith.constant 15 : i32
      %dma_start3A_1619 = arith.constant 0 : i32
      %dma_start3A_1620 = tpu.memref_slice %arg17[%dma_start3A_1618, %dma_start3A_1619] : memref<16x1xf32, #tpu.memory_space<vmem>> -> memref<1x1xf32, #tpu.memory_space<vmem>>
      %dma_start3A_1621 = arith.constant 0 : i32
      %dma_start3A_1622 = tpu.memref_slice %arg6[%reduce_sum3A_1592, %dma_start3A_1621] : memref<1000000x1xf32, #tpu.memory_space<hbm>> -> memref<1x1xf32, #tpu.memory_space<hbm>>
      tpu.enqueue_dma source(%dma_start3A_1622 : memref<1x1xf32, #tpu.memory_space<hbm>>) target(%dma_start3A_1620 : memref<1x1xf32, #tpu.memory_space<vmem>>) target_semaphore(%arg22 : memref<!tpu.dma_semaphore, #tpu.memory_space<semaphore_mem>>)
      %dma_wait3A = arith.constant 0 : i32
      %dma_wait3A_1623 = arith.constant 0 : i32
      %dma_wait3A_1624 = tpu.memref_slice %arg4[%dma_wait3A, %dma_wait3A_1623] : memref<1000000x32xf32, #tpu.memory_space<hbm>> -> memref<16x32xf32, #tpu.memory_space<hbm>>
      %dma_wait3A_1625 = arith.constant 0 : i32
      %dma_wait3A_1626 = arith.constant 0 : i32
      %dma_wait3A_1627 = tpu.memref_slice %arg4[%dma_wait3A_1625, %dma_wait3A_1626] : memref<1000000x32xf32, #tpu.memory_space<hbm>> -> memref<16x32xf32, #tpu.memory_space<hbm>>
      tpu.wait_dma2 semaphore(%arg21 : memref<!tpu.dma_semaphore, #tpu.memory_space<semaphore_mem>>) src(%dma_wait3A_1627 : memref<16x32xf32, #tpu.memory_space<hbm>>) dst(%arg12 : memref<16x32xf32, #tpu.memory_space<vmem>>)
      %dma_wait3A_1628 = arith.constant 0 : i32
      %dma_wait3A_1629 = arith.constant 0 : i32
      %dma_wait3A_1630 = tpu.memref_slice %arg5[%dma_wait3A_1628, %dma_wait3A_1629] : memref<1000000x32xf32, #tpu.memory_space<hbm>> -> memref<16x32xf32, #tpu.memory_space<hbm>>
      %dma_wait3A_1631 = arith.constant 0 : i32
      %dma_wait3A_1632 = arith.constant 0 : i32
      %dma_wait3A_1633 = tpu.memref_slice %arg5[%dma_wait3A_1631, %dma_wait3A_1632] : memref<1000000x32xf32, #tpu.memory_space<hbm>> -> memref<16x32xf32, #tpu.memory_space<hbm>>
      tpu.wait_dma2 semaphore(%arg21 : memref<!tpu.dma_semaphore, #tpu.memory_space<semaphore_mem>>) src(%dma_wait3A_1633 : memref<16x32xf32, #tpu.memory_space<hbm>>) dst(%arg13 : memref<16x32xf32, #tpu.memory_space<vmem>>)
      %dma_wait3A_1634 = arith.constant 0 : i32
      %dma_wait3A_1635 = arith.constant 0 : i32
      %dma_wait3A_1636 = tpu.memref_slice %arg6[%dma_wait3A_1634, %dma_wait3A_1635] : memref<1000000x1xf32, #tpu.memory_space<hbm>> -> memref<16x1xf32, #tpu.memory_space<hbm>>
      %dma_wait3A_1637 = arith.constant 0 : i32
      %dma_wait3A_1638 = arith.constant 0 : i32
      %dma_wait3A_1639 = tpu.memref_slice %arg6[%dma_wait3A_1637, %dma_wait3A_1638] : memref<1000000x1xf32, #tpu.memory_space<hbm>> -> memref<16x1xf32, #tpu.memory_space<hbm>>
      tpu.wait_dma2 semaphore(%arg21 : memref<!tpu.dma_semaphore, #tpu.memory_space<semaphore_mem>>) src(%dma_wait3A_1639 : memref<16x1xf32, #tpu.memory_space<hbm>>) dst(%arg14 : memref<16x1xf32, #tpu.memory_space<vmem>>)
      %broadcast_in_dim3A_1640 = arith.constant 0.000000e+00 : f32
      %broadcast_in_dim3A_1641 = vector.broadcast %broadcast_in_dim3A_1640 : f32 to vector<16xf32>
      %broadcast_in_dim3A_1642 = arith.constant 0.000000e+00 : f32
      %broadcast_in_dim3A_1643 = vector.broadcast %broadcast_in_dim3A_1642 : f32 to vector<16xf32>
      %broadcast_in_dim3A_1644 = arith.constant 0.000000e+00 : f32
      %broadcast_in_dim3A_1645 = vector.broadcast %broadcast_in_dim3A_1644 : f32 to vector<16xf32>
      %broadcast_in_dim3A_1646 = arith.constant 0 : i32
      %broadcast_in_dim3A_1647 = vector.broadcast %broadcast_in_dim3A_1646 : i32 to vector<16xi32>
      %gather3A = tpu.vector_load_idx %arg12[%iota3A_3, %broadcast_in_dim3A_1647] : memref<16x32xf32, #tpu.memory_space<vmem>>[vector<16xi32>, vector<16xi32>], vector<16xf32>,
      %gather3A_1648 = tpu.vector_load_idx %arg13[%iota3A_3, %broadcast_in_dim3A_1647] : memref<16x32xf32, #tpu.memory_space<vmem>>[vector<16xi32>, vector<16xi32>], vector<16xf32>,
      %mul3A_1649 = arith.mulf %gather3A, %gather3A_1648 : vector<16xf32>
      %add3A_1650 = arith.addf %broadcast_in_dim3A_1641, %mul3A_1649 : vector<16xf32>
      %mul3A_1651 = arith.mulf %gather3A, %gather3A : vector<16xf32>
      %add3A_1652 = arith.addf %broadcast_in_dim3A_1643, %mul3A_1651 : vector<16xf32>
      %mul3A_1653 = arith.mulf %gather3A_1648, %gather3A_1648 : vector<16xf32>
      %add3A_1654 = arith.addf %broadcast_in_dim3A_1645, %mul3A_1653 : vector<16xf32>
      %broadcast_in_dim3A_1655 = arith.constant 1 : i32
      %broadcast_in_dim3A_1656 = vector.broadcast %broadcast_in_dim3A_1655 : i32 to vector<16xi32>
      %gather3A_1657 = tpu.vector_load_idx %arg12[%iota3A_3, %broadcast_in_dim3A_1656] : memref<16x32xf32, #tpu.memory_space<vmem>>[vector<16xi32>, vector<16xi32>], vector<16xf32>,
      %gather3A_1658 = tpu.vector_load_idx %arg13[%iota3A_3, %broadcast_in_dim3A_1656] : memref<16x32xf32, #tpu.memory_space<vmem>>[vector<16xi32>, vector<16xi32>], vector<16xf32>,
      %mul3A_1659 = arith.mulf %gather3A_1657, %gather3A_1658 : vector<16xf32>
      %add3A_1660 = arith.addf %add3A_1650, %mul3A_1659 : vector<16xf32>
      %mul3A_1661 = arith.mulf %gather3A_1657, %gather3A_1657 : vector<16xf32>
      %add3A_1662 = arith.addf %add3A_1652, %mul3A_1661 : vector<16xf32>
      %mul3A_1663 = arith.mulf %gather3A_1658, %gather3A_1658 : vector<16xf32>
      %add3A_1664 = arith.addf %add3A_1654, %mul3A_1663 : vector<16xf32>
      %broadcast_in_dim3A_1665 = arith.constant 2 : i32
      %broadcast_in_dim3A_1666 = vector.broadcast %broadcast_in_dim3A_1665 : i32 to vector<16xi32>
      %gather3A_1667 = tpu.vector_load_idx %arg12[%iota3A_3, %broadcast_in_dim3A_1666] : memref<16x32xf32, #tpu.memory_space<vmem>>[vector<16xi32>, vector<16xi32>], vector<16xf32>,
      %gather3A_1668 = tpu.vector_load_idx %arg13[%iota3A_3, %broadcast_in_dim3A_1666] : memref<16x32xf32, #tpu.memory_space<vmem>>[vector<16xi32>, vector<16xi32>], vector<16xf32>,
      %mul3A_1669 = arith.mulf %gather3A_1667, %gather3A_1668 : vector<16xf32>
      %add3A_1670 = arith.addf %add3A_1660, %mul3A_1669 : vector<16xf32>
      %mul3A_1671 = arith.mulf %gather3A_1667, %gather3A_1667 : vector<16xf32>
      %add3A_1672 = arith.addf %add3A_1662, %mul3A_1671 : vector<16xf32>
      %mul3A_1673 = arith.mulf %gather3A_1668, %gather3A_1668 : vector<16xf32>
      %add3A_1674 = arith.addf %add3A_1664, %mul3A_1673 : vector<16xf32>
      %broadcast_in_dim3A_1675 = arith.constant 3 : i32
      %broadcast_in_dim3A_1676 = vector.broadcast %broadcast_in_dim3A_1675 : i32 to vector<16xi32>
      %gather3A_1677 = tpu.vector_load_idx %arg12[%iota3A_3, %broadcast_in_dim3A_1676] : memref<16x32xf32, #tpu.memory_space<vmem>>[vector<16xi32>, vector<16xi32>], vector<16xf32>,
      %gather3A_1678 = tpu.vector_load_idx %arg13[%iota3A_3, %broadcast_in_dim3A_1676] : memref<16x32xf32, #tpu.memory_space<vmem>>[vector<16xi32>, vector<16xi32>], vector<16xf32>,
      %mul3A_1679 = arith.mulf %gather3A_1677, %gather3A_1678 : vector<16xf32>
      %add3A_1680 = arith.addf %add3A_1670, %mul3A_1679 : vector<16xf32>
      %mul3A_1681 = arith.mulf %gather3A_1677, %gather3A_1677 : vector<16xf32>
      %add3A_1682 = arith.addf %add3A_1672, %mul3A_1681 : vector<16xf32>
      %mul3A_1683 = arith.mulf %gather3A_1678, %gather3A_1678 : vector<16xf32>
      %add3A_1684 = arith.addf %add3A_1674, %mul3A_1683 : vector<16xf32>
      %broadcast_in_dim3A_1685 = arith.constant 4 : i32
      %broadcast_in_dim3A_1686 = vector.broadcast %broadcast_in_dim3A_1685 : i32 to vector<16xi32>
      %gather3A_1687 = tpu.vector_load_idx %arg12[%iota3A_3, %broadcast_in_dim3A_1686] : memref<16x32xf32, #tpu.memory_space<vmem>>[vector<16xi32>, vector<16xi32>], vector<16xf32>,
      %gather3A_1688 = tpu.vector_load_idx %arg13[%iota3A_3, %broadcast_in_dim3A_1686] : memref<16x32xf32, #tpu.memory_space<vmem>>[vector<16xi32>, vector<16xi32>], vector<16xf32>,
      %mul3A_1689 = arith.mulf %gather3A_1687, %gather3A_1688 : vector<16xf32>
      %add3A_1690 = arith.addf %add3A_1680, %mul3A_1689 : vector<16xf32>
      %mul3A_1691 = arith.mulf %gather3A_1687, %gather3A_1687 : vector<16xf32>
      %add3A_1692 = arith.addf %add3A_1682, %mul3A_1691 : vector<16xf32>
      %mul3A_1693 = arith.mulf %gather3A_1688, %gather3A_1688 : vector<16xf32>
      %add3A_1694 = arith.addf %add3A_1684, %mul3A_1693 : vector<16xf32>
      %broadcast_in_dim3A_1695 = arith.constant 5 : i32
      %broadcast_in_dim3A_1696 = vector.broadcast %broadcast_in_dim3A_1695 : i32 to vector<16xi32>
      %gather3A_1697 = tpu.vector_load_idx %arg12[%iota3A_3, %broadcast_in_dim3A_1696] : memref<16x32xf32, #tpu.memory_space<vmem>>[vector<16xi32>, vector<16xi32>], vector<16xf32>,
      %gather3A_1698 = tpu.vector_load_idx %arg13[%iota3A_3, %broadcast_in_dim3A_1696] : memref<16x32xf32, #tpu.memory_space<vmem>>[vector<16xi32>, vector<16xi32>], vector<16xf32>,
      %mul3A_1699 = arith.mulf %gather3A_1697, %gather3A_1698 : vector<16xf32>
      %add3A_1700 = arith.addf %add3A_1690, %mul3A_1699 : vector<16xf32>
      %mul3A_1701 = arith.mulf %gather3A_1697, %gather3A_1697 : vector<16xf32>
      %add3A_1702 = arith.addf %add3A_1692, %mul3A_1701 : vector<16xf32>
      %mul3A_1703 = arith.mulf %gather3A_1698, %gather3A_1698 : vector<16xf32>
      %add3A_1704 = arith.addf %add3A_1694, %mul3A_1703 : vector<16xf32>
      %broadcast_in_dim3A_1705 = arith.constant 6 : i32
      %broadcast_in_dim3A_1706 = vector.broadcast %broadcast_in_dim3A_1705 : i32 to vector<16xi32>
      %gather3A_1707 = tpu.vector_load_idx %arg12[%iota3A_3, %broadcast_in_dim3A_1706] : memref<16x32xf32, #tpu.memory_space<vmem>>[vector<16xi32>, vector<16xi32>], vector<16xf32>,
      %gather3A_1708 = tpu.vector_load_idx %arg13[%iota3A_3, %broadcast_in_dim3A_1706] : memref<16x32xf32, #tpu.memory_space<vmem>>[vector<16xi32>, vector<16xi32>], vector<16xf32>,
      %mul3A_1709 = arith.mulf %gather3A_1707, %gather3A_1708 : vector<16xf32>
      %add3A_1710 = arith.addf %add3A_1700, %mul3A_1709 : vector<16xf32>
      %mul3A_1711 = arith.mulf %gather3A_1707, %gather3A_1707 : vector<16xf32>
      %add3A_1712 = arith.addf %add3A_1702, %mul3A_1711 : vector<16xf32>
      %mul3A_1713 = arith.mulf %gather3A_1708, %gather3A_1708 : vector<16xf32>
      %add3A_1714 = arith.addf %add3A_1704, %mul3A_1713 : vector<16xf32>
      %broadcast_in_dim3A_1715 = arith.constant 7 : i32
      %broadcast_in_dim3A_1716 = vector.broadcast %broadcast_in_dim3A_1715 : i32 to vector<16xi32>
      %gather3A_1717 = tpu.vector_load_idx %arg12[%iota3A_3, %broadcast_in_dim3A_1716] : memref<16x32xf32, #tpu.memory_space<vmem>>[vector<16xi32>, vector<16xi32>], vector<16xf32>,
      %gather3A_1718 = tpu.vector_load_idx %arg13[%iota3A_3, %broadcast_in_dim3A_1716] : memref<16x32xf32, #tpu.memory_space<vmem>>[vector<16xi32>, vector<16xi32>], vector<16xf32>,
      %mul3A_1719 = arith.mulf %gather3A_1717, %gather3A_1718 : vector<16xf32>
      %add3A_1720 = arith.addf %add3A_1710, %mul3A_1719 : vector<16xf32>
      %mul3A_1721 = arith.mulf %gather3A_1717, %gather3A_1717 : vector<16xf32>
      %add3A_1722 = arith.addf %add3A_1712, %mul3A_1721 : vector<16xf32>
      %mul3A_1723 = arith.mulf %gather3A_1718, %gather3A_1718 : vector<16xf32>
      %add3A_1724 = arith.addf %add3A_1714, %mul3A_1723 : vector<16xf32>
      %broadcast_in_dim3A_1725 = arith.constant 8 : i32
      %broadcast_in_dim3A_1726 = vector.broadcast %broadcast_in_dim3A_1725 : i32 to vector<16xi32>
      %gather3A_1727 = tpu.vector_load_idx %arg12[%iota3A_3, %broadcast_in_dim3A_1726] : memref<16x32xf32, #tpu.memory_space<vmem>>[vector<16xi32>, vector<16xi32>], vector<16xf32>,
      %gather3A_1728 = tpu.vector_load_idx %arg13[%iota3A_3, %broadcast_in_dim3A_1726] : memref<16x32xf32, #tpu.memory_space<vmem>>[vector<16xi32>, vector<16xi32>], vector<16xf32>,
      %mul3A_1729 = arith.mulf %gather3A_1727, %gather3A_1728 : vector<16xf32>
      %add3A_1730 = arith.addf %add3A_1720, %mul3A_1729 : vector<16xf32>
      %mul3A_1731 = arith.mulf %gather3A_1727, %gather3A_1727 : vector<16xf32>
      %add3A_1732 = arith.addf %add3A_1722, %mul3A_1731 : vector<16xf32>
      %mul3A_1733 = arith.mulf %gather3A_1728, %gather3A_1728 : vector<16xf32>
      %add3A_1734 = arith.addf %add3A_1724, %mul3A_1733 : vector<16xf32>
      %broadcast_in_dim3A_1735 = arith.constant 9 : i32
      %broadcast_in_dim3A_1736 = vector.broadcast %broadcast_in_dim3A_1735 : i32 to vector<16xi32>
      %gather3A_1737 = tpu.vector_load_idx %arg12[%iota3A_3, %broadcast_in_dim3A_1736] : memref<16x32xf32, #tpu.memory_space<vmem>>[vector<16xi32>, vector<16xi32>], vector<16xf32>,
      %gather3A_1738 = tpu.vector_load_idx %arg13[%iota3A_3, %broadcast_in_dim3A_1736] : memref<16x32xf32, #tpu.memory_space<vmem>>[vector<16xi32>, vector<16xi32>], vector<16xf32>,
      %mul3A_1739 = arith.mulf %gather3A_1737, %gather3A_1738 : vector<16xf32>
      %add3A_1740 = arith.addf %add3A_1730, %mul3A_1739 : vector<16xf32>
      %mul3A_1741 = arith.mulf %gather3A_1737, %gather3A_1737 : vector<16xf32>
      %add3A_1742 = arith.addf %add3A_1732, %mul3A_1741 : vector<16xf32>
      %mul3A_1743 = arith.mulf %gather3A_1738, %gather3A_1738 : vector<16xf32>
      %add3A_1744 = arith.addf %add3A_1734, %mul3A_1743 : vector<16xf32>
      %broadcast_in_dim3A_1745 = arith.constant 10 : i32
      %broadcast_in_dim3A_1746 = vector.broadcast %broadcast_in_dim3A_1745 : i32 to vector<16xi32>
      %gather3A_1747 = tpu.vector_load_idx %arg12[%iota3A_3, %broadcast_in_dim3A_1746] : memref<16x32xf32, #tpu.memory_space<vmem>>[vector<16xi32>, vector<16xi32>], vector<16xf32>,
      %gather3A_1748 = tpu.vector_load_idx %arg13[%iota3A_3, %broadcast_in_dim3A_1746] : memref<16x32xf32, #tpu.memory_space<vmem>>[vector<16xi32>, vector<16xi32>], vector<16xf32>,
      %mul3A_1749 = arith.mulf %gather3A_1747, %gather3A_1748 : vector<16xf32>
      %add3A_1750 = arith.addf %add3A_1740, %mul3A_1749 : vector<16xf32>
      %mul3A_1751 = arith.mulf %gather3A_1747, %gather3A_1747 : vector<16xf32>
      %add3A_1752 = arith.addf %add3A_1742, %mul3A_1751 : vector<16xf32>
      %mul3A_1753 = arith.mulf %gather3A_1748, %gather3A_1748 : vector<16xf32>
      %add3A_1754 = arith.addf %add3A_1744, %mul3A_1753 : vector<16xf32>
      %broadcast_in_dim3A_1755 = arith.constant 11 : i32
      %broadcast_in_dim3A_1756 = vector.broadcast %broadcast_in_dim3A_1755 : i32 to vector<16xi32>
      %gather3A_1757 = tpu.vector_load_idx %arg12[%iota3A_3, %broadcast_in_dim3A_1756] : memref<16x32xf32, #tpu.memory_space<vmem>>[vector<16xi32>, vector<16xi32>], vector<16xf32>,
      %gather3A_1758 = tpu.vector_load_idx %arg13[%iota3A_3, %broadcast_in_dim3A_1756] : memref<16x32xf32, #tpu.memory_space<vmem>>[vector<16xi32>, vector<16xi32>], vector<16xf32>,
      %mul3A_1759 = arith.mulf %gather3A_1757, %gather3A_1758 : vector<16xf32>
      %add3A_1760 = arith.addf %add3A_1750, %mul3A_1759 : vector<16xf32>
      %mul3A_1761 = arith.mulf %gather3A_1757, %gather3A_1757 : vector<16xf32>
      %add3A_1762 = arith.addf %add3A_1752, %mul3A_1761 : vector<16xf32>
      %mul3A_1763 = arith.mulf %gather3A_1758, %gather3A_1758 : vector<16xf32>
      %add3A_1764 = arith.addf %add3A_1754, %mul3A_1763 : vector<16xf32>
      %broadcast_in_dim3A_1765 = arith.constant 12 : i32
      %broadcast_in_dim3A_1766 = vector.broadcast %broadcast_in_dim3A_1765 : i32 to vector<16xi32>
      %gather3A_1767 = tpu.vector_load_idx %arg12[%iota3A_3, %broadcast_in_dim3A_1766] : memref<16x32xf32, #tpu.memory_space<vmem>>[vector<16xi32>, vector<16xi32>], vector<16xf32>,
      %gather3A_1768 = tpu.vector_load_idx %arg13[%iota3A_3, %broadcast_in_dim3A_1766] : memref<16x32xf32, #tpu.memory_space<vmem>>[vector<16xi32>, vector<16xi32>], vector<16xf32>,
      %mul3A_1769 = arith.mulf %gather3A_1767, %gather3A_1768 : vector<16xf32>
      %add3A_1770 = arith.addf %add3A_1760, %mul3A_1769 : vector<16xf32>
      %mul3A_1771 = arith.mulf %gather3A_1767, %gather3A_1767 : vector<16xf32>
      %add3A_1772 = arith.addf %add3A_1762, %mul3A_1771 : vector<16xf32>
      %mul3A_1773 = arith.mulf %gather3A_1768, %gather3A_1768 : vector<16xf32>
      %add3A_1774 = arith.addf %add3A_1764, %mul3A_1773 : vector<16xf32>
      %broadcast_in_dim3A_1775 = arith.constant 13 : i32
      %broadcast_in_dim3A_1776 = vector.broadcast %broadcast_in_dim3A_1775 : i32 to vector<16xi32>
      %gather3A_1777 = tpu.vector_load_idx %arg12[%iota3A_3, %broadcast_in_dim3A_1776] : memref<16x32xf32, #tpu.memory_space<vmem>>[vector<16xi32>, vector<16xi32>], vector<16xf32>,
      %gather3A_1778 = tpu.vector_load_idx %arg13[%iota3A_3, %broadcast_in_dim3A_1776] : memref<16x32xf32, #tpu.memory_space<vmem>>[vector<16xi32>, vector<16xi32>], vector<16xf32>,
      %mul3A_1779 = arith.mulf %gather3A_1777, %gather3A_1778 : vector<16xf32>
      %add3A_1780 = arith.addf %add3A_1770, %mul3A_1779 : vector<16xf32>
      %mul3A_1781 = arith.mulf %gather3A_1777, %gather3A_1777 : vector<16xf32>
      %add3A_1782 = arith.addf %add3A_1772, %mul3A_1781 : vector<16xf32>
      %mul3A_1783 = arith.mulf %gather3A_1778, %gather3A_1778 : vector<16xf32>
      %add3A_1784 = arith.addf %add3A_1774, %mul3A_1783 : vector<16xf32>
      %broadcast_in_dim3A_1785 = arith.constant 14 : i32
      %broadcast_in_dim3A_1786 = vector.broadcast %broadcast_in_dim3A_1785 : i32 to vector<16xi32>
      %gather3A_1787 = tpu.vector_load_idx %arg12[%iota3A_3, %broadcast_in_dim3A_1786] : memref<16x32xf32, #tpu.memory_space<vmem>>[vector<16xi32>, vector<16xi32>], vector<16xf32>,
      %gather3A_1788 = tpu.vector_load_idx %arg13[%iota3A_3, %broadcast_in_dim3A_1786] : memref<16x32xf32, #tpu.memory_space<vmem>>[vector<16xi32>, vector<16xi32>], vector<16xf32>,
      %mul3A_1789 = arith.mulf %gather3A_1787, %gather3A_1788 : vector<16xf32>
      %add3A_1790 = arith.addf %add3A_1780, %mul3A_1789 : vector<16xf32>
      %mul3A_1791 = arith.mulf %gather3A_1787, %gather3A_1787 : vector<16xf32>
      %add3A_1792 = arith.addf %add3A_1782, %mul3A_1791 : vector<16xf32>
      %mul3A_1793 = arith.mulf %gather3A_1788, %gather3A_1788 : vector<16xf32>
      %add3A_1794 = arith.addf %add3A_1784, %mul3A_1793 : vector<16xf32>
      %broadcast_in_dim3A_1795 = arith.constant 15 : i32
      %broadcast_in_dim3A_1796 = vector.broadcast %broadcast_in_dim3A_1795 : i32 to vector<16xi32>
      %gather3A_1797 = tpu.vector_load_idx %arg12[%iota3A_3, %broadcast_in_dim3A_1796] : memref<16x32xf32, #tpu.memory_space<vmem>>[vector<16xi32>, vector<16xi32>], vector<16xf32>,
      %gather3A_1798 = tpu.vector_load_idx %arg13[%iota3A_3, %broadcast_in_dim3A_1796] : memref<16x32xf32, #tpu.memory_space<vmem>>[vector<16xi32>, vector<16xi32>], vector<16xf32>,
      %mul3A_1799 = arith.mulf %gather3A_1797, %gather3A_1798 : vector<16xf32>
      %add3A_1800 = arith.addf %add3A_1790, %mul3A_1799 : vector<16xf32>
      %mul3A_1801 = arith.mulf %gather3A_1797, %gather3A_1797 : vector<16xf32>
      %add3A_1802 = arith.addf %add3A_1792, %mul3A_1801 : vector<16xf32>
      %mul3A_1803 = arith.mulf %gather3A_1798, %gather3A_1798 : vector<16xf32>
      %add3A_1804 = arith.addf %add3A_1794, %mul3A_1803 : vector<16xf32>
      %broadcast_in_dim3A_1805 = arith.constant 16 : i32
      %broadcast_in_dim3A_1806 = vector.broadcast %broadcast_in_dim3A_1805 : i32 to vector<16xi32>
      %gather3A_1807 = tpu.vector_load_idx %arg12[%iota3A_3, %broadcast_in_dim3A_1806] : memref<16x32xf32, #tpu.memory_space<vmem>>[vector<16xi32>, vector<16xi32>], vector<16xf32>,
      %gather3A_1808 = tpu.vector_load_idx %arg13[%iota3A_3, %broadcast_in_dim3A_1806] : memref<16x32xf32, #tpu.memory_space<vmem>>[vector<16xi32>, vector<16xi32>], vector<16xf32>,
      %mul3A_1809 = arith.mulf %gather3A_1807, %gather3A_1808 : vector<16xf32>
      %add3A_1810 = arith.addf %add3A_1800, %mul3A_1809 : vector<16xf32>
      %mul3A_1811 = arith.mulf %gather3A_1807, %gather3A_1807 : vector<16xf32>
      %add3A_1812 = arith.addf %add3A_1802, %mul3A_1811 : vector<16xf32>
      %mul3A_1813 = arith.mulf %gather3A_1808, %gather3A_1808 : vector<16xf32>
      %add3A_1814 = arith.addf %add3A_1804, %mul3A_1813 : vector<16xf32>
      %broadcast_in_dim3A_1815 = arith.constant 17 : i32
      %broadcast_in_dim3A_1816 = vector.broadcast %broadcast_in_dim3A_1815 : i32 to vector<16xi32>
      %gather3A_1817 = tpu.vector_load_idx %arg12[%iota3A_3, %broadcast_in_dim3A_1816] : memref<16x32xf32, #tpu.memory_space<vmem>>[vector<16xi32>, vector<16xi32>], vector<16xf32>,
      %gather3A_1818 = tpu.vector_load_idx %arg13[%iota3A_3, %broadcast_in_dim3A_1816] : memref<16x32xf32, #tpu.memory_space<vmem>>[vector<16xi32>, vector<16xi32>], vector<16xf32>,
      %mul3A_1819 = arith.mulf %gather3A_1817, %gather3A_1818 : vector<16xf32>
      %add3A_1820 = arith.addf %add3A_1810, %mul3A_1819 : vector<16xf32>
      %mul3A_1821 = arith.mulf %gather3A_1817, %gather3A_1817 : vector<16xf32>
      %add3A_1822 = arith.addf %add3A_1812, %mul3A_1821 : vector<16xf32>
      %mul3A_1823 = arith.mulf %gather3A_1818, %gather3A_1818 : vector<16xf32>
      %add3A_1824 = arith.addf %add3A_1814, %mul3A_1823 : vector<16xf32>
      %broadcast_in_dim3A_1825 = arith.constant 18 : i32
      %broadcast_in_dim3A_1826 = vector.broadcast %broadcast_in_dim3A_1825 : i32 to vector<16xi32>
      %gather3A_1827 = tpu.vector_load_idx %arg12[%iota3A_3, %broadcast_in_dim3A_1826] : memref<16x32xf32, #tpu.memory_space<vmem>>[vector<16xi32>, vector<16xi32>], vector<16xf32>,
      %gather3A_1828 = tpu.vector_load_idx %arg13[%iota3A_3, %broadcast_in_dim3A_1826] : memref<16x32xf32, #tpu.memory_space<vmem>>[vector<16xi32>, vector<16xi32>], vector<16xf32>,
      %mul3A_1829 = arith.mulf %gather3A_1827, %gather3A_1828 : vector<16xf32>
      %add3A_1830 = arith.addf %add3A_1820, %mul3A_1829 : vector<16xf32>
      %mul3A_1831 = arith.mulf %gather3A_1827, %gather3A_1827 : vector<16xf32>
      %add3A_1832 = arith.addf %add3A_1822, %mul3A_1831 : vector<16xf32>
      %mul3A_1833 = arith.mulf %gather3A_1828, %gather3A_1828 : vector<16xf32>
      %add3A_1834 = arith.addf %add3A_1824, %mul3A_1833 : vector<16xf32>
      %broadcast_in_dim3A_1835 = arith.constant 19 : i32
      %broadcast_in_dim3A_1836 = vector.broadcast %broadcast_in_dim3A_1835 : i32 to vector<16xi32>
      %gather3A_1837 = tpu.vector_load_idx %arg12[%iota3A_3, %broadcast_in_dim3A_1836] : memref<16x32xf32, #tpu.memory_space<vmem>>[vector<16xi32>, vector<16xi32>], vector<16xf32>,
      %gather3A_1838 = tpu.vector_load_idx %arg13[%iota3A_3, %broadcast_in_dim3A_1836] : memref<16x32xf32, #tpu.memory_space<vmem>>[vector<16xi32>, vector<16xi32>], vector<16xf32>,
      %mul3A_1839 = arith.mulf %gather3A_1837, %gather3A_1838 : vector<16xf32>
      %add3A_1840 = arith.addf %add3A_1830, %mul3A_1839 : vector<16xf32>
      %mul3A_1841 = arith.mulf %gather3A_1837, %gather3A_1837 : vector<16xf32>
      %add3A_1842 = arith.addf %add3A_1832, %mul3A_1841 : vector<16xf32>
      %mul3A_1843 = arith.mulf %gather3A_1838, %gather3A_1838 : vector<16xf32>
      %add3A_1844 = arith.addf %add3A_1834, %mul3A_1843 : vector<16xf32>
      %broadcast_in_dim3A_1845 = arith.constant 20 : i32
      %broadcast_in_dim3A_1846 = vector.broadcast %broadcast_in_dim3A_1845 : i32 to vector<16xi32>
      %gather3A_1847 = tpu.vector_load_idx %arg12[%iota3A_3, %broadcast_in_dim3A_1846] : memref<16x32xf32, #tpu.memory_space<vmem>>[vector<16xi32>, vector<16xi32>], vector<16xf32>,
      %gather3A_1848 = tpu.vector_load_idx %arg13[%iota3A_3, %broadcast_in_dim3A_1846] : memref<16x32xf32, #tpu.memory_space<vmem>>[vector<16xi32>, vector<16xi32>], vector<16xf32>,
      %mul3A_1849 = arith.mulf %gather3A_1847, %gather3A_1848 : vector<16xf32>
      %add3A_1850 = arith.addf %add3A_1840, %mul3A_1849 : vector<16xf32>
      %mul3A_1851 = arith.mulf %gather3A_1847, %gather3A_1847 : vector<16xf32>
      %add3A_1852 = arith.addf %add3A_1842, %mul3A_1851 : vector<16xf32>
      %mul3A_1853 = arith.mulf %gather3A_1848, %gather3A_1848 : vector<16xf32>
      %add3A_1854 = arith.addf %add3A_1844, %mul3A_1853 : vector<16xf32>
      %broadcast_in_dim3A_1855 = arith.constant 21 : i32
      %broadcast_in_dim3A_1856 = vector.broadcast %broadcast_in_dim3A_1855 : i32 to vector<16xi32>
      %gather3A_1857 = tpu.vector_load_idx %arg12[%iota3A_3, %broadcast_in_dim3A_1856] : memref<16x32xf32, #tpu.memory_space<vmem>>[vector<16xi32>, vector<16xi32>], vector<16xf32>,
      %gather3A_1858 = tpu.vector_load_idx %arg13[%iota3A_3, %broadcast_in_dim3A_1856] : memref<16x32xf32, #tpu.memory_space<vmem>>[vector<16xi32>, vector<16xi32>], vector<16xf32>,
      %mul3A_1859 = arith.mulf %gather3A_1857, %gather3A_1858 : vector<16xf32>
      %add3A_1860 = arith.addf %add3A_1850, %mul3A_1859 : vector<16xf32>
      %mul3A_1861 = arith.mulf %gather3A_1857, %gather3A_1857 : vector<16xf32>
      %add3A_1862 = arith.addf %add3A_1852, %mul3A_1861 : vector<16xf32>
      %mul3A_1863 = arith.mulf %gather3A_1858, %gather3A_1858 : vector<16xf32>
      %add3A_1864 = arith.addf %add3A_1854, %mul3A_1863 : vector<16xf32>
      %broadcast_in_dim3A_1865 = arith.constant 22 : i32
      %broadcast_in_dim3A_1866 = vector.broadcast %broadcast_in_dim3A_1865 : i32 to vector<16xi32>
      %gather3A_1867 = tpu.vector_load_idx %arg12[%iota3A_3, %broadcast_in_dim3A_1866] : memref<16x32xf32, #tpu.memory_space<vmem>>[vector<16xi32>, vector<16xi32>], vector<16xf32>,
      %gather3A_1868 = tpu.vector_load_idx %arg13[%iota3A_3, %broadcast_in_dim3A_1866] : memref<16x32xf32, #tpu.memory_space<vmem>>[vector<16xi32>, vector<16xi32>], vector<16xf32>,
      %mul3A_1869 = arith.mulf %gather3A_1867, %gather3A_1868 : vector<16xf32>
      %add3A_1870 = arith.addf %add3A_1860, %mul3A_1869 : vector<16xf32>
      %mul3A_1871 = arith.mulf %gather3A_1867, %gather3A_1867 : vector<16xf32>
      %add3A_1872 = arith.addf %add3A_1862, %mul3A_1871 : vector<16xf32>
      %mul3A_1873 = arith.mulf %gather3A_1868, %gather3A_1868 : vector<16xf32>
      %add3A_1874 = arith.addf %add3A_1864, %mul3A_1873 : vector<16xf32>
      %broadcast_in_dim3A_1875 = arith.constant 23 : i32
      %broadcast_in_dim3A_1876 = vector.broadcast %broadcast_in_dim3A_1875 : i32 to vector<16xi32>
      %gather3A_1877 = tpu.vector_load_idx %arg12[%iota3A_3, %broadcast_in_dim3A_1876] : memref<16x32xf32, #tpu.memory_space<vmem>>[vector<16xi32>, vector<16xi32>], vector<16xf32>,
      %gather3A_1878 = tpu.vector_load_idx %arg13[%iota3A_3, %broadcast_in_dim3A_1876] : memref<16x32xf32, #tpu.memory_space<vmem>>[vector<16xi32>, vector<16xi32>], vector<16xf32>,
      %mul3A_1879 = arith.mulf %gather3A_1877, %gather3A_1878 : vector<16xf32>
      %add3A_1880 = arith.addf %add3A_1870, %mul3A_1879 : vector<16xf32>
      %mul3A_1881 = arith.mulf %gather3A_1877, %gather3A_1877 : vector<16xf32>
      %add3A_1882 = arith.addf %add3A_1872, %mul3A_1881 : vector<16xf32>
      %mul3A_1883 = arith.mulf %gather3A_1878, %gather3A_1878 : vector<16xf32>
      %add3A_1884 = arith.addf %add3A_1874, %mul3A_1883 : vector<16xf32>
      %broadcast_in_dim3A_1885 = arith.constant 24 : i32
      %broadcast_in_dim3A_1886 = vector.broadcast %broadcast_in_dim3A_1885 : i32 to vector<16xi32>
      %gather3A_1887 = tpu.vector_load_idx %arg12[%iota3A_3, %broadcast_in_dim3A_1886] : memref<16x32xf32, #tpu.memory_space<vmem>>[vector<16xi32>, vector<16xi32>], vector<16xf32>,
      %gather3A_1888 = tpu.vector_load_idx %arg13[%iota3A_3, %broadcast_in_dim3A_1886] : memref<16x32xf32, #tpu.memory_space<vmem>>[vector<16xi32>, vector<16xi32>], vector<16xf32>,
      %mul3A_1889 = arith.mulf %gather3A_1887, %gather3A_1888 : vector<16xf32>
      %add3A_1890 = arith.addf %add3A_1880, %mul3A_1889 : vector<16xf32>
      %mul3A_1891 = arith.mulf %gather3A_1887, %gather3A_1887 : vector<16xf32>
      %add3A_1892 = arith.addf %add3A_1882, %mul3A_1891 : vector<16xf32>
      %mul3A_1893 = arith.mulf %gather3A_1888, %gather3A_1888 : vector<16xf32>
      %add3A_1894 = arith.addf %add3A_1884, %mul3A_1893 : vector<16xf32>
      %broadcast_in_dim3A_1895 = arith.constant 25 : i32
      %broadcast_in_dim3A_1896 = vector.broadcast %broadcast_in_dim3A_1895 : i32 to vector<16xi32>
      %gather3A_1897 = tpu.vector_load_idx %arg12[%iota3A_3, %broadcast_in_dim3A_1896] : memref<16x32xf32, #tpu.memory_space<vmem>>[vector<16xi32>, vector<16xi32>], vector<16xf32>,
      %gather3A_1898 = tpu.vector_load_idx %arg13[%iota3A_3, %broadcast_in_dim3A_1896] : memref<16x32xf32, #tpu.memory_space<vmem>>[vector<16xi32>, vector<16xi32>], vector<16xf32>,
      %mul3A_1899 = arith.mulf %gather3A_1897, %gather3A_1898 : vector<16xf32>
      %add3A_1900 = arith.addf %add3A_1890, %mul3A_1899 : vector<16xf32>
      %mul3A_1901 = arith.mulf %gather3A_1897, %gather3A_1897 : vector<16xf32>
      %add3A_1902 = arith.addf %add3A_1892, %mul3A_1901 : vector<16xf32>
      %mul3A_1903 = arith.mulf %gather3A_1898, %gather3A_1898 : vector<16xf32>
      %add3A_1904 = arith.addf %add3A_1894, %mul3A_1903 : vector<16xf32>
      %broadcast_in_dim3A_1905 = arith.constant 26 : i32
      %broadcast_in_dim3A_1906 = vector.broadcast %broadcast_in_dim3A_1905 : i32 to vector<16xi32>
      %gather3A_1907 = tpu.vector_load_idx %arg12[%iota3A_3, %broadcast_in_dim3A_1906] : memref<16x32xf32, #tpu.memory_space<vmem>>[vector<16xi32>, vector<16xi32>], vector<16xf32>,
      %gather3A_1908 = tpu.vector_load_idx %arg13[%iota3A_3, %broadcast_in_dim3A_1906] : memref<16x32xf32, #tpu.memory_space<vmem>>[vector<16xi32>, vector<16xi32>], vector<16xf32>,
      %mul3A_1909 = arith.mulf %gather3A_1907, %gather3A_1908 : vector<16xf32>
      %add3A_1910 = arith.addf %add3A_1900, %mul3A_1909 : vector<16xf32>
      %mul3A_1911 = arith.mulf %gather3A_1907, %gather3A_1907 : vector<16xf32>
      %add3A_1912 = arith.addf %add3A_1902, %mul3A_1911 : vector<16xf32>
      %mul3A_1913 = arith.mulf %gather3A_1908, %gather3A_1908 : vector<16xf32>
      %add3A_1914 = arith.addf %add3A_1904, %mul3A_1913 : vector<16xf32>
      %broadcast_in_dim3A_1915 = arith.constant 27 : i32
      %broadcast_in_dim3A_1916 = vector.broadcast %broadcast_in_dim3A_1915 : i32 to vector<16xi32>
      %gather3A_1917 = tpu.vector_load_idx %arg12[%iota3A_3, %broadcast_in_dim3A_1916] : memref<16x32xf32, #tpu.memory_space<vmem>>[vector<16xi32>, vector<16xi32>], vector<16xf32>,
      %gather3A_1918 = tpu.vector_load_idx %arg13[%iota3A_3, %broadcast_in_dim3A_1916] : memref<16x32xf32, #tpu.memory_space<vmem>>[vector<16xi32>, vector<16xi32>], vector<16xf32>,
      %mul3A_1919 = arith.mulf %gather3A_1917, %gather3A_1918 : vector<16xf32>
      %add3A_1920 = arith.addf %add3A_1910, %mul3A_1919 : vector<16xf32>
      %mul3A_1921 = arith.mulf %gather3A_1917, %gather3A_1917 : vector<16xf32>
      %add3A_1922 = arith.addf %add3A_1912, %mul3A_1921 : vector<16xf32>
      %mul3A_1923 = arith.mulf %gather3A_1918, %gather3A_1918 : vector<16xf32>
      %add3A_1924 = arith.addf %add3A_1914, %mul3A_1923 : vector<16xf32>
      %broadcast_in_dim3A_1925 = arith.constant 28 : i32
      %broadcast_in_dim3A_1926 = vector.broadcast %broadcast_in_dim3A_1925 : i32 to vector<16xi32>
      %gather3A_1927 = tpu.vector_load_idx %arg12[%iota3A_3, %broadcast_in_dim3A_1926] : memref<16x32xf32, #tpu.memory_space<vmem>>[vector<16xi32>, vector<16xi32>], vector<16xf32>,
      %gather3A_1928 = tpu.vector_load_idx %arg13[%iota3A_3, %broadcast_in_dim3A_1926] : memref<16x32xf32, #tpu.memory_space<vmem>>[vector<16xi32>, vector<16xi32>], vector<16xf32>,
      %mul3A_1929 = arith.mulf %gather3A_1927, %gather3A_1928 : vector<16xf32>
      %add3A_1930 = arith.addf %add3A_1920, %mul3A_1929 : vector<16xf32>
      %mul3A_1931 = arith.mulf %gather3A_1927, %gather3A_1927 : vector<16xf32>
      %add3A_1932 = arith.addf %add3A_1922, %mul3A_1931 : vector<16xf32>
      %mul3A_1933 = arith.mulf %gather3A_1928, %gather3A_1928 : vector<16xf32>
      %add3A_1934 = arith.addf %add3A_1924, %mul3A_1933 : vector<16xf32>
      %broadcast_in_dim3A_1935 = arith.constant 29 : i32
      %broadcast_in_dim3A_1936 = vector.broadcast %broadcast_in_dim3A_1935 : i32 to vector<16xi32>
      %gather3A_1937 = tpu.vector_load_idx %arg12[%iota3A_3, %broadcast_in_dim3A_1936] : memref<16x32xf32, #tpu.memory_space<vmem>>[vector<16xi32>, vector<16xi32>], vector<16xf32>,
      %gather3A_1938 = tpu.vector_load_idx %arg13[%iota3A_3, %broadcast_in_dim3A_1936] : memref<16x32xf32, #tpu.memory_space<vmem>>[vector<16xi32>, vector<16xi32>], vector<16xf32>,
      %mul3A_1939 = arith.mulf %gather3A_1937, %gather3A_1938 : vector<16xf32>
      %add3A_1940 = arith.addf %add3A_1930, %mul3A_1939 : vector<16xf32>
      %mul3A_1941 = arith.mulf %gather3A_1937, %gather3A_1937 : vector<16xf32>
      %add3A_1942 = arith.addf %add3A_1932, %mul3A_1941 : vector<16xf32>
      %mul3A_1943 = arith.mulf %gather3A_1938, %gather3A_1938 : vector<16xf32>
      %add3A_1944 = arith.addf %add3A_1934, %mul3A_1943 : vector<16xf32>
      %broadcast_in_dim3A_1945 = arith.constant 30 : i32
      %broadcast_in_dim3A_1946 = vector.broadcast %broadcast_in_dim3A_1945 : i32 to vector<16xi32>
      %gather3A_1947 = tpu.vector_load_idx %arg12[%iota3A_3, %broadcast_in_dim3A_1946] : memref<16x32xf32, #tpu.memory_space<vmem>>[vector<16xi32>, vector<16xi32>], vector<16xf32>,
      %gather3A_1948 = tpu.vector_load_idx %arg13[%iota3A_3, %broadcast_in_dim3A_1946] : memref<16x32xf32, #tpu.memory_space<vmem>>[vector<16xi32>, vector<16xi32>], vector<16xf32>,
      %mul3A_1949 = arith.mulf %gather3A_1947, %gather3A_1948 : vector<16xf32>
      %add3A_1950 = arith.addf %add3A_1940, %mul3A_1949 : vector<16xf32>
      %mul3A_1951 = arith.mulf %gather3A_1947, %gather3A_1947 : vector<16xf32>
      %add3A_1952 = arith.addf %add3A_1942, %mul3A_1951 : vector<16xf32>
      %mul3A_1953 = arith.mulf %gather3A_1948, %gather3A_1948 : vector<16xf32>
      %add3A_1954 = arith.addf %add3A_1944, %mul3A_1953 : vector<16xf32>
      %broadcast_in_dim3A_1955 = arith.constant 31 : i32
      %broadcast_in_dim3A_1956 = vector.broadcast %broadcast_in_dim3A_1955 : i32 to vector<16xi32>
      %gather3A_1957 = tpu.vector_load_idx %arg12[%iota3A_3, %broadcast_in_dim3A_1956] : memref<16x32xf32, #tpu.memory_space<vmem>>[vector<16xi32>, vector<16xi32>], vector<16xf32>,
      %gather3A_1958 = tpu.vector_load_idx %arg13[%iota3A_3, %broadcast_in_dim3A_1956] : memref<16x32xf32, #tpu.memory_space<vmem>>[vector<16xi32>, vector<16xi32>], vector<16xf32>,
      %mul3A_1959 = arith.mulf %gather3A_1957, %gather3A_1958 : vector<16xf32>
      %add3A_1960 = arith.addf %add3A_1950, %mul3A_1959 : vector<16xf32>
      %mul3A_1961 = arith.mulf %gather3A_1957, %gather3A_1957 : vector<16xf32>
      %add3A_1962 = arith.addf %add3A_1952, %mul3A_1961 : vector<16xf32>
      %mul3A_1963 = arith.mulf %gather3A_1958, %gather3A_1958 : vector<16xf32>
      %add3A_1964 = arith.addf %add3A_1954, %mul3A_1963 : vector<16xf32>
      %gather3A_1965 = tpu.vector_load_idx %arg14[%iota3A_3, %broadcast_in_dim3A_4] : memref<16x1xf32, #tpu.memory_space<vmem>>[vector<16xi32>, vector<16xi32>], vector<16xf32>,
      %max3A = arith.constant 1.000000e-30 : f32
      %max3A_1966 = vector.broadcast %max3A : f32 to vector<16xf32>
      %max3A_1967 = arith.maximumf %add3A_1962, %max3A_1966 : vector<16xf32>
      %bitcast3A = vector.bitcast %max3A_1967 : vector<16xf32> to vector<16xi32>
      %shift_right_arithmetic3A = arith.constant 1 : i32
      %shift_right_arithmetic3A_1968 = vector.broadcast %shift_right_arithmetic3A : i32 to vector<16xi32>
      %shift_right_arithmetic3A_1969 = arith.shrsi %bitcast3A, %shift_right_arithmetic3A_1968 : vector<16xi32>
      %sub3A = arith.constant 1597463007 : i32
      %sub3A_1970 = vector.broadcast %sub3A : i32 to vector<16xi32>
      %sub3A_1971 = arith.subi %sub3A_1970, %shift_right_arithmetic3A_1969 : vector<16xi32>
      %bitcast3A_1972 = vector.bitcast %sub3A_1971 : vector<16xi32> to vector<16xf32>
      %mul3A_1973 = arith.constant 5.000000e-01 : f32
      %mul3A_1974 = vector.broadcast %mul3A_1973 : f32 to vector<16xf32>
      %mul3A_1975 = arith.mulf %mul3A_1974, %max3A_1967 : vector<16xf32>
      %mul3A_1976 = arith.mulf %mul3A_1975, %bitcast3A_1972 : vector<16xf32>
      %mul3A_1977 = arith.mulf %mul3A_1976, %bitcast3A_1972 : vector<16xf32>
      %sub3A_1978 = arith.constant 1.500000e+00 : f32
      %sub3A_1979 = vector.broadcast %sub3A_1978 : f32 to vector<16xf32>
      %sub3A_1980 = arith.subf %sub3A_1979, %mul3A_1977 : vector<16xf32>
      %mul3A_1981 = arith.mulf %bitcast3A_1972, %sub3A_1980 : vector<16xf32>
      %mul3A_1982 = arith.constant 5.000000e-01 : f32
      %mul3A_1983 = vector.broadcast %mul3A_1982 : f32 to vector<16xf32>
      %mul3A_1984 = arith.mulf %mul3A_1983, %max3A_1967 : vector<16xf32>
      %mul3A_1985 = arith.mulf %mul3A_1984, %mul3A_1981 : vector<16xf32>
      %mul3A_1986 = arith.mulf %mul3A_1985, %mul3A_1981 : vector<16xf32>
      %sub3A_1987 = arith.constant 1.500000e+00 : f32
      %sub3A_1988 = vector.broadcast %sub3A_1987 : f32 to vector<16xf32>
      %sub3A_1989 = arith.subf %sub3A_1988, %mul3A_1986 : vector<16xf32>
      %mul3A_1990 = arith.mulf %mul3A_1981, %sub3A_1989 : vector<16xf32>
      %mul3A_1991 = arith.constant 5.000000e-01 : f32
      %mul3A_1992 = vector.broadcast %mul3A_1991 : f32 to vector<16xf32>
      %mul3A_1993 = arith.mulf %mul3A_1992, %max3A_1967 : vector<16xf32>
      %mul3A_1994 = arith.mulf %mul3A_1993, %mul3A_1990 : vector<16xf32>
      %mul3A_1995 = arith.mulf %mul3A_1994, %mul3A_1990 : vector<16xf32>
      %sub3A_1996 = arith.constant 1.500000e+00 : f32
      %sub3A_1997 = vector.broadcast %sub3A_1996 : f32 to vector<16xf32>
      %sub3A_1998 = arith.subf %sub3A_1997, %mul3A_1995 : vector<16xf32>
      %mul3A_1999 = arith.mulf %mul3A_1990, %sub3A_1998 : vector<16xf32>
      %mul3A_2000 = arith.mulf %max3A_1967, %mul3A_1999 : vector<16xf32>
      %max3A_2001 = arith.constant 1.000000e-30 : f32
      %max3A_2002 = vector.broadcast %max3A_2001 : f32 to vector<16xf32>
      %max3A_2003 = arith.maximumf %add3A_1964, %max3A_2002 : vector<16xf32>
      %bitcast3A_2004 = vector.bitcast %max3A_2003 : vector<16xf32> to vector<16xi32>
      %shift_right_arithmetic3A_2005 = arith.constant 1 : i32
      %shift_right_arithmetic3A_2006 = vector.broadcast %shift_right_arithmetic3A_2005 : i32 to vector<16xi32>
      %shift_right_arithmetic3A_2007 = arith.shrsi %bitcast3A_2004, %shift_right_arithmetic3A_2006 : vector<16xi32>
      %sub3A_2008 = arith.constant 1597463007 : i32
      %sub3A_2009 = vector.broadcast %sub3A_2008 : i32 to vector<16xi32>
      %sub3A_2010 = arith.subi %sub3A_2009, %shift_right_arithmetic3A_2007 : vector<16xi32>
      %bitcast3A_2011 = vector.bitcast %sub3A_2010 : vector<16xi32> to vector<16xf32>
      %mul3A_2012 = arith.constant 5.000000e-01 : f32
      %mul3A_2013 = vector.broadcast %mul3A_2012 : f32 to vector<16xf32>
      %mul3A_2014 = arith.mulf %mul3A_2013, %max3A_2003 : vector<16xf32>
      %mul3A_2015 = arith.mulf %mul3A_2014, %bitcast3A_2011 : vector<16xf32>
      %mul3A_2016 = arith.mulf %mul3A_2015, %bitcast3A_2011 : vector<16xf32>
      %sub3A_2017 = arith.constant 1.500000e+00 : f32
      %sub3A_2018 = vector.broadcast %sub3A_2017 : f32 to vector<16xf32>
      %sub3A_2019 = arith.subf %sub3A_2018, %mul3A_2016 : vector<16xf32>
      %mul3A_2020 = arith.mulf %bitcast3A_2011, %sub3A_2019 : vector<16xf32>
      %mul3A_2021 = arith.constant 5.000000e-01 : f32
      %mul3A_2022 = vector.broadcast %mul3A_2021 : f32 to vector<16xf32>
      %mul3A_2023 = arith.mulf %mul3A_2022, %max3A_2003 : vector<16xf32>
      %mul3A_2024 = arith.mulf %mul3A_2023, %mul3A_2020 : vector<16xf32>
      %mul3A_2025 = arith.mulf %mul3A_2024, %mul3A_2020 : vector<16xf32>
      %sub3A_2026 = arith.constant 1.500000e+00 : f32
      %sub3A_2027 = vector.broadcast %sub3A_2026 : f32 to vector<16xf32>
      %sub3A_2028 = arith.subf %sub3A_2027, %mul3A_2025 : vector<16xf32>
      %mul3A_2029 = arith.mulf %mul3A_2020, %sub3A_2028 : vector<16xf32>
      %mul3A_2030 = arith.constant 5.000000e-01 : f32
      %mul3A_2031 = vector.broadcast %mul3A_2030 : f32 to vector<16xf32>
      %mul3A_2032 = arith.mulf %mul3A_2031, %max3A_2003 : vector<16xf32>
      %mul3A_2033 = arith.mulf %mul3A_2032, %mul3A_2029 : vector<16xf32>
      %mul3A_2034 = arith.mulf %mul3A_2033, %mul3A_2029 : vector<16xf32>
      %sub3A_2035 = arith.constant 1.500000e+00 : f32
      %sub3A_2036 = vector.broadcast %sub3A_2035 : f32 to vector<16xf32>
      %sub3A_2037 = arith.subf %sub3A_2036, %mul3A_2034 : vector<16xf32>
      %mul3A_2038 = arith.mulf %mul3A_2029, %sub3A_2037 : vector<16xf32>
      %mul3A_2039 = arith.mulf %max3A_2003, %mul3A_2038 : vector<16xf32>
      %add3A_2040 = arith.constant 1.000000e-07 : f32
      %add3A_2041 = vector.broadcast %add3A_2040 : f32 to vector<16xf32>
      %add3A_2042 = arith.addf %mul3A_2000, %add3A_2041 : vector<16xf32>
      %div3A = arith.constant 1.000000e+00 : f32
      %div3A_2043 = vector.broadcast %div3A : f32 to vector<16xf32>
      %div3A_2044 = arith.divf %div3A_2043, %add3A_2042 : vector<16xf32>
      %min3A = arith.constant 1.000000e+00 : f32
      %min3A_2045 = vector.broadcast %min3A : f32 to vector<16xf32>
      %min3A_2046 = arith.minimumf %min3A_2045, %div3A_2044 : vector<16xf32>
      %add3A_2047 = arith.constant 1.000000e-07 : f32
      %add3A_2048 = vector.broadcast %add3A_2047 : f32 to vector<16xf32>
      %add3A_2049 = arith.addf %mul3A_2039, %add3A_2048 : vector<16xf32>
      %div3A_2050 = arith.constant 1.000000e+00 : f32
      %div3A_2051 = vector.broadcast %div3A_2050 : f32 to vector<16xf32>
      %div3A_2052 = arith.divf %div3A_2051, %add3A_2049 : vector<16xf32>
      %min3A_2053 = arith.constant 1.000000e+00 : f32
      %min3A_2054 = vector.broadcast %min3A_2053 : f32 to vector<16xf32>
      %min3A_2055 = arith.minimumf %min3A_2054, %div3A_2052 : vector<16xf32>
      %mul3A_2056 = arith.constant 16 : i32
      %mul3A_2057 = arith.muli %mul3A_812, %mul3A_2056 : i32
      %mul3A_2058 = arith.mulf %min3A_2046, %min3A_2055 : vector<16xf32>
      %mul3A_2059 = arith.mulf %add3A_1960, %mul3A_2058 : vector<16xf32>
      %add3A_2060 = arith.addf %mul3A_2059, %gather3A_1965 : vector<16xf32>
      %swap3A = arith.index_cast %mul3A_2057 : i32 to index
      %swap3A_2061 = tpu.vector_load %arg18[%swap3A] {strides = array<i32>} : memref<512xf32, #tpu.memory_space<vmem>>, vector<16xf32>,
      tpu.vector_store %arg18[%swap3A], %add3A_2060 {strides = array<i32>} : memref<512xf32, #tpu.memory_space<vmem>>, vector<16xf32>,
      %mul3A_2062 = arith.mulf %mul3A_2000, %min3A_2046 : vector<16xf32>
      %swap3A_2063 = arith.index_cast %mul3A_2057 : i32 to index
      %swap3A_2064 = tpu.vector_load %arg19[%swap3A_2063] {strides = array<i32>} : memref<512xf32, #tpu.memory_space<vmem>>, vector<16xf32>,
      tpu.vector_store %arg19[%swap3A_2063], %mul3A_2062 {strides = array<i32>} : memref<512xf32, #tpu.memory_space<vmem>>, vector<16xf32>,
      %mul3A_2065 = arith.mulf %min3A_2055, %min3A_2055 : vector<16xf32>
      %mul3A_2066 = arith.mulf %add3A_1964, %mul3A_2065 : vector<16xf32>
      %mul3A_2067 = arith.mulf %gather3A_1965, %gather3A_1965 : vector<16xf32>
      %add3A_2068 = arith.addf %mul3A_2066, %mul3A_2067 : vector<16xf32>
      %max3A_2069 = arith.constant 1.000000e-30 : f32
      %max3A_2070 = vector.broadcast %max3A_2069 : f32 to vector<16xf32>
      %max3A_2071 = arith.maximumf %add3A_2068, %max3A_2070 : vector<16xf32>
      %bitcast3A_2072 = vector.bitcast %max3A_2071 : vector<16xf32> to vector<16xi32>
      %shift_right_arithmetic3A_2073 = arith.constant 1 : i32
      %shift_right_arithmetic3A_2074 = vector.broadcast %shift_right_arithmetic3A_2073 : i32 to vector<16xi32>
      %shift_right_arithmetic3A_2075 = arith.shrsi %bitcast3A_2072, %shift_right_arithmetic3A_2074 : vector<16xi32>
      %sub3A_2076 = arith.constant 1597463007 : i32
      %sub3A_2077 = vector.broadcast %sub3A_2076 : i32 to vector<16xi32>
      %sub3A_2078 = arith.subi %sub3A_2077, %shift_right_arithmetic3A_2075 : vector<16xi32>
      %bitcast3A_2079 = vector.bitcast %sub3A_2078 : vector<16xi32> to vector<16xf32>
      %mul3A_2080 = arith.constant 5.000000e-01 : f32
      %mul3A_2081 = vector.broadcast %mul3A_2080 : f32 to vector<16xf32>
      %mul3A_2082 = arith.mulf %mul3A_2081, %max3A_2071 : vector<16xf32>
      %mul3A_2083 = arith.mulf %mul3A_2082, %bitcast3A_2079 : vector<16xf32>
      %mul3A_2084 = arith.mulf %mul3A_2083, %bitcast3A_2079 : vector<16xf32>
      %sub3A_2085 = arith.constant 1.500000e+00 : f32
      %sub3A_2086 = vector.broadcast %sub3A_2085 : f32 to vector<16xf32>
      %sub3A_2087 = arith.subf %sub3A_2086, %mul3A_2084 : vector<16xf32>
      %mul3A_2088 = arith.mulf %bitcast3A_2079, %sub3A_2087 : vector<16xf32>
      %mul3A_2089 = arith.constant 5.000000e-01 : f32
      %mul3A_2090 = vector.broadcast %mul3A_2089 : f32 to vector<16xf32>
      %mul3A_2091 = arith.mulf %mul3A_2090, %max3A_2071 : vector<16xf32>
      %mul3A_2092 = arith.mulf %mul3A_2091, %mul3A_2088 : vector<16xf32>
      %mul3A_2093 = arith.mulf %mul3A_2092, %mul3A_2088 : vector<16xf32>
      %sub3A_2094 = arith.constant 1.500000e+00 : f32
      %sub3A_2095 = vector.broadcast %sub3A_2094 : f32 to vector<16xf32>
      %sub3A_2096 = arith.subf %sub3A_2095, %mul3A_2093 : vector<16xf32>
      %mul3A_2097 = arith.mulf %mul3A_2088, %sub3A_2096 : vector<16xf32>
      %mul3A_2098 = arith.constant 5.000000e-01 : f32
      %mul3A_2099 = vector.broadcast %mul3A_2098 : f32 to vector<16xf32>
      %mul3A_2100 = arith.mulf %mul3A_2099, %max3A_2071 : vector<16xf32>
      %mul3A_2101 = arith.mulf %mul3A_2100, %mul3A_2097 : vector<16xf32>
      %mul3A_2102 = arith.mulf %mul3A_2101, %mul3A_2097 : vector<16xf32>
      %sub3A_2103 = arith.constant 1.500000e+00 : f32
      %sub3A_2104 = vector.broadcast %sub3A_2103 : f32 to vector<16xf32>
      %sub3A_2105 = arith.subf %sub3A_2104, %mul3A_2102 : vector<16xf32>
      %mul3A_2106 = arith.mulf %mul3A_2097, %sub3A_2105 : vector<16xf32>
      %mul3A_2107 = arith.mulf %max3A_2071, %mul3A_2106 : vector<16xf32>
      %swap3A_2108 = arith.index_cast %mul3A_2057 : i32 to index
      %swap3A_2109 = tpu.vector_load %arg20[%swap3A_2108] {strides = array<i32>} : memref<512xf32, #tpu.memory_space<vmem>>, vector<16xf32>,
      tpu.vector_store %arg20[%swap3A_2108], %mul3A_2107 {strides = array<i32>} : memref<512xf32, #tpu.memory_space<vmem>>, vector<16xf32>,
      %lt3A = arith.constant 15 : i32
      %lt3A_2110 = arith.cmpi slt, %scan3A_809, %lt3A : i32
      %convert_element_type3A = arith.extui %lt3A_2110 : i1 to i32
      %cond3A = arith.constant 0 : i32
      %cond3A_2111 = arith.cmpi ne, %convert_element_type3A, %cond3A : i32
      scf.if %cond3A_2111 {
        %add3A_2611 = arith.constant 2 : i32
        %add3A_2612 = arith.addi %mul3A_812, %add3A_2611 : i32
        %mul3A_2613 = arith.constant 16 : i32
        %mul3A_2614 = arith.muli %add3A_2612, %mul3A_2613 : i32
        %get3A_2615 = arith.index_cast %mul3A_2614 : i32 to index
        %get3A_2616 = tpu.vector_load %arg10[%get3A_2615] {strides = array<i32>} : memref<512xi32, #tpu.memory_space<vmem>>, vector<16xi32>,
        %mul3A_2617 = arith.constant 16 : i32
        %mul3A_2618 = arith.muli %add3A_2612, %mul3A_2617 : i32
        %get3A_2619 = arith.index_cast %mul3A_2618 : i32 to index
        %get3A_2620 = tpu.vector_load %arg11[%get3A_2619] {strides = array<i32>} : memref<512xi32, #tpu.memory_space<vmem>>, vector<16xi32>,
        %eq3A_2621 = arith.constant 0 : i32
        %eq3A_2622 = vector.broadcast %eq3A_2621 : i32 to vector<16xi32>
        %eq3A_2623 = arith.cmpi eq, %iota3A, %eq3A_2622 : vector<16xi32>
        %jit3A_2624 = arith.constant 0 : i32
        %broadcast_in_dim3A_2625 = vector.broadcast %jit3A_2624 : i32 to vector<16xi32>
        %select_n3A_2626 = arith.select %eq3A_2623, %get3A_2616, %broadcast_in_dim3A_2625 : vector<16xi1>, vector<16xi32>
        %reduce_sum3A_2627 = arith.constant true
        %reduce_sum3A_2628 = vector.broadcast %reduce_sum3A_2627 : i1 to vector<16xi1>
        %reduce_sum3A_2629 = tpu.scan <sum>, %select_n3A_2626 masked %reduce_sum3A_2628 : vector<16xi32>, vector<16xi1> -> vector<16xi32>
        %reduce_sum3A_2630 = vector.extract %reduce_sum3A_2629[15] : i32 from vector<16xi32>
        %eq3A_2631 = arith.constant 0 : i32
        %eq3A_2632 = vector.broadcast %eq3A_2631 : i32 to vector<16xi32>
        %eq3A_2633 = arith.cmpi eq, %iota3A, %eq3A_2632 : vector<16xi32>
        %jit3A_2634 = arith.constant 0 : i32
        %broadcast_in_dim3A_2635 = vector.broadcast %jit3A_2634 : i32 to vector<16xi32>
        %select_n3A_2636 = arith.select %eq3A_2633, %get3A_2620, %broadcast_in_dim3A_2635 : vector<16xi1>, vector<16xi32>
        %reduce_sum3A_2637 = arith.constant true
        %reduce_sum3A_2638 = vector.broadcast %reduce_sum3A_2637 : i1 to vector<16xi1>
        %reduce_sum3A_2639 = tpu.scan <sum>, %select_n3A_2636 masked %reduce_sum3A_2638 : vector<16xi32>, vector<16xi1> -> vector<16xi32>
        %reduce_sum3A_2640 = vector.extract %reduce_sum3A_2639[15] : i32 from vector<16xi32>
        %dma_start3A_2641 = arith.constant 0 : i32
        %dma_start3A_2642 = arith.constant 0 : i32
        %dma_start3A_2643 = tpu.memref_slice %arg12[%dma_start3A_2641, %dma_start3A_2642] : memref<16x32xf32, #tpu.memory_space<vmem>> -> memref<1x32xf32, #tpu.memory_space<vmem>>
        %dma_start3A_2644 = arith.constant 0 : i32
        %dma_start3A_2645 = tpu.memref_slice %arg4[%reduce_sum3A_2630, %dma_start3A_2644] : memref<1000000x32xf32, #tpu.memory_space<hbm>> -> memref<1x32xf32, #tpu.memory_space<hbm>>
        %dma_start3A_2646 = arith.constant 0 : i32
        %dma_start3A_2647 = arith.constant 0 : i32
        %dma_start3A_2648 = tpu.memref_slice %arg12[%dma_start3A_2646, %dma_start3A_2647] : memref<16x32xf32, #tpu.memory_space<vmem>> -> memref<1x32xf32, #tpu.memory_space<vmem>>
        %dma_start3A_2649 = arith.constant 0 : i32
        %dma_start3A_2650 = tpu.memref_slice %arg4[%reduce_sum3A_2630, %dma_start3A_2649] : memref<1000000x32xf32, #tpu.memory_space<hbm>> -> memref<1x32xf32, #tpu.memory_space<hbm>>
        tpu.enqueue_dma source(%dma_start3A_2650 : memref<1x32xf32, #tpu.memory_space<hbm>>) target(%dma_start3A_2648 : memref<1x32xf32, #tpu.memory_space<vmem>>) target_semaphore(%arg21 : memref<!tpu.dma_semaphore, #tpu.memory_space<semaphore_mem>>)
        %dma_start3A_2651 = arith.constant 0 : i32
        %dma_start3A_2652 = arith.constant 0 : i32
        %dma_start3A_2653 = tpu.memref_slice %arg13[%dma_start3A_2651, %dma_start3A_2652] : memref<16x32xf32, #tpu.memory_space<vmem>> -> memref<1x32xf32, #tpu.memory_space<vmem>>
        %dma_start3A_2654 = arith.constant 0 : i32
        %dma_start3A_2655 = tpu.memref_slice %arg5[%reduce_sum3A_2640, %dma_start3A_2654] : memref<1000000x32xf32, #tpu.memory_space<hbm>> -> memref<1x32xf32, #tpu.memory_space<hbm>>
        %dma_start3A_2656 = arith.constant 0 : i32
        %dma_start3A_2657 = arith.constant 0 : i32
        %dma_start3A_2658 = tpu.memref_slice %arg13[%dma_start3A_2656, %dma_start3A_2657] : memref<16x32xf32, #tpu.memory_space<vmem>> -> memref<1x32xf32, #tpu.memory_space<vmem>>
        %dma_start3A_2659 = arith.constant 0 : i32
        %dma_start3A_2660 = tpu.memref_slice %arg5[%reduce_sum3A_2640, %dma_start3A_2659] : memref<1000000x32xf32, #tpu.memory_space<hbm>> -> memref<1x32xf32, #tpu.memory_space<hbm>>
        tpu.enqueue_dma source(%dma_start3A_2660 : memref<1x32xf32, #tpu.memory_space<hbm>>) target(%dma_start3A_2658 : memref<1x32xf32, #tpu.memory_space<vmem>>) target_semaphore(%arg21 : memref<!tpu.dma_semaphore, #tpu.memory_space<semaphore_mem>>)
        %dma_start3A_2661 = arith.constant 0 : i32
        %dma_start3A_2662 = arith.constant 0 : i32
        %dma_start3A_2663 = tpu.memref_slice %arg14[%dma_start3A_2661, %dma_start3A_2662] : memref<16x1xf32, #tpu.memory_space<vmem>> -> memref<1x1xf32, #tpu.memory_space<vmem>>
        %dma_start3A_2664 = arith.constant 0 : i32
        %dma_start3A_2665 = tpu.memref_slice %arg6[%reduce_sum3A_2640, %dma_start3A_2664] : memref<1000000x1xf32, #tpu.memory_space<hbm>> -> memref<1x1xf32, #tpu.memory_space<hbm>>
        %dma_start3A_2666 = arith.constant 0 : i32
        %dma_start3A_2667 = arith.constant 0 : i32
        %dma_start3A_2668 = tpu.memref_slice %arg14[%dma_start3A_2666, %dma_start3A_2667] : memref<16x1xf32, #tpu.memory_space<vmem>> -> memref<1x1xf32, #tpu.memory_space<vmem>>
        %dma_start3A_2669 = arith.constant 0 : i32
        %dma_start3A_2670 = tpu.memref_slice %arg6[%reduce_sum3A_2640, %dma_start3A_2669] : memref<1000000x1xf32, #tpu.memory_space<hbm>> -> memref<1x1xf32, #tpu.memory_space<hbm>>
        tpu.enqueue_dma source(%dma_start3A_2670 : memref<1x1xf32, #tpu.memory_space<hbm>>) target(%dma_start3A_2668 : memref<1x1xf32, #tpu.memory_space<vmem>>) target_semaphore(%arg21 : memref<!tpu.dma_semaphore, #tpu.memory_space<semaphore_mem>>)
        %eq3A_2671 = arith.constant 1 : i32
        %eq3A_2672 = vector.broadcast %eq3A_2671 : i32 to vector<16xi32>
        %eq3A_2673 = arith.cmpi eq, %iota3A, %eq3A_2672 : vector<16xi32>
        %jit3A_2674 = arith.constant 0 : i32
        %broadcast_in_dim3A_2675 = vector.broadcast %jit3A_2674 : i32 to vector<16xi32>
        %select_n3A_2676 = arith.select %eq3A_2673, %get3A_2616, %broadcast_in_dim3A_2675 : vector<16xi1>, vector<16xi32>
        %reduce_sum3A_2677 = arith.constant true
        %reduce_sum3A_2678 = vector.broadcast %reduce_sum3A_2677 : i1 to vector<16xi1>
        %reduce_sum3A_2679 = tpu.scan <sum>, %select_n3A_2676 masked %reduce_sum3A_2678 : vector<16xi32>, vector<16xi1> -> vector<16xi32>
        %reduce_sum3A_2680 = vector.extract %reduce_sum3A_2679[15] : i32 from vector<16xi32>
        %eq3A_2681 = arith.constant 1 : i32
        %eq3A_2682 = vector.broadcast %eq3A_2681 : i32 to vector<16xi32>
        %eq3A_2683 = arith.cmpi eq, %iota3A, %eq3A_2682 : vector<16xi32>
        %jit3A_2684 = arith.constant 0 : i32
        %broadcast_in_dim3A_2685 = vector.broadcast %jit3A_2684 : i32 to vector<16xi32>
        %select_n3A_2686 = arith.select %eq3A_2683, %get3A_2620, %broadcast_in_dim3A_2685 : vector<16xi1>, vector<16xi32>
        %reduce_sum3A_2687 = arith.constant true
        %reduce_sum3A_2688 = vector.broadcast %reduce_sum3A_2687 : i1 to vector<16xi1>
        %reduce_sum3A_2689 = tpu.scan <sum>, %select_n3A_2686 masked %reduce_sum3A_2688 : vector<16xi32>, vector<16xi1> -> vector<16xi32>
        %reduce_sum3A_2690 = vector.extract %reduce_sum3A_2689[15] : i32 from vector<16xi32>
        %dma_start3A_2691 = arith.constant 1 : i32
        %dma_start3A_2692 = arith.constant 0 : i32
        %dma_start3A_2693 = tpu.memref_slice %arg12[%dma_start3A_2691, %dma_start3A_2692] : memref<16x32xf32, #tpu.memory_space<vmem>> -> memref<1x32xf32, #tpu.memory_space<vmem>>
        %dma_start3A_2694 = arith.constant 0 : i32
        %dma_start3A_2695 = tpu.memref_slice %arg4[%reduce_sum3A_2680, %dma_start3A_2694] : memref<1000000x32xf32, #tpu.memory_space<hbm>> -> memref<1x32xf32, #tpu.memory_space<hbm>>
        %dma_start3A_2696 = arith.constant 1 : i32
        %dma_start3A_2697 = arith.constant 0 : i32
        %dma_start3A_2698 = tpu.memref_slice %arg12[%dma_start3A_2696, %dma_start3A_2697] : memref<16x32xf32, #tpu.memory_space<vmem>> -> memref<1x32xf32, #tpu.memory_space<vmem>>
        %dma_start3A_2699 = arith.constant 0 : i32
        %dma_start3A_2700 = tpu.memref_slice %arg4[%reduce_sum3A_2680, %dma_start3A_2699] : memref<1000000x32xf32, #tpu.memory_space<hbm>> -> memref<1x32xf32, #tpu.memory_space<hbm>>
        tpu.enqueue_dma source(%dma_start3A_2700 : memref<1x32xf32, #tpu.memory_space<hbm>>) target(%dma_start3A_2698 : memref<1x32xf32, #tpu.memory_space<vmem>>) target_semaphore(%arg21 : memref<!tpu.dma_semaphore, #tpu.memory_space<semaphore_mem>>)
        %dma_start3A_2701 = arith.constant 1 : i32
        %dma_start3A_2702 = arith.constant 0 : i32
        %dma_start3A_2703 = tpu.memref_slice %arg13[%dma_start3A_2701, %dma_start3A_2702] : memref<16x32xf32, #tpu.memory_space<vmem>> -> memref<1x32xf32, #tpu.memory_space<vmem>>
        %dma_start3A_2704 = arith.constant 0 : i32
        %dma_start3A_2705 = tpu.memref_slice %arg5[%reduce_sum3A_2690, %dma_start3A_2704] : memref<1000000x32xf32, #tpu.memory_space<hbm>> -> memref<1x32xf32, #tpu.memory_space<hbm>>
        %dma_start3A_2706 = arith.constant 1 : i32
        %dma_start3A_2707 = arith.constant 0 : i32
        %dma_start3A_2708 = tpu.memref_slice %arg13[%dma_start3A_2706, %dma_start3A_2707] : memref<16x32xf32, #tpu.memory_space<vmem>> -> memref<1x32xf32, #tpu.memory_space<vmem>>
        %dma_start3A_2709 = arith.constant 0 : i32
        %dma_start3A_2710 = tpu.memref_slice %arg5[%reduce_sum3A_2690, %dma_start3A_2709] : memref<1000000x32xf32, #tpu.memory_space<hbm>> -> memref<1x32xf32, #tpu.memory_space<hbm>>
        tpu.enqueue_dma source(%dma_start3A_2710 : memref<1x32xf32, #tpu.memory_space<hbm>>) target(%dma_start3A_2708 : memref<1x32xf32, #tpu.memory_space<vmem>>) target_semaphore(%arg21 : memref<!tpu.dma_semaphore, #tpu.memory_space<semaphore_mem>>)
        %dma_start3A_2711 = arith.constant 1 : i32
        %dma_start3A_2712 = arith.constant 0 : i32
        %dma_start3A_2713 = tpu.memref_slice %arg14[%dma_start3A_2711, %dma_start3A_2712] : memref<16x1xf32, #tpu.memory_space<vmem>> -> memref<1x1xf32, #tpu.memory_space<vmem>>
        %dma_start3A_2714 = arith.constant 0 : i32
        %dma_start3A_2715 = tpu.memref_slice %arg6[%reduce_sum3A_2690, %dma_start3A_2714] : memref<1000000x1xf32, #tpu.memory_space<hbm>> -> memref<1x1xf32, #tpu.memory_space<hbm>>
        %dma_start3A_2716 = arith.constant 1 : i32
        %dma_start3A_2717 = arith.constant 0 : i32
        %dma_start3A_2718 = tpu.memref_slice %arg14[%dma_start3A_2716, %dma_start3A_2717] : memref<16x1xf32, #tpu.memory_space<vmem>> -> memref<1x1xf32, #tpu.memory_space<vmem>>
        %dma_start3A_2719 = arith.constant 0 : i32
        %dma_start3A_2720 = tpu.memref_slice %arg6[%reduce_sum3A_2690, %dma_start3A_2719] : memref<1000000x1xf32, #tpu.memory_space<hbm>> -> memref<1x1xf32, #tpu.memory_space<hbm>>
        tpu.enqueue_dma source(%dma_start3A_2720 : memref<1x1xf32, #tpu.memory_space<hbm>>) target(%dma_start3A_2718 : memref<1x1xf32, #tpu.memory_space<vmem>>) target_semaphore(%arg21 : memref<!tpu.dma_semaphore, #tpu.memory_space<semaphore_mem>>)
        %eq3A_2721 = arith.constant 2 : i32
        %eq3A_2722 = vector.broadcast %eq3A_2721 : i32 to vector<16xi32>
        %eq3A_2723 = arith.cmpi eq, %iota3A, %eq3A_2722 : vector<16xi32>
        %jit3A_2724 = arith.constant 0 : i32
        %broadcast_in_dim3A_2725 = vector.broadcast %jit3A_2724 : i32 to vector<16xi32>
        %select_n3A_2726 = arith.select %eq3A_2723, %get3A_2616, %broadcast_in_dim3A_2725 : vector<16xi1>, vector<16xi32>
        %reduce_sum3A_2727 = arith.constant true
        %reduce_sum3A_2728 = vector.broadcast %reduce_sum3A_2727 : i1 to vector<16xi1>
        %reduce_sum3A_2729 = tpu.scan <sum>, %select_n3A_2726 masked %reduce_sum3A_2728 : vector<16xi32>, vector<16xi1> -> vector<16xi32>
        %reduce_sum3A_2730 = vector.extract %reduce_sum3A_2729[15] : i32 from vector<16xi32>
        %eq3A_2731 = arith.constant 2 : i32
        %eq3A_2732 = vector.broadcast %eq3A_2731 : i32 to vector<16xi32>
        %eq3A_2733 = arith.cmpi eq, %iota3A, %eq3A_2732 : vector<16xi32>
        %jit3A_2734 = arith.constant 0 : i32
        %broadcast_in_dim3A_2735 = vector.broadcast %jit3A_2734 : i32 to vector<16xi32>
        %select_n3A_2736 = arith.select %eq3A_2733, %get3A_2620, %broadcast_in_dim3A_2735 : vector<16xi1>, vector<16xi32>
        %reduce_sum3A_2737 = arith.constant true
        %reduce_sum3A_2738 = vector.broadcast %reduce_sum3A_2737 : i1 to vector<16xi1>
        %reduce_sum3A_2739 = tpu.scan <sum>, %select_n3A_2736 masked %reduce_sum3A_2738 : vector<16xi32>, vector<16xi1> -> vector<16xi32>
        %reduce_sum3A_2740 = vector.extract %reduce_sum3A_2739[15] : i32 from vector<16xi32>
        %dma_start3A_2741 = arith.constant 2 : i32
        %dma_start3A_2742 = arith.constant 0 : i32
        %dma_start3A_2743 = tpu.memref_slice %arg12[%dma_start3A_2741, %dma_start3A_2742] : memref<16x32xf32, #tpu.memory_space<vmem>> -> memref<1x32xf32, #tpu.memory_space<vmem>>
        %dma_start3A_2744 = arith.constant 0 : i32
        %dma_start3A_2745 = tpu.memref_slice %arg4[%reduce_sum3A_2730, %dma_start3A_2744] : memref<1000000x32xf32, #tpu.memory_space<hbm>> -> memref<1x32xf32, #tpu.memory_space<hbm>>
        %dma_start3A_2746 = arith.constant 2 : i32
        %dma_start3A_2747 = arith.constant 0 : i32
        %dma_start3A_2748 = tpu.memref_slice %arg12[%dma_start3A_2746, %dma_start3A_2747] : memref<16x32xf32, #tpu.memory_space<vmem>> -> memref<1x32xf32, #tpu.memory_space<vmem>>
        %dma_start3A_2749 = arith.constant 0 : i32
        %dma_start3A_2750 = tpu.memref_slice %arg4[%reduce_sum3A_2730, %dma_start3A_2749] : memref<1000000x32xf32, #tpu.memory_space<hbm>> -> memref<1x32xf32, #tpu.memory_space<hbm>>
        tpu.enqueue_dma source(%dma_start3A_2750 : memref<1x32xf32, #tpu.memory_space<hbm>>) target(%dma_start3A_2748 : memref<1x32xf32, #tpu.memory_space<vmem>>) target_semaphore(%arg21 : memref<!tpu.dma_semaphore, #tpu.memory_space<semaphore_mem>>)
        %dma_start3A_2751 = arith.constant 2 : i32
        %dma_start3A_2752 = arith.constant 0 : i32
        %dma_start3A_2753 = tpu.memref_slice %arg13[%dma_start3A_2751, %dma_start3A_2752] : memref<16x32xf32, #tpu.memory_space<vmem>> -> memref<1x32xf32, #tpu.memory_space<vmem>>
        %dma_start3A_2754 = arith.constant 0 : i32
        %dma_start3A_2755 = tpu.memref_slice %arg5[%reduce_sum3A_2740, %dma_start3A_2754] : memref<1000000x32xf32, #tpu.memory_space<hbm>> -> memref<1x32xf32, #tpu.memory_space<hbm>>
        %dma_start3A_2756 = arith.constant 2 : i32
        %dma_start3A_2757 = arith.constant 0 : i32
        %dma_start3A_2758 = tpu.memref_slice %arg13[%dma_start3A_2756, %dma_start3A_2757] : memref<16x32xf32, #tpu.memory_space<vmem>> -> memref<1x32xf32, #tpu.memory_space<vmem>>
        %dma_start3A_2759 = arith.constant 0 : i32
        %dma_start3A_2760 = tpu.memref_slice %arg5[%reduce_sum3A_2740, %dma_start3A_2759] : memref<1000000x32xf32, #tpu.memory_space<hbm>> -> memref<1x32xf32, #tpu.memory_space<hbm>>
        tpu.enqueue_dma source(%dma_start3A_2760 : memref<1x32xf32, #tpu.memory_space<hbm>>) target(%dma_start3A_2758 : memref<1x32xf32, #tpu.memory_space<vmem>>) target_semaphore(%arg21 : memref<!tpu.dma_semaphore, #tpu.memory_space<semaphore_mem>>)
        %dma_start3A_2761 = arith.constant 2 : i32
        %dma_start3A_2762 = arith.constant 0 : i32
        %dma_start3A_2763 = tpu.memref_slice %arg14[%dma_start3A_2761, %dma_start3A_2762] : memref<16x1xf32, #tpu.memory_space<vmem>> -> memref<1x1xf32, #tpu.memory_space<vmem>>
        %dma_start3A_2764 = arith.constant 0 : i32
        %dma_start3A_2765 = tpu.memref_slice %arg6[%reduce_sum3A_2740, %dma_start3A_2764] : memref<1000000x1xf32, #tpu.memory_space<hbm>> -> memref<1x1xf32, #tpu.memory_space<hbm>>
        %dma_start3A_2766 = arith.constant 2 : i32
        %dma_start3A_2767 = arith.constant 0 : i32
        %dma_start3A_2768 = tpu.memref_slice %arg14[%dma_start3A_2766, %dma_start3A_2767] : memref<16x1xf32, #tpu.memory_space<vmem>> -> memref<1x1xf32, #tpu.memory_space<vmem>>
        %dma_start3A_2769 = arith.constant 0 : i32
        %dma_start3A_2770 = tpu.memref_slice %arg6[%reduce_sum3A_2740, %dma_start3A_2769] : memref<1000000x1xf32, #tpu.memory_space<hbm>> -> memref<1x1xf32, #tpu.memory_space<hbm>>
        tpu.enqueue_dma source(%dma_start3A_2770 : memref<1x1xf32, #tpu.memory_space<hbm>>) target(%dma_start3A_2768 : memref<1x1xf32, #tpu.memory_space<vmem>>) target_semaphore(%arg21 : memref<!tpu.dma_semaphore, #tpu.memory_space<semaphore_mem>>)
        %eq3A_2771 = arith.constant 3 : i32
        %eq3A_2772 = vector.broadcast %eq3A_2771 : i32 to vector<16xi32>
        %eq3A_2773 = arith.cmpi eq, %iota3A, %eq3A_2772 : vector<16xi32>
        %jit3A_2774 = arith.constant 0 : i32
        %broadcast_in_dim3A_2775 = vector.broadcast %jit3A_2774 : i32 to vector<16xi32>
        %select_n3A_2776 = arith.select %eq3A_2773, %get3A_2616, %broadcast_in_dim3A_2775 : vector<16xi1>, vector<16xi32>
        %reduce_sum3A_2777 = arith.constant true
        %reduce_sum3A_2778 = vector.broadcast %reduce_sum3A_2777 : i1 to vector<16xi1>
        %reduce_sum3A_2779 = tpu.scan <sum>, %select_n3A_2776 masked %reduce_sum3A_2778 : vector<16xi32>, vector<16xi1> -> vector<16xi32>
        %reduce_sum3A_2780 = vector.extract %reduce_sum3A_2779[15] : i32 from vector<16xi32>
        %eq3A_2781 = arith.constant 3 : i32
        %eq3A_2782 = vector.broadcast %eq3A_2781 : i32 to vector<16xi32>
        %eq3A_2783 = arith.cmpi eq, %iota3A, %eq3A_2782 : vector<16xi32>
        %jit3A_2784 = arith.constant 0 : i32
        %broadcast_in_dim3A_2785 = vector.broadcast %jit3A_2784 : i32 to vector<16xi32>
        %select_n3A_2786 = arith.select %eq3A_2783, %get3A_2620, %broadcast_in_dim3A_2785 : vector<16xi1>, vector<16xi32>
        %reduce_sum3A_2787 = arith.constant true
        %reduce_sum3A_2788 = vector.broadcast %reduce_sum3A_2787 : i1 to vector<16xi1>
        %reduce_sum3A_2789 = tpu.scan <sum>, %select_n3A_2786 masked %reduce_sum3A_2788 : vector<16xi32>, vector<16xi1> -> vector<16xi32>
        %reduce_sum3A_2790 = vector.extract %reduce_sum3A_2789[15] : i32 from vector<16xi32>
        %dma_start3A_2791 = arith.constant 3 : i32
        %dma_start3A_2792 = arith.constant 0 : i32
        %dma_start3A_2793 = tpu.memref_slice %arg12[%dma_start3A_2791, %dma_start3A_2792] : memref<16x32xf32, #tpu.memory_space<vmem>> -> memref<1x32xf32, #tpu.memory_space<vmem>>
        %dma_start3A_2794 = arith.constant 0 : i32
        %dma_start3A_2795 = tpu.memref_slice %arg4[%reduce_sum3A_2780, %dma_start3A_2794] : memref<1000000x32xf32, #tpu.memory_space<hbm>> -> memref<1x32xf32, #tpu.memory_space<hbm>>
        %dma_start3A_2796 = arith.constant 3 : i32
        %dma_start3A_2797 = arith.constant 0 : i32
        %dma_start3A_2798 = tpu.memref_slice %arg12[%dma_start3A_2796, %dma_start3A_2797] : memref<16x32xf32, #tpu.memory_space<vmem>> -> memref<1x32xf32, #tpu.memory_space<vmem>>
        %dma_start3A_2799 = arith.constant 0 : i32
        %dma_start3A_2800 = tpu.memref_slice %arg4[%reduce_sum3A_2780, %dma_start3A_2799] : memref<1000000x32xf32, #tpu.memory_space<hbm>> -> memref<1x32xf32, #tpu.memory_space<hbm>>
        tpu.enqueue_dma source(%dma_start3A_2800 : memref<1x32xf32, #tpu.memory_space<hbm>>) target(%dma_start3A_2798 : memref<1x32xf32, #tpu.memory_space<vmem>>) target_semaphore(%arg21 : memref<!tpu.dma_semaphore, #tpu.memory_space<semaphore_mem>>)
        %dma_start3A_2801 = arith.constant 3 : i32
        %dma_start3A_2802 = arith.constant 0 : i32
        %dma_start3A_2803 = tpu.memref_slice %arg13[%dma_start3A_2801, %dma_start3A_2802] : memref<16x32xf32, #tpu.memory_space<vmem>> -> memref<1x32xf32, #tpu.memory_space<vmem>>
        %dma_start3A_2804 = arith.constant 0 : i32
        %dma_start3A_2805 = tpu.memref_slice %arg5[%reduce_sum3A_2790, %dma_start3A_2804] : memref<1000000x32xf32, #tpu.memory_space<hbm>> -> memref<1x32xf32, #tpu.memory_space<hbm>>
        %dma_start3A_2806 = arith.constant 3 : i32
        %dma_start3A_2807 = arith.constant 0 : i32
        %dma_start3A_2808 = tpu.memref_slice %arg13[%dma_start3A_2806, %dma_start3A_2807] : memref<16x32xf32, #tpu.memory_space<vmem>> -> memref<1x32xf32, #tpu.memory_space<vmem>>
        %dma_start3A_2809 = arith.constant 0 : i32
        %dma_start3A_2810 = tpu.memref_slice %arg5[%reduce_sum3A_2790, %dma_start3A_2809] : memref<1000000x32xf32, #tpu.memory_space<hbm>> -> memref<1x32xf32, #tpu.memory_space<hbm>>
        tpu.enqueue_dma source(%dma_start3A_2810 : memref<1x32xf32, #tpu.memory_space<hbm>>) target(%dma_start3A_2808 : memref<1x32xf32, #tpu.memory_space<vmem>>) target_semaphore(%arg21 : memref<!tpu.dma_semaphore, #tpu.memory_space<semaphore_mem>>)
        %dma_start3A_2811 = arith.constant 3 : i32
        %dma_start3A_2812 = arith.constant 0 : i32
        %dma_start3A_2813 = tpu.memref_slice %arg14[%dma_start3A_2811, %dma_start3A_2812] : memref<16x1xf32, #tpu.memory_space<vmem>> -> memref<1x1xf32, #tpu.memory_space<vmem>>
        %dma_start3A_2814 = arith.constant 0 : i32
        %dma_start3A_2815 = tpu.memref_slice %arg6[%reduce_sum3A_2790, %dma_start3A_2814] : memref<1000000x1xf32, #tpu.memory_space<hbm>> -> memref<1x1xf32, #tpu.memory_space<hbm>>
        %dma_start3A_2816 = arith.constant 3 : i32
        %dma_start3A_2817 = arith.constant 0 : i32
        %dma_start3A_2818 = tpu.memref_slice %arg14[%dma_start3A_2816, %dma_start3A_2817] : memref<16x1xf32, #tpu.memory_space<vmem>> -> memref<1x1xf32, #tpu.memory_space<vmem>>
        %dma_start3A_2819 = arith.constant 0 : i32
        %dma_start3A_2820 = tpu.memref_slice %arg6[%reduce_sum3A_2790, %dma_start3A_2819] : memref<1000000x1xf32, #tpu.memory_space<hbm>> -> memref<1x1xf32, #tpu.memory_space<hbm>>
        tpu.enqueue_dma source(%dma_start3A_2820 : memref<1x1xf32, #tpu.memory_space<hbm>>) target(%dma_start3A_2818 : memref<1x1xf32, #tpu.memory_space<vmem>>) target_semaphore(%arg21 : memref<!tpu.dma_semaphore, #tpu.memory_space<semaphore_mem>>)
        %eq3A_2821 = arith.constant 4 : i32
        %eq3A_2822 = vector.broadcast %eq3A_2821 : i32 to vector<16xi32>
        %eq3A_2823 = arith.cmpi eq, %iota3A, %eq3A_2822 : vector<16xi32>
        %jit3A_2824 = arith.constant 0 : i32
        %broadcast_in_dim3A_2825 = vector.broadcast %jit3A_2824 : i32 to vector<16xi32>
        %select_n3A_2826 = arith.select %eq3A_2823, %get3A_2616, %broadcast_in_dim3A_2825 : vector<16xi1>, vector<16xi32>
        %reduce_sum3A_2827 = arith.constant true
        %reduce_sum3A_2828 = vector.broadcast %reduce_sum3A_2827 : i1 to vector<16xi1>
        %reduce_sum3A_2829 = tpu.scan <sum>, %select_n3A_2826 masked %reduce_sum3A_2828 : vector<16xi32>, vector<16xi1> -> vector<16xi32>
        %reduce_sum3A_2830 = vector.extract %reduce_sum3A_2829[15] : i32 from vector<16xi32>
        %eq3A_2831 = arith.constant 4 : i32
        %eq3A_2832 = vector.broadcast %eq3A_2831 : i32 to vector<16xi32>
        %eq3A_2833 = arith.cmpi eq, %iota3A, %eq3A_2832 : vector<16xi32>
        %jit3A_2834 = arith.constant 0 : i32
        %broadcast_in_dim3A_2835 = vector.broadcast %jit3A_2834 : i32 to vector<16xi32>
        %select_n3A_2836 = arith.select %eq3A_2833, %get3A_2620, %broadcast_in_dim3A_2835 : vector<16xi1>, vector<16xi32>
        %reduce_sum3A_2837 = arith.constant true
        %reduce_sum3A_2838 = vector.broadcast %reduce_sum3A_2837 : i1 to vector<16xi1>
        %reduce_sum3A_2839 = tpu.scan <sum>, %select_n3A_2836 masked %reduce_sum3A_2838 : vector<16xi32>, vector<16xi1> -> vector<16xi32>
        %reduce_sum3A_2840 = vector.extract %reduce_sum3A_2839[15] : i32 from vector<16xi32>
        %dma_start3A_2841 = arith.constant 4 : i32
        %dma_start3A_2842 = arith.constant 0 : i32
        %dma_start3A_2843 = tpu.memref_slice %arg12[%dma_start3A_2841, %dma_start3A_2842] : memref<16x32xf32, #tpu.memory_space<vmem>> -> memref<1x32xf32, #tpu.memory_space<vmem>>
        %dma_start3A_2844 = arith.constant 0 : i32
        %dma_start3A_2845 = tpu.memref_slice %arg4[%reduce_sum3A_2830, %dma_start3A_2844] : memref<1000000x32xf32, #tpu.memory_space<hbm>> -> memref<1x32xf32, #tpu.memory_space<hbm>>
        %dma_start3A_2846 = arith.constant 4 : i32
        %dma_start3A_2847 = arith.constant 0 : i32
        %dma_start3A_2848 = tpu.memref_slice %arg12[%dma_start3A_2846, %dma_start3A_2847] : memref<16x32xf32, #tpu.memory_space<vmem>> -> memref<1x32xf32, #tpu.memory_space<vmem>>
        %dma_start3A_2849 = arith.constant 0 : i32
        %dma_start3A_2850 = tpu.memref_slice %arg4[%reduce_sum3A_2830, %dma_start3A_2849] : memref<1000000x32xf32, #tpu.memory_space<hbm>> -> memref<1x32xf32, #tpu.memory_space<hbm>>
        tpu.enqueue_dma source(%dma_start3A_2850 : memref<1x32xf32, #tpu.memory_space<hbm>>) target(%dma_start3A_2848 : memref<1x32xf32, #tpu.memory_space<vmem>>) target_semaphore(%arg21 : memref<!tpu.dma_semaphore, #tpu.memory_space<semaphore_mem>>)
        %dma_start3A_2851 = arith.constant 4 : i32
        %dma_start3A_2852 = arith.constant 0 : i32
        %dma_start3A_2853 = tpu.memref_slice %arg13[%dma_start3A_2851, %dma_start3A_2852] : memref<16x32xf32, #tpu.memory_space<vmem>> -> memref<1x32xf32, #tpu.memory_space<vmem>>
        %dma_start3A_2854 = arith.constant 0 : i32
        %dma_start3A_2855 = tpu.memref_slice %arg5[%reduce_sum3A_2840, %dma_start3A_2854] : memref<1000000x32xf32, #tpu.memory_space<hbm>> -> memref<1x32xf32, #tpu.memory_space<hbm>>
        %dma_start3A_2856 = arith.constant 4 : i32
        %dma_start3A_2857 = arith.constant 0 : i32
        %dma_start3A_2858 = tpu.memref_slice %arg13[%dma_start3A_2856, %dma_start3A_2857] : memref<16x32xf32, #tpu.memory_space<vmem>> -> memref<1x32xf32, #tpu.memory_space<vmem>>
        %dma_start3A_2859 = arith.constant 0 : i32
        %dma_start3A_2860 = tpu.memref_slice %arg5[%reduce_sum3A_2840, %dma_start3A_2859] : memref<1000000x32xf32, #tpu.memory_space<hbm>> -> memref<1x32xf32, #tpu.memory_space<hbm>>
        tpu.enqueue_dma source(%dma_start3A_2860 : memref<1x32xf32, #tpu.memory_space<hbm>>) target(%dma_start3A_2858 : memref<1x32xf32, #tpu.memory_space<vmem>>) target_semaphore(%arg21 : memref<!tpu.dma_semaphore, #tpu.memory_space<semaphore_mem>>)
        %dma_start3A_2861 = arith.constant 4 : i32
        %dma_start3A_2862 = arith.constant 0 : i32
        %dma_start3A_2863 = tpu.memref_slice %arg14[%dma_start3A_2861, %dma_start3A_2862] : memref<16x1xf32, #tpu.memory_space<vmem>> -> memref<1x1xf32, #tpu.memory_space<vmem>>
        %dma_start3A_2864 = arith.constant 0 : i32
        %dma_start3A_2865 = tpu.memref_slice %arg6[%reduce_sum3A_2840, %dma_start3A_2864] : memref<1000000x1xf32, #tpu.memory_space<hbm>> -> memref<1x1xf32, #tpu.memory_space<hbm>>
        %dma_start3A_2866 = arith.constant 4 : i32
        %dma_start3A_2867 = arith.constant 0 : i32
        %dma_start3A_2868 = tpu.memref_slice %arg14[%dma_start3A_2866, %dma_start3A_2867] : memref<16x1xf32, #tpu.memory_space<vmem>> -> memref<1x1xf32, #tpu.memory_space<vmem>>
        %dma_start3A_2869 = arith.constant 0 : i32
        %dma_start3A_2870 = tpu.memref_slice %arg6[%reduce_sum3A_2840, %dma_start3A_2869] : memref<1000000x1xf32, #tpu.memory_space<hbm>> -> memref<1x1xf32, #tpu.memory_space<hbm>>
        tpu.enqueue_dma source(%dma_start3A_2870 : memref<1x1xf32, #tpu.memory_space<hbm>>) target(%dma_start3A_2868 : memref<1x1xf32, #tpu.memory_space<vmem>>) target_semaphore(%arg21 : memref<!tpu.dma_semaphore, #tpu.memory_space<semaphore_mem>>)
        %eq3A_2871 = arith.constant 5 : i32
        %eq3A_2872 = vector.broadcast %eq3A_2871 : i32 to vector<16xi32>
        %eq3A_2873 = arith.cmpi eq, %iota3A, %eq3A_2872 : vector<16xi32>
        %jit3A_2874 = arith.constant 0 : i32
        %broadcast_in_dim3A_2875 = vector.broadcast %jit3A_2874 : i32 to vector<16xi32>
        %select_n3A_2876 = arith.select %eq3A_2873, %get3A_2616, %broadcast_in_dim3A_2875 : vector<16xi1>, vector<16xi32>
        %reduce_sum3A_2877 = arith.constant true
        %reduce_sum3A_2878 = vector.broadcast %reduce_sum3A_2877 : i1 to vector<16xi1>
        %reduce_sum3A_2879 = tpu.scan <sum>, %select_n3A_2876 masked %reduce_sum3A_2878 : vector<16xi32>, vector<16xi1> -> vector<16xi32>
        %reduce_sum3A_2880 = vector.extract %reduce_sum3A_2879[15] : i32 from vector<16xi32>
        %eq3A_2881 = arith.constant 5 : i32
        %eq3A_2882 = vector.broadcast %eq3A_2881 : i32 to vector<16xi32>
        %eq3A_2883 = arith.cmpi eq, %iota3A, %eq3A_2882 : vector<16xi32>
        %jit3A_2884 = arith.constant 0 : i32
        %broadcast_in_dim3A_2885 = vector.broadcast %jit3A_2884 : i32 to vector<16xi32>
        %select_n3A_2886 = arith.select %eq3A_2883, %get3A_2620, %broadcast_in_dim3A_2885 : vector<16xi1>, vector<16xi32>
        %reduce_sum3A_2887 = arith.constant true
        %reduce_sum3A_2888 = vector.broadcast %reduce_sum3A_2887 : i1 to vector<16xi1>
        %reduce_sum3A_2889 = tpu.scan <sum>, %select_n3A_2886 masked %reduce_sum3A_2888 : vector<16xi32>, vector<16xi1> -> vector<16xi32>
        %reduce_sum3A_2890 = vector.extract %reduce_sum3A_2889[15] : i32 from vector<16xi32>
        %dma_start3A_2891 = arith.constant 5 : i32
        %dma_start3A_2892 = arith.constant 0 : i32
        %dma_start3A_2893 = tpu.memref_slice %arg12[%dma_start3A_2891, %dma_start3A_2892] : memref<16x32xf32, #tpu.memory_space<vmem>> -> memref<1x32xf32, #tpu.memory_space<vmem>>
        %dma_start3A_2894 = arith.constant 0 : i32
        %dma_start3A_2895 = tpu.memref_slice %arg4[%reduce_sum3A_2880, %dma_start3A_2894] : memref<1000000x32xf32, #tpu.memory_space<hbm>> -> memref<1x32xf32, #tpu.memory_space<hbm>>
        %dma_start3A_2896 = arith.constant 5 : i32
        %dma_start3A_2897 = arith.constant 0 : i32
        %dma_start3A_2898 = tpu.memref_slice %arg12[%dma_start3A_2896, %dma_start3A_2897] : memref<16x32xf32, #tpu.memory_space<vmem>> -> memref<1x32xf32, #tpu.memory_space<vmem>>
        %dma_start3A_2899 = arith.constant 0 : i32
        %dma_start3A_2900 = tpu.memref_slice %arg4[%reduce_sum3A_2880, %dma_start3A_2899] : memref<1000000x32xf32, #tpu.memory_space<hbm>> -> memref<1x32xf32, #tpu.memory_space<hbm>>
        tpu.enqueue_dma source(%dma_start3A_2900 : memref<1x32xf32, #tpu.memory_space<hbm>>) target(%dma_start3A_2898 : memref<1x32xf32, #tpu.memory_space<vmem>>) target_semaphore(%arg21 : memref<!tpu.dma_semaphore, #tpu.memory_space<semaphore_mem>>)
        %dma_start3A_2901 = arith.constant 5 : i32
        %dma_start3A_2902 = arith.constant 0 : i32
        %dma_start3A_2903 = tpu.memref_slice %arg13[%dma_start3A_2901, %dma_start3A_2902] : memref<16x32xf32, #tpu.memory_space<vmem>> -> memref<1x32xf32, #tpu.memory_space<vmem>>
        %dma_start3A_2904 = arith.constant 0 : i32
        %dma_start3A_2905 = tpu.memref_slice %arg5[%reduce_sum3A_2890, %dma_start3A_2904] : memref<1000000x32xf32, #tpu.memory_space<hbm>> -> memref<1x32xf32, #tpu.memory_space<hbm>>
        %dma_start3A_2906 = arith.constant 5 : i32
        %dma_start3A_2907 = arith.constant 0 : i32
        %dma_start3A_2908 = tpu.memref_slice %arg13[%dma_start3A_2906, %dma_start3A_2907] : memref<16x32xf32, #tpu.memory_space<vmem>> -> memref<1x32xf32, #tpu.memory_space<vmem>>
        %dma_start3A_2909 = arith.constant 0 : i32
        %dma_start3A_2910 = tpu.memref_slice %arg5[%reduce_sum3A_2890, %dma_start3A_2909] : memref<1000000x32xf32, #tpu.memory_space<hbm>> -> memref<1x32xf32, #tpu.memory_space<hbm>>
        tpu.enqueue_dma source(%dma_start3A_2910 : memref<1x32xf32, #tpu.memory_space<hbm>>) target(%dma_start3A_2908 : memref<1x32xf32, #tpu.memory_space<vmem>>) target_semaphore(%arg21 : memref<!tpu.dma_semaphore, #tpu.memory_space<semaphore_mem>>)
        %dma_start3A_2911 = arith.constant 5 : i32
        %dma_start3A_2912 = arith.constant 0 : i32
        %dma_start3A_2913 = tpu.memref_slice %arg14[%dma_start3A_2911, %dma_start3A_2912] : memref<16x1xf32, #tpu.memory_space<vmem>> -> memref<1x1xf32, #tpu.memory_space<vmem>>
        %dma_start3A_2914 = arith.constant 0 : i32
        %dma_start3A_2915 = tpu.memref_slice %arg6[%reduce_sum3A_2890, %dma_start3A_2914] : memref<1000000x1xf32, #tpu.memory_space<hbm>> -> memref<1x1xf32, #tpu.memory_space<hbm>>
        %dma_start3A_2916 = arith.constant 5 : i32
        %dma_start3A_2917 = arith.constant 0 : i32
        %dma_start3A_2918 = tpu.memref_slice %arg14[%dma_start3A_2916, %dma_start3A_2917] : memref<16x1xf32, #tpu.memory_space<vmem>> -> memref<1x1xf32, #tpu.memory_space<vmem>>
        %dma_start3A_2919 = arith.constant 0 : i32
        %dma_start3A_2920 = tpu.memref_slice %arg6[%reduce_sum3A_2890, %dma_start3A_2919] : memref<1000000x1xf32, #tpu.memory_space<hbm>> -> memref<1x1xf32, #tpu.memory_space<hbm>>
        tpu.enqueue_dma source(%dma_start3A_2920 : memref<1x1xf32, #tpu.memory_space<hbm>>) target(%dma_start3A_2918 : memref<1x1xf32, #tpu.memory_space<vmem>>) target_semaphore(%arg21 : memref<!tpu.dma_semaphore, #tpu.memory_space<semaphore_mem>>)
        %eq3A_2921 = arith.constant 6 : i32
        %eq3A_2922 = vector.broadcast %eq3A_2921 : i32 to vector<16xi32>
        %eq3A_2923 = arith.cmpi eq, %iota3A, %eq3A_2922 : vector<16xi32>
        %jit3A_2924 = arith.constant 0 : i32
        %broadcast_in_dim3A_2925 = vector.broadcast %jit3A_2924 : i32 to vector<16xi32>
        %select_n3A_2926 = arith.select %eq3A_2923, %get3A_2616, %broadcast_in_dim3A_2925 : vector<16xi1>, vector<16xi32>
        %reduce_sum3A_2927 = arith.constant true
        %reduce_sum3A_2928 = vector.broadcast %reduce_sum3A_2927 : i1 to vector<16xi1>
        %reduce_sum3A_2929 = tpu.scan <sum>, %select_n3A_2926 masked %reduce_sum3A_2928 : vector<16xi32>, vector<16xi1> -> vector<16xi32>
        %reduce_sum3A_2930 = vector.extract %reduce_sum3A_2929[15] : i32 from vector<16xi32>
        %eq3A_2931 = arith.constant 6 : i32
        %eq3A_2932 = vector.broadcast %eq3A_2931 : i32 to vector<16xi32>
        %eq3A_2933 = arith.cmpi eq, %iota3A, %eq3A_2932 : vector<16xi32>
        %jit3A_2934 = arith.constant 0 : i32
        %broadcast_in_dim3A_2935 = vector.broadcast %jit3A_2934 : i32 to vector<16xi32>
        %select_n3A_2936 = arith.select %eq3A_2933, %get3A_2620, %broadcast_in_dim3A_2935 : vector<16xi1>, vector<16xi32>
        %reduce_sum3A_2937 = arith.constant true
        %reduce_sum3A_2938 = vector.broadcast %reduce_sum3A_2937 : i1 to vector<16xi1>
        %reduce_sum3A_2939 = tpu.scan <sum>, %select_n3A_2936 masked %reduce_sum3A_2938 : vector<16xi32>, vector<16xi1> -> vector<16xi32>
        %reduce_sum3A_2940 = vector.extract %reduce_sum3A_2939[15] : i32 from vector<16xi32>
        %dma_start3A_2941 = arith.constant 6 : i32
        %dma_start3A_2942 = arith.constant 0 : i32
        %dma_start3A_2943 = tpu.memref_slice %arg12[%dma_start3A_2941, %dma_start3A_2942] : memref<16x32xf32, #tpu.memory_space<vmem>> -> memref<1x32xf32, #tpu.memory_space<vmem>>
        %dma_start3A_2944 = arith.constant 0 : i32
        %dma_start3A_2945 = tpu.memref_slice %arg4[%reduce_sum3A_2930, %dma_start3A_2944] : memref<1000000x32xf32, #tpu.memory_space<hbm>> -> memref<1x32xf32, #tpu.memory_space<hbm>>
        %dma_start3A_2946 = arith.constant 6 : i32
        %dma_start3A_2947 = arith.constant 0 : i32
        %dma_start3A_2948 = tpu.memref_slice %arg12[%dma_start3A_2946, %dma_start3A_2947] : memref<16x32xf32, #tpu.memory_space<vmem>> -> memref<1x32xf32, #tpu.memory_space<vmem>>
        %dma_start3A_2949 = arith.constant 0 : i32
        %dma_start3A_2950 = tpu.memref_slice %arg4[%reduce_sum3A_2930, %dma_start3A_2949] : memref<1000000x32xf32, #tpu.memory_space<hbm>> -> memref<1x32xf32, #tpu.memory_space<hbm>>
        tpu.enqueue_dma source(%dma_start3A_2950 : memref<1x32xf32, #tpu.memory_space<hbm>>) target(%dma_start3A_2948 : memref<1x32xf32, #tpu.memory_space<vmem>>) target_semaphore(%arg21 : memref<!tpu.dma_semaphore, #tpu.memory_space<semaphore_mem>>)
        %dma_start3A_2951 = arith.constant 6 : i32
        %dma_start3A_2952 = arith.constant 0 : i32
        %dma_start3A_2953 = tpu.memref_slice %arg13[%dma_start3A_2951, %dma_start3A_2952] : memref<16x32xf32, #tpu.memory_space<vmem>> -> memref<1x32xf32, #tpu.memory_space<vmem>>
        %dma_start3A_2954 = arith.constant 0 : i32
        %dma_start3A_2955 = tpu.memref_slice %arg5[%reduce_sum3A_2940, %dma_start3A_2954] : memref<1000000x32xf32, #tpu.memory_space<hbm>> -> memref<1x32xf32, #tpu.memory_space<hbm>>
        %dma_start3A_2956 = arith.constant 6 : i32
        %dma_start3A_2957 = arith.constant 0 : i32
        %dma_start3A_2958 = tpu.memref_slice %arg13[%dma_start3A_2956, %dma_start3A_2957] : memref<16x32xf32, #tpu.memory_space<vmem>> -> memref<1x32xf32, #tpu.memory_space<vmem>>
        %dma_start3A_2959 = arith.constant 0 : i32
        %dma_start3A_2960 = tpu.memref_slice %arg5[%reduce_sum3A_2940, %dma_start3A_2959] : memref<1000000x32xf32, #tpu.memory_space<hbm>> -> memref<1x32xf32, #tpu.memory_space<hbm>>
        tpu.enqueue_dma source(%dma_start3A_2960 : memref<1x32xf32, #tpu.memory_space<hbm>>) target(%dma_start3A_2958 : memref<1x32xf32, #tpu.memory_space<vmem>>) target_semaphore(%arg21 : memref<!tpu.dma_semaphore, #tpu.memory_space<semaphore_mem>>)
        %dma_start3A_2961 = arith.constant 6 : i32
        %dma_start3A_2962 = arith.constant 0 : i32
        %dma_start3A_2963 = tpu.memref_slice %arg14[%dma_start3A_2961, %dma_start3A_2962] : memref<16x1xf32, #tpu.memory_space<vmem>> -> memref<1x1xf32, #tpu.memory_space<vmem>>
        %dma_start3A_2964 = arith.constant 0 : i32
        %dma_start3A_2965 = tpu.memref_slice %arg6[%reduce_sum3A_2940, %dma_start3A_2964] : memref<1000000x1xf32, #tpu.memory_space<hbm>> -> memref<1x1xf32, #tpu.memory_space<hbm>>
        %dma_start3A_2966 = arith.constant 6 : i32
        %dma_start3A_2967 = arith.constant 0 : i32
        %dma_start3A_2968 = tpu.memref_slice %arg14[%dma_start3A_2966, %dma_start3A_2967] : memref<16x1xf32, #tpu.memory_space<vmem>> -> memref<1x1xf32, #tpu.memory_space<vmem>>
        %dma_start3A_2969 = arith.constant 0 : i32
        %dma_start3A_2970 = tpu.memref_slice %arg6[%reduce_sum3A_2940, %dma_start3A_2969] : memref<1000000x1xf32, #tpu.memory_space<hbm>> -> memref<1x1xf32, #tpu.memory_space<hbm>>
        tpu.enqueue_dma source(%dma_start3A_2970 : memref<1x1xf32, #tpu.memory_space<hbm>>) target(%dma_start3A_2968 : memref<1x1xf32, #tpu.memory_space<vmem>>) target_semaphore(%arg21 : memref<!tpu.dma_semaphore, #tpu.memory_space<semaphore_mem>>)
        %eq3A_2971 = arith.constant 7 : i32
        %eq3A_2972 = vector.broadcast %eq3A_2971 : i32 to vector<16xi32>
        %eq3A_2973 = arith.cmpi eq, %iota3A, %eq3A_2972 : vector<16xi32>
        %jit3A_2974 = arith.constant 0 : i32
        %broadcast_in_dim3A_2975 = vector.broadcast %jit3A_2974 : i32 to vector<16xi32>
        %select_n3A_2976 = arith.select %eq3A_2973, %get3A_2616, %broadcast_in_dim3A_2975 : vector<16xi1>, vector<16xi32>
        %reduce_sum3A_2977 = arith.constant true
        %reduce_sum3A_2978 = vector.broadcast %reduce_sum3A_2977 : i1 to vector<16xi1>
        %reduce_sum3A_2979 = tpu.scan <sum>, %select_n3A_2976 masked %reduce_sum3A_2978 : vector<16xi32>, vector<16xi1> -> vector<16xi32>
        %reduce_sum3A_2980 = vector.extract %reduce_sum3A_2979[15] : i32 from vector<16xi32>
        %eq3A_2981 = arith.constant 7 : i32
        %eq3A_2982 = vector.broadcast %eq3A_2981 : i32 to vector<16xi32>
        %eq3A_2983 = arith.cmpi eq, %iota3A, %eq3A_2982 : vector<16xi32>
        %jit3A_2984 = arith.constant 0 : i32
        %broadcast_in_dim3A_2985 = vector.broadcast %jit3A_2984 : i32 to vector<16xi32>
        %select_n3A_2986 = arith.select %eq3A_2983, %get3A_2620, %broadcast_in_dim3A_2985 : vector<16xi1>, vector<16xi32>
        %reduce_sum3A_2987 = arith.constant true
        %reduce_sum3A_2988 = vector.broadcast %reduce_sum3A_2987 : i1 to vector<16xi1>
        %reduce_sum3A_2989 = tpu.scan <sum>, %select_n3A_2986 masked %reduce_sum3A_2988 : vector<16xi32>, vector<16xi1> -> vector<16xi32>
        %reduce_sum3A_2990 = vector.extract %reduce_sum3A_2989[15] : i32 from vector<16xi32>
        %dma_start3A_2991 = arith.constant 7 : i32
        %dma_start3A_2992 = arith.constant 0 : i32
        %dma_start3A_2993 = tpu.memref_slice %arg12[%dma_start3A_2991, %dma_start3A_2992] : memref<16x32xf32, #tpu.memory_space<vmem>> -> memref<1x32xf32, #tpu.memory_space<vmem>>
        %dma_start3A_2994 = arith.constant 0 : i32
        %dma_start3A_2995 = tpu.memref_slice %arg4[%reduce_sum3A_2980, %dma_start3A_2994] : memref<1000000x32xf32, #tpu.memory_space<hbm>> -> memref<1x32xf32, #tpu.memory_space<hbm>>
        %dma_start3A_2996 = arith.constant 7 : i32
        %dma_start3A_2997 = arith.constant 0 : i32
        %dma_start3A_2998 = tpu.memref_slice %arg12[%dma_start3A_2996, %dma_start3A_2997] : memref<16x32xf32, #tpu.memory_space<vmem>> -> memref<1x32xf32, #tpu.memory_space<vmem>>
        %dma_start3A_2999 = arith.constant 0 : i32
        %dma_start3A_3000 = tpu.memref_slice %arg4[%reduce_sum3A_2980, %dma_start3A_2999] : memref<1000000x32xf32, #tpu.memory_space<hbm>> -> memref<1x32xf32, #tpu.memory_space<hbm>>
        tpu.enqueue_dma source(%dma_start3A_3000 : memref<1x32xf32, #tpu.memory_space<hbm>>) target(%dma_start3A_2998 : memref<1x32xf32, #tpu.memory_space<vmem>>) target_semaphore(%arg21 : memref<!tpu.dma_semaphore, #tpu.memory_space<semaphore_mem>>)
        %dma_start3A_3001 = arith.constant 7 : i32
        %dma_start3A_3002 = arith.constant 0 : i32
        %dma_start3A_3003 = tpu.memref_slice %arg13[%dma_start3A_3001, %dma_start3A_3002] : memref<16x32xf32, #tpu.memory_space<vmem>> -> memref<1x32xf32, #tpu.memory_space<vmem>>
        %dma_start3A_3004 = arith.constant 0 : i32
        %dma_start3A_3005 = tpu.memref_slice %arg5[%reduce_sum3A_2990, %dma_start3A_3004] : memref<1000000x32xf32, #tpu.memory_space<hbm>> -> memref<1x32xf32, #tpu.memory_space<hbm>>
        %dma_start3A_3006 = arith.constant 7 : i32
        %dma_start3A_3007 = arith.constant 0 : i32
        %dma_start3A_3008 = tpu.memref_slice %arg13[%dma_start3A_3006, %dma_start3A_3007] : memref<16x32xf32, #tpu.memory_space<vmem>> -> memref<1x32xf32, #tpu.memory_space<vmem>>
        %dma_start3A_3009 = arith.constant 0 : i32
        %dma_start3A_3010 = tpu.memref_slice %arg5[%reduce_sum3A_2990, %dma_start3A_3009] : memref<1000000x32xf32, #tpu.memory_space<hbm>> -> memref<1x32xf32, #tpu.memory_space<hbm>>
        tpu.enqueue_dma source(%dma_start3A_3010 : memref<1x32xf32, #tpu.memory_space<hbm>>) target(%dma_start3A_3008 : memref<1x32xf32, #tpu.memory_space<vmem>>) target_semaphore(%arg21 : memref<!tpu.dma_semaphore, #tpu.memory_space<semaphore_mem>>)
        %dma_start3A_3011 = arith.constant 7 : i32
        %dma_start3A_3012 = arith.constant 0 : i32
        %dma_start3A_3013 = tpu.memref_slice %arg14[%dma_start3A_3011, %dma_start3A_3012] : memref<16x1xf32, #tpu.memory_space<vmem>> -> memref<1x1xf32, #tpu.memory_space<vmem>>
        %dma_start3A_3014 = arith.constant 0 : i32
        %dma_start3A_3015 = tpu.memref_slice %arg6[%reduce_sum3A_2990, %dma_start3A_3014] : memref<1000000x1xf32, #tpu.memory_space<hbm>> -> memref<1x1xf32, #tpu.memory_space<hbm>>
        %dma_start3A_3016 = arith.constant 7 : i32
        %dma_start3A_3017 = arith.constant 0 : i32
        %dma_start3A_3018 = tpu.memref_slice %arg14[%dma_start3A_3016, %dma_start3A_3017] : memref<16x1xf32, #tpu.memory_space<vmem>> -> memref<1x1xf32, #tpu.memory_space<vmem>>
        %dma_start3A_3019 = arith.constant 0 : i32
        %dma_start3A_3020 = tpu.memref_slice %arg6[%reduce_sum3A_2990, %dma_start3A_3019] : memref<1000000x1xf32, #tpu.memory_space<hbm>> -> memref<1x1xf32, #tpu.memory_space<hbm>>
        tpu.enqueue_dma source(%dma_start3A_3020 : memref<1x1xf32, #tpu.memory_space<hbm>>) target(%dma_start3A_3018 : memref<1x1xf32, #tpu.memory_space<vmem>>) target_semaphore(%arg21 : memref<!tpu.dma_semaphore, #tpu.memory_space<semaphore_mem>>)
        %eq3A_3021 = arith.constant 8 : i32
        %eq3A_3022 = vector.broadcast %eq3A_3021 : i32 to vector<16xi32>
        %eq3A_3023 = arith.cmpi eq, %iota3A, %eq3A_3022 : vector<16xi32>
        %jit3A_3024 = arith.constant 0 : i32
        %broadcast_in_dim3A_3025 = vector.broadcast %jit3A_3024 : i32 to vector<16xi32>
        %select_n3A_3026 = arith.select %eq3A_3023, %get3A_2616, %broadcast_in_dim3A_3025 : vector<16xi1>, vector<16xi32>
        %reduce_sum3A_3027 = arith.constant true
        %reduce_sum3A_3028 = vector.broadcast %reduce_sum3A_3027 : i1 to vector<16xi1>
        %reduce_sum3A_3029 = tpu.scan <sum>, %select_n3A_3026 masked %reduce_sum3A_3028 : vector<16xi32>, vector<16xi1> -> vector<16xi32>
        %reduce_sum3A_3030 = vector.extract %reduce_sum3A_3029[15] : i32 from vector<16xi32>
        %eq3A_3031 = arith.constant 8 : i32
        %eq3A_3032 = vector.broadcast %eq3A_3031 : i32 to vector<16xi32>
        %eq3A_3033 = arith.cmpi eq, %iota3A, %eq3A_3032 : vector<16xi32>
        %jit3A_3034 = arith.constant 0 : i32
        %broadcast_in_dim3A_3035 = vector.broadcast %jit3A_3034 : i32 to vector<16xi32>
        %select_n3A_3036 = arith.select %eq3A_3033, %get3A_2620, %broadcast_in_dim3A_3035 : vector<16xi1>, vector<16xi32>
        %reduce_sum3A_3037 = arith.constant true
        %reduce_sum3A_3038 = vector.broadcast %reduce_sum3A_3037 : i1 to vector<16xi1>
        %reduce_sum3A_3039 = tpu.scan <sum>, %select_n3A_3036 masked %reduce_sum3A_3038 : vector<16xi32>, vector<16xi1> -> vector<16xi32>
        %reduce_sum3A_3040 = vector.extract %reduce_sum3A_3039[15] : i32 from vector<16xi32>
        %dma_start3A_3041 = arith.constant 8 : i32
        %dma_start3A_3042 = arith.constant 0 : i32
        %dma_start3A_3043 = tpu.memref_slice %arg12[%dma_start3A_3041, %dma_start3A_3042] : memref<16x32xf32, #tpu.memory_space<vmem>> -> memref<1x32xf32, #tpu.memory_space<vmem>>
        %dma_start3A_3044 = arith.constant 0 : i32
        %dma_start3A_3045 = tpu.memref_slice %arg4[%reduce_sum3A_3030, %dma_start3A_3044] : memref<1000000x32xf32, #tpu.memory_space<hbm>> -> memref<1x32xf32, #tpu.memory_space<hbm>>
        %dma_start3A_3046 = arith.constant 8 : i32
        %dma_start3A_3047 = arith.constant 0 : i32
        %dma_start3A_3048 = tpu.memref_slice %arg12[%dma_start3A_3046, %dma_start3A_3047] : memref<16x32xf32, #tpu.memory_space<vmem>> -> memref<1x32xf32, #tpu.memory_space<vmem>>
        %dma_start3A_3049 = arith.constant 0 : i32
        %dma_start3A_3050 = tpu.memref_slice %arg4[%reduce_sum3A_3030, %dma_start3A_3049] : memref<1000000x32xf32, #tpu.memory_space<hbm>> -> memref<1x32xf32, #tpu.memory_space<hbm>>
        tpu.enqueue_dma source(%dma_start3A_3050 : memref<1x32xf32, #tpu.memory_space<hbm>>) target(%dma_start3A_3048 : memref<1x32xf32, #tpu.memory_space<vmem>>) target_semaphore(%arg21 : memref<!tpu.dma_semaphore, #tpu.memory_space<semaphore_mem>>)
        %dma_start3A_3051 = arith.constant 8 : i32
        %dma_start3A_3052 = arith.constant 0 : i32
        %dma_start3A_3053 = tpu.memref_slice %arg13[%dma_start3A_3051, %dma_start3A_3052] : memref<16x32xf32, #tpu.memory_space<vmem>> -> memref<1x32xf32, #tpu.memory_space<vmem>>
        %dma_start3A_3054 = arith.constant 0 : i32
        %dma_start3A_3055 = tpu.memref_slice %arg5[%reduce_sum3A_3040, %dma_start3A_3054] : memref<1000000x32xf32, #tpu.memory_space<hbm>> -> memref<1x32xf32, #tpu.memory_space<hbm>>
        %dma_start3A_3056 = arith.constant 8 : i32
        %dma_start3A_3057 = arith.constant 0 : i32
        %dma_start3A_3058 = tpu.memref_slice %arg13[%dma_start3A_3056, %dma_start3A_3057] : memref<16x32xf32, #tpu.memory_space<vmem>> -> memref<1x32xf32, #tpu.memory_space<vmem>>
        %dma_start3A_3059 = arith.constant 0 : i32
        %dma_start3A_3060 = tpu.memref_slice %arg5[%reduce_sum3A_3040, %dma_start3A_3059] : memref<1000000x32xf32, #tpu.memory_space<hbm>> -> memref<1x32xf32, #tpu.memory_space<hbm>>
        tpu.enqueue_dma source(%dma_start3A_3060 : memref<1x32xf32, #tpu.memory_space<hbm>>) target(%dma_start3A_3058 : memref<1x32xf32, #tpu.memory_space<vmem>>) target_semaphore(%arg21 : memref<!tpu.dma_semaphore, #tpu.memory_space<semaphore_mem>>)
        %dma_start3A_3061 = arith.constant 8 : i32
        %dma_start3A_3062 = arith.constant 0 : i32
        %dma_start3A_3063 = tpu.memref_slice %arg14[%dma_start3A_3061, %dma_start3A_3062] : memref<16x1xf32, #tpu.memory_space<vmem>> -> memref<1x1xf32, #tpu.memory_space<vmem>>
        %dma_start3A_3064 = arith.constant 0 : i32
        %dma_start3A_3065 = tpu.memref_slice %arg6[%reduce_sum3A_3040, %dma_start3A_3064] : memref<1000000x1xf32, #tpu.memory_space<hbm>> -> memref<1x1xf32, #tpu.memory_space<hbm>>
        %dma_start3A_3066 = arith.constant 8 : i32
        %dma_start3A_3067 = arith.constant 0 : i32
        %dma_start3A_3068 = tpu.memref_slice %arg14[%dma_start3A_3066, %dma_start3A_3067] : memref<16x1xf32, #tpu.memory_space<vmem>> -> memref<1x1xf32, #tpu.memory_space<vmem>>
        %dma_start3A_3069 = arith.constant 0 : i32
        %dma_start3A_3070 = tpu.memref_slice %arg6[%reduce_sum3A_3040, %dma_start3A_3069] : memref<1000000x1xf32, #tpu.memory_space<hbm>> -> memref<1x1xf32, #tpu.memory_space<hbm>>
        tpu.enqueue_dma source(%dma_start3A_3070 : memref<1x1xf32, #tpu.memory_space<hbm>>) target(%dma_start3A_3068 : memref<1x1xf32, #tpu.memory_space<vmem>>) target_semaphore(%arg21 : memref<!tpu.dma_semaphore, #tpu.memory_space<semaphore_mem>>)
        %eq3A_3071 = arith.constant 9 : i32
        %eq3A_3072 = vector.broadcast %eq3A_3071 : i32 to vector<16xi32>
        %eq3A_3073 = arith.cmpi eq, %iota3A, %eq3A_3072 : vector<16xi32>
        %jit3A_3074 = arith.constant 0 : i32
        %broadcast_in_dim3A_3075 = vector.broadcast %jit3A_3074 : i32 to vector<16xi32>
        %select_n3A_3076 = arith.select %eq3A_3073, %get3A_2616, %broadcast_in_dim3A_3075 : vector<16xi1>, vector<16xi32>
        %reduce_sum3A_3077 = arith.constant true
        %reduce_sum3A_3078 = vector.broadcast %reduce_sum3A_3077 : i1 to vector<16xi1>
        %reduce_sum3A_3079 = tpu.scan <sum>, %select_n3A_3076 masked %reduce_sum3A_3078 : vector<16xi32>, vector<16xi1> -> vector<16xi32>
        %reduce_sum3A_3080 = vector.extract %reduce_sum3A_3079[15] : i32 from vector<16xi32>
        %eq3A_3081 = arith.constant 9 : i32
        %eq3A_3082 = vector.broadcast %eq3A_3081 : i32 to vector<16xi32>
        %eq3A_3083 = arith.cmpi eq, %iota3A, %eq3A_3082 : vector<16xi32>
        %jit3A_3084 = arith.constant 0 : i32
        %broadcast_in_dim3A_3085 = vector.broadcast %jit3A_3084 : i32 to vector<16xi32>
        %select_n3A_3086 = arith.select %eq3A_3083, %get3A_2620, %broadcast_in_dim3A_3085 : vector<16xi1>, vector<16xi32>
        %reduce_sum3A_3087 = arith.constant true
        %reduce_sum3A_3088 = vector.broadcast %reduce_sum3A_3087 : i1 to vector<16xi1>
        %reduce_sum3A_3089 = tpu.scan <sum>, %select_n3A_3086 masked %reduce_sum3A_3088 : vector<16xi32>, vector<16xi1> -> vector<16xi32>
        %reduce_sum3A_3090 = vector.extract %reduce_sum3A_3089[15] : i32 from vector<16xi32>
        %dma_start3A_3091 = arith.constant 9 : i32
        %dma_start3A_3092 = arith.constant 0 : i32
        %dma_start3A_3093 = tpu.memref_slice %arg12[%dma_start3A_3091, %dma_start3A_3092] : memref<16x32xf32, #tpu.memory_space<vmem>> -> memref<1x32xf32, #tpu.memory_space<vmem>>
        %dma_start3A_3094 = arith.constant 0 : i32
        %dma_start3A_3095 = tpu.memref_slice %arg4[%reduce_sum3A_3080, %dma_start3A_3094] : memref<1000000x32xf32, #tpu.memory_space<hbm>> -> memref<1x32xf32, #tpu.memory_space<hbm>>
        %dma_start3A_3096 = arith.constant 9 : i32
        %dma_start3A_3097 = arith.constant 0 : i32
        %dma_start3A_3098 = tpu.memref_slice %arg12[%dma_start3A_3096, %dma_start3A_3097] : memref<16x32xf32, #tpu.memory_space<vmem>> -> memref<1x32xf32, #tpu.memory_space<vmem>>
        %dma_start3A_3099 = arith.constant 0 : i32
        %dma_start3A_3100 = tpu.memref_slice %arg4[%reduce_sum3A_3080, %dma_start3A_3099] : memref<1000000x32xf32, #tpu.memory_space<hbm>> -> memref<1x32xf32, #tpu.memory_space<hbm>>
        tpu.enqueue_dma source(%dma_start3A_3100 : memref<1x32xf32, #tpu.memory_space<hbm>>) target(%dma_start3A_3098 : memref<1x32xf32, #tpu.memory_space<vmem>>) target_semaphore(%arg21 : memref<!tpu.dma_semaphore, #tpu.memory_space<semaphore_mem>>)
        %dma_start3A_3101 = arith.constant 9 : i32
        %dma_start3A_3102 = arith.constant 0 : i32
        %dma_start3A_3103 = tpu.memref_slice %arg13[%dma_start3A_3101, %dma_start3A_3102] : memref<16x32xf32, #tpu.memory_space<vmem>> -> memref<1x32xf32, #tpu.memory_space<vmem>>
        %dma_start3A_3104 = arith.constant 0 : i32
        %dma_start3A_3105 = tpu.memref_slice %arg5[%reduce_sum3A_3090, %dma_start3A_3104] : memref<1000000x32xf32, #tpu.memory_space<hbm>> -> memref<1x32xf32, #tpu.memory_space<hbm>>
        %dma_start3A_3106 = arith.constant 9 : i32
        %dma_start3A_3107 = arith.constant 0 : i32
        %dma_start3A_3108 = tpu.memref_slice %arg13[%dma_start3A_3106, %dma_start3A_3107] : memref<16x32xf32, #tpu.memory_space<vmem>> -> memref<1x32xf32, #tpu.memory_space<vmem>>
        %dma_start3A_3109 = arith.constant 0 : i32
        %dma_start3A_3110 = tpu.memref_slice %arg5[%reduce_sum3A_3090, %dma_start3A_3109] : memref<1000000x32xf32, #tpu.memory_space<hbm>> -> memref<1x32xf32, #tpu.memory_space<hbm>>
        tpu.enqueue_dma source(%dma_start3A_3110 : memref<1x32xf32, #tpu.memory_space<hbm>>) target(%dma_start3A_3108 : memref<1x32xf32, #tpu.memory_space<vmem>>) target_semaphore(%arg21 : memref<!tpu.dma_semaphore, #tpu.memory_space<semaphore_mem>>)
        %dma_start3A_3111 = arith.constant 9 : i32
        %dma_start3A_3112 = arith.constant 0 : i32
        %dma_start3A_3113 = tpu.memref_slice %arg14[%dma_start3A_3111, %dma_start3A_3112] : memref<16x1xf32, #tpu.memory_space<vmem>> -> memref<1x1xf32, #tpu.memory_space<vmem>>
        %dma_start3A_3114 = arith.constant 0 : i32
        %dma_start3A_3115 = tpu.memref_slice %arg6[%reduce_sum3A_3090, %dma_start3A_3114] : memref<1000000x1xf32, #tpu.memory_space<hbm>> -> memref<1x1xf32, #tpu.memory_space<hbm>>
        %dma_start3A_3116 = arith.constant 9 : i32
        %dma_start3A_3117 = arith.constant 0 : i32
        %dma_start3A_3118 = tpu.memref_slice %arg14[%dma_start3A_3116, %dma_start3A_3117] : memref<16x1xf32, #tpu.memory_space<vmem>> -> memref<1x1xf32, #tpu.memory_space<vmem>>
        %dma_start3A_3119 = arith.constant 0 : i32
        %dma_start3A_3120 = tpu.memref_slice %arg6[%reduce_sum3A_3090, %dma_start3A_3119] : memref<1000000x1xf32, #tpu.memory_space<hbm>> -> memref<1x1xf32, #tpu.memory_space<hbm>>
        tpu.enqueue_dma source(%dma_start3A_3120 : memref<1x1xf32, #tpu.memory_space<hbm>>) target(%dma_start3A_3118 : memref<1x1xf32, #tpu.memory_space<vmem>>) target_semaphore(%arg21 : memref<!tpu.dma_semaphore, #tpu.memory_space<semaphore_mem>>)
        %eq3A_3121 = arith.constant 10 : i32
        %eq3A_3122 = vector.broadcast %eq3A_3121 : i32 to vector<16xi32>
        %eq3A_3123 = arith.cmpi eq, %iota3A, %eq3A_3122 : vector<16xi32>
        %jit3A_3124 = arith.constant 0 : i32
        %broadcast_in_dim3A_3125 = vector.broadcast %jit3A_3124 : i32 to vector<16xi32>
        %select_n3A_3126 = arith.select %eq3A_3123, %get3A_2616, %broadcast_in_dim3A_3125 : vector<16xi1>, vector<16xi32>
        %reduce_sum3A_3127 = arith.constant true
        %reduce_sum3A_3128 = vector.broadcast %reduce_sum3A_3127 : i1 to vector<16xi1>
        %reduce_sum3A_3129 = tpu.scan <sum>, %select_n3A_3126 masked %reduce_sum3A_3128 : vector<16xi32>, vector<16xi1> -> vector<16xi32>
        %reduce_sum3A_3130 = vector.extract %reduce_sum3A_3129[15] : i32 from vector<16xi32>
        %eq3A_3131 = arith.constant 10 : i32
        %eq3A_3132 = vector.broadcast %eq3A_3131 : i32 to vector<16xi32>
        %eq3A_3133 = arith.cmpi eq, %iota3A, %eq3A_3132 : vector<16xi32>
        %jit3A_3134 = arith.constant 0 : i32
        %broadcast_in_dim3A_3135 = vector.broadcast %jit3A_3134 : i32 to vector<16xi32>
        %select_n3A_3136 = arith.select %eq3A_3133, %get3A_2620, %broadcast_in_dim3A_3135 : vector<16xi1>, vector<16xi32>
        %reduce_sum3A_3137 = arith.constant true
        %reduce_sum3A_3138 = vector.broadcast %reduce_sum3A_3137 : i1 to vector<16xi1>
        %reduce_sum3A_3139 = tpu.scan <sum>, %select_n3A_3136 masked %reduce_sum3A_3138 : vector<16xi32>, vector<16xi1> -> vector<16xi32>
        %reduce_sum3A_3140 = vector.extract %reduce_sum3A_3139[15] : i32 from vector<16xi32>
        %dma_start3A_3141 = arith.constant 10 : i32
        %dma_start3A_3142 = arith.constant 0 : i32
        %dma_start3A_3143 = tpu.memref_slice %arg12[%dma_start3A_3141, %dma_start3A_3142] : memref<16x32xf32, #tpu.memory_space<vmem>> -> memref<1x32xf32, #tpu.memory_space<vmem>>
        %dma_start3A_3144 = arith.constant 0 : i32
        %dma_start3A_3145 = tpu.memref_slice %arg4[%reduce_sum3A_3130, %dma_start3A_3144] : memref<1000000x32xf32, #tpu.memory_space<hbm>> -> memref<1x32xf32, #tpu.memory_space<hbm>>
        %dma_start3A_3146 = arith.constant 10 : i32
        %dma_start3A_3147 = arith.constant 0 : i32
        %dma_start3A_3148 = tpu.memref_slice %arg12[%dma_start3A_3146, %dma_start3A_3147] : memref<16x32xf32, #tpu.memory_space<vmem>> -> memref<1x32xf32, #tpu.memory_space<vmem>>
        %dma_start3A_3149 = arith.constant 0 : i32
        %dma_start3A_3150 = tpu.memref_slice %arg4[%reduce_sum3A_3130, %dma_start3A_3149] : memref<1000000x32xf32, #tpu.memory_space<hbm>> -> memref<1x32xf32, #tpu.memory_space<hbm>>
        tpu.enqueue_dma source(%dma_start3A_3150 : memref<1x32xf32, #tpu.memory_space<hbm>>) target(%dma_start3A_3148 : memref<1x32xf32, #tpu.memory_space<vmem>>) target_semaphore(%arg21 : memref<!tpu.dma_semaphore, #tpu.memory_space<semaphore_mem>>)
        %dma_start3A_3151 = arith.constant 10 : i32
        %dma_start3A_3152 = arith.constant 0 : i32
        %dma_start3A_3153 = tpu.memref_slice %arg13[%dma_start3A_3151, %dma_start3A_3152] : memref<16x32xf32, #tpu.memory_space<vmem>> -> memref<1x32xf32, #tpu.memory_space<vmem>>
        %dma_start3A_3154 = arith.constant 0 : i32
        %dma_start3A_3155 = tpu.memref_slice %arg5[%reduce_sum3A_3140, %dma_start3A_3154] : memref<1000000x32xf32, #tpu.memory_space<hbm>> -> memref<1x32xf32, #tpu.memory_space<hbm>>
        %dma_start3A_3156 = arith.constant 10 : i32
        %dma_start3A_3157 = arith.constant 0 : i32
        %dma_start3A_3158 = tpu.memref_slice %arg13[%dma_start3A_3156, %dma_start3A_3157] : memref<16x32xf32, #tpu.memory_space<vmem>> -> memref<1x32xf32, #tpu.memory_space<vmem>>
        %dma_start3A_3159 = arith.constant 0 : i32
        %dma_start3A_3160 = tpu.memref_slice %arg5[%reduce_sum3A_3140, %dma_start3A_3159] : memref<1000000x32xf32, #tpu.memory_space<hbm>> -> memref<1x32xf32, #tpu.memory_space<hbm>>
        tpu.enqueue_dma source(%dma_start3A_3160 : memref<1x32xf32, #tpu.memory_space<hbm>>) target(%dma_start3A_3158 : memref<1x32xf32, #tpu.memory_space<vmem>>) target_semaphore(%arg21 : memref<!tpu.dma_semaphore, #tpu.memory_space<semaphore_mem>>)
        %dma_start3A_3161 = arith.constant 10 : i32
        %dma_start3A_3162 = arith.constant 0 : i32
        %dma_start3A_3163 = tpu.memref_slice %arg14[%dma_start3A_3161, %dma_start3A_3162] : memref<16x1xf32, #tpu.memory_space<vmem>> -> memref<1x1xf32, #tpu.memory_space<vmem>>
        %dma_start3A_3164 = arith.constant 0 : i32
        %dma_start3A_3165 = tpu.memref_slice %arg6[%reduce_sum3A_3140, %dma_start3A_3164] : memref<1000000x1xf32, #tpu.memory_space<hbm>> -> memref<1x1xf32, #tpu.memory_space<hbm>>
        %dma_start3A_3166 = arith.constant 10 : i32
        %dma_start3A_3167 = arith.constant 0 : i32
        %dma_start3A_3168 = tpu.memref_slice %arg14[%dma_start3A_3166, %dma_start3A_3167] : memref<16x1xf32, #tpu.memory_space<vmem>> -> memref<1x1xf32, #tpu.memory_space<vmem>>
        %dma_start3A_3169 = arith.constant 0 : i32
        %dma_start3A_3170 = tpu.memref_slice %arg6[%reduce_sum3A_3140, %dma_start3A_3169] : memref<1000000x1xf32, #tpu.memory_space<hbm>> -> memref<1x1xf32, #tpu.memory_space<hbm>>
        tpu.enqueue_dma source(%dma_start3A_3170 : memref<1x1xf32, #tpu.memory_space<hbm>>) target(%dma_start3A_3168 : memref<1x1xf32, #tpu.memory_space<vmem>>) target_semaphore(%arg21 : memref<!tpu.dma_semaphore, #tpu.memory_space<semaphore_mem>>)
        %eq3A_3171 = arith.constant 11 : i32
        %eq3A_3172 = vector.broadcast %eq3A_3171 : i32 to vector<16xi32>
        %eq3A_3173 = arith.cmpi eq, %iota3A, %eq3A_3172 : vector<16xi32>
        %jit3A_3174 = arith.constant 0 : i32
        %broadcast_in_dim3A_3175 = vector.broadcast %jit3A_3174 : i32 to vector<16xi32>
        %select_n3A_3176 = arith.select %eq3A_3173, %get3A_2616, %broadcast_in_dim3A_3175 : vector<16xi1>, vector<16xi32>
        %reduce_sum3A_3177 = arith.constant true
        %reduce_sum3A_3178 = vector.broadcast %reduce_sum3A_3177 : i1 to vector<16xi1>
        %reduce_sum3A_3179 = tpu.scan <sum>, %select_n3A_3176 masked %reduce_sum3A_3178 : vector<16xi32>, vector<16xi1> -> vector<16xi32>
        %reduce_sum3A_3180 = vector.extract %reduce_sum3A_3179[15] : i32 from vector<16xi32>
        %eq3A_3181 = arith.constant 11 : i32
        %eq3A_3182 = vector.broadcast %eq3A_3181 : i32 to vector<16xi32>
        %eq3A_3183 = arith.cmpi eq, %iota3A, %eq3A_3182 : vector<16xi32>
        %jit3A_3184 = arith.constant 0 : i32
        %broadcast_in_dim3A_3185 = vector.broadcast %jit3A_3184 : i32 to vector<16xi32>
        %select_n3A_3186 = arith.select %eq3A_3183, %get3A_2620, %broadcast_in_dim3A_3185 : vector<16xi1>, vector<16xi32>
        %reduce_sum3A_3187 = arith.constant true
        %reduce_sum3A_3188 = vector.broadcast %reduce_sum3A_3187 : i1 to vector<16xi1>
        %reduce_sum3A_3189 = tpu.scan <sum>, %select_n3A_3186 masked %reduce_sum3A_3188 : vector<16xi32>, vector<16xi1> -> vector<16xi32>
        %reduce_sum3A_3190 = vector.extract %reduce_sum3A_3189[15] : i32 from vector<16xi32>
        %dma_start3A_3191 = arith.constant 11 : i32
        %dma_start3A_3192 = arith.constant 0 : i32
        %dma_start3A_3193 = tpu.memref_slice %arg12[%dma_start3A_3191, %dma_start3A_3192] : memref<16x32xf32, #tpu.memory_space<vmem>> -> memref<1x32xf32, #tpu.memory_space<vmem>>
        %dma_start3A_3194 = arith.constant 0 : i32
        %dma_start3A_3195 = tpu.memref_slice %arg4[%reduce_sum3A_3180, %dma_start3A_3194] : memref<1000000x32xf32, #tpu.memory_space<hbm>> -> memref<1x32xf32, #tpu.memory_space<hbm>>
        %dma_start3A_3196 = arith.constant 11 : i32
        %dma_start3A_3197 = arith.constant 0 : i32
        %dma_start3A_3198 = tpu.memref_slice %arg12[%dma_start3A_3196, %dma_start3A_3197] : memref<16x32xf32, #tpu.memory_space<vmem>> -> memref<1x32xf32, #tpu.memory_space<vmem>>
        %dma_start3A_3199 = arith.constant 0 : i32
        %dma_start3A_3200 = tpu.memref_slice %arg4[%reduce_sum3A_3180, %dma_start3A_3199] : memref<1000000x32xf32, #tpu.memory_space<hbm>> -> memref<1x32xf32, #tpu.memory_space<hbm>>
        tpu.enqueue_dma source(%dma_start3A_3200 : memref<1x32xf32, #tpu.memory_space<hbm>>) target(%dma_start3A_3198 : memref<1x32xf32, #tpu.memory_space<vmem>>) target_semaphore(%arg21 : memref<!tpu.dma_semaphore, #tpu.memory_space<semaphore_mem>>)
        %dma_start3A_3201 = arith.constant 11 : i32
        %dma_start3A_3202 = arith.constant 0 : i32
        %dma_start3A_3203 = tpu.memref_slice %arg13[%dma_start3A_3201, %dma_start3A_3202] : memref<16x32xf32, #tpu.memory_space<vmem>> -> memref<1x32xf32, #tpu.memory_space<vmem>>
        %dma_start3A_3204 = arith.constant 0 : i32
        %dma_start3A_3205 = tpu.memref_slice %arg5[%reduce_sum3A_3190, %dma_start3A_3204] : memref<1000000x32xf32, #tpu.memory_space<hbm>> -> memref<1x32xf32, #tpu.memory_space<hbm>>
        %dma_start3A_3206 = arith.constant 11 : i32
        %dma_start3A_3207 = arith.constant 0 : i32
        %dma_start3A_3208 = tpu.memref_slice %arg13[%dma_start3A_3206, %dma_start3A_3207] : memref<16x32xf32, #tpu.memory_space<vmem>> -> memref<1x32xf32, #tpu.memory_space<vmem>>
        %dma_start3A_3209 = arith.constant 0 : i32
        %dma_start3A_3210 = tpu.memref_slice %arg5[%reduce_sum3A_3190, %dma_start3A_3209] : memref<1000000x32xf32, #tpu.memory_space<hbm>> -> memref<1x32xf32, #tpu.memory_space<hbm>>
        tpu.enqueue_dma source(%dma_start3A_3210 : memref<1x32xf32, #tpu.memory_space<hbm>>) target(%dma_start3A_3208 : memref<1x32xf32, #tpu.memory_space<vmem>>) target_semaphore(%arg21 : memref<!tpu.dma_semaphore, #tpu.memory_space<semaphore_mem>>)
        %dma_start3A_3211 = arith.constant 11 : i32
        %dma_start3A_3212 = arith.constant 0 : i32
        %dma_start3A_3213 = tpu.memref_slice %arg14[%dma_start3A_3211, %dma_start3A_3212] : memref<16x1xf32, #tpu.memory_space<vmem>> -> memref<1x1xf32, #tpu.memory_space<vmem>>
        %dma_start3A_3214 = arith.constant 0 : i32
        %dma_start3A_3215 = tpu.memref_slice %arg6[%reduce_sum3A_3190, %dma_start3A_3214] : memref<1000000x1xf32, #tpu.memory_space<hbm>> -> memref<1x1xf32, #tpu.memory_space<hbm>>
        %dma_start3A_3216 = arith.constant 11 : i32
        %dma_start3A_3217 = arith.constant 0 : i32
        %dma_start3A_3218 = tpu.memref_slice %arg14[%dma_start3A_3216, %dma_start3A_3217] : memref<16x1xf32, #tpu.memory_space<vmem>> -> memref<1x1xf32, #tpu.memory_space<vmem>>
        %dma_start3A_3219 = arith.constant 0 : i32
        %dma_start3A_3220 = tpu.memref_slice %arg6[%reduce_sum3A_3190, %dma_start3A_3219] : memref<1000000x1xf32, #tpu.memory_space<hbm>> -> memref<1x1xf32, #tpu.memory_space<hbm>>
        tpu.enqueue_dma source(%dma_start3A_3220 : memref<1x1xf32, #tpu.memory_space<hbm>>) target(%dma_start3A_3218 : memref<1x1xf32, #tpu.memory_space<vmem>>) target_semaphore(%arg21 : memref<!tpu.dma_semaphore, #tpu.memory_space<semaphore_mem>>)
        %eq3A_3221 = arith.constant 12 : i32
        %eq3A_3222 = vector.broadcast %eq3A_3221 : i32 to vector<16xi32>
        %eq3A_3223 = arith.cmpi eq, %iota3A, %eq3A_3222 : vector<16xi32>
        %jit3A_3224 = arith.constant 0 : i32
        %broadcast_in_dim3A_3225 = vector.broadcast %jit3A_3224 : i32 to vector<16xi32>
        %select_n3A_3226 = arith.select %eq3A_3223, %get3A_2616, %broadcast_in_dim3A_3225 : vector<16xi1>, vector<16xi32>
        %reduce_sum3A_3227 = arith.constant true
        %reduce_sum3A_3228 = vector.broadcast %reduce_sum3A_3227 : i1 to vector<16xi1>
        %reduce_sum3A_3229 = tpu.scan <sum>, %select_n3A_3226 masked %reduce_sum3A_3228 : vector<16xi32>, vector<16xi1> -> vector<16xi32>
        %reduce_sum3A_3230 = vector.extract %reduce_sum3A_3229[15] : i32 from vector<16xi32>
        %eq3A_3231 = arith.constant 12 : i32
        %eq3A_3232 = vector.broadcast %eq3A_3231 : i32 to vector<16xi32>
        %eq3A_3233 = arith.cmpi eq, %iota3A, %eq3A_3232 : vector<16xi32>
        %jit3A_3234 = arith.constant 0 : i32
        %broadcast_in_dim3A_3235 = vector.broadcast %jit3A_3234 : i32 to vector<16xi32>
        %select_n3A_3236 = arith.select %eq3A_3233, %get3A_2620, %broadcast_in_dim3A_3235 : vector<16xi1>, vector<16xi32>
        %reduce_sum3A_3237 = arith.constant true
        %reduce_sum3A_3238 = vector.broadcast %reduce_sum3A_3237 : i1 to vector<16xi1>
        %reduce_sum3A_3239 = tpu.scan <sum>, %select_n3A_3236 masked %reduce_sum3A_3238 : vector<16xi32>, vector<16xi1> -> vector<16xi32>
        %reduce_sum3A_3240 = vector.extract %reduce_sum3A_3239[15] : i32 from vector<16xi32>
        %dma_start3A_3241 = arith.constant 12 : i32
        %dma_start3A_3242 = arith.constant 0 : i32
        %dma_start3A_3243 = tpu.memref_slice %arg12[%dma_start3A_3241, %dma_start3A_3242] : memref<16x32xf32, #tpu.memory_space<vmem>> -> memref<1x32xf32, #tpu.memory_space<vmem>>
        %dma_start3A_3244 = arith.constant 0 : i32
        %dma_start3A_3245 = tpu.memref_slice %arg4[%reduce_sum3A_3230, %dma_start3A_3244] : memref<1000000x32xf32, #tpu.memory_space<hbm>> -> memref<1x32xf32, #tpu.memory_space<hbm>>
        %dma_start3A_3246 = arith.constant 12 : i32
        %dma_start3A_3247 = arith.constant 0 : i32
        %dma_start3A_3248 = tpu.memref_slice %arg12[%dma_start3A_3246, %dma_start3A_3247] : memref<16x32xf32, #tpu.memory_space<vmem>> -> memref<1x32xf32, #tpu.memory_space<vmem>>
        %dma_start3A_3249 = arith.constant 0 : i32
        %dma_start3A_3250 = tpu.memref_slice %arg4[%reduce_sum3A_3230, %dma_start3A_3249] : memref<1000000x32xf32, #tpu.memory_space<hbm>> -> memref<1x32xf32, #tpu.memory_space<hbm>>
        tpu.enqueue_dma source(%dma_start3A_3250 : memref<1x32xf32, #tpu.memory_space<hbm>>) target(%dma_start3A_3248 : memref<1x32xf32, #tpu.memory_space<vmem>>) target_semaphore(%arg21 : memref<!tpu.dma_semaphore, #tpu.memory_space<semaphore_mem>>)
        %dma_start3A_3251 = arith.constant 12 : i32
        %dma_start3A_3252 = arith.constant 0 : i32
        %dma_start3A_3253 = tpu.memref_slice %arg13[%dma_start3A_3251, %dma_start3A_3252] : memref<16x32xf32, #tpu.memory_space<vmem>> -> memref<1x32xf32, #tpu.memory_space<vmem>>
        %dma_start3A_3254 = arith.constant 0 : i32
        %dma_start3A_3255 = tpu.memref_slice %arg5[%reduce_sum3A_3240, %dma_start3A_3254] : memref<1000000x32xf32, #tpu.memory_space<hbm>> -> memref<1x32xf32, #tpu.memory_space<hbm>>
        %dma_start3A_3256 = arith.constant 12 : i32
        %dma_start3A_3257 = arith.constant 0 : i32
        %dma_start3A_3258 = tpu.memref_slice %arg13[%dma_start3A_3256, %dma_start3A_3257] : memref<16x32xf32, #tpu.memory_space<vmem>> -> memref<1x32xf32, #tpu.memory_space<vmem>>
        %dma_start3A_3259 = arith.constant 0 : i32
        %dma_start3A_3260 = tpu.memref_slice %arg5[%reduce_sum3A_3240, %dma_start3A_3259] : memref<1000000x32xf32, #tpu.memory_space<hbm>> -> memref<1x32xf32, #tpu.memory_space<hbm>>
        tpu.enqueue_dma source(%dma_start3A_3260 : memref<1x32xf32, #tpu.memory_space<hbm>>) target(%dma_start3A_3258 : memref<1x32xf32, #tpu.memory_space<vmem>>) target_semaphore(%arg21 : memref<!tpu.dma_semaphore, #tpu.memory_space<semaphore_mem>>)
        %dma_start3A_3261 = arith.constant 12 : i32
        %dma_start3A_3262 = arith.constant 0 : i32
        %dma_start3A_3263 = tpu.memref_slice %arg14[%dma_start3A_3261, %dma_start3A_3262] : memref<16x1xf32, #tpu.memory_space<vmem>> -> memref<1x1xf32, #tpu.memory_space<vmem>>
        %dma_start3A_3264 = arith.constant 0 : i32
        %dma_start3A_3265 = tpu.memref_slice %arg6[%reduce_sum3A_3240, %dma_start3A_3264] : memref<1000000x1xf32, #tpu.memory_space<hbm>> -> memref<1x1xf32, #tpu.memory_space<hbm>>
        %dma_start3A_3266 = arith.constant 12 : i32
        %dma_start3A_3267 = arith.constant 0 : i32
        %dma_start3A_3268 = tpu.memref_slice %arg14[%dma_start3A_3266, %dma_start3A_3267] : memref<16x1xf32, #tpu.memory_space<vmem>> -> memref<1x1xf32, #tpu.memory_space<vmem>>
        %dma_start3A_3269 = arith.constant 0 : i32
        %dma_start3A_3270 = tpu.memref_slice %arg6[%reduce_sum3A_3240, %dma_start3A_3269] : memref<1000000x1xf32, #tpu.memory_space<hbm>> -> memref<1x1xf32, #tpu.memory_space<hbm>>
        tpu.enqueue_dma source(%dma_start3A_3270 : memref<1x1xf32, #tpu.memory_space<hbm>>) target(%dma_start3A_3268 : memref<1x1xf32, #tpu.memory_space<vmem>>) target_semaphore(%arg21 : memref<!tpu.dma_semaphore, #tpu.memory_space<semaphore_mem>>)
        %eq3A_3271 = arith.constant 13 : i32
        %eq3A_3272 = vector.broadcast %eq3A_3271 : i32 to vector<16xi32>
        %eq3A_3273 = arith.cmpi eq, %iota3A, %eq3A_3272 : vector<16xi32>
        %jit3A_3274 = arith.constant 0 : i32
        %broadcast_in_dim3A_3275 = vector.broadcast %jit3A_3274 : i32 to vector<16xi32>
        %select_n3A_3276 = arith.select %eq3A_3273, %get3A_2616, %broadcast_in_dim3A_3275 : vector<16xi1>, vector<16xi32>
        %reduce_sum3A_3277 = arith.constant true
        %reduce_sum3A_3278 = vector.broadcast %reduce_sum3A_3277 : i1 to vector<16xi1>
        %reduce_sum3A_3279 = tpu.scan <sum>, %select_n3A_3276 masked %reduce_sum3A_3278 : vector<16xi32>, vector<16xi1> -> vector<16xi32>
        %reduce_sum3A_3280 = vector.extract %reduce_sum3A_3279[15] : i32 from vector<16xi32>
        %eq3A_3281 = arith.constant 13 : i32
        %eq3A_3282 = vector.broadcast %eq3A_3281 : i32 to vector<16xi32>
        %eq3A_3283 = arith.cmpi eq, %iota3A, %eq3A_3282 : vector<16xi32>
        %jit3A_3284 = arith.constant 0 : i32
        %broadcast_in_dim3A_3285 = vector.broadcast %jit3A_3284 : i32 to vector<16xi32>
        %select_n3A_3286 = arith.select %eq3A_3283, %get3A_2620, %broadcast_in_dim3A_3285 : vector<16xi1>, vector<16xi32>
        %reduce_sum3A_3287 = arith.constant true
        %reduce_sum3A_3288 = vector.broadcast %reduce_sum3A_3287 : i1 to vector<16xi1>
        %reduce_sum3A_3289 = tpu.scan <sum>, %select_n3A_3286 masked %reduce_sum3A_3288 : vector<16xi32>, vector<16xi1> -> vector<16xi32>
        %reduce_sum3A_3290 = vector.extract %reduce_sum3A_3289[15] : i32 from vector<16xi32>
        %dma_start3A_3291 = arith.constant 13 : i32
        %dma_start3A_3292 = arith.constant 0 : i32
        %dma_start3A_3293 = tpu.memref_slice %arg12[%dma_start3A_3291, %dma_start3A_3292] : memref<16x32xf32, #tpu.memory_space<vmem>> -> memref<1x32xf32, #tpu.memory_space<vmem>>
        %dma_start3A_3294 = arith.constant 0 : i32
        %dma_start3A_3295 = tpu.memref_slice %arg4[%reduce_sum3A_3280, %dma_start3A_3294] : memref<1000000x32xf32, #tpu.memory_space<hbm>> -> memref<1x32xf32, #tpu.memory_space<hbm>>
        %dma_start3A_3296 = arith.constant 13 : i32
        %dma_start3A_3297 = arith.constant 0 : i32
        %dma_start3A_3298 = tpu.memref_slice %arg12[%dma_start3A_3296, %dma_start3A_3297] : memref<16x32xf32, #tpu.memory_space<vmem>> -> memref<1x32xf32, #tpu.memory_space<vmem>>
        %dma_start3A_3299 = arith.constant 0 : i32
        %dma_start3A_3300 = tpu.memref_slice %arg4[%reduce_sum3A_3280, %dma_start3A_3299] : memref<1000000x32xf32, #tpu.memory_space<hbm>> -> memref<1x32xf32, #tpu.memory_space<hbm>>
        tpu.enqueue_dma source(%dma_start3A_3300 : memref<1x32xf32, #tpu.memory_space<hbm>>) target(%dma_start3A_3298 : memref<1x32xf32, #tpu.memory_space<vmem>>) target_semaphore(%arg21 : memref<!tpu.dma_semaphore, #tpu.memory_space<semaphore_mem>>)
        %dma_start3A_3301 = arith.constant 13 : i32
        %dma_start3A_3302 = arith.constant 0 : i32
        %dma_start3A_3303 = tpu.memref_slice %arg13[%dma_start3A_3301, %dma_start3A_3302] : memref<16x32xf32, #tpu.memory_space<vmem>> -> memref<1x32xf32, #tpu.memory_space<vmem>>
        %dma_start3A_3304 = arith.constant 0 : i32
        %dma_start3A_3305 = tpu.memref_slice %arg5[%reduce_sum3A_3290, %dma_start3A_3304] : memref<1000000x32xf32, #tpu.memory_space<hbm>> -> memref<1x32xf32, #tpu.memory_space<hbm>>
        %dma_start3A_3306 = arith.constant 13 : i32
        %dma_start3A_3307 = arith.constant 0 : i32
        %dma_start3A_3308 = tpu.memref_slice %arg13[%dma_start3A_3306, %dma_start3A_3307] : memref<16x32xf32, #tpu.memory_space<vmem>> -> memref<1x32xf32, #tpu.memory_space<vmem>>
        %dma_start3A_3309 = arith.constant 0 : i32
        %dma_start3A_3310 = tpu.memref_slice %arg5[%reduce_sum3A_3290, %dma_start3A_3309] : memref<1000000x32xf32, #tpu.memory_space<hbm>> -> memref<1x32xf32, #tpu.memory_space<hbm>>
        tpu.enqueue_dma source(%dma_start3A_3310 : memref<1x32xf32, #tpu.memory_space<hbm>>) target(%dma_start3A_3308 : memref<1x32xf32, #tpu.memory_space<vmem>>) target_semaphore(%arg21 : memref<!tpu.dma_semaphore, #tpu.memory_space<semaphore_mem>>)
        %dma_start3A_3311 = arith.constant 13 : i32
        %dma_start3A_3312 = arith.constant 0 : i32
        %dma_start3A_3313 = tpu.memref_slice %arg14[%dma_start3A_3311, %dma_start3A_3312] : memref<16x1xf32, #tpu.memory_space<vmem>> -> memref<1x1xf32, #tpu.memory_space<vmem>>
        %dma_start3A_3314 = arith.constant 0 : i32
        %dma_start3A_3315 = tpu.memref_slice %arg6[%reduce_sum3A_3290, %dma_start3A_3314] : memref<1000000x1xf32, #tpu.memory_space<hbm>> -> memref<1x1xf32, #tpu.memory_space<hbm>>
        %dma_start3A_3316 = arith.constant 13 : i32
        %dma_start3A_3317 = arith.constant 0 : i32
        %dma_start3A_3318 = tpu.memref_slice %arg14[%dma_start3A_3316, %dma_start3A_3317] : memref<16x1xf32, #tpu.memory_space<vmem>> -> memref<1x1xf32, #tpu.memory_space<vmem>>
        %dma_start3A_3319 = arith.constant 0 : i32
        %dma_start3A_3320 = tpu.memref_slice %arg6[%reduce_sum3A_3290, %dma_start3A_3319] : memref<1000000x1xf32, #tpu.memory_space<hbm>> -> memref<1x1xf32, #tpu.memory_space<hbm>>
        tpu.enqueue_dma source(%dma_start3A_3320 : memref<1x1xf32, #tpu.memory_space<hbm>>) target(%dma_start3A_3318 : memref<1x1xf32, #tpu.memory_space<vmem>>) target_semaphore(%arg21 : memref<!tpu.dma_semaphore, #tpu.memory_space<semaphore_mem>>)
        %eq3A_3321 = arith.constant 14 : i32
        %eq3A_3322 = vector.broadcast %eq3A_3321 : i32 to vector<16xi32>
        %eq3A_3323 = arith.cmpi eq, %iota3A, %eq3A_3322 : vector<16xi32>
        %jit3A_3324 = arith.constant 0 : i32
        %broadcast_in_dim3A_3325 = vector.broadcast %jit3A_3324 : i32 to vector<16xi32>
        %select_n3A_3326 = arith.select %eq3A_3323, %get3A_2616, %broadcast_in_dim3A_3325 : vector<16xi1>, vector<16xi32>
        %reduce_sum3A_3327 = arith.constant true
        %reduce_sum3A_3328 = vector.broadcast %reduce_sum3A_3327 : i1 to vector<16xi1>
        %reduce_sum3A_3329 = tpu.scan <sum>, %select_n3A_3326 masked %reduce_sum3A_3328 : vector<16xi32>, vector<16xi1> -> vector<16xi32>
        %reduce_sum3A_3330 = vector.extract %reduce_sum3A_3329[15] : i32 from vector<16xi32>
        %eq3A_3331 = arith.constant 14 : i32
        %eq3A_3332 = vector.broadcast %eq3A_3331 : i32 to vector<16xi32>
        %eq3A_3333 = arith.cmpi eq, %iota3A, %eq3A_3332 : vector<16xi32>
        %jit3A_3334 = arith.constant 0 : i32
        %broadcast_in_dim3A_3335 = vector.broadcast %jit3A_3334 : i32 to vector<16xi32>
        %select_n3A_3336 = arith.select %eq3A_3333, %get3A_2620, %broadcast_in_dim3A_3335 : vector<16xi1>, vector<16xi32>
        %reduce_sum3A_3337 = arith.constant true
        %reduce_sum3A_3338 = vector.broadcast %reduce_sum3A_3337 : i1 to vector<16xi1>
        %reduce_sum3A_3339 = tpu.scan <sum>, %select_n3A_3336 masked %reduce_sum3A_3338 : vector<16xi32>, vector<16xi1> -> vector<16xi32>
        %reduce_sum3A_3340 = vector.extract %reduce_sum3A_3339[15] : i32 from vector<16xi32>
        %dma_start3A_3341 = arith.constant 14 : i32
        %dma_start3A_3342 = arith.constant 0 : i32
        %dma_start3A_3343 = tpu.memref_slice %arg12[%dma_start3A_3341, %dma_start3A_3342] : memref<16x32xf32, #tpu.memory_space<vmem>> -> memref<1x32xf32, #tpu.memory_space<vmem>>
        %dma_start3A_3344 = arith.constant 0 : i32
        %dma_start3A_3345 = tpu.memref_slice %arg4[%reduce_sum3A_3330, %dma_start3A_3344] : memref<1000000x32xf32, #tpu.memory_space<hbm>> -> memref<1x32xf32, #tpu.memory_space<hbm>>
        %dma_start3A_3346 = arith.constant 14 : i32
        %dma_start3A_3347 = arith.constant 0 : i32
        %dma_start3A_3348 = tpu.memref_slice %arg12[%dma_start3A_3346, %dma_start3A_3347] : memref<16x32xf32, #tpu.memory_space<vmem>> -> memref<1x32xf32, #tpu.memory_space<vmem>>
        %dma_start3A_3349 = arith.constant 0 : i32
        %dma_start3A_3350 = tpu.memref_slice %arg4[%reduce_sum3A_3330, %dma_start3A_3349] : memref<1000000x32xf32, #tpu.memory_space<hbm>> -> memref<1x32xf32, #tpu.memory_space<hbm>>
        tpu.enqueue_dma source(%dma_start3A_3350 : memref<1x32xf32, #tpu.memory_space<hbm>>) target(%dma_start3A_3348 : memref<1x32xf32, #tpu.memory_space<vmem>>) target_semaphore(%arg21 : memref<!tpu.dma_semaphore, #tpu.memory_space<semaphore_mem>>)
        %dma_start3A_3351 = arith.constant 14 : i32
        %dma_start3A_3352 = arith.constant 0 : i32
        %dma_start3A_3353 = tpu.memref_slice %arg13[%dma_start3A_3351, %dma_start3A_3352] : memref<16x32xf32, #tpu.memory_space<vmem>> -> memref<1x32xf32, #tpu.memory_space<vmem>>
        %dma_start3A_3354 = arith.constant 0 : i32
        %dma_start3A_3355 = tpu.memref_slice %arg5[%reduce_sum3A_3340, %dma_start3A_3354] : memref<1000000x32xf32, #tpu.memory_space<hbm>> -> memref<1x32xf32, #tpu.memory_space<hbm>>
        %dma_start3A_3356 = arith.constant 14 : i32
        %dma_start3A_3357 = arith.constant 0 : i32
        %dma_start3A_3358 = tpu.memref_slice %arg13[%dma_start3A_3356, %dma_start3A_3357] : memref<16x32xf32, #tpu.memory_space<vmem>> -> memref<1x32xf32, #tpu.memory_space<vmem>>
        %dma_start3A_3359 = arith.constant 0 : i32
        %dma_start3A_3360 = tpu.memref_slice %arg5[%reduce_sum3A_3340, %dma_start3A_3359] : memref<1000000x32xf32, #tpu.memory_space<hbm>> -> memref<1x32xf32, #tpu.memory_space<hbm>>
        tpu.enqueue_dma source(%dma_start3A_3360 : memref<1x32xf32, #tpu.memory_space<hbm>>) target(%dma_start3A_3358 : memref<1x32xf32, #tpu.memory_space<vmem>>) target_semaphore(%arg21 : memref<!tpu.dma_semaphore, #tpu.memory_space<semaphore_mem>>)
        %dma_start3A_3361 = arith.constant 14 : i32
        %dma_start3A_3362 = arith.constant 0 : i32
        %dma_start3A_3363 = tpu.memref_slice %arg14[%dma_start3A_3361, %dma_start3A_3362] : memref<16x1xf32, #tpu.memory_space<vmem>> -> memref<1x1xf32, #tpu.memory_space<vmem>>
        %dma_start3A_3364 = arith.constant 0 : i32
        %dma_start3A_3365 = tpu.memref_slice %arg6[%reduce_sum3A_3340, %dma_start3A_3364] : memref<1000000x1xf32, #tpu.memory_space<hbm>> -> memref<1x1xf32, #tpu.memory_space<hbm>>
        %dma_start3A_3366 = arith.constant 14 : i32
        %dma_start3A_3367 = arith.constant 0 : i32
        %dma_start3A_3368 = tpu.memref_slice %arg14[%dma_start3A_3366, %dma_start3A_3367] : memref<16x1xf32, #tpu.memory_space<vmem>> -> memref<1x1xf32, #tpu.memory_space<vmem>>
        %dma_start3A_3369 = arith.constant 0 : i32
        %dma_start3A_3370 = tpu.memref_slice %arg6[%reduce_sum3A_3340, %dma_start3A_3369] : memref<1000000x1xf32, #tpu.memory_space<hbm>> -> memref<1x1xf32, #tpu.memory_space<hbm>>
        tpu.enqueue_dma source(%dma_start3A_3370 : memref<1x1xf32, #tpu.memory_space<hbm>>) target(%dma_start3A_3368 : memref<1x1xf32, #tpu.memory_space<vmem>>) target_semaphore(%arg21 : memref<!tpu.dma_semaphore, #tpu.memory_space<semaphore_mem>>)
        %eq3A_3371 = arith.constant 15 : i32
        %eq3A_3372 = vector.broadcast %eq3A_3371 : i32 to vector<16xi32>
        %eq3A_3373 = arith.cmpi eq, %iota3A, %eq3A_3372 : vector<16xi32>
        %jit3A_3374 = arith.constant 0 : i32
        %broadcast_in_dim3A_3375 = vector.broadcast %jit3A_3374 : i32 to vector<16xi32>
        %select_n3A_3376 = arith.select %eq3A_3373, %get3A_2616, %broadcast_in_dim3A_3375 : vector<16xi1>, vector<16xi32>
        %reduce_sum3A_3377 = arith.constant true
        %reduce_sum3A_3378 = vector.broadcast %reduce_sum3A_3377 : i1 to vector<16xi1>
        %reduce_sum3A_3379 = tpu.scan <sum>, %select_n3A_3376 masked %reduce_sum3A_3378 : vector<16xi32>, vector<16xi1> -> vector<16xi32>
        %reduce_sum3A_3380 = vector.extract %reduce_sum3A_3379[15] : i32 from vector<16xi32>
        %eq3A_3381 = arith.constant 15 : i32
        %eq3A_3382 = vector.broadcast %eq3A_3381 : i32 to vector<16xi32>
        %eq3A_3383 = arith.cmpi eq, %iota3A, %eq3A_3382 : vector<16xi32>
        %jit3A_3384 = arith.constant 0 : i32
        %broadcast_in_dim3A_3385 = vector.broadcast %jit3A_3384 : i32 to vector<16xi32>
        %select_n3A_3386 = arith.select %eq3A_3383, %get3A_2620, %broadcast_in_dim3A_3385 : vector<16xi1>, vector<16xi32>
        %reduce_sum3A_3387 = arith.constant true
        %reduce_sum3A_3388 = vector.broadcast %reduce_sum3A_3387 : i1 to vector<16xi1>
        %reduce_sum3A_3389 = tpu.scan <sum>, %select_n3A_3386 masked %reduce_sum3A_3388 : vector<16xi32>, vector<16xi1> -> vector<16xi32>
        %reduce_sum3A_3390 = vector.extract %reduce_sum3A_3389[15] : i32 from vector<16xi32>
        %dma_start3A_3391 = arith.constant 15 : i32
        %dma_start3A_3392 = arith.constant 0 : i32
        %dma_start3A_3393 = tpu.memref_slice %arg12[%dma_start3A_3391, %dma_start3A_3392] : memref<16x32xf32, #tpu.memory_space<vmem>> -> memref<1x32xf32, #tpu.memory_space<vmem>>
        %dma_start3A_3394 = arith.constant 0 : i32
        %dma_start3A_3395 = tpu.memref_slice %arg4[%reduce_sum3A_3380, %dma_start3A_3394] : memref<1000000x32xf32, #tpu.memory_space<hbm>> -> memref<1x32xf32, #tpu.memory_space<hbm>>
        %dma_start3A_3396 = arith.constant 15 : i32
        %dma_start3A_3397 = arith.constant 0 : i32
        %dma_start3A_3398 = tpu.memref_slice %arg12[%dma_start3A_3396, %dma_start3A_3397] : memref<16x32xf32, #tpu.memory_space<vmem>> -> memref<1x32xf32, #tpu.memory_space<vmem>>
        %dma_start3A_3399 = arith.constant 0 : i32
        %dma_start3A_3400 = tpu.memref_slice %arg4[%reduce_sum3A_3380, %dma_start3A_3399] : memref<1000000x32xf32, #tpu.memory_space<hbm>> -> memref<1x32xf32, #tpu.memory_space<hbm>>
        tpu.enqueue_dma source(%dma_start3A_3400 : memref<1x32xf32, #tpu.memory_space<hbm>>) target(%dma_start3A_3398 : memref<1x32xf32, #tpu.memory_space<vmem>>) target_semaphore(%arg21 : memref<!tpu.dma_semaphore, #tpu.memory_space<semaphore_mem>>)
        %dma_start3A_3401 = arith.constant 15 : i32
        %dma_start3A_3402 = arith.constant 0 : i32
        %dma_start3A_3403 = tpu.memref_slice %arg13[%dma_start3A_3401, %dma_start3A_3402] : memref<16x32xf32, #tpu.memory_space<vmem>> -> memref<1x32xf32, #tpu.memory_space<vmem>>
        %dma_start3A_3404 = arith.constant 0 : i32
        %dma_start3A_3405 = tpu.memref_slice %arg5[%reduce_sum3A_3390, %dma_start3A_3404] : memref<1000000x32xf32, #tpu.memory_space<hbm>> -> memref<1x32xf32, #tpu.memory_space<hbm>>
        %dma_start3A_3406 = arith.constant 15 : i32
        %dma_start3A_3407 = arith.constant 0 : i32
        %dma_start3A_3408 = tpu.memref_slice %arg13[%dma_start3A_3406, %dma_start3A_3407] : memref<16x32xf32, #tpu.memory_space<vmem>> -> memref<1x32xf32, #tpu.memory_space<vmem>>
        %dma_start3A_3409 = arith.constant 0 : i32
        %dma_start3A_3410 = tpu.memref_slice %arg5[%reduce_sum3A_3390, %dma_start3A_3409] : memref<1000000x32xf32, #tpu.memory_space<hbm>> -> memref<1x32xf32, #tpu.memory_space<hbm>>
        tpu.enqueue_dma source(%dma_start3A_3410 : memref<1x32xf32, #tpu.memory_space<hbm>>) target(%dma_start3A_3408 : memref<1x32xf32, #tpu.memory_space<vmem>>) target_semaphore(%arg21 : memref<!tpu.dma_semaphore, #tpu.memory_space<semaphore_mem>>)
        %dma_start3A_3411 = arith.constant 15 : i32
        %dma_start3A_3412 = arith.constant 0 : i32
        %dma_start3A_3413 = tpu.memref_slice %arg14[%dma_start3A_3411, %dma_start3A_3412] : memref<16x1xf32, #tpu.memory_space<vmem>> -> memref<1x1xf32, #tpu.memory_space<vmem>>
        %dma_start3A_3414 = arith.constant 0 : i32
        %dma_start3A_3415 = tpu.memref_slice %arg6[%reduce_sum3A_3390, %dma_start3A_3414] : memref<1000000x1xf32, #tpu.memory_space<hbm>> -> memref<1x1xf32, #tpu.memory_space<hbm>>
        %dma_start3A_3416 = arith.constant 15 : i32
        %dma_start3A_3417 = arith.constant 0 : i32
        %dma_start3A_3418 = tpu.memref_slice %arg14[%dma_start3A_3416, %dma_start3A_3417] : memref<16x1xf32, #tpu.memory_space<vmem>> -> memref<1x1xf32, #tpu.memory_space<vmem>>
        %dma_start3A_3419 = arith.constant 0 : i32
        %dma_start3A_3420 = tpu.memref_slice %arg6[%reduce_sum3A_3390, %dma_start3A_3419] : memref<1000000x1xf32, #tpu.memory_space<hbm>> -> memref<1x1xf32, #tpu.memory_space<hbm>>
        tpu.enqueue_dma source(%dma_start3A_3420 : memref<1x1xf32, #tpu.memory_space<hbm>>) target(%dma_start3A_3418 : memref<1x1xf32, #tpu.memory_space<vmem>>) target_semaphore(%arg21 : memref<!tpu.dma_semaphore, #tpu.memory_space<semaphore_mem>>)
      } else {
      }
      %dma_wait3A_2112 = arith.constant 0 : i32
      %dma_wait3A_2113 = arith.constant 0 : i32
      %dma_wait3A_2114 = tpu.memref_slice %arg4[%dma_wait3A_2112, %dma_wait3A_2113] : memref<1000000x32xf32, #tpu.memory_space<hbm>> -> memref<16x32xf32, #tpu.memory_space<hbm>>
      %dma_wait3A_2115 = arith.constant 0 : i32
      %dma_wait3A_2116 = arith.constant 0 : i32
      %dma_wait3A_2117 = tpu.memref_slice %arg4[%dma_wait3A_2115, %dma_wait3A_2116] : memref<1000000x32xf32, #tpu.memory_space<hbm>> -> memref<16x32xf32, #tpu.memory_space<hbm>>
      tpu.wait_dma2 semaphore(%arg22 : memref<!tpu.dma_semaphore, #tpu.memory_space<semaphore_mem>>) src(%dma_wait3A_2117 : memref<16x32xf32, #tpu.memory_space<hbm>>) dst(%arg15 : memref<16x32xf32, #tpu.memory_space<vmem>>)
      %dma_wait3A_2118 = arith.constant 0 : i32
      %dma_wait3A_2119 = arith.constant 0 : i32
      %dma_wait3A_2120 = tpu.memref_slice %arg5[%dma_wait3A_2118, %dma_wait3A_2119] : memref<1000000x32xf32, #tpu.memory_space<hbm>> -> memref<16x32xf32, #tpu.memory_space<hbm>>
      %dma_wait3A_2121 = arith.constant 0 : i32
      %dma_wait3A_2122 = arith.constant 0 : i32
      %dma_wait3A_2123 = tpu.memref_slice %arg5[%dma_wait3A_2121, %dma_wait3A_2122] : memref<1000000x32xf32, #tpu.memory_space<hbm>> -> memref<16x32xf32, #tpu.memory_space<hbm>>
      tpu.wait_dma2 semaphore(%arg22 : memref<!tpu.dma_semaphore, #tpu.memory_space<semaphore_mem>>) src(%dma_wait3A_2123 : memref<16x32xf32, #tpu.memory_space<hbm>>) dst(%arg16 : memref<16x32xf32, #tpu.memory_space<vmem>>)
      %dma_wait3A_2124 = arith.constant 0 : i32
      %dma_wait3A_2125 = arith.constant 0 : i32
      %dma_wait3A_2126 = tpu.memref_slice %arg6[%dma_wait3A_2124, %dma_wait3A_2125] : memref<1000000x1xf32, #tpu.memory_space<hbm>> -> memref<16x1xf32, #tpu.memory_space<hbm>>
      %dma_wait3A_2127 = arith.constant 0 : i32
      %dma_wait3A_2128 = arith.constant 0 : i32
      %dma_wait3A_2129 = tpu.memref_slice %arg6[%dma_wait3A_2127, %dma_wait3A_2128] : memref<1000000x1xf32, #tpu.memory_space<hbm>> -> memref<16x1xf32, #tpu.memory_space<hbm>>
      tpu.wait_dma2 semaphore(%arg22 : memref<!tpu.dma_semaphore, #tpu.memory_space<semaphore_mem>>) src(%dma_wait3A_2129 : memref<16x1xf32, #tpu.memory_space<hbm>>) dst(%arg17 : memref<16x1xf32, #tpu.memory_space<vmem>>)
      %add3A_2130 = arith.constant 1 : i32
      %add3A_2131 = arith.addi %mul3A_812, %add3A_2130 : i32
      %broadcast_in_dim3A_2132 = arith.constant 0.000000e+00 : f32
      %broadcast_in_dim3A_2133 = vector.broadcast %broadcast_in_dim3A_2132 : f32 to vector<16xf32>
      %broadcast_in_dim3A_2134 = arith.constant 0.000000e+00 : f32
      %broadcast_in_dim3A_2135 = vector.broadcast %broadcast_in_dim3A_2134 : f32 to vector<16xf32>
      %broadcast_in_dim3A_2136 = arith.constant 0.000000e+00 : f32
      %broadcast_in_dim3A_2137 = vector.broadcast %broadcast_in_dim3A_2136 : f32 to vector<16xf32>
      %broadcast_in_dim3A_2138 = arith.constant 0 : i32
      %broadcast_in_dim3A_2139 = vector.broadcast %broadcast_in_dim3A_2138 : i32 to vector<16xi32>
      %gather3A_2140 = tpu.vector_load_idx %arg15[%iota3A_3, %broadcast_in_dim3A_2139] : memref<16x32xf32, #tpu.memory_space<vmem>>[vector<16xi32>, vector<16xi32>], vector<16xf32>,
      %gather3A_2141 = tpu.vector_load_idx %arg16[%iota3A_3, %broadcast_in_dim3A_2139] : memref<16x32xf32, #tpu.memory_space<vmem>>[vector<16xi32>, vector<16xi32>], vector<16xf32>,
      %mul3A_2142 = arith.mulf %gather3A_2140, %gather3A_2141 : vector<16xf32>
      %add3A_2143 = arith.addf %broadcast_in_dim3A_2133, %mul3A_2142 : vector<16xf32>
      %mul3A_2144 = arith.mulf %gather3A_2140, %gather3A_2140 : vector<16xf32>
      %add3A_2145 = arith.addf %broadcast_in_dim3A_2135, %mul3A_2144 : vector<16xf32>
      %mul3A_2146 = arith.mulf %gather3A_2141, %gather3A_2141 : vector<16xf32>
      %add3A_2147 = arith.addf %broadcast_in_dim3A_2137, %mul3A_2146 : vector<16xf32>
      %broadcast_in_dim3A_2148 = arith.constant 1 : i32
      %broadcast_in_dim3A_2149 = vector.broadcast %broadcast_in_dim3A_2148 : i32 to vector<16xi32>
      %gather3A_2150 = tpu.vector_load_idx %arg15[%iota3A_3, %broadcast_in_dim3A_2149] : memref<16x32xf32, #tpu.memory_space<vmem>>[vector<16xi32>, vector<16xi32>], vector<16xf32>,
      %gather3A_2151 = tpu.vector_load_idx %arg16[%iota3A_3, %broadcast_in_dim3A_2149] : memref<16x32xf32, #tpu.memory_space<vmem>>[vector<16xi32>, vector<16xi32>], vector<16xf32>,
      %mul3A_2152 = arith.mulf %gather3A_2150, %gather3A_2151 : vector<16xf32>
      %add3A_2153 = arith.addf %add3A_2143, %mul3A_2152 : vector<16xf32>
      %mul3A_2154 = arith.mulf %gather3A_2150, %gather3A_2150 : vector<16xf32>
      %add3A_2155 = arith.addf %add3A_2145, %mul3A_2154 : vector<16xf32>
      %mul3A_2156 = arith.mulf %gather3A_2151, %gather3A_2151 : vector<16xf32>
      %add3A_2157 = arith.addf %add3A_2147, %mul3A_2156 : vector<16xf32>
      %broadcast_in_dim3A_2158 = arith.constant 2 : i32
      %broadcast_in_dim3A_2159 = vector.broadcast %broadcast_in_dim3A_2158 : i32 to vector<16xi32>
      %gather3A_2160 = tpu.vector_load_idx %arg15[%iota3A_3, %broadcast_in_dim3A_2159] : memref<16x32xf32, #tpu.memory_space<vmem>>[vector<16xi32>, vector<16xi32>], vector<16xf32>,
      %gather3A_2161 = tpu.vector_load_idx %arg16[%iota3A_3, %broadcast_in_dim3A_2159] : memref<16x32xf32, #tpu.memory_space<vmem>>[vector<16xi32>, vector<16xi32>], vector<16xf32>,
      %mul3A_2162 = arith.mulf %gather3A_2160, %gather3A_2161 : vector<16xf32>
      %add3A_2163 = arith.addf %add3A_2153, %mul3A_2162 : vector<16xf32>
      %mul3A_2164 = arith.mulf %gather3A_2160, %gather3A_2160 : vector<16xf32>
      %add3A_2165 = arith.addf %add3A_2155, %mul3A_2164 : vector<16xf32>
      %mul3A_2166 = arith.mulf %gather3A_2161, %gather3A_2161 : vector<16xf32>
      %add3A_2167 = arith.addf %add3A_2157, %mul3A_2166 : vector<16xf32>
      %broadcast_in_dim3A_2168 = arith.constant 3 : i32
      %broadcast_in_dim3A_2169 = vector.broadcast %broadcast_in_dim3A_2168 : i32 to vector<16xi32>
      %gather3A_2170 = tpu.vector_load_idx %arg15[%iota3A_3, %broadcast_in_dim3A_2169] : memref<16x32xf32, #tpu.memory_space<vmem>>[vector<16xi32>, vector<16xi32>], vector<16xf32>,
      %gather3A_2171 = tpu.vector_load_idx %arg16[%iota3A_3, %broadcast_in_dim3A_2169] : memref<16x32xf32, #tpu.memory_space<vmem>>[vector<16xi32>, vector<16xi32>], vector<16xf32>,
      %mul3A_2172 = arith.mulf %gather3A_2170, %gather3A_2171 : vector<16xf32>
      %add3A_2173 = arith.addf %add3A_2163, %mul3A_2172 : vector<16xf32>
      %mul3A_2174 = arith.mulf %gather3A_2170, %gather3A_2170 : vector<16xf32>
      %add3A_2175 = arith.addf %add3A_2165, %mul3A_2174 : vector<16xf32>
      %mul3A_2176 = arith.mulf %gather3A_2171, %gather3A_2171 : vector<16xf32>
      %add3A_2177 = arith.addf %add3A_2167, %mul3A_2176 : vector<16xf32>
      %broadcast_in_dim3A_2178 = arith.constant 4 : i32
      %broadcast_in_dim3A_2179 = vector.broadcast %broadcast_in_dim3A_2178 : i32 to vector<16xi32>
      %gather3A_2180 = tpu.vector_load_idx %arg15[%iota3A_3, %broadcast_in_dim3A_2179] : memref<16x32xf32, #tpu.memory_space<vmem>>[vector<16xi32>, vector<16xi32>], vector<16xf32>,
      %gather3A_2181 = tpu.vector_load_idx %arg16[%iota3A_3, %broadcast_in_dim3A_2179] : memref<16x32xf32, #tpu.memory_space<vmem>>[vector<16xi32>, vector<16xi32>], vector<16xf32>,
      %mul3A_2182 = arith.mulf %gather3A_2180, %gather3A_2181 : vector<16xf32>
      %add3A_2183 = arith.addf %add3A_2173, %mul3A_2182 : vector<16xf32>
      %mul3A_2184 = arith.mulf %gather3A_2180, %gather3A_2180 : vector<16xf32>
      %add3A_2185 = arith.addf %add3A_2175, %mul3A_2184 : vector<16xf32>
      %mul3A_2186 = arith.mulf %gather3A_2181, %gather3A_2181 : vector<16xf32>
      %add3A_2187 = arith.addf %add3A_2177, %mul3A_2186 : vector<16xf32>
      %broadcast_in_dim3A_2188 = arith.constant 5 : i32
      %broadcast_in_dim3A_2189 = vector.broadcast %broadcast_in_dim3A_2188 : i32 to vector<16xi32>
      %gather3A_2190 = tpu.vector_load_idx %arg15[%iota3A_3, %broadcast_in_dim3A_2189] : memref<16x32xf32, #tpu.memory_space<vmem>>[vector<16xi32>, vector<16xi32>], vector<16xf32>,
      %gather3A_2191 = tpu.vector_load_idx %arg16[%iota3A_3, %broadcast_in_dim3A_2189] : memref<16x32xf32, #tpu.memory_space<vmem>>[vector<16xi32>, vector<16xi32>], vector<16xf32>,
      %mul3A_2192 = arith.mulf %gather3A_2190, %gather3A_2191 : vector<16xf32>
      %add3A_2193 = arith.addf %add3A_2183, %mul3A_2192 : vector<16xf32>
      %mul3A_2194 = arith.mulf %gather3A_2190, %gather3A_2190 : vector<16xf32>
      %add3A_2195 = arith.addf %add3A_2185, %mul3A_2194 : vector<16xf32>
      %mul3A_2196 = arith.mulf %gather3A_2191, %gather3A_2191 : vector<16xf32>
      %add3A_2197 = arith.addf %add3A_2187, %mul3A_2196 : vector<16xf32>
      %broadcast_in_dim3A_2198 = arith.constant 6 : i32
      %broadcast_in_dim3A_2199 = vector.broadcast %broadcast_in_dim3A_2198 : i32 to vector<16xi32>
      %gather3A_2200 = tpu.vector_load_idx %arg15[%iota3A_3, %broadcast_in_dim3A_2199] : memref<16x32xf32, #tpu.memory_space<vmem>>[vector<16xi32>, vector<16xi32>], vector<16xf32>,
      %gather3A_2201 = tpu.vector_load_idx %arg16[%iota3A_3, %broadcast_in_dim3A_2199] : memref<16x32xf32, #tpu.memory_space<vmem>>[vector<16xi32>, vector<16xi32>], vector<16xf32>,
      %mul3A_2202 = arith.mulf %gather3A_2200, %gather3A_2201 : vector<16xf32>
      %add3A_2203 = arith.addf %add3A_2193, %mul3A_2202 : vector<16xf32>
      %mul3A_2204 = arith.mulf %gather3A_2200, %gather3A_2200 : vector<16xf32>
      %add3A_2205 = arith.addf %add3A_2195, %mul3A_2204 : vector<16xf32>
      %mul3A_2206 = arith.mulf %gather3A_2201, %gather3A_2201 : vector<16xf32>
      %add3A_2207 = arith.addf %add3A_2197, %mul3A_2206 : vector<16xf32>
      %broadcast_in_dim3A_2208 = arith.constant 7 : i32
      %broadcast_in_dim3A_2209 = vector.broadcast %broadcast_in_dim3A_2208 : i32 to vector<16xi32>
      %gather3A_2210 = tpu.vector_load_idx %arg15[%iota3A_3, %broadcast_in_dim3A_2209] : memref<16x32xf32, #tpu.memory_space<vmem>>[vector<16xi32>, vector<16xi32>], vector<16xf32>,
      %gather3A_2211 = tpu.vector_load_idx %arg16[%iota3A_3, %broadcast_in_dim3A_2209] : memref<16x32xf32, #tpu.memory_space<vmem>>[vector<16xi32>, vector<16xi32>], vector<16xf32>,
      %mul3A_2212 = arith.mulf %gather3A_2210, %gather3A_2211 : vector<16xf32>
      %add3A_2213 = arith.addf %add3A_2203, %mul3A_2212 : vector<16xf32>
      %mul3A_2214 = arith.mulf %gather3A_2210, %gather3A_2210 : vector<16xf32>
      %add3A_2215 = arith.addf %add3A_2205, %mul3A_2214 : vector<16xf32>
      %mul3A_2216 = arith.mulf %gather3A_2211, %gather3A_2211 : vector<16xf32>
      %add3A_2217 = arith.addf %add3A_2207, %mul3A_2216 : vector<16xf32>
      %broadcast_in_dim3A_2218 = arith.constant 8 : i32
      %broadcast_in_dim3A_2219 = vector.broadcast %broadcast_in_dim3A_2218 : i32 to vector<16xi32>
      %gather3A_2220 = tpu.vector_load_idx %arg15[%iota3A_3, %broadcast_in_dim3A_2219] : memref<16x32xf32, #tpu.memory_space<vmem>>[vector<16xi32>, vector<16xi32>], vector<16xf32>,
      %gather3A_2221 = tpu.vector_load_idx %arg16[%iota3A_3, %broadcast_in_dim3A_2219] : memref<16x32xf32, #tpu.memory_space<vmem>>[vector<16xi32>, vector<16xi32>], vector<16xf32>,
      %mul3A_2222 = arith.mulf %gather3A_2220, %gather3A_2221 : vector<16xf32>
      %add3A_2223 = arith.addf %add3A_2213, %mul3A_2222 : vector<16xf32>
      %mul3A_2224 = arith.mulf %gather3A_2220, %gather3A_2220 : vector<16xf32>
      %add3A_2225 = arith.addf %add3A_2215, %mul3A_2224 : vector<16xf32>
      %mul3A_2226 = arith.mulf %gather3A_2221, %gather3A_2221 : vector<16xf32>
      %add3A_2227 = arith.addf %add3A_2217, %mul3A_2226 : vector<16xf32>
      %broadcast_in_dim3A_2228 = arith.constant 9 : i32
      %broadcast_in_dim3A_2229 = vector.broadcast %broadcast_in_dim3A_2228 : i32 to vector<16xi32>
      %gather3A_2230 = tpu.vector_load_idx %arg15[%iota3A_3, %broadcast_in_dim3A_2229] : memref<16x32xf32, #tpu.memory_space<vmem>>[vector<16xi32>, vector<16xi32>], vector<16xf32>,
      %gather3A_2231 = tpu.vector_load_idx %arg16[%iota3A_3, %broadcast_in_dim3A_2229] : memref<16x32xf32, #tpu.memory_space<vmem>>[vector<16xi32>, vector<16xi32>], vector<16xf32>,
      %mul3A_2232 = arith.mulf %gather3A_2230, %gather3A_2231 : vector<16xf32>
      %add3A_2233 = arith.addf %add3A_2223, %mul3A_2232 : vector<16xf32>
      %mul3A_2234 = arith.mulf %gather3A_2230, %gather3A_2230 : vector<16xf32>
      %add3A_2235 = arith.addf %add3A_2225, %mul3A_2234 : vector<16xf32>
      %mul3A_2236 = arith.mulf %gather3A_2231, %gather3A_2231 : vector<16xf32>
      %add3A_2237 = arith.addf %add3A_2227, %mul3A_2236 : vector<16xf32>
      %broadcast_in_dim3A_2238 = arith.constant 10 : i32
      %broadcast_in_dim3A_2239 = vector.broadcast %broadcast_in_dim3A_2238 : i32 to vector<16xi32>
      %gather3A_2240 = tpu.vector_load_idx %arg15[%iota3A_3, %broadcast_in_dim3A_2239] : memref<16x32xf32, #tpu.memory_space<vmem>>[vector<16xi32>, vector<16xi32>], vector<16xf32>,
      %gather3A_2241 = tpu.vector_load_idx %arg16[%iota3A_3, %broadcast_in_dim3A_2239] : memref<16x32xf32, #tpu.memory_space<vmem>>[vector<16xi32>, vector<16xi32>], vector<16xf32>,
      %mul3A_2242 = arith.mulf %gather3A_2240, %gather3A_2241 : vector<16xf32>
      %add3A_2243 = arith.addf %add3A_2233, %mul3A_2242 : vector<16xf32>
      %mul3A_2244 = arith.mulf %gather3A_2240, %gather3A_2240 : vector<16xf32>
      %add3A_2245 = arith.addf %add3A_2235, %mul3A_2244 : vector<16xf32>
      %mul3A_2246 = arith.mulf %gather3A_2241, %gather3A_2241 : vector<16xf32>
      %add3A_2247 = arith.addf %add3A_2237, %mul3A_2246 : vector<16xf32>
      %broadcast_in_dim3A_2248 = arith.constant 11 : i32
      %broadcast_in_dim3A_2249 = vector.broadcast %broadcast_in_dim3A_2248 : i32 to vector<16xi32>
      %gather3A_2250 = tpu.vector_load_idx %arg15[%iota3A_3, %broadcast_in_dim3A_2249] : memref<16x32xf32, #tpu.memory_space<vmem>>[vector<16xi32>, vector<16xi32>], vector<16xf32>,
      %gather3A_2251 = tpu.vector_load_idx %arg16[%iota3A_3, %broadcast_in_dim3A_2249] : memref<16x32xf32, #tpu.memory_space<vmem>>[vector<16xi32>, vector<16xi32>], vector<16xf32>,
      %mul3A_2252 = arith.mulf %gather3A_2250, %gather3A_2251 : vector<16xf32>
      %add3A_2253 = arith.addf %add3A_2243, %mul3A_2252 : vector<16xf32>
      %mul3A_2254 = arith.mulf %gather3A_2250, %gather3A_2250 : vector<16xf32>
      %add3A_2255 = arith.addf %add3A_2245, %mul3A_2254 : vector<16xf32>
      %mul3A_2256 = arith.mulf %gather3A_2251, %gather3A_2251 : vector<16xf32>
      %add3A_2257 = arith.addf %add3A_2247, %mul3A_2256 : vector<16xf32>
      %broadcast_in_dim3A_2258 = arith.constant 12 : i32
      %broadcast_in_dim3A_2259 = vector.broadcast %broadcast_in_dim3A_2258 : i32 to vector<16xi32>
      %gather3A_2260 = tpu.vector_load_idx %arg15[%iota3A_3, %broadcast_in_dim3A_2259] : memref<16x32xf32, #tpu.memory_space<vmem>>[vector<16xi32>, vector<16xi32>], vector<16xf32>,
      %gather3A_2261 = tpu.vector_load_idx %arg16[%iota3A_3, %broadcast_in_dim3A_2259] : memref<16x32xf32, #tpu.memory_space<vmem>>[vector<16xi32>, vector<16xi32>], vector<16xf32>,
      %mul3A_2262 = arith.mulf %gather3A_2260, %gather3A_2261 : vector<16xf32>
      %add3A_2263 = arith.addf %add3A_2253, %mul3A_2262 : vector<16xf32>
      %mul3A_2264 = arith.mulf %gather3A_2260, %gather3A_2260 : vector<16xf32>
      %add3A_2265 = arith.addf %add3A_2255, %mul3A_2264 : vector<16xf32>
      %mul3A_2266 = arith.mulf %gather3A_2261, %gather3A_2261 : vector<16xf32>
      %add3A_2267 = arith.addf %add3A_2257, %mul3A_2266 : vector<16xf32>
      %broadcast_in_dim3A_2268 = arith.constant 13 : i32
      %broadcast_in_dim3A_2269 = vector.broadcast %broadcast_in_dim3A_2268 : i32 to vector<16xi32>
      %gather3A_2270 = tpu.vector_load_idx %arg15[%iota3A_3, %broadcast_in_dim3A_2269] : memref<16x32xf32, #tpu.memory_space<vmem>>[vector<16xi32>, vector<16xi32>], vector<16xf32>,
      %gather3A_2271 = tpu.vector_load_idx %arg16[%iota3A_3, %broadcast_in_dim3A_2269] : memref<16x32xf32, #tpu.memory_space<vmem>>[vector<16xi32>, vector<16xi32>], vector<16xf32>,
      %mul3A_2272 = arith.mulf %gather3A_2270, %gather3A_2271 : vector<16xf32>
      %add3A_2273 = arith.addf %add3A_2263, %mul3A_2272 : vector<16xf32>
      %mul3A_2274 = arith.mulf %gather3A_2270, %gather3A_2270 : vector<16xf32>
      %add3A_2275 = arith.addf %add3A_2265, %mul3A_2274 : vector<16xf32>
      %mul3A_2276 = arith.mulf %gather3A_2271, %gather3A_2271 : vector<16xf32>
      %add3A_2277 = arith.addf %add3A_2267, %mul3A_2276 : vector<16xf32>
      %broadcast_in_dim3A_2278 = arith.constant 14 : i32
      %broadcast_in_dim3A_2279 = vector.broadcast %broadcast_in_dim3A_2278 : i32 to vector<16xi32>
      %gather3A_2280 = tpu.vector_load_idx %arg15[%iota3A_3, %broadcast_in_dim3A_2279] : memref<16x32xf32, #tpu.memory_space<vmem>>[vector<16xi32>, vector<16xi32>], vector<16xf32>,
      %gather3A_2281 = tpu.vector_load_idx %arg16[%iota3A_3, %broadcast_in_dim3A_2279] : memref<16x32xf32, #tpu.memory_space<vmem>>[vector<16xi32>, vector<16xi32>], vector<16xf32>,
      %mul3A_2282 = arith.mulf %gather3A_2280, %gather3A_2281 : vector<16xf32>
      %add3A_2283 = arith.addf %add3A_2273, %mul3A_2282 : vector<16xf32>
      %mul3A_2284 = arith.mulf %gather3A_2280, %gather3A_2280 : vector<16xf32>
      %add3A_2285 = arith.addf %add3A_2275, %mul3A_2284 : vector<16xf32>
      %mul3A_2286 = arith.mulf %gather3A_2281, %gather3A_2281 : vector<16xf32>
      %add3A_2287 = arith.addf %add3A_2277, %mul3A_2286 : vector<16xf32>
      %broadcast_in_dim3A_2288 = arith.constant 15 : i32
      %broadcast_in_dim3A_2289 = vector.broadcast %broadcast_in_dim3A_2288 : i32 to vector<16xi32>
      %gather3A_2290 = tpu.vector_load_idx %arg15[%iota3A_3, %broadcast_in_dim3A_2289] : memref<16x32xf32, #tpu.memory_space<vmem>>[vector<16xi32>, vector<16xi32>], vector<16xf32>,
      %gather3A_2291 = tpu.vector_load_idx %arg16[%iota3A_3, %broadcast_in_dim3A_2289] : memref<16x32xf32, #tpu.memory_space<vmem>>[vector<16xi32>, vector<16xi32>], vector<16xf32>,
      %mul3A_2292 = arith.mulf %gather3A_2290, %gather3A_2291 : vector<16xf32>
      %add3A_2293 = arith.addf %add3A_2283, %mul3A_2292 : vector<16xf32>
      %mul3A_2294 = arith.mulf %gather3A_2290, %gather3A_2290 : vector<16xf32>
      %add3A_2295 = arith.addf %add3A_2285, %mul3A_2294 : vector<16xf32>
      %mul3A_2296 = arith.mulf %gather3A_2291, %gather3A_2291 : vector<16xf32>
      %add3A_2297 = arith.addf %add3A_2287, %mul3A_2296 : vector<16xf32>
      %broadcast_in_dim3A_2298 = arith.constant 16 : i32
      %broadcast_in_dim3A_2299 = vector.broadcast %broadcast_in_dim3A_2298 : i32 to vector<16xi32>
      %gather3A_2300 = tpu.vector_load_idx %arg15[%iota3A_3, %broadcast_in_dim3A_2299] : memref<16x32xf32, #tpu.memory_space<vmem>>[vector<16xi32>, vector<16xi32>], vector<16xf32>,
      %gather3A_2301 = tpu.vector_load_idx %arg16[%iota3A_3, %broadcast_in_dim3A_2299] : memref<16x32xf32, #tpu.memory_space<vmem>>[vector<16xi32>, vector<16xi32>], vector<16xf32>,
      %mul3A_2302 = arith.mulf %gather3A_2300, %gather3A_2301 : vector<16xf32>
      %add3A_2303 = arith.addf %add3A_2293, %mul3A_2302 : vector<16xf32>
      %mul3A_2304 = arith.mulf %gather3A_2300, %gather3A_2300 : vector<16xf32>
      %add3A_2305 = arith.addf %add3A_2295, %mul3A_2304 : vector<16xf32>
      %mul3A_2306 = arith.mulf %gather3A_2301, %gather3A_2301 : vector<16xf32>
      %add3A_2307 = arith.addf %add3A_2297, %mul3A_2306 : vector<16xf32>
      %broadcast_in_dim3A_2308 = arith.constant 17 : i32
      %broadcast_in_dim3A_2309 = vector.broadcast %broadcast_in_dim3A_2308 : i32 to vector<16xi32>
      %gather3A_2310 = tpu.vector_load_idx %arg15[%iota3A_3, %broadcast_in_dim3A_2309] : memref<16x32xf32, #tpu.memory_space<vmem>>[vector<16xi32>, vector<16xi32>], vector<16xf32>,
      %gather3A_2311 = tpu.vector_load_idx %arg16[%iota3A_3, %broadcast_in_dim3A_2309] : memref<16x32xf32, #tpu.memory_space<vmem>>[vector<16xi32>, vector<16xi32>], vector<16xf32>,
      %mul3A_2312 = arith.mulf %gather3A_2310, %gather3A_2311 : vector<16xf32>
      %add3A_2313 = arith.addf %add3A_2303, %mul3A_2312 : vector<16xf32>
      %mul3A_2314 = arith.mulf %gather3A_2310, %gather3A_2310 : vector<16xf32>
      %add3A_2315 = arith.addf %add3A_2305, %mul3A_2314 : vector<16xf32>
      %mul3A_2316 = arith.mulf %gather3A_2311, %gather3A_2311 : vector<16xf32>
      %add3A_2317 = arith.addf %add3A_2307, %mul3A_2316 : vector<16xf32>
      %broadcast_in_dim3A_2318 = arith.constant 18 : i32
      %broadcast_in_dim3A_2319 = vector.broadcast %broadcast_in_dim3A_2318 : i32 to vector<16xi32>
      %gather3A_2320 = tpu.vector_load_idx %arg15[%iota3A_3, %broadcast_in_dim3A_2319] : memref<16x32xf32, #tpu.memory_space<vmem>>[vector<16xi32>, vector<16xi32>], vector<16xf32>,
      %gather3A_2321 = tpu.vector_load_idx %arg16[%iota3A_3, %broadcast_in_dim3A_2319] : memref<16x32xf32, #tpu.memory_space<vmem>>[vector<16xi32>, vector<16xi32>], vector<16xf32>,
      %mul3A_2322 = arith.mulf %gather3A_2320, %gather3A_2321 : vector<16xf32>
      %add3A_2323 = arith.addf %add3A_2313, %mul3A_2322 : vector<16xf32>
      %mul3A_2324 = arith.mulf %gather3A_2320, %gather3A_2320 : vector<16xf32>
      %add3A_2325 = arith.addf %add3A_2315, %mul3A_2324 : vector<16xf32>
      %mul3A_2326 = arith.mulf %gather3A_2321, %gather3A_2321 : vector<16xf32>
      %add3A_2327 = arith.addf %add3A_2317, %mul3A_2326 : vector<16xf32>
      %broadcast_in_dim3A_2328 = arith.constant 19 : i32
      %broadcast_in_dim3A_2329 = vector.broadcast %broadcast_in_dim3A_2328 : i32 to vector<16xi32>
      %gather3A_2330 = tpu.vector_load_idx %arg15[%iota3A_3, %broadcast_in_dim3A_2329] : memref<16x32xf32, #tpu.memory_space<vmem>>[vector<16xi32>, vector<16xi32>], vector<16xf32>,
      %gather3A_2331 = tpu.vector_load_idx %arg16[%iota3A_3, %broadcast_in_dim3A_2329] : memref<16x32xf32, #tpu.memory_space<vmem>>[vector<16xi32>, vector<16xi32>], vector<16xf32>,
      %mul3A_2332 = arith.mulf %gather3A_2330, %gather3A_2331 : vector<16xf32>
      %add3A_2333 = arith.addf %add3A_2323, %mul3A_2332 : vector<16xf32>
      %mul3A_2334 = arith.mulf %gather3A_2330, %gather3A_2330 : vector<16xf32>
      %add3A_2335 = arith.addf %add3A_2325, %mul3A_2334 : vector<16xf32>
      %mul3A_2336 = arith.mulf %gather3A_2331, %gather3A_2331 : vector<16xf32>
      %add3A_2337 = arith.addf %add3A_2327, %mul3A_2336 : vector<16xf32>
      %broadcast_in_dim3A_2338 = arith.constant 20 : i32
      %broadcast_in_dim3A_2339 = vector.broadcast %broadcast_in_dim3A_2338 : i32 to vector<16xi32>
      %gather3A_2340 = tpu.vector_load_idx %arg15[%iota3A_3, %broadcast_in_dim3A_2339] : memref<16x32xf32, #tpu.memory_space<vmem>>[vector<16xi32>, vector<16xi32>], vector<16xf32>,
      %gather3A_2341 = tpu.vector_load_idx %arg16[%iota3A_3, %broadcast_in_dim3A_2339] : memref<16x32xf32, #tpu.memory_space<vmem>>[vector<16xi32>, vector<16xi32>], vector<16xf32>,
      %mul3A_2342 = arith.mulf %gather3A_2340, %gather3A_2341 : vector<16xf32>
      %add3A_2343 = arith.addf %add3A_2333, %mul3A_2342 : vector<16xf32>
      %mul3A_2344 = arith.mulf %gather3A_2340, %gather3A_2340 : vector<16xf32>
      %add3A_2345 = arith.addf %add3A_2335, %mul3A_2344 : vector<16xf32>
      %mul3A_2346 = arith.mulf %gather3A_2341, %gather3A_2341 : vector<16xf32>
      %add3A_2347 = arith.addf %add3A_2337, %mul3A_2346 : vector<16xf32>
      %broadcast_in_dim3A_2348 = arith.constant 21 : i32
      %broadcast_in_dim3A_2349 = vector.broadcast %broadcast_in_dim3A_2348 : i32 to vector<16xi32>
      %gather3A_2350 = tpu.vector_load_idx %arg15[%iota3A_3, %broadcast_in_dim3A_2349] : memref<16x32xf32, #tpu.memory_space<vmem>>[vector<16xi32>, vector<16xi32>], vector<16xf32>,
      %gather3A_2351 = tpu.vector_load_idx %arg16[%iota3A_3, %broadcast_in_dim3A_2349] : memref<16x32xf32, #tpu.memory_space<vmem>>[vector<16xi32>, vector<16xi32>], vector<16xf32>,
      %mul3A_2352 = arith.mulf %gather3A_2350, %gather3A_2351 : vector<16xf32>
      %add3A_2353 = arith.addf %add3A_2343, %mul3A_2352 : vector<16xf32>
      %mul3A_2354 = arith.mulf %gather3A_2350, %gather3A_2350 : vector<16xf32>
      %add3A_2355 = arith.addf %add3A_2345, %mul3A_2354 : vector<16xf32>
      %mul3A_2356 = arith.mulf %gather3A_2351, %gather3A_2351 : vector<16xf32>
      %add3A_2357 = arith.addf %add3A_2347, %mul3A_2356 : vector<16xf32>
      %broadcast_in_dim3A_2358 = arith.constant 22 : i32
      %broadcast_in_dim3A_2359 = vector.broadcast %broadcast_in_dim3A_2358 : i32 to vector<16xi32>
      %gather3A_2360 = tpu.vector_load_idx %arg15[%iota3A_3, %broadcast_in_dim3A_2359] : memref<16x32xf32, #tpu.memory_space<vmem>>[vector<16xi32>, vector<16xi32>], vector<16xf32>,
      %gather3A_2361 = tpu.vector_load_idx %arg16[%iota3A_3, %broadcast_in_dim3A_2359] : memref<16x32xf32, #tpu.memory_space<vmem>>[vector<16xi32>, vector<16xi32>], vector<16xf32>,
      %mul3A_2362 = arith.mulf %gather3A_2360, %gather3A_2361 : vector<16xf32>
      %add3A_2363 = arith.addf %add3A_2353, %mul3A_2362 : vector<16xf32>
      %mul3A_2364 = arith.mulf %gather3A_2360, %gather3A_2360 : vector<16xf32>
      %add3A_2365 = arith.addf %add3A_2355, %mul3A_2364 : vector<16xf32>
      %mul3A_2366 = arith.mulf %gather3A_2361, %gather3A_2361 : vector<16xf32>
      %add3A_2367 = arith.addf %add3A_2357, %mul3A_2366 : vector<16xf32>
      %broadcast_in_dim3A_2368 = arith.constant 23 : i32
      %broadcast_in_dim3A_2369 = vector.broadcast %broadcast_in_dim3A_2368 : i32 to vector<16xi32>
      %gather3A_2370 = tpu.vector_load_idx %arg15[%iota3A_3, %broadcast_in_dim3A_2369] : memref<16x32xf32, #tpu.memory_space<vmem>>[vector<16xi32>, vector<16xi32>], vector<16xf32>,
      %gather3A_2371 = tpu.vector_load_idx %arg16[%iota3A_3, %broadcast_in_dim3A_2369] : memref<16x32xf32, #tpu.memory_space<vmem>>[vector<16xi32>, vector<16xi32>], vector<16xf32>,
      %mul3A_2372 = arith.mulf %gather3A_2370, %gather3A_2371 : vector<16xf32>
      %add3A_2373 = arith.addf %add3A_2363, %mul3A_2372 : vector<16xf32>
      %mul3A_2374 = arith.mulf %gather3A_2370, %gather3A_2370 : vector<16xf32>
      %add3A_2375 = arith.addf %add3A_2365, %mul3A_2374 : vector<16xf32>
      %mul3A_2376 = arith.mulf %gather3A_2371, %gather3A_2371 : vector<16xf32>
      %add3A_2377 = arith.addf %add3A_2367, %mul3A_2376 : vector<16xf32>
      %broadcast_in_dim3A_2378 = arith.constant 24 : i32
      %broadcast_in_dim3A_2379 = vector.broadcast %broadcast_in_dim3A_2378 : i32 to vector<16xi32>
      %gather3A_2380 = tpu.vector_load_idx %arg15[%iota3A_3, %broadcast_in_dim3A_2379] : memref<16x32xf32, #tpu.memory_space<vmem>>[vector<16xi32>, vector<16xi32>], vector<16xf32>,
      %gather3A_2381 = tpu.vector_load_idx %arg16[%iota3A_3, %broadcast_in_dim3A_2379] : memref<16x32xf32, #tpu.memory_space<vmem>>[vector<16xi32>, vector<16xi32>], vector<16xf32>,
      %mul3A_2382 = arith.mulf %gather3A_2380, %gather3A_2381 : vector<16xf32>
      %add3A_2383 = arith.addf %add3A_2373, %mul3A_2382 : vector<16xf32>
      %mul3A_2384 = arith.mulf %gather3A_2380, %gather3A_2380 : vector<16xf32>
      %add3A_2385 = arith.addf %add3A_2375, %mul3A_2384 : vector<16xf32>
      %mul3A_2386 = arith.mulf %gather3A_2381, %gather3A_2381 : vector<16xf32>
      %add3A_2387 = arith.addf %add3A_2377, %mul3A_2386 : vector<16xf32>
      %broadcast_in_dim3A_2388 = arith.constant 25 : i32
      %broadcast_in_dim3A_2389 = vector.broadcast %broadcast_in_dim3A_2388 : i32 to vector<16xi32>
      %gather3A_2390 = tpu.vector_load_idx %arg15[%iota3A_3, %broadcast_in_dim3A_2389] : memref<16x32xf32, #tpu.memory_space<vmem>>[vector<16xi32>, vector<16xi32>], vector<16xf32>,
      %gather3A_2391 = tpu.vector_load_idx %arg16[%iota3A_3, %broadcast_in_dim3A_2389] : memref<16x32xf32, #tpu.memory_space<vmem>>[vector<16xi32>, vector<16xi32>], vector<16xf32>,
      %mul3A_2392 = arith.mulf %gather3A_2390, %gather3A_2391 : vector<16xf32>
      %add3A_2393 = arith.addf %add3A_2383, %mul3A_2392 : vector<16xf32>
      %mul3A_2394 = arith.mulf %gather3A_2390, %gather3A_2390 : vector<16xf32>
      %add3A_2395 = arith.addf %add3A_2385, %mul3A_2394 : vector<16xf32>
      %mul3A_2396 = arith.mulf %gather3A_2391, %gather3A_2391 : vector<16xf32>
      %add3A_2397 = arith.addf %add3A_2387, %mul3A_2396 : vector<16xf32>
      %broadcast_in_dim3A_2398 = arith.constant 26 : i32
      %broadcast_in_dim3A_2399 = vector.broadcast %broadcast_in_dim3A_2398 : i32 to vector<16xi32>
      %gather3A_2400 = tpu.vector_load_idx %arg15[%iota3A_3, %broadcast_in_dim3A_2399] : memref<16x32xf32, #tpu.memory_space<vmem>>[vector<16xi32>, vector<16xi32>], vector<16xf32>,
      %gather3A_2401 = tpu.vector_load_idx %arg16[%iota3A_3, %broadcast_in_dim3A_2399] : memref<16x32xf32, #tpu.memory_space<vmem>>[vector<16xi32>, vector<16xi32>], vector<16xf32>,
      %mul3A_2402 = arith.mulf %gather3A_2400, %gather3A_2401 : vector<16xf32>
      %add3A_2403 = arith.addf %add3A_2393, %mul3A_2402 : vector<16xf32>
      %mul3A_2404 = arith.mulf %gather3A_2400, %gather3A_2400 : vector<16xf32>
      %add3A_2405 = arith.addf %add3A_2395, %mul3A_2404 : vector<16xf32>
      %mul3A_2406 = arith.mulf %gather3A_2401, %gather3A_2401 : vector<16xf32>
      %add3A_2407 = arith.addf %add3A_2397, %mul3A_2406 : vector<16xf32>
      %broadcast_in_dim3A_2408 = arith.constant 27 : i32
      %broadcast_in_dim3A_2409 = vector.broadcast %broadcast_in_dim3A_2408 : i32 to vector<16xi32>
      %gather3A_2410 = tpu.vector_load_idx %arg15[%iota3A_3, %broadcast_in_dim3A_2409] : memref<16x32xf32, #tpu.memory_space<vmem>>[vector<16xi32>, vector<16xi32>], vector<16xf32>,
      %gather3A_2411 = tpu.vector_load_idx %arg16[%iota3A_3, %broadcast_in_dim3A_2409] : memref<16x32xf32, #tpu.memory_space<vmem>>[vector<16xi32>, vector<16xi32>], vector<16xf32>,
      %mul3A_2412 = arith.mulf %gather3A_2410, %gather3A_2411 : vector<16xf32>
      %add3A_2413 = arith.addf %add3A_2403, %mul3A_2412 : vector<16xf32>
      %mul3A_2414 = arith.mulf %gather3A_2410, %gather3A_2410 : vector<16xf32>
      %add3A_2415 = arith.addf %add3A_2405, %mul3A_2414 : vector<16xf32>
      %mul3A_2416 = arith.mulf %gather3A_2411, %gather3A_2411 : vector<16xf32>
      %add3A_2417 = arith.addf %add3A_2407, %mul3A_2416 : vector<16xf32>
      %broadcast_in_dim3A_2418 = arith.constant 28 : i32
      %broadcast_in_dim3A_2419 = vector.broadcast %broadcast_in_dim3A_2418 : i32 to vector<16xi32>
      %gather3A_2420 = tpu.vector_load_idx %arg15[%iota3A_3, %broadcast_in_dim3A_2419] : memref<16x32xf32, #tpu.memory_space<vmem>>[vector<16xi32>, vector<16xi32>], vector<16xf32>,
      %gather3A_2421 = tpu.vector_load_idx %arg16[%iota3A_3, %broadcast_in_dim3A_2419] : memref<16x32xf32, #tpu.memory_space<vmem>>[vector<16xi32>, vector<16xi32>], vector<16xf32>,
      %mul3A_2422 = arith.mulf %gather3A_2420, %gather3A_2421 : vector<16xf32>
      %add3A_2423 = arith.addf %add3A_2413, %mul3A_2422 : vector<16xf32>
      %mul3A_2424 = arith.mulf %gather3A_2420, %gather3A_2420 : vector<16xf32>
      %add3A_2425 = arith.addf %add3A_2415, %mul3A_2424 : vector<16xf32>
      %mul3A_2426 = arith.mulf %gather3A_2421, %gather3A_2421 : vector<16xf32>
      %add3A_2427 = arith.addf %add3A_2417, %mul3A_2426 : vector<16xf32>
      %broadcast_in_dim3A_2428 = arith.constant 29 : i32
      %broadcast_in_dim3A_2429 = vector.broadcast %broadcast_in_dim3A_2428 : i32 to vector<16xi32>
      %gather3A_2430 = tpu.vector_load_idx %arg15[%iota3A_3, %broadcast_in_dim3A_2429] : memref<16x32xf32, #tpu.memory_space<vmem>>[vector<16xi32>, vector<16xi32>], vector<16xf32>,
      %gather3A_2431 = tpu.vector_load_idx %arg16[%iota3A_3, %broadcast_in_dim3A_2429] : memref<16x32xf32, #tpu.memory_space<vmem>>[vector<16xi32>, vector<16xi32>], vector<16xf32>,
      %mul3A_2432 = arith.mulf %gather3A_2430, %gather3A_2431 : vector<16xf32>
      %add3A_2433 = arith.addf %add3A_2423, %mul3A_2432 : vector<16xf32>
      %mul3A_2434 = arith.mulf %gather3A_2430, %gather3A_2430 : vector<16xf32>
      %add3A_2435 = arith.addf %add3A_2425, %mul3A_2434 : vector<16xf32>
      %mul3A_2436 = arith.mulf %gather3A_2431, %gather3A_2431 : vector<16xf32>
      %add3A_2437 = arith.addf %add3A_2427, %mul3A_2436 : vector<16xf32>
      %broadcast_in_dim3A_2438 = arith.constant 30 : i32
      %broadcast_in_dim3A_2439 = vector.broadcast %broadcast_in_dim3A_2438 : i32 to vector<16xi32>
      %gather3A_2440 = tpu.vector_load_idx %arg15[%iota3A_3, %broadcast_in_dim3A_2439] : memref<16x32xf32, #tpu.memory_space<vmem>>[vector<16xi32>, vector<16xi32>], vector<16xf32>,
      %gather3A_2441 = tpu.vector_load_idx %arg16[%iota3A_3, %broadcast_in_dim3A_2439] : memref<16x32xf32, #tpu.memory_space<vmem>>[vector<16xi32>, vector<16xi32>], vector<16xf32>,
      %mul3A_2442 = arith.mulf %gather3A_2440, %gather3A_2441 : vector<16xf32>
      %add3A_2443 = arith.addf %add3A_2433, %mul3A_2442 : vector<16xf32>
      %mul3A_2444 = arith.mulf %gather3A_2440, %gather3A_2440 : vector<16xf32>
      %add3A_2445 = arith.addf %add3A_2435, %mul3A_2444 : vector<16xf32>
      %mul3A_2446 = arith.mulf %gather3A_2441, %gather3A_2441 : vector<16xf32>
      %add3A_2447 = arith.addf %add3A_2437, %mul3A_2446 : vector<16xf32>
      %broadcast_in_dim3A_2448 = arith.constant 31 : i32
      %broadcast_in_dim3A_2449 = vector.broadcast %broadcast_in_dim3A_2448 : i32 to vector<16xi32>
      %gather3A_2450 = tpu.vector_load_idx %arg15[%iota3A_3, %broadcast_in_dim3A_2449] : memref<16x32xf32, #tpu.memory_space<vmem>>[vector<16xi32>, vector<16xi32>], vector<16xf32>,
      %gather3A_2451 = tpu.vector_load_idx %arg16[%iota3A_3, %broadcast_in_dim3A_2449] : memref<16x32xf32, #tpu.memory_space<vmem>>[vector<16xi32>, vector<16xi32>], vector<16xf32>,
      %mul3A_2452 = arith.mulf %gather3A_2450, %gather3A_2451 : vector<16xf32>
      %add3A_2453 = arith.addf %add3A_2443, %mul3A_2452 : vector<16xf32>
      %mul3A_2454 = arith.mulf %gather3A_2450, %gather3A_2450 : vector<16xf32>
      %add3A_2455 = arith.addf %add3A_2445, %mul3A_2454 : vector<16xf32>
      %mul3A_2456 = arith.mulf %gather3A_2451, %gather3A_2451 : vector<16xf32>
      %add3A_2457 = arith.addf %add3A_2447, %mul3A_2456 : vector<16xf32>
      %gather3A_2458 = tpu.vector_load_idx %arg17[%iota3A_3, %broadcast_in_dim3A_4] : memref<16x1xf32, #tpu.memory_space<vmem>>[vector<16xi32>, vector<16xi32>], vector<16xf32>,
      %max3A_2459 = arith.constant 1.000000e-30 : f32
      %max3A_2460 = vector.broadcast %max3A_2459 : f32 to vector<16xf32>
      %max3A_2461 = arith.maximumf %add3A_2455, %max3A_2460 : vector<16xf32>
      %bitcast3A_2462 = vector.bitcast %max3A_2461 : vector<16xf32> to vector<16xi32>
      %shift_right_arithmetic3A_2463 = arith.constant 1 : i32
      %shift_right_arithmetic3A_2464 = vector.broadcast %shift_right_arithmetic3A_2463 : i32 to vector<16xi32>
      %shift_right_arithmetic3A_2465 = arith.shrsi %bitcast3A_2462, %shift_right_arithmetic3A_2464 : vector<16xi32>
      %sub3A_2466 = arith.constant 1597463007 : i32
      %sub3A_2467 = vector.broadcast %sub3A_2466 : i32 to vector<16xi32>
      %sub3A_2468 = arith.subi %sub3A_2467, %shift_right_arithmetic3A_2465 : vector<16xi32>
      %bitcast3A_2469 = vector.bitcast %sub3A_2468 : vector<16xi32> to vector<16xf32>
      %mul3A_2470 = arith.constant 5.000000e-01 : f32
      %mul3A_2471 = vector.broadcast %mul3A_2470 : f32 to vector<16xf32>
      %mul3A_2472 = arith.mulf %mul3A_2471, %max3A_2461 : vector<16xf32>
      %mul3A_2473 = arith.mulf %mul3A_2472, %bitcast3A_2469 : vector<16xf32>
      %mul3A_2474 = arith.mulf %mul3A_2473, %bitcast3A_2469 : vector<16xf32>
      %sub3A_2475 = arith.constant 1.500000e+00 : f32
      %sub3A_2476 = vector.broadcast %sub3A_2475 : f32 to vector<16xf32>
      %sub3A_2477 = arith.subf %sub3A_2476, %mul3A_2474 : vector<16xf32>
      %mul3A_2478 = arith.mulf %bitcast3A_2469, %sub3A_2477 : vector<16xf32>
      %mul3A_2479 = arith.constant 5.000000e-01 : f32
      %mul3A_2480 = vector.broadcast %mul3A_2479 : f32 to vector<16xf32>
      %mul3A_2481 = arith.mulf %mul3A_2480, %max3A_2461 : vector<16xf32>
      %mul3A_2482 = arith.mulf %mul3A_2481, %mul3A_2478 : vector<16xf32>
      %mul3A_2483 = arith.mulf %mul3A_2482, %mul3A_2478 : vector<16xf32>
      %sub3A_2484 = arith.constant 1.500000e+00 : f32
      %sub3A_2485 = vector.broadcast %sub3A_2484 : f32 to vector<16xf32>
      %sub3A_2486 = arith.subf %sub3A_2485, %mul3A_2483 : vector<16xf32>
      %mul3A_2487 = arith.mulf %mul3A_2478, %sub3A_2486 : vector<16xf32>
      %mul3A_2488 = arith.constant 5.000000e-01 : f32
      %mul3A_2489 = vector.broadcast %mul3A_2488 : f32 to vector<16xf32>
      %mul3A_2490 = arith.mulf %mul3A_2489, %max3A_2461 : vector<16xf32>
      %mul3A_2491 = arith.mulf %mul3A_2490, %mul3A_2487 : vector<16xf32>
      %mul3A_2492 = arith.mulf %mul3A_2491, %mul3A_2487 : vector<16xf32>
      %sub3A_2493 = arith.constant 1.500000e+00 : f32
      %sub3A_2494 = vector.broadcast %sub3A_2493 : f32 to vector<16xf32>
      %sub3A_2495 = arith.subf %sub3A_2494, %mul3A_2492 : vector<16xf32>
      %mul3A_2496 = arith.mulf %mul3A_2487, %sub3A_2495 : vector<16xf32>
      %mul3A_2497 = arith.mulf %max3A_2461, %mul3A_2496 : vector<16xf32>
      %max3A_2498 = arith.constant 1.000000e-30 : f32
      %max3A_2499 = vector.broadcast %max3A_2498 : f32 to vector<16xf32>
      %max3A_2500 = arith.maximumf %add3A_2457, %max3A_2499 : vector<16xf32>
      %bitcast3A_2501 = vector.bitcast %max3A_2500 : vector<16xf32> to vector<16xi32>
      %shift_right_arithmetic3A_2502 = arith.constant 1 : i32
      %shift_right_arithmetic3A_2503 = vector.broadcast %shift_right_arithmetic3A_2502 : i32 to vector<16xi32>
      %shift_right_arithmetic3A_2504 = arith.shrsi %bitcast3A_2501, %shift_right_arithmetic3A_2503 : vector<16xi32>
      %sub3A_2505 = arith.constant 1597463007 : i32
      %sub3A_2506 = vector.broadcast %sub3A_2505 : i32 to vector<16xi32>
      %sub3A_2507 = arith.subi %sub3A_2506, %shift_right_arithmetic3A_2504 : vector<16xi32>
      %bitcast3A_2508 = vector.bitcast %sub3A_2507 : vector<16xi32> to vector<16xf32>
      %mul3A_2509 = arith.constant 5.000000e-01 : f32
      %mul3A_2510 = vector.broadcast %mul3A_2509 : f32 to vector<16xf32>
      %mul3A_2511 = arith.mulf %mul3A_2510, %max3A_2500 : vector<16xf32>
      %mul3A_2512 = arith.mulf %mul3A_2511, %bitcast3A_2508 : vector<16xf32>
      %mul3A_2513 = arith.mulf %mul3A_2512, %bitcast3A_2508 : vector<16xf32>
      %sub3A_2514 = arith.constant 1.500000e+00 : f32
      %sub3A_2515 = vector.broadcast %sub3A_2514 : f32 to vector<16xf32>
      %sub3A_2516 = arith.subf %sub3A_2515, %mul3A_2513 : vector<16xf32>
      %mul3A_2517 = arith.mulf %bitcast3A_2508, %sub3A_2516 : vector<16xf32>
      %mul3A_2518 = arith.constant 5.000000e-01 : f32
      %mul3A_2519 = vector.broadcast %mul3A_2518 : f32 to vector<16xf32>
      %mul3A_2520 = arith.mulf %mul3A_2519, %max3A_2500 : vector<16xf32>
      %mul3A_2521 = arith.mulf %mul3A_2520, %mul3A_2517 : vector<16xf32>
      %mul3A_2522 = arith.mulf %mul3A_2521, %mul3A_2517 : vector<16xf32>
      %sub3A_2523 = arith.constant 1.500000e+00 : f32
      %sub3A_2524 = vector.broadcast %sub3A_2523 : f32 to vector<16xf32>
      %sub3A_2525 = arith.subf %sub3A_2524, %mul3A_2522 : vector<16xf32>
      %mul3A_2526 = arith.mulf %mul3A_2517, %sub3A_2525 : vector<16xf32>
      %mul3A_2527 = arith.constant 5.000000e-01 : f32
      %mul3A_2528 = vector.broadcast %mul3A_2527 : f32 to vector<16xf32>
      %mul3A_2529 = arith.mulf %mul3A_2528, %max3A_2500 : vector<16xf32>
      %mul3A_2530 = arith.mulf %mul3A_2529, %mul3A_2526 : vector<16xf32>
      %mul3A_2531 = arith.mulf %mul3A_2530, %mul3A_2526 : vector<16xf32>
      %sub3A_2532 = arith.constant 1.500000e+00 : f32
      %sub3A_2533 = vector.broadcast %sub3A_2532 : f32 to vector<16xf32>
      %sub3A_2534 = arith.subf %sub3A_2533, %mul3A_2531 : vector<16xf32>
      %mul3A_2535 = arith.mulf %mul3A_2526, %sub3A_2534 : vector<16xf32>
      %mul3A_2536 = arith.mulf %max3A_2500, %mul3A_2535 : vector<16xf32>
      %add3A_2537 = arith.constant 1.000000e-07 : f32
      %add3A_2538 = vector.broadcast %add3A_2537 : f32 to vector<16xf32>
      %add3A_2539 = arith.addf %mul3A_2497, %add3A_2538 : vector<16xf32>
      %div3A_2540 = arith.constant 1.000000e+00 : f32
      %div3A_2541 = vector.broadcast %div3A_2540 : f32 to vector<16xf32>
      %div3A_2542 = arith.divf %div3A_2541, %add3A_2539 : vector<16xf32>
      %min3A_2543 = arith.constant 1.000000e+00 : f32
      %min3A_2544 = vector.broadcast %min3A_2543 : f32 to vector<16xf32>
      %min3A_2545 = arith.minimumf %min3A_2544, %div3A_2542 : vector<16xf32>
      %add3A_2546 = arith.constant 1.000000e-07 : f32
      %add3A_2547 = vector.broadcast %add3A_2546 : f32 to vector<16xf32>
      %add3A_2548 = arith.addf %mul3A_2536, %add3A_2547 : vector<16xf32>
      %div3A_2549 = arith.constant 1.000000e+00 : f32
      %div3A_2550 = vector.broadcast %div3A_2549 : f32 to vector<16xf32>
      %div3A_2551 = arith.divf %div3A_2550, %add3A_2548 : vector<16xf32>
      %min3A_2552 = arith.constant 1.000000e+00 : f32
      %min3A_2553 = vector.broadcast %min3A_2552 : f32 to vector<16xf32>
      %min3A_2554 = arith.minimumf %min3A_2553, %div3A_2551 : vector<16xf32>
      %mul3A_2555 = arith.constant 16 : i32
      %mul3A_2556 = arith.muli %add3A_2131, %mul3A_2555 : i32
      %mul3A_2557 = arith.mulf %min3A_2545, %min3A_2554 : vector<16xf32>
      %mul3A_2558 = arith.mulf %add3A_2453, %mul3A_2557 : vector<16xf32>
      %add3A_2559 = arith.addf %mul3A_2558, %gather3A_2458 : vector<16xf32>
      %swap3A_2560 = arith.index_cast %mul3A_2556 : i32 to index
      %swap3A_2561 = tpu.vector_load %arg18[%swap3A_2560] {strides = array<i32>} : memref<512xf32, #tpu.memory_space<vmem>>, vector<16xf32>,
      tpu.vector_store %arg18[%swap3A_2560], %add3A_2559 {strides = array<i32>} : memref<512xf32, #tpu.memory_space<vmem>>, vector<16xf32>,
      %mul3A_2562 = arith.mulf %mul3A_2497, %min3A_2545 : vector<16xf32>
      %swap3A_2563 = arith.index_cast %mul3A_2556 : i32 to index
      %swap3A_2564 = tpu.vector_load %arg19[%swap3A_2563] {strides = array<i32>} : memref<512xf32, #tpu.memory_space<vmem>>, vector<16xf32>,
      tpu.vector_store %arg19[%swap3A_2563], %mul3A_2562 {strides = array<i32>} : memref<512xf32, #tpu.memory_space<vmem>>, vector<16xf32>,
      %mul3A_2565 = arith.mulf %min3A_2554, %min3A_2554 : vector<16xf32>
      %mul3A_2566 = arith.mulf %add3A_2457, %mul3A_2565 : vector<16xf32>
      %mul3A_2567 = arith.mulf %gather3A_2458, %gather3A_2458 : vector<16xf32>
      %add3A_2568 = arith.addf %mul3A_2566, %mul3A_2567 : vector<16xf32>
      %max3A_2569 = arith.constant 1.000000e-30 : f32
      %max3A_2570 = vector.broadcast %max3A_2569 : f32 to vector<16xf32>
      %max3A_2571 = arith.maximumf %add3A_2568, %max3A_2570 : vector<16xf32>
      %bitcast3A_2572 = vector.bitcast %max3A_2571 : vector<16xf32> to vector<16xi32>
      %shift_right_arithmetic3A_2573 = arith.constant 1 : i32
      %shift_right_arithmetic3A_2574 = vector.broadcast %shift_right_arithmetic3A_2573 : i32 to vector<16xi32>
      %shift_right_arithmetic3A_2575 = arith.shrsi %bitcast3A_2572, %shift_right_arithmetic3A_2574 : vector<16xi32>
      %sub3A_2576 = arith.constant 1597463007 : i32
      %sub3A_2577 = vector.broadcast %sub3A_2576 : i32 to vector<16xi32>
      %sub3A_2578 = arith.subi %sub3A_2577, %shift_right_arithmetic3A_2575 : vector<16xi32>
      %bitcast3A_2579 = vector.bitcast %sub3A_2578 : vector<16xi32> to vector<16xf32>
      %mul3A_2580 = arith.constant 5.000000e-01 : f32
      %mul3A_2581 = vector.broadcast %mul3A_2580 : f32 to vector<16xf32>
      %mul3A_2582 = arith.mulf %mul3A_2581, %max3A_2571 : vector<16xf32>
      %mul3A_2583 = arith.mulf %mul3A_2582, %bitcast3A_2579 : vector<16xf32>
      %mul3A_2584 = arith.mulf %mul3A_2583, %bitcast3A_2579 : vector<16xf32>
      %sub3A_2585 = arith.constant 1.500000e+00 : f32
      %sub3A_2586 = vector.broadcast %sub3A_2585 : f32 to vector<16xf32>
      %sub3A_2587 = arith.subf %sub3A_2586, %mul3A_2584 : vector<16xf32>
      %mul3A_2588 = arith.mulf %bitcast3A_2579, %sub3A_2587 : vector<16xf32>
      %mul3A_2589 = arith.constant 5.000000e-01 : f32
      %mul3A_2590 = vector.broadcast %mul3A_2589 : f32 to vector<16xf32>
      %mul3A_2591 = arith.mulf %mul3A_2590, %max3A_2571 : vector<16xf32>
      %mul3A_2592 = arith.mulf %mul3A_2591, %mul3A_2588 : vector<16xf32>
      %mul3A_2593 = arith.mulf %mul3A_2592, %mul3A_2588 : vector<16xf32>
      %sub3A_2594 = arith.constant 1.500000e+00 : f32
      %sub3A_2595 = vector.broadcast %sub3A_2594 : f32 to vector<16xf32>
      %sub3A_2596 = arith.subf %sub3A_2595, %mul3A_2593 : vector<16xf32>
      %mul3A_2597 = arith.mulf %mul3A_2588, %sub3A_2596 : vector<16xf32>
      %mul3A_2598 = arith.constant 5.000000e-01 : f32
      %mul3A_2599 = vector.broadcast %mul3A_2598 : f32 to vector<16xf32>
      %mul3A_2600 = arith.mulf %mul3A_2599, %max3A_2571 : vector<16xf32>
      %mul3A_2601 = arith.mulf %mul3A_2600, %mul3A_2597 : vector<16xf32>
      %mul3A_2602 = arith.mulf %mul3A_2601, %mul3A_2597 : vector<16xf32>
      %sub3A_2603 = arith.constant 1.500000e+00 : f32
      %sub3A_2604 = vector.broadcast %sub3A_2603 : f32 to vector<16xf32>
      %sub3A_2605 = arith.subf %sub3A_2604, %mul3A_2602 : vector<16xf32>
      %mul3A_2606 = arith.mulf %mul3A_2597, %sub3A_2605 : vector<16xf32>
      %mul3A_2607 = arith.mulf %max3A_2571, %mul3A_2606 : vector<16xf32>
      %swap3A_2608 = arith.index_cast %mul3A_2556 : i32 to index
      %swap3A_2609 = tpu.vector_load %arg20[%swap3A_2608] {strides = array<i32>} : memref<512xf32, #tpu.memory_space<vmem>>, vector<16xf32>,
      tpu.vector_store %arg20[%swap3A_2608], %mul3A_2607 {strides = array<i32>} : memref<512xf32, #tpu.memory_space<vmem>>, vector<16xf32>,
      %scan3A_2610 = arith.constant 0 : i32
      scf.yield %scan3A_2610 : i32
    }
    %scan3A_808 = arith.constant 16 : i32
    "tpu.region"() ({
      %run_scoped3A = tpu.sem_alloc : memref<!tpu.dma_semaphore, #tpu.memory_space<semaphore_mem>>
      %dma_start3A_809 = tpu.memref_slice %arg7[%mul3A_2] : memref<16384xf32, #tpu.memory_space<hbm>> -> memref<512xf32, #tpu.memory_space<hbm>>
      %dma_start3A_810 = tpu.memref_slice %arg7[%mul3A_2] : memref<16384xf32, #tpu.memory_space<hbm>> -> memref<512xf32, #tpu.memory_space<hbm>>
      tpu.enqueue_dma source(%arg18 : memref<512xf32, #tpu.memory_space<vmem>>) target(%dma_start3A_810 : memref<512xf32, #tpu.memory_space<hbm>>) target_semaphore(%run_scoped3A : memref<!tpu.dma_semaphore, #tpu.memory_space<semaphore_mem>>)
      %dma_wait3A = tpu.memref_slice %arg7[%mul3A_2] : memref<16384xf32, #tpu.memory_space<hbm>> -> memref<512xf32, #tpu.memory_space<hbm>>
      %dma_wait3A_811 = tpu.memref_slice %arg7[%mul3A_2] : memref<16384xf32, #tpu.memory_space<hbm>> -> memref<512xf32, #tpu.memory_space<hbm>>
      tpu.wait_dma2 semaphore(%run_scoped3A : memref<!tpu.dma_semaphore, #tpu.memory_space<semaphore_mem>>) src(%arg18 : memref<512xf32, #tpu.memory_space<vmem>>) dst(%dma_wait3A_811 : memref<512xf32, #tpu.memory_space<hbm>>)
      tpu.yield
    }) : () -> ()
    "tpu.region"() ({
      %run_scoped3A = tpu.sem_alloc : memref<!tpu.dma_semaphore, #tpu.memory_space<semaphore_mem>>
      %dma_start3A_809 = tpu.memref_slice %arg8[%mul3A_2] : memref<16384xf32, #tpu.memory_space<hbm>> -> memref<512xf32, #tpu.memory_space<hbm>>
      %dma_start3A_810 = tpu.memref_slice %arg8[%mul3A_2] : memref<16384xf32, #tpu.memory_space<hbm>> -> memref<512xf32, #tpu.memory_space<hbm>>
      tpu.enqueue_dma source(%arg19 : memref<512xf32, #tpu.memory_space<vmem>>) target(%dma_start3A_810 : memref<512xf32, #tpu.memory_space<hbm>>) target_semaphore(%run_scoped3A : memref<!tpu.dma_semaphore, #tpu.memory_space<semaphore_mem>>)
      %dma_wait3A = tpu.memref_slice %arg8[%mul3A_2] : memref<16384xf32, #tpu.memory_space<hbm>> -> memref<512xf32, #tpu.memory_space<hbm>>
      %dma_wait3A_811 = tpu.memref_slice %arg8[%mul3A_2] : memref<16384xf32, #tpu.memory_space<hbm>> -> memref<512xf32, #tpu.memory_space<hbm>>
      tpu.wait_dma2 semaphore(%run_scoped3A : memref<!tpu.dma_semaphore, #tpu.memory_space<semaphore_mem>>) src(%arg19 : memref<512xf32, #tpu.memory_space<vmem>>) dst(%dma_wait3A_811 : memref<512xf32, #tpu.memory_space<hbm>>)
      tpu.yield
    }) : () -> ()
    "tpu.region"() ({
      %run_scoped3A = tpu.sem_alloc : memref<!tpu.dma_semaphore, #tpu.memory_space<semaphore_mem>>
      %dma_start3A_809 = tpu.memref_slice %arg9[%mul3A_2] : memref<16384xf32, #tpu.memory_space<hbm>> -> memref<512xf32, #tpu.memory_space<hbm>>
      %dma_start3A_810 = tpu.memref_slice %arg9[%mul3A_2] : memref<16384xf32, #tpu.memory_space<hbm>> -> memref<512xf32, #tpu.memory_space<hbm>>
      tpu.enqueue_dma source(%arg20 : memref<512xf32, #tpu.memory_space<vmem>>) target(%dma_start3A_810 : memref<512xf32, #tpu.memory_space<hbm>>) target_semaphore(%run_scoped3A : memref<!tpu.dma_semaphore, #tpu.memory_space<semaphore_mem>>)
      %dma_wait3A = tpu.memref_slice %arg9[%mul3A_2] : memref<16384xf32, #tpu.memory_space<hbm>> -> memref<512xf32, #tpu.memory_space<hbm>>
      %dma_wait3A_811 = tpu.memref_slice %arg9[%mul3A_2] : memref<16384xf32, #tpu.memory_space<hbm>> -> memref<512xf32, #tpu.memory_space<hbm>>
      tpu.wait_dma2 semaphore(%run_scoped3A : memref<!tpu.dma_semaphore, #tpu.memory_space<semaphore_mem>>) src(%arg20 : memref<512xf32, #tpu.memory_space<vmem>>) dst(%dma_wait3A_811 : memref<512xf32, #tpu.memory_space<hbm>>)
      tpu.yield
    }) : () -> ()
    return
  }
}

</mosaic_0001>

<sc_bundles>
// kernel: kernel.3.cloned.1.call-start
scs
__scs_entry_jumppad:
0x0: {  	(pc) =	sbr.rel $0x88, $3  }
0x1: {  	(tag) =	ssettag $0x0;
	lr =	simm.s32 $0x1  }
0x2: {  	[smem:$0x3F9C] =	sst lr;
	_ =	strace $0xD0000000  }
0x3: {  	_ = 	snop  }
0x4: {  	_ = 	snop  }
0x5: {  	_ = 	snop  }
0x6: {  	_ = 	snop  }
0x7: {  	_ = 	snop  }
__scs_overlays_trampoline_lowered:
0x8: {  	[smem:$0x3FAB] =	sst s0  }
0x9: {  	[smem:$0x3FAC] =	sst s1  }
0xa: {  	[smem:$0x3FAD] =	sst s2  }
0xb: {  	[smem:$0x3FAE] =	sst s3  }
0xc: {  	[smem:$0x3FAF] =	sst s4  }
0xd: {  	[smem:$0x3FB0] =	sst s5  }
0xe: {  	[smem:$0x3FB1] =	sst s6  }
0xf: {  	[smem:$0x3FB2] =	sst s7  }
0x10: {  	[smem:$0x3FB3] =	sst s8  }
0x11: {  	[smem:$0x3FB4] =	sst s9;
	s0 =	simm.s32 @!p0 $0x0  }
0x12: {  	s1 =	sld [smem:$0x3F9A];
	s0 =	simm.s32 @p0 $0x1  }
0x13: {  	[smem:$0x3FB5] =	sst s0;
	s0 =	simm.s32 @!p1 $0x0  }
0x14: {  	s2 =	sld [smem:$0x3F99];
	s0 =	simm.s32 @p1 $0x1  }
0x15: {  	[smem:$0x3FB6] =	sst s0;
	s0 =	simm.s32 @!p2 $0x0  }
0x16: {  	s3 =	sld [smem:$0x3FDB];
	s0 =	simm.s32 @p2 $0x1  }
0x17: {  	s4 =	simm.s32 $0x1BF5;
	[smem:$0x3FB8] =	sst s0  }
0x18: {  	s0 =	sld [smem:$0x3F9B];
	_ =	swait.ge [sflag:s4], $0x0  }
0x19: {  	s7 =	sld [smem:$0x3F9C]  }
0x1a: {  	s8 =	sadd.s32 $0xFFFFE003, lr  }
0x1b: {  	s9 =	sadd.s32 $0xFFFFFEF7, lr;
	s5 =	simm.s32 $0xFFFFFFFF;
	p2 =	slt.u32 s8, $0xFFFFF086  }
0x1c: {  	p1 =	slt.u32 s9, $0xF7A;
	s5 =	simm.s32 @!p2 $0x0  }
0x1d: {  	s5 =	simm.s32 @p1 $0x1;
	p0 =	seq.s32 s7, s2  }
0x1e: {  	s7 =	smul.u32 @!p0 $0xF7A, s2;
	p2 =	seq.s32 @!p0 s5, $0x0  }
0x1f: {  	s9 =	smul.u32 $0xF7A, s1;
	s8 =	simm.s32 @!p0 $0x1BF5;
	p2 =	por !p2, p0  }
0x20: {  	[sflag:s8] =	ssyncset.s32 @!p0 $0xFFFFF086;
	s6 =	sadd.s32 @!p0 s3, s7;
	s7 =	simm.s32 @!p0 $0x108  }
0x21: {  	s3 =	sadd.s32 s3, s9;
	s6 =	sadd.s32 @!p0 $0x88, s6;
	s7 =	simm.s32 @p2 $0x1082  }
0x22: {  	[simem:s7], [sflag:s8] =	dma.local @!p0 [hbm:s6], $0xF7A  }
0x23: {  	s9 =	sor.u32 $0xD0000000, s2;
	s6 =	simm.s32 $0x108;
	_ =	swait.ge @!p0 [sflag:s8], $0x0  }
0x24: {  	s3 =	sadd.s32 $0x88, s3;
	s6 =	simm.s32 @!p1 $0x1082;
	[sflag:s4] =	ssyncset.s32 $0xFFFFF086  }
0x25: {  	[simem:s6], [sflag:s4] =	dma.local [hbm:s3], $0xF7A  }
0x26: {  	[smem:$0x3F9C] =	sst s1;
	(tag) =	ssettag s2;
	_ =	strace s9  }
0x27: {  	s1 =	sld [smem:$0x3FAC]  }
0x28: {  	s2 =	sld [smem:$0x3FAD]  }
0x29: {  	s4 =	sld [smem:$0x3FAF]  }
0x2a: {  	p0 =	seq.s32 s5, $0x0;
	s5 =	sld [smem:$0x3FB0]  }
0x2b: {  	s6 =	sld [smem:$0x3FB1]  }
0x2c: {  	s7 =	sld [smem:$0x3FB2]  }
0x2d: {  	s3 =	simm.s32 $0x108;
	s8 =	sld [smem:$0x3FB3]  }
0x2e: {  	s3 =	simm.s32 @!p0 $0x1082;
	s9 =	sld [smem:$0x3FB4]  }
0x2f: {  	lr =	sadd.s32 s0, s3;
	s0 =	sld [smem:$0x3FAB]  }
0x30: {  	s3 =	sld [smem:$0x3FAE]  }
0x31: {  	[smem:$0x3FB7] =	sst s10  }
0x32: {  	s10 =	sld [smem:$0x3FB5];
	_ =	sdelay $0x3  }
0x33: {  	p0 =	seq.s32 s10, $0x1;
	s10 =	sld [smem:$0x3FB7];
	_ =	sdelay $0x3  }
0x34: {  	[smem:$0x3FB7] =	sst s10  }
0x35: {  	s10 =	sld [smem:$0x3FB6];
	_ =	sdelay $0x3  }
0x36: {  	p1 =	seq.s32 s10, $0x1;
	s10 =	sld [smem:$0x3FB7];
	_ =	sdelay $0x3  }
0x37: {  	[smem:$0x3FB7] =	sst s10  }
0x38: {  	s10 =	sld [smem:$0x3FB8]  }
0x39: {  	_ = 	snop;
	(pc) =	sbr.ind lr, $3  }
0x3a: {  	_ = 	snop  }
0x3b: {  	_ = 	snop  }
0x3c: {  	p2 =	seq.s32 s10, $0x1;
	s10 =	sld [smem:$0x3FB7]  }
0x3d: {  	_ =	shalt  }
0x3e: {  	_ =	shalt  }
0x3f: {  	_ =	shalt  }
0x40: {  	_ =	shalt  }
0x41: {  	_ =	shalt  }
0x42: {  	_ =	shalt  }
0x43: {  	_ =	shalt  }
0x44: {  	_ =	shalt  }
0x45: {  	_ =	shalt  }
0x46: {  	_ =	shalt  }
0x47: {  	_ =	shalt  }
0x48: {  	_ =	shalt  }
0x49: {  	_ =	shalt  }
0x4a: {  	_ =	shalt  }
0x4b: {  	_ =	shalt  }
0x4c: {  	_ =	shalt  }
0x4d: {  	_ =	shalt  }
0x4e: {  	_ =	shalt  }
0x4f: {  	_ =	shalt  }
0x50: {  	_ =	shalt  }
0x51: {  	_ =	shalt  }
0x52: {  	_ =	shalt  }
0x53: {  	_ =	shalt  }
0x54: {  	_ =	shalt  }
0x55: {  	_ =	shalt  }
0x56: {  	_ =	shalt  }
0x57: {  	_ =	shalt  }
0x58: {  	_ =	shalt  }
0x59: {  	_ =	shalt  }
0x5a: {  	_ =	shalt  }
0x5b: {  	_ =	shalt  }
0x5c: {  	_ =	shalt  }
0x5d: {  	_ =	shalt  }
0x5e: {  	_ =	shalt  }
0x5f: {  	_ =	shalt  }
0x60: {  	_ =	shalt  }
0x61: {  	_ =	shalt  }
0x62: {  	_ =	shalt  }
0x63: {  	_ =	shalt  }
0x64: {  	_ =	shalt  }
0x65: {  	_ =	shalt  }
0x66: {  	_ =	shalt  }
0x67: {  	_ =	shalt  }
0x68: {  	_ =	shalt  }
0x69: {  	_ =	shalt  }
0x6a: {  	_ =	shalt  }
0x6b: {  	_ =	shalt  }
0x6c: {  	_ =	shalt  }
0x6d: {  	_ =	shalt  }
0x6e: {  	_ =	shalt  }
0x6f: {  	_ =	shalt  }
0x70: {  	_ =	shalt  }
0x71: {  	_ =	shalt  }
0x72: {  	_ =	shalt  }
0x73: {  	_ =	shalt  }
0x74: {  	_ =	shalt  }
0x75: {  	_ =	shalt  }
0x76: {  	_ =	shalt  }
0x77: {  	_ =	shalt  }
0x78: {  	_ =	shalt  }
0x79: {  	_ =	shalt  }
0x7a: {  	_ =	shalt  }
0x7b: {  	_ =	shalt  }
0x7c: {  	_ =	shalt  }
0x7d: {  	_ =	shalt  }
0x7e: {  	_ =	shalt  }
0x7f: {  	_ =	shalt  }
0x80: {  	_ =	shalt  }
0x81: {  	_ =	shalt  }
0x82: {  	_ =	shalt  }
0x83: {  	_ =	shalt  }
0x84: {  	_ =	shalt  }
0x85: {  	_ =	shalt  }
0x86: {  	_ =	shalt  }
0x87: {  	_ =	shalt  }
.Lfunc_end0:
.L_simem_size_0:
called_computation_lowered:
.L_overlay_start_0:
0x88: {  	s2 =	sld [smem:$0x3FD9]  }
0x89: {  	s3 =	sld [smem:$0x3FFE];
	_ =	sdelay $0x1  }
0x8a: {  	s1 =	srdreg.scid  }
0x8b: {  	s0 =	sand.u32 $0x1, s1  }
0x8c: {  	s14 =	sshll.u32 s0, $0xA;
	s2 =	sadd.s32 s3, s2  }
0x8d: {  	s2 =	sadd.s32 s2, s14  }
0x8e: {  	[smem:$0x3FC3] =	sst s2  }
0x8f: {  	_ = 	snop  }
0x90: {  	s2 =	sld [smem:$0x3FD0];
	_ =	sdelay $0x2  }
0x91: {  	s15 =	simm.s32 $0xA;
	s4 =	simm.s32 $0x10  }
0x92: {  	[smem:s4], [sflag:s15] =	dma.local [hbm:s2], $0x1  }
0x93: {  	_ =	swait.eq [sflag:s15], $0x1  }
0x94: {  	s16 =	sld [smem:$0x10];
	[sflag:s15] =	ssyncset.done $0x0  }
0x95: {  	s17 =	sld [smem:$0x11];
	[sflag:s15] =	ssyncadd.s32 $0xFFFFFFFF  }
0x96: {  	s18 =	sld [smem:$0x12];
	(tm) =	ssettm $0x1  }
0x97: {  	s5 =	sld [smem:$0x3FFB];
	_ =	sdelay $0x3  }
0x98: {  	_ =	strace s5  }
0x99: {  	s5 =	sld [smem:$0x3FFC];
	_ =	sdelay $0x3  }
0x9a: {  	_ =	strace s5  }
0x9b: {  	s5 =	sld [smem:$0x3FFD];
	_ =	sdelay $0x3  }
0x9c: {  	_ =	strace s5  }
0x9d: {  	_ =	strace $0x8FFFFFFF  }
0x9e: {  	s19 =	sld [smem:$0x3FDB];
	_ =	sdelay $0x1  }
0x9f: {  	s6 =	simm.s32 $_scs_section_size  }
0xa0: {  	s7 =	simm.s32 $_size__tile_overlayer_lowered;
	s8 =	simm.s32 $_tile_overlayer_lowered  }
0xa1: {  	s22 =	simm.s32 $0x1BFF;
	s21 =	sshll.u32 s8, $0x1;
	s5 =	sadd.s32 s6, s19  }
0xa2: {  	s9 =	simm.s32 $0x0;
	s20 =	sshll.u32 s7, $0x1;
	s7 =	sadd.s32 s21, s5  }
0xa3: {  	[timem:s9], [sflag:s22] =	dma.local [hbm:s7], s20  }
0xa4: {  	_ =	swait.ge [sflag:s22], s20  }
0xa5: {  	s6 =	ssub.s32 $0x0, s20;
	[sflag:s22] =	ssyncset.done $0x0  }
0xa6: {  	[sflag:s22] =	ssyncadd.s32 s6;
	_ =	sdelay $0x1  }
0xa7: {  	s23 =	simm.s32 $0x1B8B  }
0xa8: {  	_ =	swait.ge [sflag:s23], $0x1  }
0xa9: {  	[sflag:s23] =	ssyncset.done $0x0  }
0xaa: {  	s25 =	simm.s32 $0x1B8E;
	s24 =	sld [smem:$0x3FFE];
	[sflag:s23] =	ssyncadd.s32 $0xFFFFFFFF  }
0xab: {  	s26 =	simm.s32 $execute0_lowered;
	[smem:$0x3FD2] =	sst s25  }
0xac: {  	s7 =	sshll.u32 s26, $0x1;
	_ =	strace $0x80000046;
	[dreg:$0x1] =	wrdreg $0xFFFFFFFF  }
0xad: {  	s28 =	simm.s32 $_size_execute0_lowered;
	s5 =	sadd.s32 s5, s7;
	[dreg:$0x0] =	wrdreg $0x0  }
0xae: {  	s7 =	sshll.u32 s28, $0x1;
	[dreg:$0x2] =	wrdreg s5  }
0xaf: {  	[dreg:$0x3] =	wrdreg s7  }
0xb0: {  	[dreg:$0x4] =	wrdreg $0xC0  }
0xb1: {  	_ =	task [dreg:s9], $0x5FFFF  }
0xb2: {  	[dreg:$0x1] =	wrdreg $0xFFFFFFFF  }
0xb3: {  	[dreg:$0x0] =	wrdreg $0x60  }
0xb4: {  	[dreg:$0x2] =	wrdreg s24  }
0xb5: {  	[dreg:$0x3] =	wrdreg s16  }
0xb6: {  	[dreg:$0x4] =	wrdreg s17  }
0xb7: {  	[dreg:$0x5] =	wrdreg s18  }
0xb8: {  	[dreg:$0x6] =	wrdreg $0x9  }
0xb9: {  	_ =	task.clear_ibuf [dreg:s9], $0x7FFFF;
	_ =	strace $0x90000046  }
0xba: {  	s29 =	simm.s32 $0x9;
	_ =	strace $0x80000048  }
0xbb: {  	_ =	swait.ge [sflag:s29], $0x1  }
0xbc: {  	[sflag:s29] =	ssyncadd.s32 $0xFFFFFFFF  }
0xbd: {  	_ =	strace $0x90000048  }
0xbe: {  	_ =	sfence  }
0xbf: {  	s30 =	sld [smem:$0x0];
	_ =	sdelay $0x2  }
0xc0: {  	s31 =	sshll.u32 s1, $0xD;
	s1 =	sshrl.u32 s1, $0x2  }
0xc1: {  	s3 =	sand.u32 $0x4000, s31;
	s1 =	sadd.s32 s1, s30  }
0xc2: {  	s0 =	sor.u32 s3, s0;
	s1 =	sshll.u32 s1, $0x11  }
0xc3: {  	s0 =	sor.u32 s1, s0  }
0xc4: {  	s0 =	sadd.s32 $0x8F2B, s0  }
0xc5: {  	[sflag:s0] =	ssyncadd.remote.s32 $0x1  }
0xc6: {  	_ =	sfence.sel $0xFFFF  }
0xc7: {  	[dreg:$0x0] =	wrdreg $0xFFFFFFFF;
	(pc) =	sbr.abs _section_cstart, $3  }
0xc8: {  	[dreg:$0x1] =	wrdreg $0xFFFFFFFF  }
0xc9: {  	_ =	task.clear_ibuf [dreg:s9], $0x2FFFF;
	_ =	strace $0x9FFFFFFF  }
0xca: {  	(tm) =	ssettm $0x7FFFFFFF  }
0xcb: {  	_ =	shalt  }
tec
execute0_lowered:
.L_overlay_start_1:
0x0: {  	(tag) =	ssettag $0x1  }
0x1: {  	s0 =	rddreg [dreg:$0x0]  }
0x2: {  	s6 =	rddreg [dreg:$0x1]  }
0x3: {  	s1 =	srdreg.scid;
	s7 =	rddreg [dreg:$0x2]  }
0x4: {  	s3 =	stileid.u32;
	s9 =	rddreg [dreg:$0x3];
	s13 =	simm.s32 $0x400  }
0x5: {  	s16 =	simm.s32 $0xC00;
	s17 =	simm.s32 $0x1400;
	s14 =	simm.s32 $0x2C00  }
0x6: {  	s28 =	simm.s32 $0x1C80;
	v0 =	vlaneseq.u32;
	s30 =	simm.s32 $0x3180;
	s31 =	simm.s32 $0x2200  }
0x7: {  	s15 =	simm.s32 $0x2280;
	s1 =	sand.u32 $0x1, s1;
	s2 =	sshll.u32 s3, $0x1;
	v48 =	vmul.u32 $0x80, v0  }
0x8: {  	s12 =	simm.s32 $0x2A80;
	s8 =	sor.u32 s1, s2;
	s2 =	simm.s32 $0x0  }
0x9: {  	s18 =	simm.s32 $0x2380;
	s19 =	simm.s32 $0x2B80;
	[smem:$0x7FF] =	sst s2;
	v2 =	vor.u32 $0x1, v48  }
0xa: {  	s20 =	simm.s32 $0x3380;
	s21 =	simm.s32 $0x1;
	v3 =	vor.u32 $0x2, v48;
	_ =	strace $0x80000047;
	[tilespmem:$0x1FF30] =	vst v2  }
0xb: {  	s22 =	simm.s32 $0x2;
	s3 =	sshll.u32 s3, $0x7;
	s1 =	ssub.s32 $0x2, s1;
	v4 =	vor.u32 $0x3, v48;
	[tilespmem:$0x1FF40] =	vst v3  }
0xc: {  	s5 =	sadd.s32 $0x1E86200, s0;
	s4 =	sshll.u32 s8, $0x4;
	s11 =	sshrl.u32 s1, $0x1;
	v5 =	vor.u32 $0x4, v48;
	[tilespmem:$0x1FF50] =	vst v4  }
0xd: {  	s24 =	sshll.u32 s8, $0x6;
	s8 =	simm.s32 $0x2B00;
	v6 =	vor.u32 $0x5, v48;
	s3 =	sor.u32 s3, s4;
	[tilespmem:$0x1FF60] =	vst v5  }
0xe: {  	v7 =	vor.u32 $0x6, v48;
	s4 =	sadd.s32 $0xF43E00, s0;
	s23 =	ssub.s32 s1, s11;
	s6 =	sadd.s32 s6, s24;
	[tilespmem:$0x1FF70] =	vst v6  }
0xf: {  	vm0 =	vmmov $0x1;
	v8 =	vor.u32 $0x7, v48;
	s29 =	sadd.s32 s7, s24;
	s1 =	sadd.s32 s9, s24;
	s11 =	simm.s32 $0x2400;
	[tilespmem:$0x1FF80] =	vst v7  }
0x10: {  	vm1 =	vcmask $0x308;
	vm2 =	vcmask $0x70C;
	v9 =	vor.u32 $0x8, v48;
	s7 =	simm.s32 $0x2300;
	s9 =	simm.s32 $0x3300;
	[tilespmem:$0x1FF90] =	vst v8;
	[dreg:$0x7] =	wrdreg s6  }
0x11: {  	vm3 =	vcmask $0xB10;
	vm4 =	vcmask $0xF14;
	v10 =	vor.u32 $0x9, v48;
	s24 =	simm.s32 $0x0;
	[tilespmem:$0x1FFA0] =	vst v9;
	s3 =	sand.u32 $0x670, s3;
	[dreg:$0x8] =	wrdreg s29  }
.Ltmp0:
0x12: {  	vm5 =	vcmask $0x1318;
	vm6 =	vcmask $0x171C;
	v11 =	vor.u32 $0xA, v48;
	[tilespmem:$0x1FFB0] =	vst v10;
	[dreg:$0x9] =	wrdreg s1;
	s1 =	simm.s32 $0x2A00;
	(pc) =	sbr.rel .LBB2_1-.Ltmp0, $4  }
0x13: {  	vm7 =	vcmask $0x1B20;
	vm8 =	vcmask $0x1F24;
	v12 =	vor.u32 $0xB, v48;
	[tilespmem:$0x1FFC0] =	vst v11;
	s10 =	sadd.s32 s3, s0;
	s3 =	sadd.s32 $0x1A00, s0;
	s0 =	smax.u32 s23, $0x1  }
0x14: {  	vm9 =	vcmask $0x2328;
	vm10 =	vcmask $0x272C;
	v13 =	vor.u32 $0xC, v48;
	[tilespmem:$0x1FFD0] =	vst v12;
	s6 =	simm.s32 $0x3280;
	s25 =	sadd.s32 $0xA00, s10;
	[dreg:$0xa] =	wrdreg s0  }
0x15: {  	vm11 =	vcmask $0x2B30;
	vm12 =	vcmask $0x2F34;
	v41 =	vor.u32 $0xD, v48;
	[tilespmem:$0x1FFE0] =	vst v13;
	s26 =	sadd.s32 $0x1200, s10;
	s10 =	simm.s32 $0x1C00;
	[dreg:$0x5] =	wrdreg s25  }
0x16: {  	vm13 =	vcmask $0x3338;
	vm14 =	vcmask $0x373C;
	vm15 =	vmmov $0x7fff;
	[tilespmem:$0x1FFF0] =	vst v41;
	s0 =	simm.s32 $0x3200;
	[dreg:$0x6] =	wrdreg s26;
	s25 =	simm.s32 $0x3  }
.LBB2_5:
0x17: {  	s23 =	rddreg [dreg:$0x7];
	s24 =	simm.s32 $0x3400;
	s25 =	simm.s32 $0x3  }
0x18: {  	[hbm4b:s23+s2] =	stream.linear.scatter [tilespmem:s24], [sflag:$0x3], $0x200, $0x38;
	[tilespmem:$0x3A00] =	vst v63  }
0x19: {  	_ =	swait.ge [sflag:s25], $0x200  }
0x1a: {  	[sflag:s25] =	ssyncset.done $0x0  }
0x1b: {  	s29 =	simm.s32 $0x3600;
	s26 =	rddreg [dreg:$0x8];
	[sflag:s25] =	ssyncadd.s32 $0xFFFFFE00  }
0x1c: {  	[hbm4b:s26+s2] =	stream.linear.scatter [tilespmem:s29], [sflag:$0x3], $0x200, $0x38;
	[tilespmem:$0x3A00] =	vst v63  }
0x1d: {  	_ =	swait.ge [sflag:s25], $0x200  }
0x1e: {  	[sflag:s25] =	ssyncset.done $0x0  }
0x1f: {  	s29 =	simm.s32 $0x3800;
	s26 =	rddreg [dreg:$0x9];
	[sflag:s25] =	ssyncadd.s32 $0xFFFFFE00  }
0x20: {  	[hbm4b:s26+s2] =	stream.linear.scatter [tilespmem:s29], [sflag:$0x3], $0x200, $0x38;
	[tilespmem:$0x3A00] =	vst v63  }
0x21: {  	_ =	swait.ge [sflag:s25], $0x200  }
0x22: {  	s26 =	rddreg [dreg:$0xb]  }
0x23: {  	s29 =	rddreg [dreg:$0xa];
	s24 =	sadd.s32 $0x1, s26  }
0x24: {  	p0 =	sne.s32 s24, s29  }
.Ltmp1:
0x25: {  	_ = 	snop;
	(pc) =	sbr.rel @!p0 .LBB2_6-.Ltmp1, $3  }
0x26: {  	_ =	sdelay $0x1  }
0x27: {  	[sflag:s25] =	ssyncset.done $0x0  }
0x28: {  	[sflag:s25] =	ssyncadd.s32 $0xFFFFFE00  }
.LBB2_1:
0x29: {  	[dreg:$0xb] =	wrdreg s24  }
0x2a: {  	s23 =	rddreg [dreg:$0x5];
	s24 =	simm.s32 $0x80  }
0x2b: {  	[tilespmem:s2], [sflag:$0x3] =	stream.strided.gather [hbm4b:s23+s24], $0x200, s13, s24, $0x38;
	[tilespmem:$0x3A00] =	vst v63  }
0x2c: {  	_ =	swait.ge [sflag:s25], $0x200  }
0x2d: {  	[sflag:s25] =	ssyncset.done $0x0  }
0x2e: {  	s26 =	simm.s32 $0x200;
	s29 =	rddreg [dreg:$0x6];
	[sflag:s25] =	ssyncadd.s32 $0xFFFFFE00  }
0x2f: {  	[tilespmem:s26], [sflag:$0x3] =	stream.strided.gather [hbm4b:s29+s24], $0x200, s13, s24, $0x38;
	[tilespmem:$0x3A00] =	vst v63  }
0x30: {  	_ =	swait.ge [sflag:s25], $0x200  }
0x31: {  	[sflag:s25] =	ssyncset.done $0x0  }
0x32: {  	[sflag:s25] =	ssyncadd.s32 $0xFFFFFE00  }
0x33: {  	v15 =	vld [tilespmem:$0x0];
	_ =	sdelay $0x2  }
0x34: {  	v14 =	vld [tilespmem:$0x200];
	_ =	sdelay $0x1  }
0x35: {  	v0 =	vnsel vm0, $0x0, v15  }
0x36: {  	(xrf0) =	vadd.scan.msk.s32 $0xffff, v0;
	_ =	sdelay $0x1  }
0x37: {  	v0 =	vnsel vm0, $0x0, v14  }
0x38: {  	(xrf0) =	vadd.scan.msk.s32 $0xffff, v0;
	_ =	sdelay $0x2  }
0x39: {  	v0, _, _ =	vpop (xrf0)  }
0x3a: {  	(v2sf) =	vpush v0, $0xF  }
0x3b: {  	v1 =	vsel vm1, $0x0, v15  }
0x3c: {  	(xrf0) =	vadd.scan.msk.s32 $0xffff, v1;
	v0, _, _ =	vpop (xrf0)  }
0x3d: {  	(v2sf) =	vpush v0, $0xF;
	_ =	sdelay $0x1  }
0x3e: {  	v0 =	vsel vm1, $0x0, v14;
	_ =	sdelay $0x2  }
0x3f: {  	(xrf0) =	vadd.scan.msk.s32 $0xffff, v0;
	v0, _, _ =	vpop (xrf0)  }
0x40: {  	(v2sf) =	vpush v0, $0xF;
	_ =	sdelay $0x2  }
0x41: {  	v1 =	vsel vm2, $0x0, v15  }
0x42: {  	(xrf0) =	vadd.scan.msk.s32 $0xffff, v1  }
0x43: {  	v0, _, _ =	vpop (xrf0)  }
0x44: {  	s29 =	spop (v2sf);
	(v2sf) =	vpush v0, $0xF  }
0x45: {  	v0 =	vsel vm2, $0x0, v14;
	s23 =	sshll.u32 s29, $0x4  }
0x46: {  	(xrf0) =	vadd.scan.msk.s32 $0xffff, v0;
	s23 =	sand.u32 $0x1FFFFFF0, s23  }
0x47: {  	s24 =	spop (v2sf);
	s23 =	sadd.s32 s3, s23  }
0x48: {  	v0, _, _ =	vpop (xrf0);
	[tilespmem:s13], [sflag:$0x1] =	stream.linear.gather [hbm4b:s23+s2], $0x80, $0x38;
	[tilespmem:$0x3A00] =	vst v63  }
0x49: {  	s23 =	sshll.u32 s24, $0x4;
	(v2sf) =	vpush v0, $0xF  }
0x4a: {  	s23 =	sand.u32 $0x1FFFFFF0, s23  }
0x4b: {  	s25 =	sadd.s32 s4, s23  }
0x4c: {  	v1 =	vsel vm3, $0x0, v15;
	[tilespmem:s16], [sflag:$0x1] =	stream.linear.gather [hbm4b:s25+s2], $0x80, $0x38;
	v0, _, _ =	vpop (xrf0);
	[tilespmem:$0x3A00] =	vst v63  }
0x4d: {  	(xrf0) =	vadd.scan.msk.s32 $0xffff, v1;
	s23 =	sadd.s32 s5, s23;
	s26 =	spop (v2sf);
	(v2sf) =	vpush v0, $0xF  }
0x4e: {  	[tilespmem:s17], [sflag:$0x1] =	stream.linear.gather [hbm4b:s23+s2], $0x80, $0x38;
	[tilespmem:$0x3A00] =	vst v63  }
0x4f: {  	s23 =	sshll.u32 s26, $0x4  }
0x50: {  	s23 =	sand.u32 $0x1FFFFFF0, s23  }
0x51: {  	s29 =	simm.s32 $0x480;
	v0 =	vsel vm3, $0x0, v14;
	s23 =	sadd.s32 s3, s23  }
0x52: {  	[tilespmem:s29], [sflag:$0x1] =	stream.linear.gather [hbm4b:s23+s2], $0x80, $0x38;
	[tilespmem:$0x3A00] =	vst v63  }
0x53: {  	(xrf0) =	vadd.scan.msk.s32 $0xffff, v0;
	s25 =	spop (v2sf)  }
0x54: {  	v0, _, _ =	vpop (xrf0);
	s23 =	sshll.u32 s25, $0x4  }
0x55: {  	(v2sf) =	vpush v0, $0xF;
	s23 =	sand.u32 $0x1FFFFFF0, s23  }
0x56: {  	s29 =	simm.s32 $0xC80;
	s26 =	sadd.s32 s4, s23  }
0x57: {  	v1 =	vsel vm4, $0x0, v15;
	[tilespmem:s29], [sflag:$0x1] =	stream.linear.gather [hbm4b:s26+s2], $0x80, $0x38;
	[tilespmem:$0x3A00] =	vst v63  }
0x58: {  	(xrf0) =	vadd.scan.msk.s32 $0xffff, v1;
	s25 =	simm.s32 $0x1480;
	s23 =	sadd.s32 s5, s23;
	s26 =	spop (v2sf)  }
0x59: {  	v0, _, _ =	vpop (xrf0);
	[tilespmem:s25], [sflag:$0x1] =	stream.linear.gather [hbm4b:s23+s2], $0x80, $0x38;
	[tilespmem:$0x3A00] =	vst v63  }
0x5a: {  	(v2sf) =	vpush v0, $0xF;
	s23 =	sshll.u32 s26, $0x4  }
0x5b: {  	v0 =	vsel vm4, $0x0, v14;
	s23 =	sand.u32 $0x1FFFFFF0, s23  }
0x5c: {  	s29 =	simm.s32 $0x500;
	s23 =	sadd.s32 s3, s23;
	s25 =	spop (v2sf)  }
0x5d: {  	[tilespmem:s29], [sflag:$0x1] =	stream.linear.gather [hbm4b:s23+s2], $0x80, $0x38;
	[tilespmem:$0x3A00] =	vst v63  }
0x5e: {  	(xrf0) =	vadd.scan.msk.s32 $0xffff, v0;
	v0, _, _ =	vpop (xrf0);
	s23 =	sshll.u32 s25, $0x4  }
0x5f: {  	(v2sf) =	vpush v0, $0xF;
	s23 =	sand.u32 $0x1FFFFFF0, s23  }
0x60: {  	s29 =	simm.s32 $0xD00;
	s26 =	sadd.s32 s4, s23  }
0x61: {  	v1 =	vsel vm5, $0x0, v15;
	[tilespmem:s29], [sflag:$0x1] =	stream.linear.gather [hbm4b:s26+s2], $0x80, $0x38;
	[tilespmem:$0x3A00] =	vst v63  }
0x62: {  	(xrf0) =	vadd.scan.msk.s32 $0xffff, v1;
	s25 =	simm.s32 $0x1500;
	s23 =	sadd.s32 s5, s23  }
0x63: {  	[tilespmem:s25], [sflag:$0x1] =	stream.linear.gather [hbm4b:s23+s2], $0x80, $0x38;
	[tilespmem:$0x3A00] =	vst v63  }
0x64: {  	v0, _, _ =	vpop (xrf0);
	s26 =	spop (v2sf)  }
0x65: {  	(v2sf) =	vpush v0, $0xF;
	s23 =	sshll.u32 s26, $0x4  }
0x66: {  	v0 =	vsel vm5, $0x0, v14;
	s23 =	sand.u32 $0x1FFFFFF0, s23  }
0x67: {  	s29 =	simm.s32 $0x580;
	(xrf0) =	vadd.scan.msk.s32 $0xffff, v0;
	s23 =	sadd.s32 s3, s23  }
0x68: {  	[tilespmem:s29], [sflag:$0x1] =	stream.linear.gather [hbm4b:s23+s2], $0x80, $0x38;
	[tilespmem:$0x3A00] =	vst v63  }
0x69: {  	v0, _, _ =	vpop (xrf0);
	s25 =	spop (v2sf)  }
0x6a: {  	(v2sf) =	vpush v0, $0xF;
	s23 =	sshll.u32 s25, $0x4  }
0x6b: {  	s23 =	sand.u32 $0x1FFFFFF0, s23  }
0x6c: {  	s29 =	simm.s32 $0xD80;
	s26 =	sadd.s32 s4, s23  }
0x6d: {  	v1 =	vsel vm6, $0x0, v15;
	v0, _, _ =	vpop (xrf0);
	[tilespmem:s29], [sflag:$0x1] =	stream.linear.gather [hbm4b:s26+s2], $0x80, $0x38;
	[tilespmem:$0x3A00] =	vst v63  }
0x6e: {  	(xrf0) =	vadd.scan.msk.s32 $0xffff, v1;
	s25 =	simm.s32 $0x1580;
	s23 =	sadd.s32 s5, s23;
	s26 =	spop (v2sf);
	(v2sf) =	vpush v0, $0xF  }
0x6f: {  	[tilespmem:s25], [sflag:$0x1] =	stream.linear.gather [hbm4b:s23+s2], $0x80, $0x38;
	[tilespmem:$0x3A00] =	vst v63  }
0x70: {  	s23 =	sshll.u32 s26, $0x4  }
0x71: {  	s23 =	sand.u32 $0x1FFFFFF0, s23  }
0x72: {  	s29 =	simm.s32 $0x600;
	v0 =	vsel vm6, $0x0, v14;
	s23 =	sadd.s32 s3, s23  }
0x73: {  	[tilespmem:s29], [sflag:$0x1] =	stream.linear.gather [hbm4b:s23+s2], $0x80, $0x38;
	[tilespmem:$0x3A00] =	vst v63  }
0x74: {  	(xrf0) =	vadd.scan.msk.s32 $0xffff, v0;
	s25 =	spop (v2sf)  }
0x75: {  	v0, _, _ =	vpop (xrf0);
	s23 =	sshll.u32 s25, $0x4  }
0x76: {  	(v2sf) =	vpush v0, $0xF;
	s23 =	sand.u32 $0x1FFFFFF0, s23  }
0x77: {  	s29 =	simm.s32 $0xE00;
	s26 =	sadd.s32 s4, s23  }
0x78: {  	v1 =	vsel vm7, $0x0, v15;
	[tilespmem:s29], [sflag:$0x1] =	stream.linear.gather [hbm4b:s26+s2], $0x80, $0x38;
	[tilespmem:$0x3A00] =	vst v63  }
0x79: {  	(xrf0) =	vadd.scan.msk.s32 $0xffff, v1;
	s25 =	simm.s32 $0x1600;
	s23 =	sadd.s32 s5, s23;
	s26 =	spop (v2sf)  }
0x7a: {  	v0, _, _ =	vpop (xrf0);
	[tilespmem:s25], [sflag:$0x1] =	stream.linear.gather [hbm4b:s23+s2], $0x80, $0x38;
	[tilespmem:$0x3A00] =	vst v63  }
0x7b: {  	(v2sf) =	vpush v0, $0xF;
	s23 =	sshll.u32 s26, $0x4  }
0x7c: {  	v0 =	vsel vm7, $0x0, v14;
	s23 =	sand.u32 $0x1FFFFFF0, s23  }
0x7d: {  	s29 =	simm.s32 $0x680;
	s23 =	sadd.s32 s3, s23;
	s25 =	spop (v2sf)  }
0x7e: {  	[tilespmem:s29], [sflag:$0x1] =	stream.linear.gather [hbm4b:s23+s2], $0x80, $0x38;
	[tilespmem:$0x3A00] =	vst v63  }
0x7f: {  	(xrf0) =	vadd.scan.msk.s32 $0xffff, v0;
	v0, _, _ =	vpop (xrf0);
	s23 =	sshll.u32 s25, $0x4  }
0x80: {  	(v2sf) =	vpush v0, $0xF;
	s23 =	sand.u32 $0x1FFFFFF0, s23  }
0x81: {  	s29 =	simm.s32 $0xE80;
	s26 =	sadd.s32 s4, s23  }
0x82: {  	v1 =	vsel vm8, $0x0, v15;
	[tilespmem:s29], [sflag:$0x1] =	stream.linear.gather [hbm4b:s26+s2], $0x80, $0x38;
	[tilespmem:$0x3A00] =	vst v63  }
0x83: {  	(xrf0) =	vadd.scan.msk.s32 $0xffff, v1;
	s25 =	simm.s32 $0x1680;
	s23 =	sadd.s32 s5, s23  }
0x84: {  	[tilespmem:s25], [sflag:$0x1] =	stream.linear.gather [hbm4b:s23+s2], $0x80, $0x38;
	[tilespmem:$0x3A00] =	vst v63  }
0x85: {  	v0, _, _ =	vpop (xrf0);
	s26 =	spop (v2sf)  }
0x86: {  	(v2sf) =	vpush v0, $0xF;
	s23 =	sshll.u32 s26, $0x4  }
0x87: {  	v0 =	vsel vm8, $0x0, v14;
	s23 =	sand.u32 $0x1FFFFFF0, s23  }
0x88: {  	s29 =	simm.s32 $0x700;
	(xrf0) =	vadd.scan.msk.s32 $0xffff, v0;
	s23 =	sadd.s32 s3, s23  }
0x89: {  	[tilespmem:s29], [sflag:$0x1] =	stream.linear.gather [hbm4b:s23+s2], $0x80, $0x38;
	[tilespmem:$0x3A00] =	vst v63  }
0x8a: {  	v0, _, _ =	vpop (xrf0);
	s25 =	spop (v2sf)  }
0x8b: {  	(v2sf) =	vpush v0, $0xF;
	s23 =	sshll.u32 s25, $0x4  }
0x8c: {  	s23 =	sand.u32 $0x1FFFFFF0, s23  }
0x8d: {  	s29 =	simm.s32 $0xF00;
	s26 =	sadd.s32 s4, s23  }
0x8e: {  	v1 =	vsel vm9, $0x0, v15;
	v0, _, _ =	vpop (xrf0);
	[tilespmem:s29], [sflag:$0x1] =	stream.linear.gather [hbm4b:s26+s2], $0x80, $0x38;
	[tilespmem:$0x3A00] =	vst v63  }
0x8f: {  	(xrf0) =	vadd.scan.msk.s32 $0xffff, v1;
	s25 =	simm.s32 $0x1700;
	s23 =	sadd.s32 s5, s23;
	s26 =	spop (v2sf);
	(v2sf) =	vpush v0, $0xF  }
0x90: {  	[tilespmem:s25], [sflag:$0x1] =	stream.linear.gather [hbm4b:s23+s2], $0x80, $0x38;
	[tilespmem:$0x3A00] =	vst v63  }
0x91: {  	s23 =	sshll.u32 s26, $0x4  }
0x92: {  	s23 =	sand.u32 $0x1FFFFFF0, s23  }
0x93: {  	s29 =	simm.s32 $0x780;
	v0 =	vsel vm9, $0x0, v14;
	s23 =	sadd.s32 s3, s23  }
0x94: {  	[tilespmem:s29], [sflag:$0x1] =	stream.linear.gather [hbm4b:s23+s2], $0x80, $0x38;
	[tilespmem:$0x3A00] =	vst v63  }
0x95: {  	(xrf0) =	vadd.scan.msk.s32 $0xffff, v0;
	s25 =	spop (v2sf)  }
0x96: {  	v0, _, _ =	vpop (xrf0);
	s23 =	sshll.u32 s25, $0x4  }
0x97: {  	(v2sf) =	vpush v0, $0xF;
	s23 =	sand.u32 $0x1FFFFFF0, s23  }
0x98: {  	s29 =	simm.s32 $0xF80;
	s26 =	sadd.s32 s4, s23  }
0x99: {  	v1 =	vsel vm10, $0x0, v15;
	[tilespmem:s29], [sflag:$0x1] =	stream.linear.gather [hbm4b:s26+s2], $0x80, $0x38;
	[tilespmem:$0x3A00] =	vst v63  }
0x9a: {  	(xrf0) =	vadd.scan.msk.s32 $0xffff, v1;
	s25 =	simm.s32 $0x1780;
	s23 =	sadd.s32 s5, s23;
	s26 =	spop (v2sf)  }
0x9b: {  	v0, _, _ =	vpop (xrf0);
	[tilespmem:s25], [sflag:$0x1] =	stream.linear.gather [hbm4b:s23+s2], $0x80, $0x38;
	[tilespmem:$0x3A00] =	vst v63  }
0x9c: {  	(v2sf) =	vpush v0, $0xF;
	s23 =	sshll.u32 s26, $0x4  }
0x9d: {  	v0 =	vsel vm10, $0x0, v14;
	s23 =	sand.u32 $0x1FFFFFF0, s23  }
0x9e: {  	s29 =	simm.s32 $0x800;
	s23 =	sadd.s32 s3, s23;
	s25 =	spop (v2sf)  }
0x9f: {  	[tilespmem:s29], [sflag:$0x1] =	stream.linear.gather [hbm4b:s23+s2], $0x80, $0x38;
	[tilespmem:$0x3A00] =	vst v63  }
0xa0: {  	(xrf0) =	vadd.scan.msk.s32 $0xffff, v0;
	v0, _, _ =	vpop (xrf0);
	s23 =	sshll.u32 s25, $0x4  }
0xa1: {  	(v2sf) =	vpush v0, $0xF;
	s23 =	sand.u32 $0x1FFFFFF0, s23  }
0xa2: {  	s29 =	simm.s32 $0x1000;
	s26 =	sadd.s32 s4, s23  }
0xa3: {  	v1 =	vsel vm11, $0x0, v15;
	[tilespmem:s29], [sflag:$0x1] =	stream.linear.gather [hbm4b:s26+s2], $0x80, $0x38;
	[tilespmem:$0x3A00] =	vst v63  }
0xa4: {  	(xrf0) =	vadd.scan.msk.s32 $0xffff, v1;
	s25 =	simm.s32 $0x1800;
	s23 =	sadd.s32 s5, s23  }
0xa5: {  	[tilespmem:s25], [sflag:$0x1] =	stream.linear.gather [hbm4b:s23+s2], $0x80, $0x38;
	[tilespmem:$0x3A00] =	vst v63  }
0xa6: {  	v0, _, _ =	vpop (xrf0);
	s26 =	spop (v2sf)  }
0xa7: {  	(v2sf) =	vpush v0, $0xF;
	s23 =	sshll.u32 s26, $0x4  }
0xa8: {  	v0 =	vsel vm11, $0x0, v14;
	s23 =	sand.u32 $0x1FFFFFF0, s23  }
0xa9: {  	s29 =	simm.s32 $0x880;
	(xrf0) =	vadd.scan.msk.s32 $0xffff, v0;
	s23 =	sadd.s32 s3, s23  }
0xaa: {  	[tilespmem:s29], [sflag:$0x1] =	stream.linear.gather [hbm4b:s23+s2], $0x80, $0x38;
	[tilespmem:$0x3A00] =	vst v63  }
0xab: {  	v0, _, _ =	vpop (xrf0);
	s25 =	spop (v2sf)  }
0xac: {  	(v2sf) =	vpush v0, $0xF;
	s23 =	sshll.u32 s25, $0x4  }
0xad: {  	s23 =	sand.u32 $0x1FFFFFF0, s23  }
0xae: {  	s29 =	simm.s32 $0x1080;
	s26 =	sadd.s32 s4, s23  }
0xaf: {  	v1 =	vsel vm12, $0x0, v15;
	v0, _, _ =	vpop (xrf0);
	[tilespmem:s29], [sflag:$0x1] =	stream.linear.gather [hbm4b:s26+s2], $0x80, $0x38;
	[tilespmem:$0x3A00] =	vst v63  }
0xb0: {  	(xrf0) =	vadd.scan.msk.s32 $0xffff, v1;
	s25 =	simm.s32 $0x1880;
	s23 =	sadd.s32 s5, s23;
	s26 =	spop (v2sf);
	(v2sf) =	vpush v0, $0xF  }
0xb1: {  	[tilespmem:s25], [sflag:$0x1] =	stream.linear.gather [hbm4b:s23+s2], $0x80, $0x38;
	[tilespmem:$0x3A00] =	vst v63  }
0xb2: {  	s23 =	sshll.u32 s26, $0x4  }
0xb3: {  	v0 =	vsel vm12, $0x0, v14;
	s23 =	sand.u32 $0x1FFFFFF0, s23  }
0xb4: {  	s29 =	simm.s32 $0x900;
	(xrf0) =	vadd.scan.msk.s32 $0xffff, v0;
	s23 =	sadd.s32 s3, s23  }
0xb5: {  	[tilespmem:s29], [sflag:$0x1] =	stream.linear.gather [hbm4b:s23+s2], $0x80, $0x38;
	[tilespmem:$0x3A00] =	vst v63  }
0xb6: {  	s25 =	spop (v2sf)  }
0xb7: {  	v0, _, _ =	vpop (xrf0);
	s23 =	sshll.u32 s25, $0x4  }
0xb8: {  	(v2sf) =	vpush v0, $0xF;
	s23 =	sand.u32 $0x1FFFFFF0, s23  }
0xb9: {  	s29 =	simm.s32 $0x1100;
	s26 =	sadd.s32 s4, s23  }
0xba: {  	[tilespmem:s29], [sflag:$0x1] =	stream.linear.gather [hbm4b:s26+s2], $0x80, $0x38;
	[tilespmem:$0x3A00] =	vst v63  }
0xbb: {  	v0, _, _ =	vpop (xrf0);
	s25 =	simm.s32 $0x1900;
	s23 =	sadd.s32 s5, s23;
	s26 =	spop (v2sf)  }
0xbc: {  	(v2sf) =	vpush v0, $0xF;
	v0 =	vsel vm13, $0x0, v15;
	[tilespmem:s25], [sflag:$0x1] =	stream.linear.gather [hbm4b:s23+s2], $0x80, $0x38;
	[tilespmem:$0x3A00] =	vst v63  }
0xbd: {  	(xrf0) =	vadd.scan.msk.s32 $0xffff, v0;
	s23 =	sshll.u32 s26, $0x4  }
0xbe: {  	v0 =	vsel vm13, $0x0, v14;
	s23 =	sand.u32 $0x1FFFFFF0, s23  }
0xbf: {  	s29 =	simm.s32 $0x980;
	(xrf0) =	vadd.scan.msk.s32 $0xffff, v0;
	s23 =	sadd.s32 s3, s23;
	s25 =	spop (v2sf)  }
0xc0: {  	[tilespmem:s29], [sflag:$0x1] =	stream.linear.gather [hbm4b:s23+s2], $0x80, $0x38;
	[tilespmem:$0x3A00] =	vst v63  }
0xc1: {  	s23 =	sshll.u32 s25, $0x4  }
0xc2: {  	s23 =	sand.u32 $0x1FFFFFF0, s23  }
0xc3: {  	s29 =	simm.s32 $0x1180;
	s26 =	sadd.s32 s4, s23;
	v0, _, _ =	vpop (xrf0)  }
0xc4: {  	v1 =	vsel vm14, $0x0, v15;
	[tilespmem:s29], [sflag:$0x1] =	stream.linear.gather [hbm4b:s26+s2], $0x80, $0x38;
	(v2sf) =	vpush v0, $0xF;
	[tilespmem:$0x3A00] =	vst v63  }
0xc5: {  	s25 =	simm.s32 $0x1980;
	s23 =	sadd.s32 s5, s23;
	(xrf0) =	vadd.scan.msk.s32 $0xffff, v1  }
0xc6: {  	v0, _, _ =	vpop (xrf0);
	[tilespmem:s25], [sflag:$0x1] =	stream.linear.gather [hbm4b:s23+s2], $0x80, $0x38;
	[tilespmem:$0x3A00] =	vst v63  }
0xc7: {  	s26 =	spop (v2sf);
	(v2sf) =	vpush v0, $0xF  }
0xc8: {  	s23 =	sshll.u32 s26, $0x4  }
0xc9: {  	v0 =	vsel vm14, $0x0, v14;
	s23 =	sand.u32 $0x1FFFFFF0, s23  }
0xca: {  	s29 =	simm.s32 $0xA00;
	s23 =	sadd.s32 s3, s23  }
0xcb: {  	[tilespmem:s29], [sflag:$0x1] =	stream.linear.gather [hbm4b:s23+s2], $0x80, $0x38;
	[tilespmem:$0x3A00] =	vst v63  }
0xcc: {  	(xrf0) =	vadd.scan.msk.s32 $0xffff, v0;
	v0, _, _ =	vpop (xrf0);
	s25 =	spop (v2sf)  }
0xcd: {  	(v2sf) =	vpush v0, $0xF;
	s23 =	sshll.u32 s25, $0x4  }
0xce: {  	v0 =	vsel vm15, $0x0, v15;
	s23 =	sand.u32 $0x1FFFFFF0, s23  }
0xcf: {  	s29 =	simm.s32 $0x1200;
	(xrf0) =	vadd.scan.msk.s32 $0xffff, v0;
	s26 =	sadd.s32 s4, s23  }
0xd0: {  	[tilespmem:s29], [sflag:$0x1] =	stream.linear.gather [hbm4b:s26+s2], $0x80, $0x38;
	[tilespmem:$0x3A00] =	vst v63  }
0xd1: {  	s25 =	simm.s32 $0x1A00;
	s23 =	sadd.s32 s5, s23  }
0xd2: {  	v1, _, _ =	vpop (xrf0);
	[tilespmem:s25], [sflag:$0x1] =	stream.linear.gather [hbm4b:s23+s2], $0x80, $0x38;
	[tilespmem:$0x3A00] =	vst v63  }
0xd3: {  	s26 =	spop (v2sf);
	(v2sf) =	vpush v1, $0xF  }
0xd4: {  	v0 =	vsel vm15, $0x0, v14;
	s23 =	sshll.u32 s26, $0x4  }
0xd5: {  	v1, _, _ =	vpop (xrf0);
	(xrf0) =	vadd.scan.msk.s32 $0xffff, v0;
	s23 =	sand.u32 $0x1FFFFFF0, s23  }
0xd6: {  	s29 =	simm.s32 $0xA80;
	s23 =	sadd.s32 s3, s23;
	s24 =	spop (v2sf)  }
0xd7: {  	[tilespmem:s29], [sflag:$0x1] =	stream.linear.gather [hbm4b:s23+s2], $0x80, $0x38;
	[tilespmem:$0x3A00] =	vst v63  }
0xd8: {  	(v2sf) =	vpush v1, $0xF;
	s23 =	sshll.u32 s24, $0x4  }
0xd9: {  	s23 =	sand.u32 $0x1FFFFFF0, s23  }
0xda: {  	s26 =	simm.s32 $0x1280;
	s25 =	sadd.s32 s4, s23  }
0xdb: {  	v0, _, _ =	vpop (xrf0);
	[tilespmem:s26], [sflag:$0x1] =	stream.linear.gather [hbm4b:s25+s2], $0x80, $0x38;
	[tilespmem:$0x3A00] =	vst v63  }
0xdc: {  	s29 =	simm.s32 $0x1A80;
	s23 =	sadd.s32 s5, s23;
	s25 =	spop (v2sf);
	(v2sf) =	vpush v0, $0xF  }
0xdd: {  	[tilespmem:s29], [sflag:$0x1] =	stream.linear.gather [hbm4b:s23+s2], $0x80, $0x38;
	[tilespmem:$0x3A00] =	vst v63  }
0xde: {  	s23 =	sshll.u32 s25, $0x4  }
0xdf: {  	s23 =	sand.u32 $0x1FFFFFF0, s23  }
0xe0: {  	s29 =	simm.s32 $0xB00;
	s23 =	sadd.s32 s3, s23  }
0xe1: {  	[tilespmem:s29], [sflag:$0x1] =	stream.linear.gather [hbm4b:s23+s2], $0x80, $0x38;
	[tilespmem:$0x3A00] =	vst v63  }
0xe2: {  	s26 =	spop (v2sf)  }
0xe3: {  	s25 =	sshll.u32 s26, $0x4  }
0xe4: {  	s23 =	sand.u32 $0x1FFFFFF0, s25  }
0xe5: {  	s29 =	simm.s32 $0x1300;
	s26 =	sadd.s32 s4, s23  }
0xe6: {  	[tilespmem:s29], [sflag:$0x1] =	stream.linear.gather [hbm4b:s26+s2], $0x80, $0x38;
	[tilespmem:$0x3A00] =	vst v63  }
0xe7: {  	s26 =	spop (v2sf)  }
0xe8: {  	s23 =	sadd.s32 s5, s23;
	s29 =	simm.s32 $0x1B00;
	s26 =	sshll.u32 s26, $0x4  }
0xe9: {  	[tilespmem:s29], [sflag:$0x1] =	stream.linear.gather [hbm4b:s23+s2], $0x80, $0x38;
	[tilespmem:$0x3A00] =	vst v63  }
0xea: {  	s23 =	sand.u32 $0x1FFFFFF0, s26  }
0xeb: {  	s29 =	simm.s32 $0xB80;
	s23 =	sadd.s32 s3, s23;
	s24 =	spop (v2sf)  }
0xec: {  	[tilespmem:s29], [sflag:$0x1] =	stream.linear.gather [hbm4b:s23+s2], $0x80, $0x38;
	[tilespmem:$0x3A00] =	vst v63  }
0xed: {  	s23 =	sshll.u32 s24, $0x4  }
0xee: {  	s23 =	sand.u32 $0x1FFFFFF0, s23  }
.Ltmp2:
0xef: {  	s26 =	simm.s32 $0x1380;
	s25 =	sadd.s32 s4, s23;
	(pc) =	sbr.rel .LBB2_2-.Ltmp2, $4  }
0xf0: {  	[tilespmem:s26], [sflag:$0x1] =	stream.linear.gather [hbm4b:s25+s2], $0x80, $0x38;
	[tilespmem:$0x3A00] =	vst v63  }
0xf1: {  	s29 =	simm.s32 $0x1B80;
	s23 =	sadd.s32 s5, s23  }
0xf2: {  	[tilespmem:s29], [sflag:$0x1] =	stream.linear.gather [hbm4b:s23+s2], $0x80, $0x38;
	[tilespmem:$0x3A00] =	vst v63  }
0xf3: {  	s23 =	simm.s32 $0x0  }
.LBB2_4:
0xf4: {  	_ =	swait.ge [sflag:s22], $0x800  }
0xf5: {  	[sflag:s22] =	ssyncset.done $0x0  }
0xf6: {  	[sflag:s22] =	ssyncadd.s32 $0xFFFFF800  }
0xf7: {  	_ =	swait.ge [sflag:s22], $0x800  }
0xf8: {  	[sflag:s22] =	ssyncset.done $0x0  }
0xf9: {  	[sflag:s22] =	ssyncadd.s32 $0xFFFFF800  }
0xfa: {  	_ =	swait.ge [sflag:s22], $0x800  }
0xfb: {  	v0 =	vld [tilespmem:$0x1FF30];
	_ =	sdelay $0x5  }
0xfc: {  	[sflag:s22] =	ssyncset.done $0x0  }
0xfd: {  	[sflag:s22] =	ssyncadd.s32 $0xFFFFF800  }
0xfe: {  	v3 =	vld.idx.msk [tilespmem:v0+s10+$0x0], $0xffff  }
0xff: {  	v4 =	vld.idx.msk [tilespmem:v0+s11+$0x0], $0xffff;
	_ =	sdelay $0x3  }
0x100: {  	[tilespmem:$0x1FC70] =	vst v3  }
0x101: {  	[tilespmem:$0x1FC80] =	vst v4;
	v1 =	vmul.f32 v3, v3;
	v3 =	vmul.f32 v4, v4;
	v4 =	vld [tilespmem:$0x1FF60];
	_ =	sdelay $0x4  }
0x102: {  	v0 =	vld [tilespmem:$0x1FF40];
	_ =	sdelay $0x1  }
0x103: {  	v2 =	vld [tilespmem:$0x1FF50]  }
0x104: {  	v7 =	vld.idx.msk [tilespmem:v4+s10+$0x0], $0xffff  }
0x105: {  	v10 =	vld.idx.msk [tilespmem:v4+s11+$0x0], $0xffff  }
0x106: {  	v4 =	vld [tilespmem:$0x1FF70]  }
0x107: {  	v40 =	vld.idx.msk [tilespmem:v48+s10+$0x0], $0xffff  }
0x108: {  	v42 =	vld.idx.msk [tilespmem:v48+s11+$0x0], $0xffff  }
0x109: {  	v6 =	vld.idx.msk [tilespmem:v0+s10+$0x0], $0xffff  }
0x10a: {  	v8 =	vld.idx.msk [tilespmem:v0+s11+$0x0], $0xffff;
	_ =	sdelay $0x1  }
0x10b: {  	v5 =	vld.idx.msk [tilespmem:v2+s10+$0x0], $0xffff;
	v0 =	vmul.f32 v40, v40  }
0x10c: {  	v9 =	vld.idx.msk [tilespmem:v2+s11+$0x0], $0xffff;
	v2 =	vmul.f32 v42, v42  }
0x10d: {  	v0 =	vadd.f32 v1, v0;
	[tilespmem:$0x1FC90] =	vst v6;
	v1 =	vmul.f32 v6, v6;
	v6 =	vld.idx.msk [tilespmem:v4+s10+$0x0], $0xffff  }
0x10e: {  	v2 =	vadd.f32 v3, v2;
	[tilespmem:$0x1FCA0] =	vst v8;
	v3 =	vmul.f32 v8, v8;
	v8 =	vld.idx.msk [tilespmem:v4+s11+$0x0], $0xffff  }
0x10f: {  	v4 =	vld [tilespmem:$0x1FF80];
	_ =	sdelay $0x7  }
0x110: {  	[tilespmem:$0x1FCB0] =	vst v5;
	v0 =	vadd.f32 v1, v0;
	v1 =	vmul.f32 v5, v5;
	v5 =	vld.idx.msk [tilespmem:v4+s10+$0x0], $0xffff  }
0x111: {  	v37 =	vld.idx.msk [tilespmem:v4+s11+$0x0], $0xffff  }
0x112: {  	v4 =	vld [tilespmem:$0x1FF90];
	_ =	sdelay $0x7  }
0x113: {  	v38 =	vld.idx.msk [tilespmem:v4+s10+$0x0], $0xffff  }
0x114: {  	v0 =	vadd.f32 v1, v0;
	v1 =	vmul.f32 v7, v7;
	v35 =	vld.idx.msk [tilespmem:v4+s11+$0x0], $0xffff  }
0x115: {  	v4 =	vld [tilespmem:$0x1FFA0]  }
0x116: {  	v0 =	vadd.f32 v1, v0;
	v1 =	vmul.f32 v6, v6;
	_ =	sdelay $0x1  }
0x117: {  	v0 =	vadd.f32 v1, v0;
	v1 =	vmul.f32 v5, v5;
	_ =	sdelay $0x1  }
0x118: {  	v0 =	vadd.f32 v1, v0;
	v1 =	vmul.f32 v38, v38  }
0x119: {  	v52 =	vld [tilespmem:$0x1FFC0]  }
0x11a: {  	v0 =	vadd.f32 v1, v0;
	v1 =	vld [tilespmem:$0x1FD60]  }
0x11b: {  	[tilespmem:$0x1FCF0] =	vst v6;
	v6 =	vld.idx.msk [tilespmem:v4+s10+$0x0], $0xffff  }
0x11c: {  	v36 =	vld.idx.msk [tilespmem:v4+s11+$0x0], $0xffff  }
0x11d: {  	v4 =	vld [tilespmem:$0x1FFB0]  }
0x11e: {  	v2 =	vadd.f32 v3, v2;
	v3 =	vmul.f32 v9, v9;
	_ =	sdelay $0x1  }
0x11f: {  	v2 =	vadd.f32 v3, v2;
	v3 =	vmul.f32 v10, v10  }
0x120: {  	v49 =	vld [tilespmem:$0x1FFD0]  }
0x121: {  	v2 =	vadd.f32 v3, v2;
	v3 =	vmul.f32 v8, v8  }
0x122: {  	v34 =	vld.idx.msk [tilespmem:v52+s11+$0x0], $0xffff  }
0x123: {  	v2 =	vadd.f32 v3, v2;
	v3 =	vmul.f32 v37, v37;
	v51 =	vld.idx.msk [tilespmem:v1+s10+$0x0], $0xffff  }
0x124: {  	[tilespmem:$0x1FD00] =	vst v8;
	v8 =	vld.idx.msk [tilespmem:v4+s11+$0x0], $0xffff  }
0x125: {  	v2 =	vadd.f32 v3, v2;
	v3 =	vmul.f32 v35, v35;
	v50 =	vld.idx.msk [tilespmem:v1+s11+$0x0], $0xffff  }
0x126: {  	[tilespmem:$0x1FD10] =	vst v5;
	v5 =	vld.idx.msk [tilespmem:v4+s10+$0x0], $0xffff  }
0x127: {  	v2 =	vadd.f32 v3, v2;
	v3 =	vmul.f32 v36, v36;
	v1 =	vld [tilespmem:$0x1FD70]  }
0x128: {  	v55 =	vld.idx.msk [tilespmem:v49+s11+$0x0], $0xffff;
	v4 =	vmul.f32 v6, v6  }
0x129: {  	v2 =	vadd.f32 v3, v2;
	v3 =	vmul.f32 v8, v8  }
0x12a: {  	v32 =	vld [tilespmem:$0x1FFE0];
	v0 =	vadd.f32 v4, v0  }
0x12b: {  	[tilespmem:$0x1FD30] =	vst v5;
	v4 =	vmul.f32 v5, v5;
	v5 =	vmul.f32 v34, v34;
	v3 =	vadd.f32 v3, v2;
	_ =	sdelay $0x1  }
0x12c: {  	v53 =	vld.idx.msk [tilespmem:v49+s10+$0x0], $0xffff;
	[tilespmem:$0x1FD20] =	vst v6;
	v6 =	vmul.f32 v55, v55;
	v5 =	vadd.f32 v5, v3  }
0x12d: {  	[tilespmem:$0x1FCD0] =	vst v7;
	v7 =	vld.idx.msk [tilespmem:v52+s10+$0x0], $0xffff  }
0x12e: {  	[tilespmem:$0x1FD40] =	vst v8;
	v8 =	vadd.f32 v6, v5;
	v5 =	vld.idx.msk [tilespmem:v1+s10+$0x0], $0xffff  }
0x12f: {  	v6 =	vld.idx.msk [tilespmem:v1+s11+$0x0], $0xffff  }
0x130: {  	v1 =	vld [tilespmem:$0x1FD80]  }
0x131: {  	v54 =	vld.idx.msk [tilespmem:v32+s10+$0x0], $0xffff  }
0x132: {  	v56 =	vld.idx.msk [tilespmem:v32+s11+$0x0], $0xffff;
	v0 =	vadd.f32 v4, v0;
	v4 =	vmul.f32 v7, v7  }
0x133: {  	v41 =	vld [tilespmem:$0x1FFF0]  }
0x134: {  	v0 =	vadd.f32 v4, v0;
	v4 =	vmul.f32 v53, v53;
	_ =	sdelay $0x1  }
0x135: {  	[tilespmem:$0x1FD50] =	vst v7;
	v7 =	vmul.f32 v54, v54;
	v0 =	vadd.f32 v4, v0  }
0x136: {  	[tilespmem:$0x1FCC0] =	vst v9;
	v9 =	vmul.f32 v56, v56  }
0x137: {  	v0 =	vadd.f32 v7, v0;
	v7 =	vld.idx.msk [tilespmem:v1+s10+$0x0], $0xffff  }
0x138: {  	v9 =	vadd.f32 v9, v8;
	v8 =	vld.idx.msk [tilespmem:v1+s11+$0x0], $0xffff  }
0x139: {  	v1 =	vld [tilespmem:$0x1FD90]  }
0x13a: {  	v57 =	vld.idx.msk [tilespmem:v41+s11+$0x0], $0xffff;
	_ =	sdelay $0x4  }
0x13b: {  	v11 =	vmul.f32 v57, v57  }
0x13c: {  	v33 =	vld.idx.msk [tilespmem:v41+s10+$0x0], $0xffff  }
0x13d: {  	v12 =	vadd.f32 v11, v9;
	v9 =	vld.idx.msk [tilespmem:v1+s10+$0x0], $0xffff  }
0x13e: {  	v4 =	vld.idx.msk [tilespmem:v1+s11+$0x0], $0xffff  }
0x13f: {  	v1 =	vld [tilespmem:$0x1FDA0];
	_ =	sdelay $0x3  }
0x140: {  	[tilespmem:$0x1FCE0] =	vst v10;
	v10 =	vmul.f32 v33, v33;
	_ =	sdelay $0x1  }
0x141: {  	v0 =	vadd.f32 v10, v0;
	v10 =	vmul.f32 v51, v51  }
0x142: {  	v13 =	vmul.f32 v50, v50  }
0x143: {  	v0 =	vadd.f32 v10, v0;
	v10 =	vld.idx.msk [tilespmem:v1+s10+$0x0], $0xffff  }
0x144: {  	v12 =	vadd.f32 v13, v12;
	v13 =	vld.idx.msk [tilespmem:v1+s11+$0x0], $0xffff  }
0x145: {  	v1 =	vld [tilespmem:$0x1FDB0];
	_ =	sdelay $0x4  }
0x146: {  	v14 =	vmul.f32 v5, v5  }
0x147: {  	v15 =	vmul.f32 v6, v6  }
0x148: {  	v0 =	vadd.f32 v14, v0;
	v14 =	vmul.f32 v7, v7  }
0x149: {  	v15 =	vadd.f32 v15, v12;
	v12 =	vld.idx.msk [tilespmem:v1+s10+$0x0], $0xffff  }
0x14a: {  	v0 =	vadd.f32 v14, v0;
	v14 =	vld.idx.msk [tilespmem:v1+s11+$0x0], $0xffff  }
0x14b: {  	v1 =	vld [tilespmem:$0x1FDC0];
	_ =	sdelay $0x5  }
0x14c: {  	v16 =	vmul.f32 v8, v8  }
0x14d: {  	v17 =	vmul.f32 v9, v9  }
0x14e: {  	v16 =	vadd.f32 v16, v15;
	v15 =	vld.idx.msk [tilespmem:v1+s10+$0x0], $0xffff  }
0x14f: {  	v0 =	vadd.f32 v17, v0;
	v17 =	vld.idx.msk [tilespmem:v1+s11+$0x0], $0xffff  }
0x150: {  	v1 =	vld [tilespmem:$0x1FDD0];
	_ =	sdelay $0x5  }
0x151: {  	v18 =	vmul.f32 v4, v4  }
0x152: {  	v19 =	vmul.f32 v10, v10  }
0x153: {  	v18 =	vadd.f32 v18, v16;
	v16 =	vld.idx.msk [tilespmem:v1+s10+$0x0], $0xffff  }
0x154: {  	v0 =	vadd.f32 v19, v0;
	v19 =	vld.idx.msk [tilespmem:v1+s11+$0x0], $0xffff  }
0x155: {  	v1 =	vld [tilespmem:$0x1FDE0];
	_ =	sdelay $0x5  }
0x156: {  	v20 =	vmul.f32 v13, v13  }
0x157: {  	v21 =	vmul.f32 v12, v12  }
0x158: {  	v20 =	vadd.f32 v20, v18;
	v18 =	vld.idx.msk [tilespmem:v1+s10+$0x0], $0xffff  }
0x159: {  	v0 =	vadd.f32 v21, v0;
	v21 =	vld.idx.msk [tilespmem:v1+s11+$0x0], $0xffff  }
0x15a: {  	v1 =	vld [tilespmem:$0x1FDF0];
	_ =	sdelay $0x5  }
0x15b: {  	v22 =	vmul.f32 v14, v14;
	_ =	sdelay $0x1  }
0x15c: {  	v24 =	vadd.f32 v22, v20;
	v20 =	vld.idx.msk [tilespmem:v1+s10+$0x0], $0xffff  }
0x15d: {  	v22 =	vld.idx.msk [tilespmem:v1+s11+$0x0], $0xffff  }
0x15e: {  	v1 =	vld [tilespmem:$0x1FE00];
	_ =	sdelay $0x5  }
0x15f: {  	v23 =	vmul.f32 v15, v15  }
0x160: {  	v25 =	vmul.f32 v17, v17  }
0x161: {  	v0 =	vadd.f32 v23, v0;
	v23 =	vld.idx.msk [tilespmem:v1+s10+$0x0], $0xffff  }
0x162: {  	v25 =	vadd.f32 v25, v24;
	v24 =	vld.idx.msk [tilespmem:v1+s11+$0x0], $0xffff  }
0x163: {  	v1 =	vld [tilespmem:$0x1FE10];
	_ =	sdelay $0x6  }
0x164: {  	v27 =	vmul.f32 v19, v19  }
0x165: {  	v58 =	vld.idx.msk [tilespmem:v1+s10+$0x0], $0xffff  }
0x166: {  	v27 =	vadd.f32 v27, v25;
	v25 =	vld.idx.msk [tilespmem:v1+s11+$0x0], $0xffff  }
0x167: {  	v1 =	vld [tilespmem:$0x1FE20];
	_ =	sdelay $0x6  }
0x168: {  	v26 =	vmul.f32 v16, v16  }
0x169: {  	v59 =	vld.idx.msk [tilespmem:v1+s10+$0x0], $0xffff  }
0x16a: {  	v0 =	vadd.f32 v26, v0;
	v26 =	vld.idx.msk [tilespmem:v1+s11+$0x0], $0xffff  }
0x16b: {  	v1 =	vld [tilespmem:$0x1FE30];
	_ =	sdelay $0x4  }
0x16c: {  	v28 =	vmul.f32 v21, v21;
	_ =	sdelay $0x1  }
0x16d: {  	v27 =	vadd.f32 v28, v27;
	v44 =	vmul.f32 v22, v22  }
0x16e: {  	v60 =	vld.idx.msk [tilespmem:v1+s10+$0x0], $0xffff  }
0x16f: {  	v28 =	vadd.f32 v44, v27;
	v27 =	vld.idx.msk [tilespmem:v1+s11+$0x0], $0xffff  }
0x170: {  	v1 =	vld [tilespmem:$0x1FE40];
	_ =	sdelay $0x6  }
0x171: {  	v30 =	vmul.f32 v24, v24  }
0x172: {  	v61 =	vld.idx.msk [tilespmem:v1+s10+$0x0], $0xffff  }
0x173: {  	v30 =	vadd.f32 v30, v28;
	v28 =	vld.idx.msk [tilespmem:v1+s11+$0x0], $0xffff  }
0x174: {  	v1 =	vld [tilespmem:$0x1FE50];
	_ =	sdelay $0x2  }
0x175: {  	v39 =	vmul.f32 v18, v18;
	_ =	sdelay $0x1  }
0x176: {  	v0 =	vadd.f32 v39, v0;
	v43 =	vmul.f32 v20, v20;
	_ =	sdelay $0x1  }
0x177: {  	v0 =	vadd.f32 v43, v0;
	v29 =	vmul.f32 v23, v23  }
0x178: {  	v62 =	vld.idx.msk [tilespmem:v1+s10+$0x0], $0xffff  }
0x179: {  	v0 =	vadd.f32 v29, v0;
	v29 =	vld.idx.msk [tilespmem:v1+s11+$0x0], $0xffff  }
0x17a: {  	v1 =	vld [tilespmem:$0x1FE60];
	_ =	sdelay $0x4  }
0x17b: {  	v31 =	vmul.f32 v25, v25;
	_ =	sdelay $0x1  }
0x17c: {  	v30 =	vadd.f32 v31, v30;
	v47 =	vmul.f32 v26, v26  }
0x17d: {  	v63 =	vld.idx.msk [tilespmem:v1+s10+$0x0], $0xffff  }
0x17e: {  	v31 =	vadd.f32 v47, v30;
	v30 =	vld.idx.msk [tilespmem:v1+s11+$0x0], $0xffff  }
0x17f: {  	v1 =	vld [tilespmem:$0x1FE70]  }
0x180: {  	v45 =	vmul.f32 v58, v58;
	_ =	sdelay $0x1  }
0x181: {  	v0 =	vadd.f32 v45, v0;
	v46 =	vmul.f32 v59, v59;
	_ =	sdelay $0x1  }
0x182: {  	v0 =	vadd.f32 v46, v0;
	v43 =	vmul.f32 v60, v60  }
0x183: {  	v44 =	vmul.f32 v27, v27  }
0x184: {  	v0 =	vadd.f32 v43, v0;
	v39 =	vmul.f32 v61, v61  }
0x185: {  	v44 =	vadd.f32 v44, v31;
	v45 =	vmul.f32 v28, v28;
	v31 =	vld.idx.msk [tilespmem:v1+s10+$0x0], $0xffff  }
0x186: {  	v43 =	vadd.f32 v39, v0;
	v46 =	vmul.f32 v62, v62;
	v11 =	vld.idx.msk [tilespmem:v1+s11+$0x0], $0xffff  }
0x187: {  	v44 =	vadd.f32 v45, v44;
	v39 =	vmul.f32 v29, v29  }
0x188: {  	v43 =	vadd.f32 v46, v43;
	v46 =	vmul.f32 v63, v63  }
0x189: {  	v44 =	vadd.f32 v39, v44;
	v39 =	vmul.f32 v30, v30  }
0x18a: {  	v43 =	vadd.f32 v46, v43;
	v46 =	vmul.f32 v31, v31  }
0x18b: {  	v44 =	vadd.f32 v39, v44;
	v39 =	vmul.f32 v11, v11  }
0x18c: {  	v43 =	vadd.f32 v46, v43  }
0x18d: {  	v44 =	vadd.f32 v39, v44  }
0x18e: {  	v43 =	vmax.f32 v43, $1.000000000e-30  }
0x18f: {  	v47 =	vmax.f32 v44, $1.000000000e-30;
	v39 =	vshra.s32 v43, $0x1  }
0x190: {  	v42 =	vmul.f32 v42, v40;
	v40 =	vld [tilespmem:$0x1FC70];
	v45 =	vsub.s32 $0x5F3759DF, v39;
	v39 =	vshra.s32 v47, $0x1  }
0x191: {  	v3 =	vmov v48;
	v46 =	vmul.f32 $5.000000000e-01, v43;
	v48 =	vsub.s32 $0x5F3759DF, v39;
	v39 =	vld [tilespmem:$0x1FC80]  }
0x192: {  	v2 =	vmul.f32 $5.000000000e-01, v47  }
0x193: {  	v0 =	vmul.f32 v45, v46  }
0x194: {  	v1 =	vmul.f32 v48, v2  }
0x195: {  	v0 =	vmul.f32 v45, v0  }
0x196: {  	v42 =	vadd.f32 $0.0e+00, v42;
	v1 =	vmul.f32 v48, v1;
	v40 =	vmul.f32 v39, v40  }
0x197: {  	v0 =	vsub.f32 $1.500000000e+00, v0;
	v39 =	vld [tilespmem:$0x1FCA0]  }
0x198: {  	v1 =	vsub.f32 $1.500000000e+00, v1;
	v40 =	vadd.f32 v40, v42;
	v42 =	vld [tilespmem:$0x1FC90]  }
0x199: {  	v0 =	vmul.f32 v45, v0;
	v45 =	vld [tilespmem:$0x1FCB0]  }
0x19a: {  	v1 =	vmul.f32 v48, v1;
	v48 =	vld [tilespmem:$0x1FCC0];
	_ =	sdelay $0x2  }
0x19b: {  	v42 =	vmul.f32 v39, v42;
	_ =	sdelay $0x1  }
0x19c: {  	v40 =	vadd.f32 v42, v40;
	v42 =	vmul.f32 v48, v45  }
0x19d: {  	v39 =	vld [tilespmem:$0x1FCD0]  }
0x19e: {  	v40 =	vadd.f32 v42, v40;
	v42 =	vld [tilespmem:$0x1FCE0];
	_ =	sdelay $0x4  }
0x19f: {  	v42 =	vmul.f32 v42, v39  }
0x1a0: {  	v48 =	vmul.f32 v1, v2;
	v39 =	vld [tilespmem:$0x1FCF0]  }
0x1a1: {  	v40 =	vadd.f32 v42, v40;
	v42 =	vld [tilespmem:$0x1FD00]  }
0x1a2: {  	v45 =	vmul.f32 v0, v46;
	v48 =	vmul.f32 v48, v1;
	_ =	sdelay $0x1  }
0x1a3: {  	v45 =	vmul.f32 v45, v0;
	_ =	sdelay $0x1  }
0x1a4: {  	v39 =	vmul.f32 v42, v39;
	v42 =	vsub.f32 $1.500000000e+00, v45;
	v45 =	vsub.f32 $1.500000000e+00, v48;
	v48 =	vmovc v3;
	v3 =	vld [tilespmem:$0x1FD10];
	_ =	sdelay $0x4  }
0x1a5: {  	v37 =	vmul.f32 v37, v3;
	v3 =	vld [tilespmem:$0x1FD20];
	_ =	sdelay $0x1  }
0x1a6: {  	v0 =	vmul.f32 v42, v0;
	_ =	sdelay $0x1  }
0x1a7: {  	v39 =	vadd.f32 v39, v40;
	v42 =	vmul.f32 v0, v46;
	v46 =	vld [tilespmem:$0x1FD40]  }
0x1a8: {  	v36 =	vmul.f32 v36, v3;
	v3 =	vld [tilespmem:$0x1FD30]  }
0x1a9: {  	v35 =	vmul.f32 v35, v38;
	v37 =	vadd.f32 v37, v39;
	_ =	sdelay $0x1  }
0x1aa: {  	v1 =	vmul.f32 v45, v1;
	v35 =	vadd.f32 v35, v37;
	_ =	sdelay $0x1  }
0x1ab: {  	v2 =	vmul.f32 v1, v2;
	v35 =	vadd.f32 v36, v35;
	v36 =	vmul.f32 v46, v3;
	v3 =	vld [tilespmem:$0x1FD50]  }
0x1ac: {  	v45 =	vmul.f32 v42, v0  }
0x1ad: {  	v2 =	vmul.f32 v2, v1  }
0x1ae: {  	v37 =	vsub.f32 $1.500000000e+00, v45  }
0x1af: {  	v2 =	vsub.f32 $1.500000000e+00, v2  }
0x1b0: {  	v0 =	vmul.f32 v37, v0;
	v35 =	vadd.f32 v36, v35;
	v34 =	vmul.f32 v34, v3  }
0x1b1: {  	v1 =	vmul.f32 v2, v1  }
0x1b2: {  	v53 =	vmul.f32 v55, v53;
	v0 =	vmul.f32 v0, v43;
	v2 =	vadd.f32 v34, v35  }
0x1b3: {  	v1 =	vmul.f32 v1, v47  }
0x1b4: {  	v55 =	vmul.f32 v56, v54;
	v56 =	vadd.f32 $1.000000010e-07, v0;
	v2 =	vadd.f32 v53, v2  }
0x1b5: {  	v1 =	vadd.f32 $1.000000010e-07, v1  }
0x1b6: {  	v33 =	vmul.f32 v57, v33;
	(erf) = vrcp.f32 v56;
	v2 =	vadd.f32 v55, v2  }
0x1b7: {  	(erf) = vrcp.f32 v1  }
0x1b8: {  	v1 =	vadd.f32 v33, v2;
	v2 =	vmul.f32 v50, v51;
	_ =	sdelay $0x1  }
0x1b9: {  	v1 =	vadd.f32 v2, v1;
	v2 =	vmul.f32 v6, v5;
	_ =	sdelay $0x1  }
0x1ba: {  	v1 =	vadd.f32 v2, v1;
	v2 =	vmul.f32 v8, v7;
	_ =	sdelay $0x1  }
0x1bb: {  	v1 =	vadd.f32 v2, v1;
	v2 =	vmul.f32 v4, v9  }
0x1bc: {  	v5 =	vld.idx.msk [tilespmem:v48+s14+$0x0], $0xffff;
	v4 =	vpop (erf)  }
0x1bd: {  	v6 =	vpop (erf);
	v1 =	vadd.f32 v2, v1;
	v2 =	vmul.f32 v13, v10  }
0x1be: {  	v6 =	vmin.f32 v6, $1.000000000e+00  }
0x1bf: {  	v7 =	vmul.f32 v6, v6;
	v1 =	vadd.f32 v2, v1;
	v2 =	vmul.f32 v14, v12;
	_ =	sdelay $0x1  }
0x1c0: {  	v1 =	vadd.f32 v2, v1;
	v2 =	vmul.f32 v7, v44;
	v7 =	vmul.f32 v5, v5  }
0x1c1: {  	v8 =	vmul.f32 v17, v15  }
0x1c2: {  	v2 =	vadd.f32 v2, v7  }
0x1c3: {  	v1 =	vadd.f32 v8, v1;
	v8 =	vmul.f32 v19, v16  }
0x1c4: {  	v7 =	vmul.f32 v21, v18;
	v2 =	vmax.f32 v2, $1.000000000e-30  }
0x1c5: {  	v1 =	vadd.f32 v8, v1;
	v8 =	vshra.s32 v2, $0x1;
	v9 =	vmul.f32 $5.000000000e-01, v2  }
0x1c6: {  	v8 =	vsub.s32 $0x5F3759DF, v8  }
0x1c7: {  	v1 =	vadd.f32 v7, v1;
	v7 =	vmul.f32 v22, v20;
	v10 =	vmul.f32 v8, v9;
	_ =	sdelay $0x1  }
0x1c8: {  	v1 =	vadd.f32 v7, v1;
	v7 =	vmul.f32 v24, v23;
	v10 =	vmul.f32 v8, v10;
	_ =	sdelay $0x1  }
0x1c9: {  	v1 =	vadd.f32 v7, v1;
	v7 =	vmul.f32 v25, v58;
	v10 =	vsub.f32 $1.500000000e+00, v10;
	_ =	sdelay $0x1  }
0x1ca: {  	v1 =	vadd.f32 v7, v1;
	v7 =	vmul.f32 v26, v59;
	v8 =	vmul.f32 v8, v10;
	_ =	sdelay $0x1  }
0x1cb: {  	v1 =	vadd.f32 v7, v1;
	v7 =	vmul.f32 v27, v60;
	v10 =	vmul.f32 v8, v9;
	_ =	sdelay $0x1  }
0x1cc: {  	v1 =	vadd.f32 v7, v1;
	v7 =	vmul.f32 v28, v61;
	v10 =	vmul.f32 v10, v8;
	_ =	sdelay $0x1  }
0x1cd: {  	v1 =	vadd.f32 v7, v1;
	v7 =	vmul.f32 v29, v62;
	v10 =	vsub.f32 $1.500000000e+00, v10;
	_ =	sdelay $0x1  }
0x1ce: {  	v1 =	vadd.f32 v7, v1;
	v7 =	vmul.f32 v30, v63;
	v8 =	vmul.f32 v10, v8;
	_ =	sdelay $0x1  }
0x1cf: {  	v3 =	vmul.f32 v11, v31;
	v1 =	vadd.f32 v7, v1;
	v7 =	vmul.f32 v8, v9  }
0x1d0: {  	v4 =	vmin.f32 v4, $1.000000000e+00  }
0x1d1: {  	v10 =	vld [tilespmem:$0x1FFB0];
	v1 =	vadd.f32 v3, v1;
	v3 =	vmul.f32 v6, v4;
	v6 =	vmul.f32 v7, v8  }
0x1d2: {  	v9 =	vld [tilespmem:$0x1FFA0]  }
0x1d3: {  	s23 =	sadd.s32 $0x80, s23;
	v0 =	vmul.f32 v4, v0;
	v4 =	vld [tilespmem:$0x1FF50];
	v1 =	vmul.f32 v3, v1;
	v3 =	vsub.f32 $1.500000000e+00, v6  }
0x1d4: {  	p0 =	sne.s32 s23, $0x800;
	v7 =	vld [tilespmem:$0x1FF80]  }
.Ltmp3:
0x1d5: {  	v6 =	vld [tilespmem:$0x1FF70];
	v1 =	vadd.f32 v1, v5;
	v3 =	vmul.f32 v3, v8;
	(pc) =	sbr.rel @!p0 .LBB2_5-.Ltmp3, $4  }
0x1d6: {  	v5 =	vld [tilespmem:$0x1FF60]  }
0x1d7: {  	v8 =	vld [tilespmem:$0x1FF90];
	[tilespmem:s24+$0x3410] =	vst v1;
	v1 =	vmul.f32 v3, v2  }
0x1d8: {  	[tilespmem:s24+$0x3610] =	vst v0;
	v3 =	vld [tilespmem:$0x1FF40]  }
0x1d9: {  	v11 =	vmov v52;
	v13 =	vmov v32;
	v12 =	vmov v49;
	v2 =	vld [tilespmem:$0x1FF30];
	[tilespmem:s24+$0x3810] =	vst v1  }
.LBB2_2:
0x1da: {  	s24 =	sshra.s32 s23, $0x2  }
0x1db: {  	v15 =	vld [tilespmem:s24+$0x10];
	_ =	sdelay $0x2  }
0x1dc: {  	v14 =	vld [tilespmem:s24+$0x210];
	_ =	sdelay $0x1  }
0x1dd: {  	v0 =	vnsel vm0, $0x0, v15  }
0x1de: {  	(xrf0) =	vadd.scan.msk.s32 $0xffff, v0;
	_ =	sdelay $0x1  }
0x1df: {  	v29 =	vnsel vm0, $0x0, v14  }
0x1e0: {  	(xrf0) =	vadd.scan.msk.s32 $0xffff, v29;
	_ =	sdelay $0x2  }
0x1e1: {  	v30, _, _ =	vpop (xrf0)  }
0x1e2: {  	(v2sf) =	vpush v30, $0xF  }
0x1e3: {  	v1 =	vsel vm1, $0x0, v15  }
0x1e4: {  	(xrf0) =	vadd.scan.msk.s32 $0xffff, v1;
	v31, _, _ =	vpop (xrf0)  }
0x1e5: {  	(v2sf) =	vpush v31, $0xF;
	_ =	sdelay $0x3  }
0x1e6: {  	v32 =	vsel vm1, $0x0, v14  }
0x1e7: {  	(xrf0) =	vadd.scan.msk.s32 $0xffff, v32;
	v33, _, _ =	vpop (xrf0)  }
0x1e8: {  	(v2sf) =	vpush v33, $0xF;
	_ =	sdelay $0x2  }
0x1e9: {  	v35 =	vsel vm2, $0x0, v15  }
0x1ea: {  	(xrf0) =	vadd.scan.msk.s32 $0xffff, v35  }
0x1eb: {  	v34, _, _ =	vpop (xrf0)  }
0x1ec: {  	s25 =	spop (v2sf);
	(v2sf) =	vpush v34, $0xF  }
0x1ed: {  	v36 =	vsel vm2, $0x0, v14;
	s25 =	sshll.u32 s25, $0x4  }
0x1ee: {  	(xrf0) =	vadd.scan.msk.s32 $0xffff, v36;
	s25 =	sand.u32 $0x1FFFFFF0, s25  }
0x1ef: {  	s26 =	spop (v2sf);
	s25 =	sadd.s32 s3, s25  }
0x1f0: {  	v37, _, _ =	vpop (xrf0);
	[tilespmem:s10], [sflag:$0x2] =	stream.linear.gather [hbm4b:s25+s2], $0x80, $0x38;
	[tilespmem:$0x3A00] =	vst v63  }
0x1f1: {  	(v2sf) =	vpush v37, $0xF;
	s25 =	sshll.u32 s26, $0x4  }
0x1f2: {  	s25 =	sand.u32 $0x1FFFFFF0, s25  }
0x1f3: {  	s26 =	sadd.s32 s4, s25  }
0x1f4: {  	v39 =	vsel vm3, $0x0, v15;
	v38, _, _ =	vpop (xrf0);
	[tilespmem:s11], [sflag:$0x2] =	stream.linear.gather [hbm4b:s26+s2], $0x80, $0x38;
	[tilespmem:$0x3A00] =	vst v63  }
0x1f5: {  	(xrf0) =	vadd.scan.msk.s32 $0xffff, v39;
	s25 =	sadd.s32 s5, s25;
	s29 =	spop (v2sf);
	(v2sf) =	vpush v38, $0xF  }
0x1f6: {  	[tilespmem:s14], [sflag:$0x2] =	stream.linear.gather [hbm4b:s25+s2], $0x80, $0x38;
	[tilespmem:$0x3A00] =	vst v63  }
0x1f7: {  	s25 =	sshll.u32 s29, $0x4  }
0x1f8: {  	s25 =	sand.u32 $0x1FFFFFF0, s25  }
0x1f9: {  	s25 =	sadd.s32 s3, s25  }
0x1fa: {  	v40 =	vsel vm3, $0x0, v14;
	[tilespmem:s28], [sflag:$0x2] =	stream.linear.gather [hbm4b:s25+s2], $0x80, $0x38;
	[tilespmem:$0x3A00] =	vst v63  }
0x1fb: {  	(xrf0) =	vadd.scan.msk.s32 $0xffff, v40;
	s26 =	spop (v2sf)  }
0x1fc: {  	v42, _, _ =	vpop (xrf0);
	s25 =	sshll.u32 s26, $0x4  }
0x1fd: {  	(v2sf) =	vpush v42, $0xF;
	s25 =	sand.u32 $0x1FFFFFF0, s25  }
0x1fe: {  	s29 =	simm.s32 $0x2480;
	s26 =	sadd.s32 s4, s25  }
0x1ff: {  	v44 =	vsel vm4, $0x0, v15;
	[tilespmem:s29], [sflag:$0x2] =	stream.linear.gather [hbm4b:s26+s2], $0x80, $0x38;
	[tilespmem:$0x3A00] =	vst v63  }
0x200: {  	(xrf0) =	vadd.scan.msk.s32 $0xffff, v44;
	s25 =	sadd.s32 s5, s25;
	s29 =	simm.s32 $0x2C80;
	s26 =	spop (v2sf)  }
0x201: {  	v43, _, _ =	vpop (xrf0);
	[tilespmem:s29], [sflag:$0x2] =	stream.linear.gather [hbm4b:s25+s2], $0x80, $0x38;
	[tilespmem:$0x3A00] =	vst v63  }
0x202: {  	(v2sf) =	vpush v43, $0xF;
	s25 =	sshll.u32 s26, $0x4  }
0x203: {  	s25 =	sand.u32 $0x1FFFFFF0, s25  }
0x204: {  	s29 =	simm.s32 $0x1D00;
	s26 =	spop (v2sf);
	s25 =	sadd.s32 s3, s25  }
0x205: {  	v45 =	vsel vm4, $0x0, v14;
	[tilespmem:s29], [sflag:$0x2] =	stream.linear.gather [hbm4b:s25+s2], $0x80, $0x38;
	[tilespmem:$0x3A00] =	vst v63  }
0x206: {  	(xrf0) =	vadd.scan.msk.s32 $0xffff, v45;
	v46, _, _ =	vpop (xrf0);
	s25 =	sshll.u32 s26, $0x4  }
0x207: {  	(v2sf) =	vpush v46, $0xF;
	s25 =	sand.u32 $0x1FFFFFF0, s25  }
0x208: {  	s29 =	simm.s32 $0x2500;
	s26 =	sadd.s32 s4, s25  }
0x209: {  	v49 =	vsel vm5, $0x0, v15;
	[tilespmem:s29], [sflag:$0x2] =	stream.linear.gather [hbm4b:s26+s2], $0x80, $0x38;
	[tilespmem:$0x3A00] =	vst v63  }
0x20a: {  	(xrf0) =	vadd.scan.msk.s32 $0xffff, v49;
	s25 =	sadd.s32 s5, s25;
	s29 =	simm.s32 $0x2D00  }
0x20b: {  	[tilespmem:s29], [sflag:$0x2] =	stream.linear.gather [hbm4b:s25+s2], $0x80, $0x38;
	[tilespmem:$0x3A00] =	vst v63  }
0x20c: {  	v47, _, _ =	vpop (xrf0);
	s26 =	spop (v2sf)  }
0x20d: {  	(v2sf) =	vpush v47, $0xF;
	s25 =	sshll.u32 s26, $0x4  }
0x20e: {  	v50 =	vsel vm5, $0x0, v14;
	s25 =	sand.u32 $0x1FFFFFF0, s25  }
0x20f: {  	(xrf0) =	vadd.scan.msk.s32 $0xffff, v50;
	s29 =	simm.s32 $0x1D80;
	s25 =	sadd.s32 s3, s25  }
0x210: {  	[tilespmem:s29], [sflag:$0x2] =	stream.linear.gather [hbm4b:s25+s2], $0x80, $0x38;
	[tilespmem:$0x3A00] =	vst v63  }
0x211: {  	v51, _, _ =	vpop (xrf0);
	s26 =	spop (v2sf)  }
0x212: {  	(v2sf) =	vpush v51, $0xF;
	s25 =	sshll.u32 s26, $0x4  }
0x213: {  	s25 =	sand.u32 $0x1FFFFFF0, s25  }
0x214: {  	s29 =	simm.s32 $0x2580;
	s26 =	sadd.s32 s4, s25  }
0x215: {  	v53 =	vsel vm6, $0x0, v15;
	v52, _, _ =	vpop (xrf0);
	[tilespmem:s29], [sflag:$0x2] =	stream.linear.gather [hbm4b:s26+s2], $0x80, $0x38;
	[tilespmem:$0x3A00] =	vst v63  }
0x216: {  	(xrf0) =	vadd.scan.msk.s32 $0xffff, v53;
	s25 =	sadd.s32 s5, s25;
	s29 =	simm.s32 $0x2D80;
	s26 =	spop (v2sf);
	(v2sf) =	vpush v52, $0xF  }
0x217: {  	[tilespmem:s29], [sflag:$0x2] =	stream.linear.gather [hbm4b:s25+s2], $0x80, $0x38;
	[tilespmem:$0x3A00] =	vst v63  }
0x218: {  	s25 =	sshll.u32 s26, $0x4  }
0x219: {  	s25 =	sand.u32 $0x1FFFFFF0, s25  }
0x21a: {  	s29 =	simm.s32 $0x1E00;
	s25 =	sadd.s32 s3, s25  }
0x21b: {  	v54 =	vsel vm6, $0x0, v14;
	[tilespmem:s29], [sflag:$0x2] =	stream.linear.gather [hbm4b:s25+s2], $0x80, $0x38;
	[tilespmem:$0x3A00] =	vst v63  }
0x21c: {  	(xrf0) =	vadd.scan.msk.s32 $0xffff, v54;
	s26 =	spop (v2sf)  }
0x21d: {  	v55, _, _ =	vpop (xrf0);
	s25 =	sshll.u32 s26, $0x4  }
0x21e: {  	(v2sf) =	vpush v55, $0xF;
	s25 =	sand.u32 $0x1FFFFFF0, s25  }
0x21f: {  	s29 =	simm.s32 $0x2600;
	s26 =	sadd.s32 s4, s25  }
0x220: {  	v57 =	vsel vm7, $0x0, v15;
	[tilespmem:s29], [sflag:$0x2] =	stream.linear.gather [hbm4b:s26+s2], $0x80, $0x38;
	[tilespmem:$0x3A00] =	vst v63  }
0x221: {  	(xrf0) =	vadd.scan.msk.s32 $0xffff, v57;
	s25 =	sadd.s32 s5, s25;
	s29 =	simm.s32 $0x2E00;
	s26 =	spop (v2sf)  }
0x222: {  	v56, _, _ =	vpop (xrf0);
	[tilespmem:s29], [sflag:$0x2] =	stream.linear.gather [hbm4b:s25+s2], $0x80, $0x38;
	[tilespmem:$0x3A00] =	vst v63  }
0x223: {  	(v2sf) =	vpush v56, $0xF;
	s25 =	sshll.u32 s26, $0x4  }
0x224: {  	s25 =	sand.u32 $0x1FFFFFF0, s25  }
0x225: {  	s29 =	simm.s32 $0x1E80;
	s25 =	sadd.s32 s3, s25;
	s26 =	spop (v2sf)  }
0x226: {  	v58 =	vsel vm7, $0x0, v14;
	[tilespmem:s29], [sflag:$0x2] =	stream.linear.gather [hbm4b:s25+s2], $0x80, $0x38;
	[tilespmem:$0x3A00] =	vst v63  }
0x227: {  	(xrf0) =	vadd.scan.msk.s32 $0xffff, v58;
	v59, _, _ =	vpop (xrf0);
	s25 =	sshll.u32 s26, $0x4  }
0x228: {  	(v2sf) =	vpush v59, $0xF;
	s25 =	sand.u32 $0x1FFFFFF0, s25  }
0x229: {  	s29 =	simm.s32 $0x2680;
	s26 =	sadd.s32 s4, s25  }
0x22a: {  	v61 =	vsel vm8, $0x0, v15;
	[tilespmem:s29], [sflag:$0x2] =	stream.linear.gather [hbm4b:s26+s2], $0x80, $0x38;
	[tilespmem:$0x3A00] =	vst v63  }
0x22b: {  	(xrf0) =	vadd.scan.msk.s32 $0xffff, v61;
	s25 =	sadd.s32 s5, s25;
	s29 =	simm.s32 $0x2E80  }
0x22c: {  	[tilespmem:s29], [sflag:$0x2] =	stream.linear.gather [hbm4b:s25+s2], $0x80, $0x38;
	[tilespmem:$0x3A00] =	vst v63  }
0x22d: {  	v60, _, _ =	vpop (xrf0);
	s26 =	spop (v2sf)  }
0x22e: {  	(v2sf) =	vpush v60, $0xF;
	s25 =	sshll.u32 s26, $0x4  }
0x22f: {  	v62 =	vsel vm8, $0x0, v14;
	s25 =	sand.u32 $0x1FFFFFF0, s25  }
0x230: {  	(xrf0) =	vadd.scan.msk.s32 $0xffff, v62;
	s29 =	simm.s32 $0x1F00;
	s25 =	sadd.s32 s3, s25  }
0x231: {  	[tilespmem:s29], [sflag:$0x2] =	stream.linear.gather [hbm4b:s25+s2], $0x80, $0x38;
	[tilespmem:$0x3A00] =	vst v63  }
0x232: {  	v63, _, _ =	vpop (xrf0);
	s26 =	spop (v2sf)  }
0x233: {  	(v2sf) =	vpush v63, $0xF;
	s25 =	sshll.u32 s26, $0x4  }
0x234: {  	s25 =	sand.u32 $0x1FFFFFF0, s25  }
0x235: {  	s29 =	simm.s32 $0x2700;
	s26 =	sadd.s32 s4, s25  }
0x236: {  	v17 =	vsel vm9, $0x0, v15;
	v16, _, _ =	vpop (xrf0);
	[tilespmem:s29], [sflag:$0x2] =	stream.linear.gather [hbm4b:s26+s2], $0x80, $0x38;
	[tilespmem:$0x3A00] =	vst v63  }
0x237: {  	(xrf0) =	vadd.scan.msk.s32 $0xffff, v17;
	s25 =	sadd.s32 s5, s25;
	s29 =	simm.s32 $0x2F00;
	s26 =	spop (v2sf);
	(v2sf) =	vpush v16, $0xF  }
0x238: {  	[tilespmem:s29], [sflag:$0x2] =	stream.linear.gather [hbm4b:s25+s2], $0x80, $0x38;
	[tilespmem:$0x3A00] =	vst v63  }
0x239: {  	s25 =	sshll.u32 s26, $0x4  }
0x23a: {  	s25 =	sand.u32 $0x1FFFFFF0, s25  }
0x23b: {  	s29 =	simm.s32 $0x1F80;
	s25 =	sadd.s32 s3, s25  }
0x23c: {  	v18 =	vsel vm9, $0x0, v14;
	[tilespmem:s29], [sflag:$0x2] =	stream.linear.gather [hbm4b:s25+s2], $0x80, $0x38;
	[tilespmem:$0x3A00] =	vst v63  }
0x23d: {  	(xrf0) =	vadd.scan.msk.s32 $0xffff, v18;
	s26 =	spop (v2sf)  }
0x23e: {  	v19, _, _ =	vpop (xrf0);
	s25 =	sshll.u32 s26, $0x4  }
0x23f: {  	(v2sf) =	vpush v19, $0xF;
	s25 =	sand.u32 $0x1FFFFFF0, s25  }
0x240: {  	s29 =	simm.s32 $0x2780;
	s26 =	sadd.s32 s4, s25  }
0x241: {  	v21 =	vsel vm10, $0x0, v15;
	[tilespmem:s29], [sflag:$0x2] =	stream.linear.gather [hbm4b:s26+s2], $0x80, $0x38;
	[tilespmem:$0x3A00] =	vst v63  }
0x242: {  	(xrf0) =	vadd.scan.msk.s32 $0xffff, v21;
	s25 =	sadd.s32 s5, s25;
	s29 =	simm.s32 $0x2F80;
	s26 =	spop (v2sf)  }
0x243: {  	v20, _, _ =	vpop (xrf0);
	[tilespmem:s29], [sflag:$0x2] =	stream.linear.gather [hbm4b:s25+s2], $0x80, $0x38;
	[tilespmem:$0x3A00] =	vst v63  }
0x244: {  	(v2sf) =	vpush v20, $0xF;
	s25 =	sshll.u32 s26, $0x4  }
0x245: {  	s25 =	sand.u32 $0x1FFFFFF0, s25  }
0x246: {  	s29 =	simm.s32 $0x2000;
	s25 =	sadd.s32 s3, s25;
	s26 =	spop (v2sf)  }
0x247: {  	v22 =	vsel vm10, $0x0, v14;
	[tilespmem:s29], [sflag:$0x2] =	stream.linear.gather [hbm4b:s25+s2], $0x80, $0x38;
	[tilespmem:$0x3A00] =	vst v63  }
0x248: {  	(xrf0) =	vadd.scan.msk.s32 $0xffff, v22;
	v23, _, _ =	vpop (xrf0);
	s25 =	sshll.u32 s26, $0x4  }
0x249: {  	(v2sf) =	vpush v23, $0xF;
	s25 =	sand.u32 $0x1FFFFFF0, s25  }
0x24a: {  	s29 =	simm.s32 $0x2800;
	s26 =	sadd.s32 s4, s25  }
0x24b: {  	v25 =	vsel vm11, $0x0, v15;
	[tilespmem:s29], [sflag:$0x2] =	stream.linear.gather [hbm4b:s26+s2], $0x80, $0x38;
	[tilespmem:$0x3A00] =	vst v63  }
0x24c: {  	(xrf0) =	vadd.scan.msk.s32 $0xffff, v25;
	s25 =	sadd.s32 s5, s25;
	s29 =	simm.s32 $0x3000  }
0x24d: {  	[tilespmem:s29], [sflag:$0x2] =	stream.linear.gather [hbm4b:s25+s2], $0x80, $0x38;
	[tilespmem:$0x3A00] =	vst v63  }
0x24e: {  	v24, _, _ =	vpop (xrf0);
	s26 =	spop (v2sf)  }
0x24f: {  	(v2sf) =	vpush v24, $0xF;
	s25 =	sshll.u32 s26, $0x4  }
0x250: {  	v26 =	vsel vm11, $0x0, v14;
	s25 =	sand.u32 $0x1FFFFFF0, s25  }
0x251: {  	(xrf0) =	vadd.scan.msk.s32 $0xffff, v26;
	s29 =	simm.s32 $0x2080;
	s25 =	sadd.s32 s3, s25  }
0x252: {  	[tilespmem:s29], [sflag:$0x2] =	stream.linear.gather [hbm4b:s25+s2], $0x80, $0x38;
	[tilespmem:$0x3A00] =	vst v63  }
0x253: {  	v27, _, _ =	vpop (xrf0);
	s26 =	spop (v2sf)  }
0x254: {  	(v2sf) =	vpush v27, $0xF;
	s25 =	sshll.u32 s26, $0x4  }
0x255: {  	s25 =	sand.u32 $0x1FFFFFF0, s25  }
0x256: {  	s29 =	simm.s32 $0x2880;
	s26 =	sadd.s32 s4, s25  }
0x257: {  	v29 =	vsel vm12, $0x0, v15;
	v28, _, _ =	vpop (xrf0);
	[tilespmem:s29], [sflag:$0x2] =	stream.linear.gather [hbm4b:s26+s2], $0x80, $0x38;
	[tilespmem:$0x3A00] =	vst v63  }
0x258: {  	(xrf0) =	vadd.scan.msk.s32 $0xffff, v29;
	s25 =	sadd.s32 s5, s25;
	s29 =	simm.s32 $0x3080;
	s26 =	spop (v2sf);
	(v2sf) =	vpush v28, $0xF  }
0x259: {  	[tilespmem:s29], [sflag:$0x2] =	stream.linear.gather [hbm4b:s25+s2], $0x80, $0x38;
	[tilespmem:$0x3A00] =	vst v63  }
0x25a: {  	s25 =	sshll.u32 s26, $0x4  }
0x25b: {  	s25 =	sand.u32 $0x1FFFFFF0, s25  }
0x25c: {  	s29 =	simm.s32 $0x2100;
	s25 =	sadd.s32 s3, s25  }
0x25d: {  	v30 =	vsel vm12, $0x0, v14;
	[tilespmem:s29], [sflag:$0x2] =	stream.linear.gather [hbm4b:s25+s2], $0x80, $0x38;
	[tilespmem:$0x3A00] =	vst v63  }
0x25e: {  	(xrf0) =	vadd.scan.msk.s32 $0xffff, v30;
	s26 =	spop (v2sf)  }
0x25f: {  	v31, _, _ =	vpop (xrf0);
	s25 =	sshll.u32 s26, $0x4  }
0x260: {  	(v2sf) =	vpush v31, $0xF;
	s25 =	sand.u32 $0x1FFFFFF0, s25  }
0x261: {  	s29 =	simm.s32 $0x2900;
	s26 =	sadd.s32 s4, s25  }
0x262: {  	v33 =	vsel vm13, $0x0, v15;
	[tilespmem:s29], [sflag:$0x2] =	stream.linear.gather [hbm4b:s26+s2], $0x80, $0x38;
	[tilespmem:$0x3A00] =	vst v63  }
0x263: {  	(xrf0) =	vadd.scan.msk.s32 $0xffff, v33;
	s25 =	sadd.s32 s5, s25;
	s29 =	simm.s32 $0x3100;
	s26 =	spop (v2sf)  }
0x264: {  	v32, _, _ =	vpop (xrf0);
	[tilespmem:s29], [sflag:$0x2] =	stream.linear.gather [hbm4b:s25+s2], $0x80, $0x38;
	[tilespmem:$0x3A00] =	vst v63  }
0x265: {  	(v2sf) =	vpush v32, $0xF;
	s25 =	sshll.u32 s26, $0x4  }
0x266: {  	s25 =	sand.u32 $0x1FFFFFF0, s25  }
0x267: {  	s29 =	simm.s32 $0x2180;
	s25 =	sadd.s32 s3, s25;
	s26 =	spop (v2sf)  }
0x268: {  	v34 =	vsel vm13, $0x0, v14;
	[tilespmem:s29], [sflag:$0x2] =	stream.linear.gather [hbm4b:s25+s2], $0x80, $0x38;
	[tilespmem:$0x3A00] =	vst v63  }
0x269: {  	(xrf0) =	vadd.scan.msk.s32 $0xffff, v34;
	v35, _, _ =	vpop (xrf0);
	s25 =	sshll.u32 s26, $0x4  }
0x26a: {  	(v2sf) =	vpush v35, $0xF;
	s25 =	sand.u32 $0x1FFFFFF0, s25  }
0x26b: {  	s29 =	simm.s32 $0x2980;
	s26 =	sadd.s32 s4, s25  }
0x26c: {  	v37 =	vsel vm14, $0x0, v15;
	[tilespmem:s29], [sflag:$0x2] =	stream.linear.gather [hbm4b:s26+s2], $0x80, $0x38;
	[tilespmem:$0x3A00] =	vst v63  }
0x26d: {  	(xrf0) =	vadd.scan.msk.s32 $0xffff, v37;
	s25 =	sadd.s32 s5, s25  }
0x26e: {  	[tilespmem:s30], [sflag:$0x2] =	stream.linear.gather [hbm4b:s25+s2], $0x80, $0x38;
	[tilespmem:$0x3A00] =	vst v63  }
0x26f: {  	v36, _, _ =	vpop (xrf0);
	s29 =	spop (v2sf)  }
0x270: {  	(v2sf) =	vpush v36, $0xF;
	s25 =	sshll.u32 s29, $0x4  }
0x271: {  	v38 =	vsel vm14, $0x0, v14;
	s25 =	sand.u32 $0x1FFFFFF0, s25  }
0x272: {  	(xrf0) =	vadd.scan.msk.s32 $0xffff, v38;
	s25 =	sadd.s32 s3, s25  }
0x273: {  	[tilespmem:s31], [sflag:$0x2] =	stream.linear.gather [hbm4b:s25+s2], $0x80, $0x38;
	[tilespmem:$0x3A00] =	vst v63  }
0x274: {  	v39, _, _ =	vpop (xrf0);
	s26 =	spop (v2sf)  }
0x275: {  	(v2sf) =	vpush v39, $0xF;
	s25 =	sshll.u32 s26, $0x4  }
0x276: {  	s25 =	sand.u32 $0x1FFFFFF0, s25  }
0x277: {  	s29 =	sadd.s32 s4, s25  }
0x278: {  	v40 =	vsel vm15, $0x0, v15;
	v42, _, _ =	vpop (xrf0);
	[tilespmem:s1], [sflag:$0x2] =	stream.linear.gather [hbm4b:s29+s2], $0x80, $0x38;
	[tilespmem:$0x3A00] =	vst v63  }
0x279: {  	(xrf0) =	vadd.scan.msk.s32 $0xffff, v40;
	s25 =	sadd.s32 s5, s25;
	s29 =	spop (v2sf);
	(v2sf) =	vpush v42, $0xF  }
0x27a: {  	[tilespmem:s0], [sflag:$0x2] =	stream.linear.gather [hbm4b:s25+s2], $0x80, $0x38;
	[tilespmem:$0x3A00] =	vst v63  }
0x27b: {  	s25 =	sshll.u32 s29, $0x4  }
0x27c: {  	s25 =	sand.u32 $0x1FFFFFF0, s25  }
0x27d: {  	s25 =	sadd.s32 s3, s25  }
0x27e: {  	v43 =	vsel vm15, $0x0, v14;
	[tilespmem:s15], [sflag:$0x2] =	stream.linear.gather [hbm4b:s25+s2], $0x80, $0x38;
	[tilespmem:$0x3A00] =	vst v63  }
0x27f: {  	v44, _, _ =	vpop (xrf0);
	(xrf0) =	vadd.scan.msk.s32 $0xffff, v43;
	s26 =	spop (v2sf)  }
0x280: {  	s25 =	sshll.u32 s26, $0x4  }
0x281: {  	(v2sf) =	vpush v44, $0xF;
	s25 =	sand.u32 $0x1FFFFFF0, s25  }
0x282: {  	s29 =	sadd.s32 s4, s25  }
0x283: {  	[tilespmem:s12], [sflag:$0x2] =	stream.linear.gather [hbm4b:s29+s2], $0x80, $0x38;
	[tilespmem:$0x3A00] =	vst v63  }
0x284: {  	s25 =	sadd.s32 s5, s25;
	s26 =	spop (v2sf)  }
0x285: {  	v0, _, _ =	vpop (xrf0);
	[tilespmem:s6], [sflag:$0x2] =	stream.linear.gather [hbm4b:s25+s2], $0x80, $0x38;
	[tilespmem:$0x3A00] =	vst v63  }
0x286: {  	(v2sf) =	vpush v0, $0xF;
	s25 =	sshll.u32 s26, $0x4  }
0x287: {  	s25 =	sand.u32 $0x1FFFFFF0, s25  }
0x288: {  	s29 =	spop (v2sf);
	s25 =	sadd.s32 s3, s25  }
0x289: {  	[tilespmem:s7], [sflag:$0x2] =	stream.linear.gather [hbm4b:s25+s2], $0x80, $0x38;
	[tilespmem:$0x3A00] =	vst v63  }
0x28a: {  	s26 =	sshll.u32 s29, $0x4  }
0x28b: {  	s25 =	sand.u32 $0x1FFFFFF0, s26  }
0x28c: {  	s29 =	sadd.s32 s4, s25  }
0x28d: {  	[tilespmem:s8], [sflag:$0x2] =	stream.linear.gather [hbm4b:s29+s2], $0x80, $0x38;
	[tilespmem:$0x3A00] =	vst v63  }
0x28e: {  	s25 =	sadd.s32 s5, s25  }
0x28f: {  	[tilespmem:s9], [sflag:$0x2] =	stream.linear.gather [hbm4b:s25+s2], $0x80, $0x38;
	[tilespmem:$0x3A00] =	vst v63  }
0x290: {  	s29 =	spop (v2sf)  }
0x291: {  	s29 =	sshll.u32 s29, $0x4  }
0x292: {  	s25 =	sand.u32 $0x1FFFFFF0, s29  }
0x293: {  	s25 =	sadd.s32 s3, s25  }
0x294: {  	[tilespmem:s18], [sflag:$0x2] =	stream.linear.gather [hbm4b:s25+s2], $0x80, $0x38;
	[tilespmem:$0x3A00] =	vst v63  }
0x295: {  	s26 =	spop (v2sf)  }
0x296: {  	s25 =	sshll.u32 s26, $0x4  }
0x297: {  	s25 =	sand.u32 $0x1FFFFFF0, s25  }
0x298: {  	s29 =	sadd.s32 s4, s25  }
0x299: {  	[tilespmem:s19], [sflag:$0x2] =	stream.linear.gather [hbm4b:s29+s2], $0x80, $0x38;
	[tilespmem:$0x3A00] =	vst v63  }
0x29a: {  	s25 =	sadd.s32 s5, s25  }
0x29b: {  	[tilespmem:s20], [sflag:$0x2] =	stream.linear.gather [hbm4b:s25+s2], $0x80, $0x38;
	[tilespmem:$0x3A00] =	vst v63  }
0x29c: {  	_ =	swait.ge [sflag:s21], $0x800  }
0x29d: {  	[sflag:s21] =	ssyncset.done $0x0  }
0x29e: {  	[sflag:s21] =	ssyncadd.s32 $0xFFFFF800  }
0x29f: {  	_ =	swait.ge [sflag:s21], $0x800  }
0x2a0: {  	[sflag:s21] =	ssyncset.done $0x0  }
0x2a1: {  	[sflag:s21] =	ssyncadd.s32 $0xFFFFF800  }
0x2a2: {  	_ =	swait.ge [sflag:s21], $0x800  }
0x2a3: {  	[sflag:s21] =	ssyncset.done $0x0  }
0x2a4: {  	[sflag:s21] =	ssyncadd.s32 $0xFFFFF800  }
0x2a5: {  	v33 =	vld.idx.msk [tilespmem:v48+s13+$0x0], $0xffff  }
0x2a6: {  	v32 =	vld.idx.msk [tilespmem:v48+s16+$0x0], $0xffff  }
0x2a7: {  	v18 =	vld.idx.msk [tilespmem:v2+s13+$0x0], $0xffff  }
0x2a8: {  	v19 =	vld.idx.msk [tilespmem:v2+s16+$0x0], $0xffff  }
0x2a9: {  	v45 =	vld.idx.msk [tilespmem:v3+s13+$0x0], $0xffff  }
0x2aa: {  	v17 =	vld.idx.msk [tilespmem:v3+s16+$0x0], $0xffff  }
0x2ab: {  	v46 =	vld.idx.msk [tilespmem:v4+s13+$0x0], $0xffff  }
0x2ac: {  	v50 =	vld.idx.msk [tilespmem:v4+s16+$0x0], $0xffff  }
0x2ad: {  	v53 =	vld.idx.msk [tilespmem:v5+s13+$0x0], $0xffff  }
0x2ae: {  	v55 =	vld.idx.msk [tilespmem:v5+s16+$0x0], $0xffff;
	v47 =	vmul.f32 v33, v33;
	v49 =	vmul.f32 v18, v18  }
0x2af: {  	v57 =	vld.idx.msk [tilespmem:v6+s13+$0x0], $0xffff;
	v51 =	vmul.f32 v32, v32;
	v52 =	vmul.f32 v19, v19  }
0x2b0: {  	v59 =	vld.idx.msk [tilespmem:v6+s16+$0x0], $0xffff;
	v54 =	vmul.f32 v45, v45  }
0x2b1: {  	v61 =	vld.idx.msk [tilespmem:v7+s13+$0x0], $0xffff;
	v56 =	vmul.f32 v17, v17;
	v0 =	vadd.f32 v49, v47;
	v2 =	vadd.f32 v52, v51  }
0x2b2: {  	v44 =	vld.idx.msk [tilespmem:v8+s13+$0x0], $0xffff;
	[tilespmem:$0x1FE80] =	vst v18;
	v58 =	vmul.f32 v46, v46  }
0x2b3: {  	[tilespmem:$0x1FE90] =	vst v19;
	v60 =	vmul.f32 v50, v50;
	v0 =	vadd.f32 v54, v0;
	v2 =	vadd.f32 v56, v2  }
0x2b4: {  	[tilespmem:$0x1FEA0] =	vst v45;
	v62 =	vmul.f32 v53, v53;
	v45 =	vld.idx.msk [tilespmem:v7+s16+$0x0], $0xffff  }
0x2b5: {  	[tilespmem:$0x1FEB0] =	vst v17;
	v63 =	vmul.f32 v55, v55;
	v0 =	vadd.f32 v58, v0;
	v2 =	vadd.f32 v60, v2  }
0x2b6: {  	[tilespmem:$0x1FEC0] =	vst v46;
	v7 =	vmul.f32 v57, v57;
	v47 =	vld.idx.msk [tilespmem:v8+s16+$0x0], $0xffff  }
0x2b7: {  	v15 =	vmul.f32 v59, v59;
	v46 =	vld.idx.msk [tilespmem:v9+s13+$0x0], $0xffff;
	v0 =	vadd.f32 v62, v0;
	v2 =	vadd.f32 v63, v2  }
0x2b8: {  	[tilespmem:$0x1FED0] =	vst v50;
	v16 =	vmul.f32 v61, v61;
	v50 =	vld.idx.msk [tilespmem:v9+s16+$0x0], $0xffff  }
0x2b9: {  	v49 =	vld.idx.msk [tilespmem:v10+s13+$0x0], $0xffff;
	v17 =	vmul.f32 v45, v45;
	v0 =	vadd.f32 v7, v0;
	v2 =	vadd.f32 v15, v2  }
0x2ba: {  	[tilespmem:$0x1FEE0] =	vst v53;
	v18 =	vmul.f32 v44, v44;
	v52 =	vld.idx.msk [tilespmem:v10+s16+$0x0], $0xffff  }
0x2bb: {  	v51 =	vld.idx.msk [tilespmem:v11+s13+$0x0], $0xffff;
	v19 =	vmul.f32 v47, v47;
	v0 =	vadd.f32 v16, v0;
	v2 =	vadd.f32 v17, v2  }
0x2bc: {  	[tilespmem:$0x1FEF0] =	vst v55;
	v54 =	vld.idx.msk [tilespmem:v11+s16+$0x0], $0xffff;
	v20 =	vmul.f32 v46, v46  }
0x2bd: {  	v53 =	vld.idx.msk [tilespmem:v12+s13+$0x0], $0xffff;
	v21 =	vmul.f32 v50, v50;
	v0 =	vadd.f32 v18, v0;
	v2 =	vadd.f32 v19, v2  }
0x2be: {  	v23 =	vor.u32 $0xE, v48;
	[tilespmem:$0x1FF00] =	vst v57;
	v55 =	vld.idx.msk [tilespmem:v12+s16+$0x0], $0xffff;
	v22 =	vmul.f32 v49, v49  }
0x2bf: {  	v57 =	vld.idx.msk [tilespmem:v13+s16+$0x0], $0xffff;
	v24 =	vmul.f32 v52, v52;
	v0 =	vadd.f32 v20, v0;
	v2 =	vadd.f32 v21, v2  }
0x2c0: {  	v26 =	vor.u32 $0xF, v48;
	[tilespmem:$0x1FF10] =	vst v59;
	v56 =	vld.idx.msk [tilespmem:v13+s13+$0x0], $0xffff;
	v25 =	vmul.f32 v51, v51  }
0x2c1: {  	v59 =	vld.idx.msk [tilespmem:v41+s16+$0x0], $0xffff;
	v27 =	vmul.f32 v54, v54;
	v0 =	vadd.f32 v22, v0;
	v2 =	vadd.f32 v24, v2  }
0x2c2: {  	v29 =	vor.u32 $0x10, v48;
	[tilespmem:$0x1FF20] =	vst v61;
	v28 =	vmul.f32 v53, v53;
	v58 =	vld.idx.msk [tilespmem:v41+s13+$0x0], $0xffff  }
0x2c3: {  	v61 =	vld.idx.msk [tilespmem:v23+s16+$0x0], $0xffff;
	v30 =	vmul.f32 v55, v55;
	v0 =	vadd.f32 v25, v0;
	v2 =	vadd.f32 v27, v2  }
0x2c4: {  	v34 =	vor.u32 $0x11, v48;
	v35 =	vmul.f32 v57, v57;
	v60 =	vld.idx.msk [tilespmem:v23+s13+$0x0], $0xffff  }
0x2c5: {  	v62 =	vld.idx.msk [tilespmem:v26+s13+$0x0], $0xffff;
	v31 =	vmul.f32 v56, v56;
	v0 =	vadd.f32 v28, v0;
	v2 =	vadd.f32 v30, v2  }
0x2c6: {  	v37 =	vor.u32 $0x12, v48;
	[tilespmem:$0x1FD60] =	vst v23;
	v38 =	vmul.f32 v59, v59;
	v63 =	vld.idx.msk [tilespmem:v26+s16+$0x0], $0xffff  }
0x2c7: {  	v1 =	vld.idx.msk [tilespmem:v29+s13+$0x0], $0xffff;
	v36 =	vmul.f32 v58, v58;
	v0 =	vadd.f32 v31, v0;
	v3 =	vadd.f32 v35, v2  }
0x2c8: {  	v40 =	vor.u32 $0x13, v48;
	[tilespmem:$0x1FD70] =	vst v26;
	v41 =	vmul.f32 v61, v61;
	v2 =	vld.idx.msk [tilespmem:v29+s16+$0x0], $0xffff  }
0x2c9: {  	v4 =	vld.idx.msk [tilespmem:v34+s16+$0x0], $0xffff;
	v39 =	vmul.f32 v60, v60;
	v0 =	vadd.f32 v36, v0;
	v5 =	vadd.f32 v38, v3  }
0x2ca: {  	v43 =	vor.u32 $0x14, v48;
	[tilespmem:$0x1FD80] =	vst v29;
	v42 =	vmul.f32 v62, v62;
	v3 =	vld.idx.msk [tilespmem:v34+s13+$0x0], $0xffff  }
0x2cb: {  	v6 =	vld.idx.msk [tilespmem:v37+s16+$0x0], $0xffff;
	v21 =	vmul.f32 v63, v63;
	v0 =	vadd.f32 v39, v0;
	v20 =	vadd.f32 v41, v5  }
0x2cc: {  	[tilespmem:$0x1FD90] =	vst v34;
	v16 =	vor.u32 $0x15, v48;
	v22 =	vmul.f32 v1, v1;
	v5 =	vld.idx.msk [tilespmem:v37+s13+$0x0], $0xffff  }
0x2cd: {  	v7 =	vld.idx.msk [tilespmem:v40+s13+$0x0], $0xffff;
	v23 =	vmul.f32 v2, v2;
	v0 =	vadd.f32 v42, v0;
	v9 =	vadd.f32 v21, v20  }
0x2ce: {  	[tilespmem:$0x1FDA0] =	vst v37;
	v8 =	vld.idx.msk [tilespmem:v40+s16+$0x0], $0xffff;
	v25 =	vor.u32 $0x16, v48;
	v27 =	vmul.f32 v4, v4  }
0x2cf: {  	v11 =	vld.idx.msk [tilespmem:v43+s16+$0x0], $0xffff;
	v24 =	vmul.f32 v3, v3;
	v0 =	vadd.f32 v22, v0;
	v26 =	vadd.f32 v23, v9  }
0x2d0: {  	[tilespmem:$0x1FDB0] =	vst v40;
	v29 =	vmul.f32 v6, v6;
	v20 =	vor.u32 $0x17, v48;
	v9 =	vld.idx.msk [tilespmem:v43+s13+$0x0], $0xffff  }
0x2d1: {  	v12 =	vld.idx.msk [tilespmem:v16+s16+$0x0], $0xffff;
	v28 =	vmul.f32 v5, v5;
	v0 =	vadd.f32 v24, v0;
	v13 =	vadd.f32 v27, v26  }
0x2d2: {  	[tilespmem:$0x1FDC0] =	vst v43;
	v10 =	vld.idx.msk [tilespmem:v16+s13+$0x0], $0xffff;
	v30 =	vmul.f32 v7, v7;
	v22 =	vor.u32 $0x18, v48  }
0x2d3: {  	v15 =	vld.idx.msk [tilespmem:v25+s16+$0x0], $0xffff;
	v34 =	vmul.f32 v8, v8;
	v0 =	vadd.f32 v28, v0;
	v31 =	vadd.f32 v29, v13  }
0x2d4: {  	[tilespmem:$0x1FDE0] =	vst v25;
	v36 =	vmul.f32 v11, v11;
	v13 =	vld.idx.msk [tilespmem:v25+s13+$0x0], $0xffff;
	v25 =	vor.u32 $0x19, v48  }
0x2d5: {  	v14 =	vld.idx.msk [tilespmem:v20+s13+$0x0], $0xffff;
	v35 =	vmul.f32 v9, v9;
	v0 =	vadd.f32 v30, v0;
	v17 =	vadd.f32 v34, v31  }
0x2d6: {  	[tilespmem:$0x1FDD0] =	vst v16;
	v38 =	vmul.f32 v12, v12;
	v26 =	vor.u32 $0x1A, v48;
	v16 =	vld.idx.msk [tilespmem:v20+s16+$0x0], $0xffff  }
0x2d7: {  	v37 =	vmul.f32 v10, v10;
	v18 =	vld.idx.msk [tilespmem:v22+s16+$0x0], $0xffff;
	v0 =	vadd.f32 v35, v0;
	v19 =	vadd.f32 v36, v17  }
0x2d8: {  	[tilespmem:$0x1FDF0] =	vst v20;
	v23 =	vmul.f32 v15, v15;
	v28 =	vor.u32 $0x1B, v48;
	v17 =	vld.idx.msk [tilespmem:v22+s13+$0x0], $0xffff  }
0x2d9: {  	v21 =	vmul.f32 v13, v13;
	v20 =	vld.idx.msk [tilespmem:v25+s16+$0x0], $0xffff;
	v0 =	vadd.f32 v37, v0;
	v39 =	vadd.f32 v38, v19  }
0x2da: {  	[tilespmem:$0x1FE00] =	vst v22;
	v31 =	vor.u32 $0x1C, v48;
	v24 =	vmul.f32 v14, v14;
	v19 =	vld.idx.msk [tilespmem:v25+s13+$0x0], $0xffff  }
0x2db: {  	v40 =	vmul.f32 v16, v16;
	v22 =	vld.idx.msk [tilespmem:v26+s16+$0x0], $0xffff;
	v0 =	vadd.f32 v21, v0;
	v23 =	vadd.f32 v23, v39  }
0x2dc: {  	[tilespmem:$0x1FE10] =	vst v25;
	v34 =	vor.u32 $0x1D, v48;
	v42 =	vmul.f32 v18, v18;
	v21 =	vld.idx.msk [tilespmem:v26+s13+$0x0], $0xffff  }
0x2dd: {  	v41 =	vmul.f32 v17, v17;
	v0 =	vadd.f32 v24, v0;
	v25 =	vadd.f32 v40, v23;
	v23 =	vld.idx.msk [tilespmem:v28+s13+$0x0], $0xffff  }
0x2de: {  	[tilespmem:$0x1FE20] =	vst v26;
	v36 =	vor.u32 $0x1E, v48;
	v24 =	vld.idx.msk [tilespmem:v28+s16+$0x0], $0xffff;
	v29 =	vmul.f32 v20, v20  }
0x2df: {  	v26 =	vld.idx.msk [tilespmem:v31+s16+$0x0], $0xffff;
	v27 =	vmul.f32 v19, v19;
	v0 =	vadd.f32 v41, v0;
	v43 =	vadd.f32 v42, v25  }
0x2e0: {  	[tilespmem:$0x1FE30] =	vst v28;
	v38 =	vor.u32 $0x1F, v48;
	v35 =	vmul.f32 v22, v22;
	v25 =	vld.idx.msk [tilespmem:v31+s13+$0x0], $0xffff  }
0x2e1: {  	v28 =	vld.idx.msk [tilespmem:v34+s16+$0x0], $0xffff;
	v30 =	vmul.f32 v21, v21;
	v0 =	vadd.f32 v27, v0;
	v29 =	vadd.f32 v29, v43  }
0x2e2: {  	[tilespmem:$0x1FE40] =	vst v31;
	v27 =	vld.idx.msk [tilespmem:v34+s13+$0x0], $0xffff;
	v37 =	vmul.f32 v23, v23  }
0x2e3: {  	v39 =	vmul.f32 v24, v24;
	v0 =	vadd.f32 v30, v0;
	v31 =	vadd.f32 v35, v29;
	v29 =	vld.idx.msk [tilespmem:v36+s13+$0x0], $0xffff  }
0x2e4: {  	v40 =	vmul.f32 v26, v26;
	v30 =	vld.idx.msk [tilespmem:v36+s16+$0x0], $0xffff  }
0x2e5: {  	[tilespmem:$0x1FE50] =	vst v34;
	v35 =	vmul.f32 v25, v25;
	v0 =	vadd.f32 v37, v0;
	v34 =	vadd.f32 v39, v31  }
0x2e6: {  	v41 =	vmul.f32 v28, v28;
	v31 =	vld.idx.msk [tilespmem:v38+s13+$0x0], $0xffff  }
0x2e7: {  	v37 =	vmul.f32 v27, v27;
	v35 =	vadd.f32 v35, v0;
	v34 =	vadd.f32 v40, v34  }
0x2e8: {  	v32 =	vmul.f32 v32, v33;
	v42 =	vmul.f32 v29, v29  }
0x2e9: {  	v33 =	vld [tilespmem:$0x1FE80];
	v43 =	vmul.f32 v30, v30;
	v35 =	vadd.f32 v37, v35;
	v34 =	vadd.f32 v41, v34  }
0x2ea: {  	v0 =	vld.idx.msk [tilespmem:v38+s16+$0x0], $0xffff  }
0x2eb: {  	v40 =	vmul.f32 v31, v31;
	v35 =	vadd.f32 v42, v35;
	v34 =	vadd.f32 v43, v34;
	v43 =	vld [tilespmem:$0x1FE90];
	_ =	sdelay $0x1  }
0x2ec: {  	v35 =	vadd.f32 v40, v35;
	_ =	sdelay $0x1  }
0x2ed: {  	v32 =	vadd.f32 $0.0e+00, v32;
	v41 =	vmul.f32 v0, v0;
	v35 =	vmax.f32 v35, $1.000000000e-30  }
0x2ee: {  	v42 =	vshra.s32 v35, $0x1;
	v37 =	vmul.f32 $5.000000000e-01, v35;
	v33 =	vmul.f32 v43, v33  }
0x2ef: {  	[tilespmem:$0x1FE60] =	vst v36;
	v43 =	vld [tilespmem:$0x1FEB0];
	v36 =	vsub.s32 $0x5F3759DF, v42  }
0x2f0: {  	v34 =	vadd.f32 v41, v34;
	v41 =	vmul.f32 v36, v37;
	v32 =	vadd.f32 v33, v32;
	v33 =	vld [tilespmem:$0x1FEA0];
	_ =	sdelay $0x1  }
0x2f1: {  	v41 =	vmul.f32 v36, v41;
	_ =	sdelay $0x1  }
0x2f2: {  	v41 =	vsub.f32 $1.500000000e+00, v41  }
0x2f3: {  	v33 =	vmul.f32 v43, v33  }
0x2f4: {  	v36 =	vmul.f32 v36, v41;
	v41 =	vld [tilespmem:$0x1FED0]  }
0x2f5: {  	v32 =	vadd.f32 v33, v32;
	v33 =	vld [tilespmem:$0x1FEC0];
	_ =	sdelay $0x3  }
0x2f6: {  	[tilespmem:$0x1FE70] =	vst v38;
	v38 =	vmax.f32 v34, $1.000000000e-30  }
0x2f7: {  	v39 =	vshra.s32 v38, $0x1;
	v40 =	vmul.f32 $5.000000000e-01, v38;
	v33 =	vmul.f32 v41, v33  }
0x2f8: {  	v39 =	vsub.s32 $0x5F3759DF, v39;
	v43 =	vld [tilespmem:$0x1FEF0]  }
0x2f9: {  	v42 =	vmul.f32 v39, v40;
	v32 =	vadd.f32 v33, v32;
	v33 =	vld [tilespmem:$0x1FEE0];
	_ =	sdelay $0x1  }
0x2fa: {  	v42 =	vmul.f32 v39, v42;
	_ =	sdelay $0x1  }
0x2fb: {  	v42 =	vsub.f32 $1.500000000e+00, v42  }
0x2fc: {  	v33 =	vmul.f32 v43, v33  }
0x2fd: {  	v39 =	vmul.f32 v39, v42;
	v43 =	vld [tilespmem:$0x1FF10]  }
0x2fe: {  	v41 =	vmul.f32 v36, v37;
	v32 =	vadd.f32 v33, v32;
	v33 =	vld [tilespmem:$0x1FF00]  }
0x2ff: {  	v42 =	vmul.f32 v39, v40  }
0x300: {  	v41 =	vmul.f32 v41, v36  }
0x301: {  	v42 =	vmul.f32 v42, v39  }
0x302: {  	v41 =	vsub.f32 $1.500000000e+00, v41  }
0x303: {  	v42 =	vsub.f32 $1.500000000e+00, v42;
	v33 =	vmul.f32 v43, v33;
	v43 =	vld [tilespmem:$0x1FF20]  }
0x304: {  	v36 =	vmul.f32 v41, v36  }
0x305: {  	v39 =	vmul.f32 v42, v39  }
0x306: {  	v37 =	vmul.f32 v36, v37  }
0x307: {  	v40 =	vmul.f32 v39, v40  }
0x308: {  	v37 =	vmul.f32 v37, v36;
	v32 =	vadd.f32 v33, v32;
	v33 =	vmul.f32 v45, v43  }
0x309: {  	v40 =	vmul.f32 v40, v39  }
0x30a: {  	v37 =	vsub.f32 $1.500000000e+00, v37;
	v45 =	vmul.f32 v47, v44;
	v32 =	vadd.f32 v33, v32  }
0x30b: {  	v40 =	vsub.f32 $1.500000000e+00, v40  }
0x30c: {  	v36 =	vmul.f32 v37, v36;
	v47 =	vmul.f32 v50, v46;
	v32 =	vadd.f32 v45, v32  }
0x30d: {  	v50 =	vmul.f32 v52, v49;
	v52 =	vmul.f32 v40, v39  }
0x30e: {  	v51 =	vmul.f32 v54, v51;
	v35 =	vmul.f32 v36, v35;
	v32 =	vadd.f32 v47, v32  }
0x30f: {  	v54 =	vmul.f32 v55, v53;
	v55 =	vmul.f32 v52, v38  }
0x310: {  	v56 =	vmul.f32 v57, v56;
	v57 =	vadd.f32 $1.000000010e-07, v35;
	v32 =	vadd.f32 v50, v32  }
0x311: {  	v36 =	vadd.f32 $1.000000010e-07, v55  }
0x312: {  	(erf) = vrcp.f32 v57;
	v32 =	vadd.f32 v51, v32  }
0x313: {  	(erf) = vrcp.f32 v36  }
0x314: {  	v32 =	vadd.f32 v54, v32;
	_ =	sdelay $0x1  }
0x315: {  	v59 =	vmul.f32 v59, v58;
	v32 =	vadd.f32 v56, v32;
	_ =	sdelay $0x1  }
0x316: {  	v61 =	vmul.f32 v61, v60;
	v32 =	vadd.f32 v59, v32;
	_ =	sdelay $0x1  }
0x317: {  	v63 =	vmul.f32 v63, v62;
	v32 =	vadd.f32 v61, v32  }
0x318: {  	v37 =	vld.idx.msk [tilespmem:v48+s17+$0x0], $0xffff;
	v36 =	vpop (erf)  }
0x319: {  	v1 =	vmul.f32 v2, v1;
	v39 =	vpop (erf);
	v32 =	vadd.f32 v63, v32  }
0x31a: {  	v38 =	vmul.f32 v6, v5;
	v5 =	vmin.f32 v39, $1.000000000e+00  }
0x31b: {  	v33 =	vmul.f32 v4, v3;
	v41 =	vmul.f32 v5, v5;
	v1 =	vadd.f32 v1, v32;
	_ =	sdelay $0x1  }
0x31c: {  	v44 =	vmul.f32 v37, v37;
	v43 =	vmul.f32 v41, v34;
	v1 =	vadd.f32 v33, v1;
	_ =	sdelay $0x1  }
0x31d: {  	v40 =	vmul.f32 v8, v7;
	v2 =	vadd.f32 v43, v44;
	v1 =	vadd.f32 v38, v1;
	_ =	sdelay $0x1  }
0x31e: {  	v42 =	vmul.f32 v11, v9;
	v2 =	vmax.f32 v2, $1.000000000e-30;
	v1 =	vadd.f32 v40, v1  }
0x31f: {  	v47 =	vshra.s32 v2, $0x1;
	v49 =	vmul.f32 $5.000000000e-01, v2  }
0x320: {  	v45 =	vmul.f32 v12, v10;
	v7 =	vsub.s32 $0x5F3759DF, v47;
	v1 =	vadd.f32 v42, v1  }
0x321: {  	v51 =	vmul.f32 v7, v49  }
0x322: {  	v46 =	vmul.f32 v15, v13;
	v1 =	vadd.f32 v45, v1  }
0x323: {  	v9 =	vmul.f32 v7, v51  }
0x324: {  	v50 =	vmul.f32 v16, v14;
	v1 =	vadd.f32 v46, v1  }
0x325: {  	v9 =	vsub.f32 $1.500000000e+00, v9  }
0x326: {  	v52 =	vmul.f32 v18, v17;
	v1 =	vadd.f32 v50, v1  }
0x327: {  	v7 =	vmul.f32 v7, v9  }
0x328: {  	v53 =	vmul.f32 v20, v19;
	v1 =	vadd.f32 v52, v1  }
0x329: {  	v9 =	vmul.f32 v7, v49  }
0x32a: {  	v54 =	vmul.f32 v22, v21;
	v1 =	vadd.f32 v53, v1  }
0x32b: {  	v9 =	vmul.f32 v9, v7  }
0x32c: {  	v55 =	vmul.f32 v24, v23;
	v1 =	vadd.f32 v54, v1  }
0x32d: {  	v9 =	vsub.f32 $1.500000000e+00, v9  }
0x32e: {  	v56 =	vmul.f32 v26, v25;
	v1 =	vadd.f32 v55, v1  }
0x32f: {  	v7 =	vmul.f32 v9, v7  }
0x330: {  	v57 =	vmul.f32 v28, v27;
	v1 =	vadd.f32 v56, v1  }
0x331: {  	v59 =	vmul.f32 v7, v49  }
0x332: {  	v58 =	vmul.f32 v30, v29;
	v1 =	vadd.f32 v57, v1  }
0x333: {  	v61 =	vmul.f32 v59, v7  }
0x334: {  	v0 =	vmul.f32 v0, v31;
	v1 =	vadd.f32 v58, v1  }
0x335: {  	v3 =	vmin.f32 v36, $1.000000000e+00;
	v62 =	vsub.f32 $1.500000000e+00, v61  }
0x336: {  	v60 =	vmul.f32 v5, v3;
	v0 =	vadd.f32 v0, v1  }
0x337: {  	p0 =	seq.s32 s23, $0x780;
	v1 =	vmul.f32 v62, v7  }
.Ltmp4:
0x338: {  	v3 =	vmul.f32 v3, v35;
	v0 =	vmul.f32 v60, v0;
	(pc) =	sbr.rel @p0 .LBB2_4-.Ltmp4, $4  }
0x339: {  	v63 =	vmul.f32 v1, v2  }
0x33a: {  	[tilespmem:s24+$0x3600] =	vst v3;
	v0 =	vadd.f32 v0, v37  }
0x33b: {  	[tilespmem:s24+$0x3800] =	vst v63  }
0x33c: {  	[tilespmem:s24+$0x3400] =	vst v0  }
0x33d: {  	v33 =	vld [tilespmem:s24+$0x20];
	_ =	sdelay $0x2  }
0x33e: {  	v32 =	vld [tilespmem:s24+$0x220];
	_ =	sdelay $0x1  }
0x33f: {  	v0 =	vnsel vm0, $0x0, v33  }
0x340: {  	(xrf0) =	vadd.scan.msk.s32 $0xffff, v0;
	_ =	sdelay $0x1  }
0x341: {  	v60 =	vnsel vm0, $0x0, v32  }
0x342: {  	(xrf0) =	vadd.scan.msk.s32 $0xffff, v60;
	_ =	sdelay $0x2  }
0x343: {  	v61, _, _ =	vpop (xrf0)  }
0x344: {  	(v2sf) =	vpush v61, $0xF  }
0x345: {  	v1 =	vsel vm1, $0x0, v33  }
0x346: {  	(xrf0) =	vadd.scan.msk.s32 $0xffff, v1;
	v62, _, _ =	vpop (xrf0)  }
0x347: {  	(v2sf) =	vpush v62, $0xF;
	_ =	sdelay $0x3  }
0x348: {  	v63 =	vsel vm1, $0x0, v32  }
0x349: {  	(xrf0) =	vadd.scan.msk.s32 $0xffff, v63;
	v4, _, _ =	vpop (xrf0)  }
0x34a: {  	(v2sf) =	vpush v4, $0xF;
	_ =	sdelay $0x2  }
0x34b: {  	v6 =	vsel vm2, $0x0, v33  }
0x34c: {  	(xrf0) =	vadd.scan.msk.s32 $0xffff, v6  }
0x34d: {  	v5, _, _ =	vpop (xrf0)  }
0x34e: {  	s25 =	spop (v2sf);
	(v2sf) =	vpush v5, $0xF  }
0x34f: {  	v7 =	vsel vm2, $0x0, v32;
	s25 =	sshll.u32 s25, $0x4  }
0x350: {  	(xrf0) =	vadd.scan.msk.s32 $0xffff, v7;
	s25 =	sand.u32 $0x1FFFFFF0, s25  }
0x351: {  	s29 =	spop (v2sf);
	s25 =	sadd.s32 s3, s25  }
0x352: {  	v8, _, _ =	vpop (xrf0);
	[tilespmem:s13], [sflag:$0x1] =	stream.linear.gather [hbm4b:s25+s2], $0x80, $0x38;
	[tilespmem:$0x3A00] =	vst v63  }
0x353: {  	(v2sf) =	vpush v8, $0xF;
	s25 =	sshll.u32 s29, $0x4  }
0x354: {  	s25 =	sand.u32 $0x1FFFFFF0, s25  }
0x355: {  	s26 =	sadd.s32 s4, s25  }
0x356: {  	v10 =	vsel vm3, $0x0, v33;
	v9, _, _ =	vpop (xrf0);
	[tilespmem:s16], [sflag:$0x1] =	stream.linear.gather [hbm4b:s26+s2], $0x80, $0x38;
	[tilespmem:$0x3A00] =	vst v63  }
0x357: {  	(xrf0) =	vadd.scan.msk.s32 $0xffff, v10;
	s25 =	sadd.s32 s5, s25;
	s26 =	spop (v2sf);
	(v2sf) =	vpush v9, $0xF  }
0x358: {  	[tilespmem:s17], [sflag:$0x1] =	stream.linear.gather [hbm4b:s25+s2], $0x80, $0x38;
	[tilespmem:$0x3A00] =	vst v63  }
0x359: {  	s25 =	sshll.u32 s26, $0x4  }
0x35a: {  	v11 =	vsel vm3, $0x0, v32;
	s25 =	sand.u32 $0x1FFFFFF0, s25  }
0x35b: {  	(xrf0) =	vadd.scan.msk.s32 $0xffff, v11;
	s29 =	simm.s32 $0x480;
	s25 =	sadd.s32 s3, s25  }
0x35c: {  	[tilespmem:s29], [sflag:$0x1] =	stream.linear.gather [hbm4b:s25+s2], $0x80, $0x38;
	[tilespmem:$0x3A00] =	vst v63  }
0x35d: {  	s26 =	spop (v2sf)  }
0x35e: {  	v12, _, _ =	vpop (xrf0);
	s25 =	sshll.u32 s26, $0x4  }
0x35f: {  	v14 =	vsel vm4, $0x0, v33;
	(v2sf) =	vpush v12, $0xF;
	s25 =	sand.u32 $0x1FFFFFF0, s25  }
0x360: {  	s28 =	simm.s32 $0xC80;
	(xrf0) =	vadd.scan.msk.s32 $0xffff, v14;
	s29 =	sadd.s32 s4, s25  }
0x361: {  	v13, _, _ =	vpop (xrf0);
	[tilespmem:s28], [sflag:$0x1] =	stream.linear.gather [hbm4b:s29+s2], $0x80, $0x38;
	[tilespmem:$0x3A00] =	vst v63  }
0x362: {  	s26 =	spop (v2sf);
	(v2sf) =	vpush v13, $0xF;
	s25 =	sadd.s32 s5, s25;
	s29 =	simm.s32 $0x1480  }
0x363: {  	[tilespmem:s29], [sflag:$0x1] =	stream.linear.gather [hbm4b:s25+s2], $0x80, $0x38;
	[tilespmem:$0x3A00] =	vst v63  }
0x364: {  	s25 =	sshll.u32 s26, $0x4  }
0x365: {  	v15 =	vsel vm4, $0x0, v32;
	s25 =	sand.u32 $0x1FFFFFF0, s25  }
0x366: {  	(xrf0) =	vadd.scan.msk.s32 $0xffff, v15;
	s29 =	simm.s32 $0x500;
	s26 =	spop (v2sf);
	s25 =	sadd.s32 s3, s25  }
0x367: {  	v16, _, _ =	vpop (xrf0);
	[tilespmem:s29], [sflag:$0x1] =	stream.linear.gather [hbm4b:s25+s2], $0x80, $0x38;
	[tilespmem:$0x3A00] =	vst v63  }
0x368: {  	(v2sf) =	vpush v16, $0xF;
	s25 =	sshll.u32 s26, $0x4  }
0x369: {  	s25 =	sand.u32 $0x1FFFFFF0, s25  }
0x36a: {  	s28 =	simm.s32 $0xD00;
	s29 =	sadd.s32 s4, s25  }
0x36b: {  	v18 =	vsel vm5, $0x0, v33;
	[tilespmem:s28], [sflag:$0x1] =	stream.linear.gather [hbm4b:s29+s2], $0x80, $0x38;
	[tilespmem:$0x3A00] =	vst v63  }
0x36c: {  	(xrf0) =	vadd.scan.msk.s32 $0xffff, v18;
	s25 =	sadd.s32 s5, s25;
	s29 =	simm.s32 $0x1500  }
0x36d: {  	v17, _, _ =	vpop (xrf0);
	[tilespmem:s29], [sflag:$0x1] =	stream.linear.gather [hbm4b:s25+s2], $0x80, $0x38;
	[tilespmem:$0x3A00] =	vst v63  }
0x36e: {  	s26 =	spop (v2sf);
	(v2sf) =	vpush v17, $0xF  }
0x36f: {  	v19 =	vsel vm5, $0x0, v32;
	s25 =	sshll.u32 s26, $0x4  }
0x370: {  	(xrf0) =	vadd.scan.msk.s32 $0xffff, v19;
	s25 =	sand.u32 $0x1FFFFFF0, s25  }
0x371: {  	s29 =	simm.s32 $0x580;
	s26 =	spop (v2sf);
	s25 =	sadd.s32 s3, s25  }
0x372: {  	v20, _, _ =	vpop (xrf0);
	[tilespmem:s29], [sflag:$0x1] =	stream.linear.gather [hbm4b:s25+s2], $0x80, $0x38;
	[tilespmem:$0x3A00] =	vst v63  }
0x373: {  	(v2sf) =	vpush v20, $0xF;
	s25 =	sshll.u32 s26, $0x4  }
0x374: {  	s25 =	sand.u32 $0x1FFFFFF0, s25  }
0x375: {  	s28 =	simm.s32 $0xD80;
	s29 =	sadd.s32 s4, s25  }
0x376: {  	v22 =	vsel vm6, $0x0, v33;
	v21, _, _ =	vpop (xrf0);
	[tilespmem:s28], [sflag:$0x1] =	stream.linear.gather [hbm4b:s29+s2], $0x80, $0x38;
	[tilespmem:$0x3A00] =	vst v63  }
0x377: {  	(xrf0) =	vadd.scan.msk.s32 $0xffff, v22;
	s25 =	sadd.s32 s5, s25;
	s29 =	simm.s32 $0x1580;
	s26 =	spop (v2sf);
	(v2sf) =	vpush v21, $0xF  }
0x378: {  	[tilespmem:s29], [sflag:$0x1] =	stream.linear.gather [hbm4b:s25+s2], $0x80, $0x38;
	[tilespmem:$0x3A00] =	vst v63  }
0x379: {  	s25 =	sshll.u32 s26, $0x4  }
0x37a: {  	v23 =	vsel vm6, $0x0, v32;
	s25 =	sand.u32 $0x1FFFFFF0, s25  }
0x37b: {  	(xrf0) =	vadd.scan.msk.s32 $0xffff, v23;
	s29 =	simm.s32 $0x600;
	s25 =	sadd.s32 s3, s25  }
0x37c: {  	[tilespmem:s29], [sflag:$0x1] =	stream.linear.gather [hbm4b:s25+s2], $0x80, $0x38;
	[tilespmem:$0x3A00] =	vst v63  }
0x37d: {  	s26 =	spop (v2sf)  }
0x37e: {  	v24, _, _ =	vpop (xrf0);
	s25 =	sshll.u32 s26, $0x4  }
0x37f: {  	v26 =	vsel vm7, $0x0, v33;
	(v2sf) =	vpush v24, $0xF;
	s25 =	sand.u32 $0x1FFFFFF0, s25  }
0x380: {  	(xrf0) =	vadd.scan.msk.s32 $0xffff, v26;
	s28 =	simm.s32 $0xE00;
	s29 =	sadd.s32 s4, s25  }
0x381: {  	v25, _, _ =	vpop (xrf0);
	[tilespmem:s28], [sflag:$0x1] =	stream.linear.gather [hbm4b:s29+s2], $0x80, $0x38;
	[tilespmem:$0x3A00] =	vst v63  }
0x382: {  	s26 =	spop (v2sf);
	(v2sf) =	vpush v25, $0xF;
	s25 =	sadd.s32 s5, s25;
	s29 =	simm.s32 $0x1600  }
0x383: {  	[tilespmem:s29], [sflag:$0x1] =	stream.linear.gather [hbm4b:s25+s2], $0x80, $0x38;
	[tilespmem:$0x3A00] =	vst v63  }
0x384: {  	s25 =	sshll.u32 s26, $0x4  }
0x385: {  	v27 =	vsel vm7, $0x0, v32;
	s25 =	sand.u32 $0x1FFFFFF0, s25  }
0x386: {  	(xrf0) =	vadd.scan.msk.s32 $0xffff, v27;
	s29 =	simm.s32 $0x680;
	s26 =	spop (v2sf);
	s25 =	sadd.s32 s3, s25  }
0x387: {  	v28, _, _ =	vpop (xrf0);
	[tilespmem:s29], [sflag:$0x1] =	stream.linear.gather [hbm4b:s25+s2], $0x80, $0x38;
	[tilespmem:$0x3A00] =	vst v63  }
0x388: {  	(v2sf) =	vpush v28, $0xF;
	s25 =	sshll.u32 s26, $0x4  }
0x389: {  	s25 =	sand.u32 $0x1FFFFFF0, s25  }
0x38a: {  	s28 =	simm.s32 $0xE80;
	s29 =	sadd.s32 s4, s25  }
0x38b: {  	v30 =	vsel vm8, $0x0, v33;
	[tilespmem:s28], [sflag:$0x1] =	stream.linear.gather [hbm4b:s29+s2], $0x80, $0x38;
	[tilespmem:$0x3A00] =	vst v63  }
0x38c: {  	(xrf0) =	vadd.scan.msk.s32 $0xffff, v30;
	s25 =	sadd.s32 s5, s25;
	s29 =	simm.s32 $0x1680  }
0x38d: {  	v29, _, _ =	vpop (xrf0);
	[tilespmem:s29], [sflag:$0x1] =	stream.linear.gather [hbm4b:s25+s2], $0x80, $0x38;
	[tilespmem:$0x3A00] =	vst v63  }
0x38e: {  	s26 =	spop (v2sf);
	(v2sf) =	vpush v29, $0xF  }
0x38f: {  	v31 =	vsel vm8, $0x0, v32;
	s25 =	sshll.u32 s26, $0x4  }
0x390: {  	(xrf0) =	vadd.scan.msk.s32 $0xffff, v31;
	s25 =	sand.u32 $0x1FFFFFF0, s25  }
0x391: {  	s29 =	simm.s32 $0x700;
	s26 =	spop (v2sf);
	s25 =	sadd.s32 s3, s25  }
0x392: {  	v34, _, _ =	vpop (xrf0);
	[tilespmem:s29], [sflag:$0x1] =	stream.linear.gather [hbm4b:s25+s2], $0x80, $0x38;
	[tilespmem:$0x3A00] =	vst v63  }
0x393: {  	(v2sf) =	vpush v34, $0xF;
	s25 =	sshll.u32 s26, $0x4  }
0x394: {  	s25 =	sand.u32 $0x1FFFFFF0, s25  }
0x395: {  	s28 =	simm.s32 $0xF00;
	s29 =	sadd.s32 s4, s25  }
0x396: {  	v36 =	vsel vm9, $0x0, v33;
	v35, _, _ =	vpop (xrf0);
	[tilespmem:s28], [sflag:$0x1] =	stream.linear.gather [hbm4b:s29+s2], $0x80, $0x38;
	[tilespmem:$0x3A00] =	vst v63  }
0x397: {  	(xrf0) =	vadd.scan.msk.s32 $0xffff, v36;
	s25 =	sadd.s32 s5, s25;
	s29 =	simm.s32 $0x1700;
	s26 =	spop (v2sf);
	(v2sf) =	vpush v35, $0xF  }
0x398: {  	[tilespmem:s29], [sflag:$0x1] =	stream.linear.gather [hbm4b:s25+s2], $0x80, $0x38;
	[tilespmem:$0x3A00] =	vst v63  }
0x399: {  	s25 =	sshll.u32 s26, $0x4  }
0x39a: {  	v37 =	vsel vm9, $0x0, v32;
	s25 =	sand.u32 $0x1FFFFFF0, s25  }
0x39b: {  	(xrf0) =	vadd.scan.msk.s32 $0xffff, v37;
	s29 =	simm.s32 $0x780;
	s25 =	sadd.s32 s3, s25  }
0x39c: {  	[tilespmem:s29], [sflag:$0x1] =	stream.linear.gather [hbm4b:s25+s2], $0x80, $0x38;
	[tilespmem:$0x3A00] =	vst v63  }
0x39d: {  	s26 =	spop (v2sf)  }
0x39e: {  	v38, _, _ =	vpop (xrf0);
	s25 =	sshll.u32 s26, $0x4  }
0x39f: {  	v40 =	vsel vm10, $0x0, v33;
	(v2sf) =	vpush v38, $0xF;
	s25 =	sand.u32 $0x1FFFFFF0, s25  }
0x3a0: {  	(xrf0) =	vadd.scan.msk.s32 $0xffff, v40;
	s28 =	simm.s32 $0xF80;
	s29 =	sadd.s32 s4, s25  }
0x3a1: {  	v39, _, _ =	vpop (xrf0);
	[tilespmem:s28], [sflag:$0x1] =	stream.linear.gather [hbm4b:s29+s2], $0x80, $0x38;
	[tilespmem:$0x3A00] =	vst v63  }
0x3a2: {  	s26 =	spop (v2sf);
	(v2sf) =	vpush v39, $0xF;
	s25 =	sadd.s32 s5, s25;
	s29 =	simm.s32 $0x1780  }
0x3a3: {  	[tilespmem:s29], [sflag:$0x1] =	stream.linear.gather [hbm4b:s25+s2], $0x80, $0x38;
	[tilespmem:$0x3A00] =	vst v63  }
0x3a4: {  	s25 =	sshll.u32 s26, $0x4  }
0x3a5: {  	v41 =	vsel vm10, $0x0, v32;
	s25 =	sand.u32 $0x1FFFFFF0, s25  }
0x3a6: {  	(xrf0) =	vadd.scan.msk.s32 $0xffff, v41;
	s29 =	simm.s32 $0x800;
	s26 =	spop (v2sf);
	s25 =	sadd.s32 s3, s25  }
0x3a7: {  	v42, _, _ =	vpop (xrf0);
	[tilespmem:s29], [sflag:$0x1] =	stream.linear.gather [hbm4b:s25+s2], $0x80, $0x38;
	[tilespmem:$0x3A00] =	vst v63  }
0x3a8: {  	(v2sf) =	vpush v42, $0xF;
	s25 =	sshll.u32 s26, $0x4  }
0x3a9: {  	s25 =	sand.u32 $0x1FFFFFF0, s25  }
0x3aa: {  	s28 =	simm.s32 $0x1000;
	s29 =	sadd.s32 s4, s25  }
0x3ab: {  	v44 =	vsel vm11, $0x0, v33;
	[tilespmem:s28], [sflag:$0x1] =	stream.linear.gather [hbm4b:s29+s2], $0x80, $0x38;
	[tilespmem:$0x3A00] =	vst v63  }
0x3ac: {  	(xrf0) =	vadd.scan.msk.s32 $0xffff, v44;
	s25 =	sadd.s32 s5, s25;
	s29 =	simm.s32 $0x1800  }
0x3ad: {  	v43, _, _ =	vpop (xrf0);
	[tilespmem:s29], [sflag:$0x1] =	stream.linear.gather [hbm4b:s25+s2], $0x80, $0x38;
	[tilespmem:$0x3A00] =	vst v63  }
0x3ae: {  	s26 =	spop (v2sf);
	(v2sf) =	vpush v43, $0xF  }
0x3af: {  	v45 =	vsel vm11, $0x0, v32;
	s25 =	sshll.u32 s26, $0x4  }
0x3b0: {  	(xrf0) =	vadd.scan.msk.s32 $0xffff, v45;
	s25 =	sand.u32 $0x1FFFFFF0, s25  }
0x3b1: {  	s29 =	simm.s32 $0x880;
	s26 =	spop (v2sf);
	s25 =	sadd.s32 s3, s25  }
0x3b2: {  	v46, _, _ =	vpop (xrf0);
	[tilespmem:s29], [sflag:$0x1] =	stream.linear.gather [hbm4b:s25+s2], $0x80, $0x38;
	[tilespmem:$0x3A00] =	vst v63  }
0x3b3: {  	(v2sf) =	vpush v46, $0xF;
	s25 =	sshll.u32 s26, $0x4  }
0x3b4: {  	s25 =	sand.u32 $0x1FFFFFF0, s25  }
0x3b5: {  	s28 =	simm.s32 $0x1080;
	s29 =	sadd.s32 s4, s25  }
0x3b6: {  	v49 =	vsel vm12, $0x0, v33;
	v47, _, _ =	vpop (xrf0);
	[tilespmem:s28], [sflag:$0x1] =	stream.linear.gather [hbm4b:s29+s2], $0x80, $0x38;
	[tilespmem:$0x3A00] =	vst v63  }
0x3b7: {  	(xrf0) =	vadd.scan.msk.s32 $0xffff, v49;
	s25 =	sadd.s32 s5, s25;
	s29 =	simm.s32 $0x1880;
	s26 =	spop (v2sf);
	(v2sf) =	vpush v47, $0xF  }
0x3b8: {  	[tilespmem:s29], [sflag:$0x1] =	stream.linear.gather [hbm4b:s25+s2], $0x80, $0x38;
	[tilespmem:$0x3A00] =	vst v63  }
0x3b9: {  	s25 =	sshll.u32 s26, $0x4  }
0x3ba: {  	v50 =	vsel vm12, $0x0, v32;
	s25 =	sand.u32 $0x1FFFFFF0, s25  }
0x3bb: {  	(xrf0) =	vadd.scan.msk.s32 $0xffff, v50;
	s29 =	simm.s32 $0x900;
	s25 =	sadd.s32 s3, s25  }
0x3bc: {  	[tilespmem:s29], [sflag:$0x1] =	stream.linear.gather [hbm4b:s25+s2], $0x80, $0x38;
	[tilespmem:$0x3A00] =	vst v63  }
0x3bd: {  	s26 =	spop (v2sf)  }
0x3be: {  	v51, _, _ =	vpop (xrf0);
	s25 =	sshll.u32 s26, $0x4  }
0x3bf: {  	v53 =	vsel vm13, $0x0, v33;
	(v2sf) =	vpush v51, $0xF;
	s25 =	sand.u32 $0x1FFFFFF0, s25  }
0x3c0: {  	(xrf0) =	vadd.scan.msk.s32 $0xffff, v53;
	s28 =	simm.s32 $0x1100;
	s29 =	sadd.s32 s4, s25  }
0x3c1: {  	v52, _, _ =	vpop (xrf0);
	[tilespmem:s28], [sflag:$0x1] =	stream.linear.gather [hbm4b:s29+s2], $0x80, $0x38;
	[tilespmem:$0x3A00] =	vst v63  }
0x3c2: {  	s26 =	spop (v2sf);
	(v2sf) =	vpush v52, $0xF;
	s25 =	sadd.s32 s5, s25;
	s29 =	simm.s32 $0x1900  }
0x3c3: {  	[tilespmem:s29], [sflag:$0x1] =	stream.linear.gather [hbm4b:s25+s2], $0x80, $0x38;
	[tilespmem:$0x3A00] =	vst v63  }
0x3c4: {  	s25 =	sshll.u32 s26, $0x4  }
0x3c5: {  	s25 =	sand.u32 $0x1FFFFFF0, s25  }
0x3c6: {  	s29 =	simm.s32 $0x980;
	s26 =	spop (v2sf);
	s25 =	sadd.s32 s3, s25  }
0x3c7: {  	v54 =	vsel vm13, $0x0, v32;
	v55, _, _ =	vpop (xrf0);
	[tilespmem:s29], [sflag:$0x1] =	stream.linear.gather [hbm4b:s25+s2], $0x80, $0x38;
	[tilespmem:$0x3A00] =	vst v63  }
0x3c8: {  	(xrf0) =	vadd.scan.msk.s32 $0xffff, v54;
	(v2sf) =	vpush v55, $0xF;
	s25 =	sshll.u32 s26, $0x4  }
0x3c9: {  	v57 =	vsel vm14, $0x0, v33;
	s25 =	sand.u32 $0x1FFFFFF0, s25  }
0x3ca: {  	(xrf0) =	vadd.scan.msk.s32 $0xffff, v57;
	s28 =	simm.s32 $0x1180;
	s29 =	sadd.s32 s4, s25  }
0x3cb: {  	[tilespmem:s28], [sflag:$0x1] =	stream.linear.gather [hbm4b:s29+s2], $0x80, $0x38;
	[tilespmem:$0x3A00] =	vst v63  }
0x3cc: {  	s25 =	sadd.s32 s5, s25;
	s29 =	simm.s32 $0x1980  }
0x3cd: {  	[tilespmem:s29], [sflag:$0x1] =	stream.linear.gather [hbm4b:s25+s2], $0x80, $0x38;
	[tilespmem:$0x3A00] =	vst v63  }
0x3ce: {  	v56, _, _ =	vpop (xrf0);
	s26 =	spop (v2sf)  }
0x3cf: {  	v58 =	vsel vm14, $0x0, v32;
	(v2sf) =	vpush v56, $0xF;
	s25 =	sshll.u32 s26, $0x4  }
0x3d0: {  	(xrf0) =	vadd.scan.msk.s32 $0xffff, v58;
	s25 =	sand.u32 $0x1FFFFFF0, s25  }
0x3d1: {  	v59, _, _ =	vpop (xrf0);
	s29 =	simm.s32 $0xA00;
	s26 =	spop (v2sf);
	s25 =	sadd.s32 s3, s25  }
0x3d2: {  	(v2sf) =	vpush v59, $0xF;
	[tilespmem:s29], [sflag:$0x1] =	stream.linear.gather [hbm4b:s25+s2], $0x80, $0x38;
	[tilespmem:$0x3A00] =	vst v63  }
0x3d3: {  	s25 =	sshll.u32 s26, $0x4  }
0x3d4: {  	v60 =	vsel vm15, $0x0, v33;
	s25 =	sand.u32 $0x1FFFFFF0, s25  }
0x3d5: {  	(xrf0) =	vadd.scan.msk.s32 $0xffff, v60;
	s28 =	simm.s32 $0x1200;
	s29 =	sadd.s32 s4, s25  }
0x3d6: {  	v61, _, _ =	vpop (xrf0);
	[tilespmem:s28], [sflag:$0x1] =	stream.linear.gather [hbm4b:s29+s2], $0x80, $0x38;
	[tilespmem:$0x3A00] =	vst v63  }
0x3d7: {  	s26 =	spop (v2sf);
	(v2sf) =	vpush v61, $0xF  }
0x3d8: {  	s25 =	sadd.s32 s5, s25;
	s29 =	simm.s32 $0x1A00  }
0x3d9: {  	[tilespmem:s29], [sflag:$0x1] =	stream.linear.gather [hbm4b:s25+s2], $0x80, $0x38;
	[tilespmem:$0x3A00] =	vst v63  }
0x3da: {  	v62 =	vsel vm15, $0x0, v32;
	s25 =	sshll.u32 s26, $0x4  }
0x3db: {  	v63, _, _ =	vpop (xrf0);
	(xrf0) =	vadd.scan.msk.s32 $0xffff, v62;
	s25 =	sand.u32 $0x1FFFFFF0, s25  }
0x3dc: {  	s29 =	simm.s32 $0xA80;
	s25 =	sadd.s32 s3, s25  }
0x3dd: {  	[tilespmem:s29], [sflag:$0x1] =	stream.linear.gather [hbm4b:s25+s2], $0x80, $0x38;
	[tilespmem:$0x3A00] =	vst v63  }
0x3de: {  	s26 =	spop (v2sf)  }
0x3df: {  	(v2sf) =	vpush v63, $0xF;
	s25 =	sshll.u32 s26, $0x4  }
0x3e0: {  	s25 =	sand.u32 $0x1FFFFFF0, s25  }
0x3e1: {  	v0, _, _ =	vpop (xrf0);
	s28 =	simm.s32 $0x1280;
	s26 =	spop (v2sf);
	s29 =	sadd.s32 s4, s25  }
0x3e2: {  	(v2sf) =	vpush v0, $0xF;
	[tilespmem:s28], [sflag:$0x1] =	stream.linear.gather [hbm4b:s29+s2], $0x80, $0x38;
	[tilespmem:$0x3A00] =	vst v63  }
0x3e3: {  	s25 =	sadd.s32 s5, s25;
	s29 =	simm.s32 $0x1A80  }
0x3e4: {  	[tilespmem:s29], [sflag:$0x1] =	stream.linear.gather [hbm4b:s25+s2], $0x80, $0x38;
	[tilespmem:$0x3A00] =	vst v63  }
0x3e5: {  	s25 =	sshll.u32 s26, $0x4  }
0x3e6: {  	s25 =	sand.u32 $0x1FFFFFF0, s25;
	s29 =	spop (v2sf)  }
0x3e7: {  	s28 =	simm.s32 $0xB00;
	s25 =	sadd.s32 s3, s25;
	s26 =	sshll.u32 s29, $0x4  }
0x3e8: {  	[tilespmem:s28], [sflag:$0x1] =	stream.linear.gather [hbm4b:s25+s2], $0x80, $0x38;
	[tilespmem:$0x3A00] =	vst v63  }
0x3e9: {  	s25 =	sand.u32 $0x1FFFFFF0, s26  }
0x3ea: {  	s28 =	simm.s32 $0x1300;
	s29 =	sadd.s32 s4, s25  }
0x3eb: {  	[tilespmem:s28], [sflag:$0x1] =	stream.linear.gather [hbm4b:s29+s2], $0x80, $0x38;
	[tilespmem:$0x3A00] =	vst v63  }
0x3ec: {  	s25 =	sadd.s32 s5, s25;
	s28 =	simm.s32 $0x1B00  }
0x3ed: {  	[tilespmem:s28], [sflag:$0x1] =	stream.linear.gather [hbm4b:s25+s2], $0x80, $0x38;
	[tilespmem:$0x3A00] =	vst v63  }
0x3ee: {  	s29 =	spop (v2sf)  }
0x3ef: {  	s26 =	sshll.u32 s29, $0x4  }
0x3f0: {  	s25 =	sand.u32 $0x1FFFFFF0, s26  }
0x3f1: {  	s29 =	simm.s32 $0xB80;
	s26 =	spop (v2sf);
	s25 =	sadd.s32 s3, s25  }
0x3f2: {  	[tilespmem:s29], [sflag:$0x1] =	stream.linear.gather [hbm4b:s25+s2], $0x80, $0x38;
	[tilespmem:$0x3A00] =	vst v63  }
0x3f3: {  	s25 =	sshll.u32 s26, $0x4  }
.Ltmp5:
0x3f4: {  	s25 =	sand.u32 $0x1FFFFFF0, s25;
	(pc) =	sbr.rel .LBB2_4-.Ltmp5, $4  }
0x3f5: {  	s28 =	simm.s32 $0x1380;
	s29 =	sadd.s32 s4, s25  }
0x3f6: {  	[tilespmem:s28], [sflag:$0x1] =	stream.linear.gather [hbm4b:s29+s2], $0x80, $0x38;
	[tilespmem:$0x3A00] =	vst v63  }
0x3f7: {  	s25 =	sadd.s32 s5, s25;
	s28 =	simm.s32 $0x1C80;
	s29 =	simm.s32 $0x1B80  }
0x3f8: {  	[tilespmem:s29], [sflag:$0x1] =	stream.linear.gather [hbm4b:s25+s2], $0x80, $0x38;
	[tilespmem:$0x3A00] =	vst v63  }
.LBB2_6:
0x3f9: {  	_ =	sfence.sel $0x180000  }
0x3fa: {  	[bflag:$0x0] =	sbarrier.arrive $0xFFFF  }
0x3fb: {  	_ =	strace $0x90000047  }
0x3fc: {  	s0 =	stileid.u32;
	[bflag:$0x2] =	sbarrier.arrive $0xFFFF  }
0x3fd: {  	p0 =	sne.s32 s0, $0x0;
	s0 =	rddreg [dreg:$0x4]  }
0x3fe: {  	s0 =	sadd.s32 @!p0 $0x100000, s0  }
0x3ff: {  	[sflag:s0] =	ssyncadd.tile.s32 @!p0 $0x1;
	_ =	shalt  }
.Lfunc_end2:
_tile_overlayer_lowered:
.L_overlay_start_2:
0x400: {  	(tag) =	ssettag $0x2  }
0x401: {  	s0 =	rddreg [dreg:$0x0];
	s2 =	stileid.u32  }
0x402: {  	s1 =	rddreg [dreg:$0x1];
	p0 =	sne.s32 s2, $0x0  }
0x403: {  	s3 =	rddreg [dreg:$0x2];
	[bflag:$0x3] =	sbarrier.arrive $0xFFFF;
	s2 =	simm.s32 @!p0 $0x1C03  }
0x404: {  	[timem:s3], [sflag:s2] =	dma.local @!p0 [hbm:s0], s1  }
0x405: {  	s0 =	simm.s32 @!p0 $0x3  }
0x406: {  	_ =	swait.ge @!p0 [sflag:s0], s1  }
0x407: {  	s1 =	ssub.s32 @!p0 $0x0, s1;
	[sflag:s0] =	ssyncset.done @!p0 $0x0  }
0x408: {  	[sflag:s0] =	ssyncadd.s32 @!p0 s1  }
0x409: {  	[bflag:$0x3] =	sbarrier.arrive $0xFFFF  }
0x40a: {  	_ =	shalt  }

</sc_bundles>
